<compile_context>
chip_gen: v7x
topology: tpu7x:2x2x1
jax: 0.10.2.dev20260603
libtpu: 0.0.44.dev20260713+nightly
codegen_flags: <defaults>
</compile_context>

<pallas_src>
import functools

import jax
import jax.numpy as jnp
from jax import lax
from jax.experimental import pallas as pl
from jax.experimental.pallas import tpu as pltpu
from jax.experimental.pallas import tpu_sc as plsc

N = 10000
E = 320000
D = 128

NC = 2
NS = 16
NW = NC * NS
EPW = E // NW
C = 80
ITERS = EPW // C
N_PAD = 10240
RPT = N_PAD // NS
ZR = 16
NB = 4


def _sc_agg_body(h_hbm, row_hbm, col_hbm, acc_out,
                 rowbuf0, colbuf0, gbuf0, rowbuf1, colbuf1, gbuf1,
                 rowbuf2, colbuf2, gbuf2, rowbuf3, colbuf3, gbuf3,
                 zrow, acc_sh, sem0, sem1, sem2, sem3):
    rbs = (rowbuf0, rowbuf1, rowbuf2, rowbuf3)
    cbs = (colbuf0, colbuf1, colbuf2, colbuf3)
    gbs = (gbuf0, gbuf1, gbuf2, gbuf3)
    sems = (sem0, sem1, sem2, sem3)
    c = lax.axis_index("c")
    s = lax.axis_index("s")
    wid = s * NC + c
    base = wid * EPW

    def initz(i, carry):
        for j in range(D // 16):
            zrow[i, pl.ds(j * 16, 16)] = jnp.zeros((16,), jnp.float32)
        return carry
    lax.fori_loop(0, ZR, initz, 0)

    r0 = s * RPT
    for t in range(RPT // ZR):
        pltpu.sync_copy(zrow, acc_sh.at[pl.ds(r0 + t * ZR, ZR)])
    plsc.subcore_barrier()

    def step(i, carry):
        ds = []
        for b in range(NB):
            off = base + (NB * i + b) * C
            pltpu.sync_copy(row_hbm.at[pl.ds(off, C)], rbs[b])
            pltpu.sync_copy(col_hbm.at[pl.ds(off, C)], cbs[b])
            ds.append(pltpu.async_copy(h_hbm.at[cbs[b]], gbs[b], sems[b]))
        for b in range(NB):
            ds[b].wait()
            pltpu.sync_copy(gbs[b], acc_sh.at[rbs[b]], add=True)
        return carry
    lax.fori_loop(0, ITERS // NB, step, 0)

    for b in range(ITERS % NB):
        offt = base + ((ITERS // NB) * NB + b) * C
        pltpu.sync_copy(row_hbm.at[pl.ds(offt, C)], rbs[b])
        pltpu.sync_copy(col_hbm.at[pl.ds(offt, C)], cbs[b])
        pltpu.async_copy(h_hbm.at[cbs[b]], gbs[b], sems[b]).wait()
        pltpu.sync_copy(gbs[b], acc_sh.at[rbs[b]], add=True)

    plsc.subcore_barrier()

    pltpu.sync_copy(acc_sh.at[pl.ds(r0, RPT)],
                    acc_out.at[pl.ds(c * N_PAD + r0, RPT)])


_sc_agg = pl.kernel(
    _sc_agg_body,
    out_type=jax.ShapeDtypeStruct((NC * N_PAD, D), jnp.float32),
    mesh=plsc.VectorSubcoreMesh(core_axis_name="c", subcore_axis_name="s"),
    scratch_types=[
        pltpu.VMEM((C,), jnp.int32),
        pltpu.VMEM((C,), jnp.int32),
        pltpu.VMEM((C, D), jnp.float32),
    ] * NB + [
        pltpu.VMEM((ZR, D), jnp.float32),
        pltpu.VMEM_SHARED((N_PAD, D), jnp.float32),
    ] + [pltpu.SemaphoreType.DMA] * NB,
    name="sc_agg",
)


def _sc_deg_body(row_hbm, deg_out, rowbuf, ones_b, zdeg, deg_sh):
    c = lax.axis_index("c")
    s = lax.axis_index("s")
    wid = s * NC + c
    base = wid * EPW

    def initz(i, carry):
        for j in range(D // 16):
            zdeg[i, pl.ds(j * 16, 16)] = jnp.zeros((16,), jnp.float32)
        return carry
    lax.fori_loop(0, ZR, initz, 0)

    def initone(i, carry):
        for j in range(D // 16):
            ones_b[i, pl.ds(j * 16, 16)] = jnp.ones((16,), jnp.float32)
        return carry
    lax.fori_loop(0, C, initone, 0)

    r0 = s * RPT
    for t in range(RPT // ZR):
        pltpu.sync_copy(zdeg, deg_sh.at[pl.ds(r0 + t * ZR, ZR)])
    plsc.subcore_barrier()

    def step(i, carry):
        off = base + i * C
        pltpu.sync_copy(row_hbm.at[pl.ds(off, C)], rowbuf)
        pltpu.sync_copy(ones_b, deg_sh.at[rowbuf], add=True)
        return carry
    lax.fori_loop(0, ITERS, step, 0)

    plsc.subcore_barrier()

    pltpu.sync_copy(deg_sh.at[pl.ds(r0, RPT)],
                    deg_out.at[pl.ds(c * N_PAD + r0, RPT)])


_sc_deg = pl.kernel(
    _sc_deg_body,
    out_type=jax.ShapeDtypeStruct((NC * N_PAD, D), jnp.float32),
    mesh=plsc.VectorSubcoreMesh(core_axis_name="c", subcore_axis_name="s"),
    scratch_types=[
        pltpu.VMEM((C,), jnp.int32),
        pltpu.VMEM((C, D), jnp.float32),
        pltpu.VMEM((ZR, D), jnp.float32),
        pltpu.VMEM_SHARED((N_PAD, D), jnp.float32),
    ],
    name="sc_deg",
)


def _in_body(x_ref, w_ref, b_ref, o_ref):
    o_ref[...] = (jnp.dot(x_ref[...], w_ref[...],
                          preferred_element_type=jnp.float32) + b_ref[...])


def _layer_body(p0, p1, d0, d1, h_ref, w_ref, b_ref, g_ref, be_ref, o_ref):
    deg = jnp.maximum(d0[:, 0:1] + d1[:, 0:1], 1.0)
    agg = (p0[...] + p1[...]) / deg
    t = (h_ref[...] + jnp.dot(agg, w_ref[...],
                              preferred_element_type=jnp.float32) + b_ref[...])
    mu = jnp.mean(t, axis=1, keepdims=True)
    var = jnp.mean((t - mu) ** 2, axis=1, keepdims=True)
    y = (t - mu) * lax.rsqrt(var + 1e-5) * g_ref[...] + be_ref[...]
    o_ref[...] = jnp.maximum(y, 0.0)


def _layer_out_body(p0, p1, d0, d1, h_ref, w_ref, b_ref, g_ref, be_ref,
                    w2_ref, b2_ref, o_ref):
    deg = jnp.maximum(d0[:, 0:1] + d1[:, 0:1], 1.0)
    agg = (p0[...] + p1[...]) / deg
    t = (h_ref[...] + jnp.dot(agg, w_ref[...],
                              preferred_element_type=jnp.float32) + b_ref[...])
    mu = jnp.mean(t, axis=1, keepdims=True)
    var = jnp.mean((t - mu) ** 2, axis=1, keepdims=True)
    y = (t - mu) * lax.rsqrt(var + 1e-5) * g_ref[...] + be_ref[...]
    y = jnp.maximum(y, 0.0)
    o_ref[...] = (jnp.dot(y, w2_ref[...],
                          preferred_element_type=jnp.float32) + b2_ref[...])


_R = 1024


def _tc_in(x, W, b):
    return pl.pallas_call(
        _in_body,
        grid=(N_PAD // _R,),
        in_specs=[pl.BlockSpec((_R, D), lambda i: (i, 0)),
                  pl.BlockSpec((D, D), lambda i: (0, 0)),
                  pl.BlockSpec((1, D), lambda i: (0, 0))],
        out_specs=pl.BlockSpec((_R, D), lambda i: (i, 0)),
        out_shape=jax.ShapeDtypeStruct((N_PAD, D), jnp.float32),
    )(x, W, b.reshape(1, D))


def _part_specs():
    return [pl.BlockSpec((_R, D), lambda i: (i, 0)),
            pl.BlockSpec((_R, D), lambda i: (i + N_PAD // _R, 0)),
            pl.BlockSpec((_R, D), lambda i: (i, 0)),
            pl.BlockSpec((_R, D), lambda i: (i + N_PAD // _R, 0))]


def _tc_layer(acc, deg, h, W, b, g, be):
    specs = _part_specs() + [
        pl.BlockSpec((_R, D), lambda i: (i, 0)),
        pl.BlockSpec((D, D), lambda i: (0, 0)),
        pl.BlockSpec((1, D), lambda i: (0, 0)),
        pl.BlockSpec((1, D), lambda i: (0, 0)),
        pl.BlockSpec((1, D), lambda i: (0, 0)),
    ]
    return pl.pallas_call(
        _layer_body,
        grid=(N_PAD // _R,),
        in_specs=specs,
        out_specs=pl.BlockSpec((_R, D), lambda i: (i, 0)),
        out_shape=jax.ShapeDtypeStruct((N_PAD, D), jnp.float32),
    )(acc, acc, deg, deg, h, W, b.reshape(1, D), g.reshape(1, D),
      be.reshape(1, D))


def _tc_layer_out(acc, deg, h, W, b, g, be, W2, b2):
    specs = _part_specs() + [
        pl.BlockSpec((_R, D), lambda i: (i, 0)),
        pl.BlockSpec((D, D), lambda i: (0, 0)),
        pl.BlockSpec((1, D), lambda i: (0, 0)),
        pl.BlockSpec((1, D), lambda i: (0, 0)),
        pl.BlockSpec((1, D), lambda i: (0, 0)),
        pl.BlockSpec((D, D), lambda i: (0, 0)),
        pl.BlockSpec((1, D), lambda i: (0, 0)),
    ]
    return pl.pallas_call(
        _layer_out_body,
        grid=(N_PAD // _R,),
        in_specs=specs,
        out_specs=pl.BlockSpec((_R, D), lambda i: (i, 0)),
        out_shape=jax.ShapeDtypeStruct((N_PAD, D), jnp.float32),
    )(acc, acc, deg, deg, h, W, b.reshape(1, D), g.reshape(1, D),
      be.reshape(1, D), W2, b2.reshape(1, D))


def kernel(x, edge_index, W_in, b_in, W_c0, b_c0, W_c1, b_c1,
           g0, be0, g1, be1, W_out, b_out):
    row = edge_index[0]
    col = edge_index[1]
    x_p = jnp.pad(x, ((0, N_PAD - N), (0, 0)))
    deg = _sc_deg(row)
    h0 = _tc_in(x_p, W_in, b_in)
    acc0 = _sc_agg(h0, row, col)
    h1 = _tc_layer(acc0, deg, h0, W_c0, b_c0, g0, be0)
    acc1 = _sc_agg(h1, row, col)
    out = _tc_layer_out(acc1, deg, h1, W_c1, b_c1, g1, be1, W_out, b_out)
    return out[:N]

# --- scband reference (transcript-rebuilt; emitter-appended) ---
"""Pipeline reference for scband-link-prediction-encoder-16037407883983 (READ-ONLY COPY).

The authoritative reference and input builder live on the scoring server;
editing this copy changes nothing except your own understanding.
"""

import jax, jax.numpy as jnp
import numpy as np

N = 10000
E = 320000
D_IN = 128
D_H = 128
D_OUT = 128
NUM_LAYERS = 2


def setup_inputs(seed: int = 0) -> dict:
    key = jax.random.key(seed)
    ks = jax.random.split(key, 16)
    x = jax.random.normal(ks[0], (N, D_IN), dtype=jnp.float32)
    edge_index = jax.random.randint(ks[1], (2, E), 0, N, dtype=jnp.int32)
    s = 0.05
    W_in = jax.random.normal(ks[2], (D_IN, D_H), dtype=jnp.float32) * s
    b_in = jnp.zeros((D_H,), dtype=jnp.float32)
    W_c0 = jax.random.normal(ks[3], (D_H, D_H), dtype=jnp.float32) * s
    b_c0 = jnp.zeros((D_H,), dtype=jnp.float32)
    W_c1 = jax.random.normal(ks[4], (D_H, D_H), dtype=jnp.float32) * s
    b_c1 = jnp.zeros((D_H,), dtype=jnp.float32)
    g0 = jnp.ones((D_H,), dtype=jnp.float32)
    be0 = jnp.zeros((D_H,), dtype=jnp.float32)
    g1 = jnp.ones((D_H,), dtype=jnp.float32)
    be1 = jnp.zeros((D_H,), dtype=jnp.float32)
    W_out = jax.random.normal(ks[5], (D_H, D_OUT), dtype=jnp.float32) * s
    b_out = jnp.zeros((D_OUT,), dtype=jnp.float32)
    return {"x": x, "edge_index": edge_index, "W_in": W_in, "b_in": b_in,
            "W_c0": W_c0, "b_c0": b_c0, "W_c1": W_c1, "b_c1": b_c1,
            "g0": g0, "be0": be0, "g1": g1, "be1": be1,
            "W_out": W_out, "b_out": b_out}


def _layernorm(h, g, b):
    mu = jnp.mean(h, axis=-1, keepdims=True)
    var = jnp.var(h, axis=-1, keepdims=True)
    return (h - mu) / jnp.sqrt(var + 1e-5) * g + b


def reference(x, edge_index, W_in, b_in, W_c0, b_c0, W_c1, b_c1, g0, be0, g1, be1, W_out, b_out):
    # input projection
    h = x @ W_in + b_in
    row = edge_index[0]
    col = edge_index[1]
    Wc = (W_c0, W_c1)
    bc = (b_c0, b_c1)
    gs = (g0, g1)
    bs = (be0, be1)
    for i in range(NUM_LAYERS):
        # GCN-style mean aggregation: gather messages from col, scatter-add to row
        messages = h[col]
        aggregated = jax.ops.segment_sum(messages, row, num_segments=N)
        degree = jax.ops.segment_sum(jnp.ones((E,), dtype=jnp.float32), row, num_segments=N)
        degree = jnp.clip(degree, 1.0, None)[:, None]
        aggregated = aggregated / degree
        h_new = aggregated @ Wc[i] + bc[i]
        h = h + h_new
        h = _layernorm(h, gs[i], bs[i])
        h = jax.nn.relu(h)
        # dropout is identity in eval / with rate 0.0
    out = h @ W_out + b_out
    return out

if __name__ == "__main__":
    import jax
    _d = setup_inputs()
    print(jax.jit(kernel)(*tuple(_d.values())))

</pallas_src>

<mosaic_0001>
#map = affine_map<(d0, d1) -> (0, 0)>
#map1 = affine_map<(d0, d1) -> (0)>
module attributes {stable_mosaic.version = 14 : i64} {
  func.func @sc_agg(%arg0: i32, %arg1: i32, %arg2: memref<10240x128xf32, #tpu.memory_space<hbm>>, %arg3: memref<320000xi32, #tpu.memory_space<hbm>>, %arg4: memref<320000xi32, #tpu.memory_space<hbm>>, %arg5: memref<20480x128xf32, #tpu.memory_space<hbm>>, %arg6: memref<80xi32, #tpu.memory_space<vmem>>, %arg7: memref<80xi32, #tpu.memory_space<vmem>>, %arg8: memref<80x128xf32, #tpu.memory_space<vmem>>, %arg9: memref<80xi32, #tpu.memory_space<vmem>>, %arg10: memref<80xi32, #tpu.memory_space<vmem>>, %arg11: memref<80x128xf32, #tpu.memory_space<vmem>>, %arg12: memref<80xi32, #tpu.memory_space<vmem>>, %arg13: memref<80xi32, #tpu.memory_space<vmem>>, %arg14: memref<80x128xf32, #tpu.memory_space<vmem>>, %arg15: memref<80xi32, #tpu.memory_space<vmem>>, %arg16: memref<80xi32, #tpu.memory_space<vmem>>, %arg17: memref<80x128xf32, #tpu.memory_space<vmem>>, %arg18: memref<16x128xf32, #tpu.memory_space<vmem>>, %arg19: memref<10240x128xf32, #tpu.memory_space<vmem_shared>>, %arg20: memref<!tpu.dma_semaphore, #tpu.memory_space<semaphore_mem>>, %arg21: memref<!tpu.dma_semaphore, #tpu.memory_space<semaphore_mem>>, %arg22: memref<!tpu.dma_semaphore, #tpu.memory_space<semaphore_mem>>, %arg23: memref<!tpu.dma_semaphore, #tpu.memory_space<semaphore_mem>>) attributes {dimension_semantics = [#tpu.dimension_semantics<core_parallel>, #tpu.dimension_semantics<subcore_parallel>], iteration_bounds = array<i64: 2, 16>, scalar_prefetch = 0 : i64, scratch_operands = 18 : i64, tpu.core_type = #tpu.core_type<sc_vector_subcore>, window_params = [{transform_indices = #map}, {transform_indices = #map1}, {transform_indices = #map1}, {transform_indices = #map}]} {
    %mul3A = arith.constant 2 : i32
    %mul3A_0 = arith.muli %arg1, %mul3A : i32
    %add3A = arith.addi %mul3A_0, %arg0 : i32
    %mul3A_1 = arith.constant 10000 : i32
    %mul3A_2 = arith.muli %add3A, %mul3A_1 : i32
    %scan3A = arith.constant 0 : i32
    %scan3A_3 = arith.constant 0 : i32
    %scan3A_4 = arith.constant 16 : i32
    %scan3A_5 = arith.addi %scan3A_3, %scan3A_4 : i32
    %scan3A_6 = arith.constant 1 : i32
    scf.for %scan3A_106 = %scan3A_3 to %scan3A_5 step %scan3A_6  : i32 {
      %broadcast_in_dim3A = arith.constant 0.000000e+00 : f32
      %broadcast_in_dim3A_107 = vector.broadcast %broadcast_in_dim3A : f32 to vector<16xf32>
      %swap3A = arith.index_cast %scan3A_106 : i32 to index
      %swap3A_108 = arith.constant 0 : index
      %swap3A_109 = tpu.vector_load %arg18[%swap3A, %swap3A_108] {strides = array<i32>} : memref<16x128xf32, #tpu.memory_space<vmem>>, vector<1x16xf32>,
      %swap3A_110 = vector.shape_cast %swap3A_109 : vector<1x16xf32> to vector<16xf32>
      %swap3A_111 = vector.shape_cast %broadcast_in_dim3A_107 : vector<16xf32> to vector<1x16xf32>
      tpu.vector_store %arg18[%swap3A, %swap3A_108], %swap3A_111 {strides = array<i32>} : memref<16x128xf32, #tpu.memory_space<vmem>>, vector<1x16xf32>,
      %broadcast_in_dim3A_112 = arith.constant 0.000000e+00 : f32
      %broadcast_in_dim3A_113 = vector.broadcast %broadcast_in_dim3A_112 : f32 to vector<16xf32>
      %swap3A_114 = arith.index_cast %scan3A_106 : i32 to index
      %swap3A_115 = arith.constant 16 : index
      %swap3A_116 = tpu.vector_load %arg18[%swap3A_114, %swap3A_115] {strides = array<i32>} : memref<16x128xf32, #tpu.memory_space<vmem>>, vector<1x16xf32>,
      %swap3A_117 = vector.shape_cast %swap3A_116 : vector<1x16xf32> to vector<16xf32>
      %swap3A_118 = vector.shape_cast %broadcast_in_dim3A_113 : vector<16xf32> to vector<1x16xf32>
      tpu.vector_store %arg18[%swap3A_114, %swap3A_115], %swap3A_118 {strides = array<i32>} : memref<16x128xf32, #tpu.memory_space<vmem>>, vector<1x16xf32>,
      %broadcast_in_dim3A_119 = arith.constant 0.000000e+00 : f32
      %broadcast_in_dim3A_120 = vector.broadcast %broadcast_in_dim3A_119 : f32 to vector<16xf32>
      %swap3A_121 = arith.index_cast %scan3A_106 : i32 to index
      %swap3A_122 = arith.constant 32 : index
      %swap3A_123 = tpu.vector_load %arg18[%swap3A_121, %swap3A_122] {strides = array<i32>} : memref<16x128xf32, #tpu.memory_space<vmem>>, vector<1x16xf32>,
      %swap3A_124 = vector.shape_cast %swap3A_123 : vector<1x16xf32> to vector<16xf32>
      %swap3A_125 = vector.shape_cast %broadcast_in_dim3A_120 : vector<16xf32> to vector<1x16xf32>
      tpu.vector_store %arg18[%swap3A_121, %swap3A_122], %swap3A_125 {strides = array<i32>} : memref<16x128xf32, #tpu.memory_space<vmem>>, vector<1x16xf32>,
      %broadcast_in_dim3A_126 = arith.constant 0.000000e+00 : f32
      %broadcast_in_dim3A_127 = vector.broadcast %broadcast_in_dim3A_126 : f32 to vector<16xf32>
      %swap3A_128 = arith.index_cast %scan3A_106 : i32 to index
      %swap3A_129 = arith.constant 48 : index
      %swap3A_130 = tpu.vector_load %arg18[%swap3A_128, %swap3A_129] {strides = array<i32>} : memref<16x128xf32, #tpu.memory_space<vmem>>, vector<1x16xf32>,
      %swap3A_131 = vector.shape_cast %swap3A_130 : vector<1x16xf32> to vector<16xf32>
      %swap3A_132 = vector.shape_cast %broadcast_in_dim3A_127 : vector<16xf32> to vector<1x16xf32>
      tpu.vector_store %arg18[%swap3A_128, %swap3A_129], %swap3A_132 {strides = array<i32>} : memref<16x128xf32, #tpu.memory_space<vmem>>, vector<1x16xf32>,
      %broadcast_in_dim3A_133 = arith.constant 0.000000e+00 : f32
      %broadcast_in_dim3A_134 = vector.broadcast %broadcast_in_dim3A_133 : f32 to vector<16xf32>
      %swap3A_135 = arith.index_cast %scan3A_106 : i32 to index
      %swap3A_136 = arith.constant 64 : index
      %swap3A_137 = tpu.vector_load %arg18[%swap3A_135, %swap3A_136] {strides = array<i32>} : memref<16x128xf32, #tpu.memory_space<vmem>>, vector<1x16xf32>,
      %swap3A_138 = vector.shape_cast %swap3A_137 : vector<1x16xf32> to vector<16xf32>
      %swap3A_139 = vector.shape_cast %broadcast_in_dim3A_134 : vector<16xf32> to vector<1x16xf32>
      tpu.vector_store %arg18[%swap3A_135, %swap3A_136], %swap3A_139 {strides = array<i32>} : memref<16x128xf32, #tpu.memory_space<vmem>>, vector<1x16xf32>,
      %broadcast_in_dim3A_140 = arith.constant 0.000000e+00 : f32
      %broadcast_in_dim3A_141 = vector.broadcast %broadcast_in_dim3A_140 : f32 to vector<16xf32>
      %swap3A_142 = arith.index_cast %scan3A_106 : i32 to index
      %swap3A_143 = arith.constant 80 : index
      %swap3A_144 = tpu.vector_load %arg18[%swap3A_142, %swap3A_143] {strides = array<i32>} : memref<16x128xf32, #tpu.memory_space<vmem>>, vector<1x16xf32>,
      %swap3A_145 = vector.shape_cast %swap3A_144 : vector<1x16xf32> to vector<16xf32>
      %swap3A_146 = vector.shape_cast %broadcast_in_dim3A_141 : vector<16xf32> to vector<1x16xf32>
      tpu.vector_store %arg18[%swap3A_142, %swap3A_143], %swap3A_146 {strides = array<i32>} : memref<16x128xf32, #tpu.memory_space<vmem>>, vector<1x16xf32>,
      %broadcast_in_dim3A_147 = arith.constant 0.000000e+00 : f32
      %broadcast_in_dim3A_148 = vector.broadcast %broadcast_in_dim3A_147 : f32 to vector<16xf32>
      %swap3A_149 = arith.index_cast %scan3A_106 : i32 to index
      %swap3A_150 = arith.constant 96 : index
      %swap3A_151 = tpu.vector_load %arg18[%swap3A_149, %swap3A_150] {strides = array<i32>} : memref<16x128xf32, #tpu.memory_space<vmem>>, vector<1x16xf32>,
      %swap3A_152 = vector.shape_cast %swap3A_151 : vector<1x16xf32> to vector<16xf32>
      %swap3A_153 = vector.shape_cast %broadcast_in_dim3A_148 : vector<16xf32> to vector<1x16xf32>
      tpu.vector_store %arg18[%swap3A_149, %swap3A_150], %swap3A_153 {strides = array<i32>} : memref<16x128xf32, #tpu.memory_space<vmem>>, vector<1x16xf32>,
      %broadcast_in_dim3A_154 = arith.constant 0.000000e+00 : f32
      %broadcast_in_dim3A_155 = vector.broadcast %broadcast_in_dim3A_154 : f32 to vector<16xf32>
      %swap3A_156 = arith.index_cast %scan3A_106 : i32 to index
      %swap3A_157 = arith.constant 112 : index
      %swap3A_158 = tpu.vector_load %arg18[%swap3A_156, %swap3A_157] {strides = array<i32>} : memref<16x128xf32, #tpu.memory_space<vmem>>, vector<1x16xf32>,
      %swap3A_159 = vector.shape_cast %swap3A_158 : vector<1x16xf32> to vector<16xf32>
      %swap3A_160 = vector.shape_cast %broadcast_in_dim3A_155 : vector<16xf32> to vector<1x16xf32>
      tpu.vector_store %arg18[%swap3A_156, %swap3A_157], %swap3A_160 {strides = array<i32>} : memref<16x128xf32, #tpu.memory_space<vmem>>, vector<1x16xf32>,
    }
    %scan3A_7 = arith.constant 16 : i32
    %mul3A_8 = arith.constant 640 : i32
    %mul3A_9 = arith.muli %arg1, %mul3A_8 : i32
    %add3A_10 = arith.constant 0 : i32
    %add3A_11 = arith.addi %mul3A_9, %add3A_10 : i32
    "tpu.region"() ({
      %run_scoped3A = tpu.sem_alloc : memref<!tpu.dma_semaphore, #tpu.memory_space<semaphore_mem>>
      %dma_start3A_106 = arith.constant 0 : i32
      %dma_start3A_107 = tpu.memref_slice %arg19[%add3A_11, %dma_start3A_106] : memref<10240x128xf32, #tpu.memory_space<vmem_shared>> -> memref<16x128xf32, #tpu.memory_space<vmem_shared>>
      %dma_start3A_108 = arith.constant 0 : i32
      %dma_start3A_109 = tpu.memref_slice %arg19[%add3A_11, %dma_start3A_108] : memref<10240x128xf32, #tpu.memory_space<vmem_shared>> -> memref<16x128xf32, #tpu.memory_space<vmem_shared>>
      tpu.enqueue_dma source(%arg18 : memref<16x128xf32, #tpu.memory_space<vmem>>) target(%dma_start3A_109 : memref<16x128xf32, #tpu.memory_space<vmem_shared>>) target_semaphore(%run_scoped3A : memref<!tpu.dma_semaphore, #tpu.memory_space<semaphore_mem>>)
      %dma_wait3A_110 = arith.constant 0 : i32
      %dma_wait3A_111 = tpu.memref_slice %arg19[%add3A_11, %dma_wait3A_110] : memref<10240x128xf32, #tpu.memory_space<vmem_shared>> -> memref<16x128xf32, #tpu.memory_space<vmem_shared>>
      %dma_wait3A_112 = arith.constant 0 : i32
      %dma_wait3A_113 = tpu.memref_slice %arg19[%add3A_11, %dma_wait3A_112] : memref<10240x128xf32, #tpu.memory_space<vmem_shared>> -> memref<16x128xf32, #tpu.memory_space<vmem_shared>>
      tpu.wait_dma2 semaphore(%run_scoped3A : memref<!tpu.dma_semaphore, #tpu.memory_space<semaphore_mem>>) src(%arg18 : memref<16x128xf32, #tpu.memory_space<vmem>>) dst(%dma_wait3A_113 : memref<16x128xf32, #tpu.memory_space<vmem_shared>>)
      tpu.yield
    }) : () -> ()
    %add3A_12 = arith.constant 16 : i32
    %add3A_13 = arith.addi %mul3A_9, %add3A_12 : i32
    "tpu.region"() ({
      %run_scoped3A = tpu.sem_alloc : memref<!tpu.dma_semaphore, #tpu.memory_space<semaphore_mem>>
      %dma_start3A_106 = arith.constant 0 : i32
      %dma_start3A_107 = tpu.memref_slice %arg19[%add3A_13, %dma_start3A_106] : memref<10240x128xf32, #tpu.memory_space<vmem_shared>> -> memref<16x128xf32, #tpu.memory_space<vmem_shared>>
      %dma_start3A_108 = arith.constant 0 : i32
      %dma_start3A_109 = tpu.memref_slice %arg19[%add3A_13, %dma_start3A_108] : memref<10240x128xf32, #tpu.memory_space<vmem_shared>> -> memref<16x128xf32, #tpu.memory_space<vmem_shared>>
      tpu.enqueue_dma source(%arg18 : memref<16x128xf32, #tpu.memory_space<vmem>>) target(%dma_start3A_109 : memref<16x128xf32, #tpu.memory_space<vmem_shared>>) target_semaphore(%run_scoped3A : memref<!tpu.dma_semaphore, #tpu.memory_space<semaphore_mem>>)
      %dma_wait3A_110 = arith.constant 0 : i32
      %dma_wait3A_111 = tpu.memref_slice %arg19[%add3A_13, %dma_wait3A_110] : memref<10240x128xf32, #tpu.memory_space<vmem_shared>> -> memref<16x128xf32, #tpu.memory_space<vmem_shared>>
      %dma_wait3A_112 = arith.constant 0 : i32
      %dma_wait3A_113 = tpu.memref_slice %arg19[%add3A_13, %dma_wait3A_112] : memref<10240x128xf32, #tpu.memory_space<vmem_shared>> -> memref<16x128xf32, #tpu.memory_space<vmem_shared>>
      tpu.wait_dma2 semaphore(%run_scoped3A : memref<!tpu.dma_semaphore, #tpu.memory_space<semaphore_mem>>) src(%arg18 : memref<16x128xf32, #tpu.memory_space<vmem>>) dst(%dma_wait3A_113 : memref<16x128xf32, #tpu.memory_space<vmem_shared>>)
      tpu.yield
    }) : () -> ()
    %add3A_14 = arith.constant 32 : i32
    %add3A_15 = arith.addi %mul3A_9, %add3A_14 : i32
    "tpu.region"() ({
      %run_scoped3A = tpu.sem_alloc : memref<!tpu.dma_semaphore, #tpu.memory_space<semaphore_mem>>
      %dma_start3A_106 = arith.constant 0 : i32
      %dma_start3A_107 = tpu.memref_slice %arg19[%add3A_15, %dma_start3A_106] : memref<10240x128xf32, #tpu.memory_space<vmem_shared>> -> memref<16x128xf32, #tpu.memory_space<vmem_shared>>
      %dma_start3A_108 = arith.constant 0 : i32
      %dma_start3A_109 = tpu.memref_slice %arg19[%add3A_15, %dma_start3A_108] : memref<10240x128xf32, #tpu.memory_space<vmem_shared>> -> memref<16x128xf32, #tpu.memory_space<vmem_shared>>
      tpu.enqueue_dma source(%arg18 : memref<16x128xf32, #tpu.memory_space<vmem>>) target(%dma_start3A_109 : memref<16x128xf32, #tpu.memory_space<vmem_shared>>) target_semaphore(%run_scoped3A : memref<!tpu.dma_semaphore, #tpu.memory_space<semaphore_mem>>)
      %dma_wait3A_110 = arith.constant 0 : i32
      %dma_wait3A_111 = tpu.memref_slice %arg19[%add3A_15, %dma_wait3A_110] : memref<10240x128xf32, #tpu.memory_space<vmem_shared>> -> memref<16x128xf32, #tpu.memory_space<vmem_shared>>
      %dma_wait3A_112 = arith.constant 0 : i32
      %dma_wait3A_113 = tpu.memref_slice %arg19[%add3A_15, %dma_wait3A_112] : memref<10240x128xf32, #tpu.memory_space<vmem_shared>> -> memref<16x128xf32, #tpu.memory_space<vmem_shared>>
      tpu.wait_dma2 semaphore(%run_scoped3A : memref<!tpu.dma_semaphore, #tpu.memory_space<semaphore_mem>>) src(%arg18 : memref<16x128xf32, #tpu.memory_space<vmem>>) dst(%dma_wait3A_113 : memref<16x128xf32, #tpu.memory_space<vmem_shared>>)
      tpu.yield
    }) : () -> ()
    %add3A_16 = arith.constant 48 : i32
    %add3A_17 = arith.addi %mul3A_9, %add3A_16 : i32
    "tpu.region"() ({
      %run_scoped3A = tpu.sem_alloc : memref<!tpu.dma_semaphore, #tpu.memory_space<semaphore_mem>>
      %dma_start3A_106 = arith.constant 0 : i32
      %dma_start3A_107 = tpu.memref_slice %arg19[%add3A_17, %dma_start3A_106] : memref<10240x128xf32, #tpu.memory_space<vmem_shared>> -> memref<16x128xf32, #tpu.memory_space<vmem_shared>>
      %dma_start3A_108 = arith.constant 0 : i32
      %dma_start3A_109 = tpu.memref_slice %arg19[%add3A_17, %dma_start3A_108] : memref<10240x128xf32, #tpu.memory_space<vmem_shared>> -> memref<16x128xf32, #tpu.memory_space<vmem_shared>>
      tpu.enqueue_dma source(%arg18 : memref<16x128xf32, #tpu.memory_space<vmem>>) target(%dma_start3A_109 : memref<16x128xf32, #tpu.memory_space<vmem_shared>>) target_semaphore(%run_scoped3A : memref<!tpu.dma_semaphore, #tpu.memory_space<semaphore_mem>>)
      %dma_wait3A_110 = arith.constant 0 : i32
      %dma_wait3A_111 = tpu.memref_slice %arg19[%add3A_17, %dma_wait3A_110] : memref<10240x128xf32, #tpu.memory_space<vmem_shared>> -> memref<16x128xf32, #tpu.memory_space<vmem_shared>>
      %dma_wait3A_112 = arith.constant 0 : i32
      %dma_wait3A_113 = tpu.memref_slice %arg19[%add3A_17, %dma_wait3A_112] : memref<10240x128xf32, #tpu.memory_space<vmem_shared>> -> memref<16x128xf32, #tpu.memory_space<vmem_shared>>
      tpu.wait_dma2 semaphore(%run_scoped3A : memref<!tpu.dma_semaphore, #tpu.memory_space<semaphore_mem>>) src(%arg18 : memref<16x128xf32, #tpu.memory_space<vmem>>) dst(%dma_wait3A_113 : memref<16x128xf32, #tpu.memory_space<vmem_shared>>)
      tpu.yield
    }) : () -> ()
    %add3A_18 = arith.constant 64 : i32
    %add3A_19 = arith.addi %mul3A_9, %add3A_18 : i32
    "tpu.region"() ({
      %run_scoped3A = tpu.sem_alloc : memref<!tpu.dma_semaphore, #tpu.memory_space<semaphore_mem>>
      %dma_start3A_106 = arith.constant 0 : i32
      %dma_start3A_107 = tpu.memref_slice %arg19[%add3A_19, %dma_start3A_106] : memref<10240x128xf32, #tpu.memory_space<vmem_shared>> -> memref<16x128xf32, #tpu.memory_space<vmem_shared>>
      %dma_start3A_108 = arith.constant 0 : i32
      %dma_start3A_109 = tpu.memref_slice %arg19[%add3A_19, %dma_start3A_108] : memref<10240x128xf32, #tpu.memory_space<vmem_shared>> -> memref<16x128xf32, #tpu.memory_space<vmem_shared>>
      tpu.enqueue_dma source(%arg18 : memref<16x128xf32, #tpu.memory_space<vmem>>) target(%dma_start3A_109 : memref<16x128xf32, #tpu.memory_space<vmem_shared>>) target_semaphore(%run_scoped3A : memref<!tpu.dma_semaphore, #tpu.memory_space<semaphore_mem>>)
      %dma_wait3A_110 = arith.constant 0 : i32
      %dma_wait3A_111 = tpu.memref_slice %arg19[%add3A_19, %dma_wait3A_110] : memref<10240x128xf32, #tpu.memory_space<vmem_shared>> -> memref<16x128xf32, #tpu.memory_space<vmem_shared>>
      %dma_wait3A_112 = arith.constant 0 : i32
      %dma_wait3A_113 = tpu.memref_slice %arg19[%add3A_19, %dma_wait3A_112] : memref<10240x128xf32, #tpu.memory_space<vmem_shared>> -> memref<16x128xf32, #tpu.memory_space<vmem_shared>>
      tpu.wait_dma2 semaphore(%run_scoped3A : memref<!tpu.dma_semaphore, #tpu.memory_space<semaphore_mem>>) src(%arg18 : memref<16x128xf32, #tpu.memory_space<vmem>>) dst(%dma_wait3A_113 : memref<16x128xf32, #tpu.memory_space<vmem_shared>>)
      tpu.yield
    }) : () -> ()
    %add3A_20 = arith.constant 80 : i32
    %add3A_21 = arith.addi %mul3A_9, %add3A_20 : i32
    "tpu.region"() ({
      %run_scoped3A = tpu.sem_alloc : memref<!tpu.dma_semaphore, #tpu.memory_space<semaphore_mem>>
      %dma_start3A_106 = arith.constant 0 : i32
      %dma_start3A_107 = tpu.memref_slice %arg19[%add3A_21, %dma_start3A_106] : memref<10240x128xf32, #tpu.memory_space<vmem_shared>> -> memref<16x128xf32, #tpu.memory_space<vmem_shared>>
      %dma_start3A_108 = arith.constant 0 : i32
      %dma_start3A_109 = tpu.memref_slice %arg19[%add3A_21, %dma_start3A_108] : memref<10240x128xf32, #tpu.memory_space<vmem_shared>> -> memref<16x128xf32, #tpu.memory_space<vmem_shared>>
      tpu.enqueue_dma source(%arg18 : memref<16x128xf32, #tpu.memory_space<vmem>>) target(%dma_start3A_109 : memref<16x128xf32, #tpu.memory_space<vmem_shared>>) target_semaphore(%run_scoped3A : memref<!tpu.dma_semaphore, #tpu.memory_space<semaphore_mem>>)
      %dma_wait3A_110 = arith.constant 0 : i32
      %dma_wait3A_111 = tpu.memref_slice %arg19[%add3A_21, %dma_wait3A_110] : memref<10240x128xf32, #tpu.memory_space<vmem_shared>> -> memref<16x128xf32, #tpu.memory_space<vmem_shared>>
      %dma_wait3A_112 = arith.constant 0 : i32
      %dma_wait3A_113 = tpu.memref_slice %arg19[%add3A_21, %dma_wait3A_112] : memref<10240x128xf32, #tpu.memory_space<vmem_shared>> -> memref<16x128xf32, #tpu.memory_space<vmem_shared>>
      tpu.wait_dma2 semaphore(%run_scoped3A : memref<!tpu.dma_semaphore, #tpu.memory_space<semaphore_mem>>) src(%arg18 : memref<16x128xf32, #tpu.memory_space<vmem>>) dst(%dma_wait3A_113 : memref<16x128xf32, #tpu.memory_space<vmem_shared>>)
      tpu.yield
    }) : () -> ()
    %add3A_22 = arith.constant 96 : i32
    %add3A_23 = arith.addi %mul3A_9, %add3A_22 : i32
    "tpu.region"() ({
      %run_scoped3A = tpu.sem_alloc : memref<!tpu.dma_semaphore, #tpu.memory_space<semaphore_mem>>
      %dma_start3A_106 = arith.constant 0 : i32
      %dma_start3A_107 = tpu.memref_slice %arg19[%add3A_23, %dma_start3A_106] : memref<10240x128xf32, #tpu.memory_space<vmem_shared>> -> memref<16x128xf32, #tpu.memory_space<vmem_shared>>
      %dma_start3A_108 = arith.constant 0 : i32
      %dma_start3A_109 = tpu.memref_slice %arg19[%add3A_23, %dma_start3A_108] : memref<10240x128xf32, #tpu.memory_space<vmem_shared>> -> memref<16x128xf32, #tpu.memory_space<vmem_shared>>
      tpu.enqueue_dma source(%arg18 : memref<16x128xf32, #tpu.memory_space<vmem>>) target(%dma_start3A_109 : memref<16x128xf32, #tpu.memory_space<vmem_shared>>) target_semaphore(%run_scoped3A : memref<!tpu.dma_semaphore, #tpu.memory_space<semaphore_mem>>)
      %dma_wait3A_110 = arith.constant 0 : i32
      %dma_wait3A_111 = tpu.memref_slice %arg19[%add3A_23, %dma_wait3A_110] : memref<10240x128xf32, #tpu.memory_space<vmem_shared>> -> memref<16x128xf32, #tpu.memory_space<vmem_shared>>
      %dma_wait3A_112 = arith.constant 0 : i32
      %dma_wait3A_113 = tpu.memref_slice %arg19[%add3A_23, %dma_wait3A_112] : memref<10240x128xf32, #tpu.memory_space<vmem_shared>> -> memref<16x128xf32, #tpu.memory_space<vmem_shared>>
      tpu.wait_dma2 semaphore(%run_scoped3A : memref<!tpu.dma_semaphore, #tpu.memory_space<semaphore_mem>>) src(%arg18 : memref<16x128xf32, #tpu.memory_space<vmem>>) dst(%dma_wait3A_113 : memref<16x128xf32, #tpu.memory_space<vmem_shared>>)
      tpu.yield
    }) : () -> ()
    %add3A_24 = arith.constant 112 : i32
    %add3A_25 = arith.addi %mul3A_9, %add3A_24 : i32
    "tpu.region"() ({
      %run_scoped3A = tpu.sem_alloc : memref<!tpu.dma_semaphore, #tpu.memory_space<semaphore_mem>>
      %dma_start3A_106 = arith.constant 0 : i32
      %dma_start3A_107 = tpu.memref_slice %arg19[%add3A_25, %dma_start3A_106] : memref<10240x128xf32, #tpu.memory_space<vmem_shared>> -> memref<16x128xf32, #tpu.memory_space<vmem_shared>>
      %dma_start3A_108 = arith.constant 0 : i32
      %dma_start3A_109 = tpu.memref_slice %arg19[%add3A_25, %dma_start3A_108] : memref<10240x128xf32, #tpu.memory_space<vmem_shared>> -> memref<16x128xf32, #tpu.memory_space<vmem_shared>>
      tpu.enqueue_dma source(%arg18 : memref<16x128xf32, #tpu.memory_space<vmem>>) target(%dma_start3A_109 : memref<16x128xf32, #tpu.memory_space<vmem_shared>>) target_semaphore(%run_scoped3A : memref<!tpu.dma_semaphore, #tpu.memory_space<semaphore_mem>>)
      %dma_wait3A_110 = arith.constant 0 : i32
      %dma_wait3A_111 = tpu.memref_slice %arg19[%add3A_25, %dma_wait3A_110] : memref<10240x128xf32, #tpu.memory_space<vmem_shared>> -> memref<16x128xf32, #tpu.memory_space<vmem_shared>>
      %dma_wait3A_112 = arith.constant 0 : i32
      %dma_wait3A_113 = tpu.memref_slice %arg19[%add3A_25, %dma_wait3A_112] : memref<10240x128xf32, #tpu.memory_space<vmem_shared>> -> memref<16x128xf32, #tpu.memory_space<vmem_shared>>
      tpu.wait_dma2 semaphore(%run_scoped3A : memref<!tpu.dma_semaphore, #tpu.memory_space<semaphore_mem>>) src(%arg18 : memref<16x128xf32, #tpu.memory_space<vmem>>) dst(%dma_wait3A_113 : memref<16x128xf32, #tpu.memory_space<vmem_shared>>)
      tpu.yield
    }) : () -> ()
    %add3A_26 = arith.constant 128 : i32
    %add3A_27 = arith.addi %mul3A_9, %add3A_26 : i32
    "tpu.region"() ({
      %run_scoped3A = tpu.sem_alloc : memref<!tpu.dma_semaphore, #tpu.memory_space<semaphore_mem>>
      %dma_start3A_106 = arith.constant 0 : i32
      %dma_start3A_107 = tpu.memref_slice %arg19[%add3A_27, %dma_start3A_106] : memref<10240x128xf32, #tpu.memory_space<vmem_shared>> -> memref<16x128xf32, #tpu.memory_space<vmem_shared>>
      %dma_start3A_108 = arith.constant 0 : i32
      %dma_start3A_109 = tpu.memref_slice %arg19[%add3A_27, %dma_start3A_108] : memref<10240x128xf32, #tpu.memory_space<vmem_shared>> -> memref<16x128xf32, #tpu.memory_space<vmem_shared>>
      tpu.enqueue_dma source(%arg18 : memref<16x128xf32, #tpu.memory_space<vmem>>) target(%dma_start3A_109 : memref<16x128xf32, #tpu.memory_space<vmem_shared>>) target_semaphore(%run_scoped3A : memref<!tpu.dma_semaphore, #tpu.memory_space<semaphore_mem>>)
      %dma_wait3A_110 = arith.constant 0 : i32
      %dma_wait3A_111 = tpu.memref_slice %arg19[%add3A_27, %dma_wait3A_110] : memref<10240x128xf32, #tpu.memory_space<vmem_shared>> -> memref<16x128xf32, #tpu.memory_space<vmem_shared>>
      %dma_wait3A_112 = arith.constant 0 : i32
      %dma_wait3A_113 = tpu.memref_slice %arg19[%add3A_27, %dma_wait3A_112] : memref<10240x128xf32, #tpu.memory_space<vmem_shared>> -> memref<16x128xf32, #tpu.memory_space<vmem_shared>>
      tpu.wait_dma2 semaphore(%run_scoped3A : memref<!tpu.dma_semaphore, #tpu.memory_space<semaphore_mem>>) src(%arg18 : memref<16x128xf32, #tpu.memory_space<vmem>>) dst(%dma_wait3A_113 : memref<16x128xf32, #tpu.memory_space<vmem_shared>>)
      tpu.yield
    }) : () -> ()
    %add3A_28 = arith.constant 144 : i32
    %add3A_29 = arith.addi %mul3A_9, %add3A_28 : i32
    "tpu.region"() ({
      %run_scoped3A = tpu.sem_alloc : memref<!tpu.dma_semaphore, #tpu.memory_space<semaphore_mem>>
      %dma_start3A_106 = arith.constant 0 : i32
      %dma_start3A_107 = tpu.memref_slice %arg19[%add3A_29, %dma_start3A_106] : memref<10240x128xf32, #tpu.memory_space<vmem_shared>> -> memref<16x128xf32, #tpu.memory_space<vmem_shared>>
      %dma_start3A_108 = arith.constant 0 : i32
      %dma_start3A_109 = tpu.memref_slice %arg19[%add3A_29, %dma_start3A_108] : memref<10240x128xf32, #tpu.memory_space<vmem_shared>> -> memref<16x128xf32, #tpu.memory_space<vmem_shared>>
      tpu.enqueue_dma source(%arg18 : memref<16x128xf32, #tpu.memory_space<vmem>>) target(%dma_start3A_109 : memref<16x128xf32, #tpu.memory_space<vmem_shared>>) target_semaphore(%run_scoped3A : memref<!tpu.dma_semaphore, #tpu.memory_space<semaphore_mem>>)
      %dma_wait3A_110 = arith.constant 0 : i32
      %dma_wait3A_111 = tpu.memref_slice %arg19[%add3A_29, %dma_wait3A_110] : memref<10240x128xf32, #tpu.memory_space<vmem_shared>> -> memref<16x128xf32, #tpu.memory_space<vmem_shared>>
      %dma_wait3A_112 = arith.constant 0 : i32
      %dma_wait3A_113 = tpu.memref_slice %arg19[%add3A_29, %dma_wait3A_112] : memref<10240x128xf32, #tpu.memory_space<vmem_shared>> -> memref<16x128xf32, #tpu.memory_space<vmem_shared>>
      tpu.wait_dma2 semaphore(%run_scoped3A : memref<!tpu.dma_semaphore, #tpu.memory_space<semaphore_mem>>) src(%arg18 : memref<16x128xf32, #tpu.memory_space<vmem>>) dst(%dma_wait3A_113 : memref<16x128xf32, #tpu.memory_space<vmem_shared>>)
      tpu.yield
    }) : () -> ()
    %add3A_30 = arith.constant 160 : i32
    %add3A_31 = arith.addi %mul3A_9, %add3A_30 : i32
    "tpu.region"() ({
      %run_scoped3A = tpu.sem_alloc : memref<!tpu.dma_semaphore, #tpu.memory_space<semaphore_mem>>
      %dma_start3A_106 = arith.constant 0 : i32
      %dma_start3A_107 = tpu.memref_slice %arg19[%add3A_31, %dma_start3A_106] : memref<10240x128xf32, #tpu.memory_space<vmem_shared>> -> memref<16x128xf32, #tpu.memory_space<vmem_shared>>
      %dma_start3A_108 = arith.constant 0 : i32
      %dma_start3A_109 = tpu.memref_slice %arg19[%add3A_31, %dma_start3A_108] : memref<10240x128xf32, #tpu.memory_space<vmem_shared>> -> memref<16x128xf32, #tpu.memory_space<vmem_shared>>
      tpu.enqueue_dma source(%arg18 : memref<16x128xf32, #tpu.memory_space<vmem>>) target(%dma_start3A_109 : memref<16x128xf32, #tpu.memory_space<vmem_shared>>) target_semaphore(%run_scoped3A : memref<!tpu.dma_semaphore, #tpu.memory_space<semaphore_mem>>)
      %dma_wait3A_110 = arith.constant 0 : i32
      %dma_wait3A_111 = tpu.memref_slice %arg19[%add3A_31, %dma_wait3A_110] : memref<10240x128xf32, #tpu.memory_space<vmem_shared>> -> memref<16x128xf32, #tpu.memory_space<vmem_shared>>
      %dma_wait3A_112 = arith.constant 0 : i32
      %dma_wait3A_113 = tpu.memref_slice %arg19[%add3A_31, %dma_wait3A_112] : memref<10240x128xf32, #tpu.memory_space<vmem_shared>> -> memref<16x128xf32, #tpu.memory_space<vmem_shared>>
      tpu.wait_dma2 semaphore(%run_scoped3A : memref<!tpu.dma_semaphore, #tpu.memory_space<semaphore_mem>>) src(%arg18 : memref<16x128xf32, #tpu.memory_space<vmem>>) dst(%dma_wait3A_113 : memref<16x128xf32, #tpu.memory_space<vmem_shared>>)
      tpu.yield
    }) : () -> ()
    %add3A_32 = arith.constant 176 : i32
    %add3A_33 = arith.addi %mul3A_9, %add3A_32 : i32
    "tpu.region"() ({
      %run_scoped3A = tpu.sem_alloc : memref<!tpu.dma_semaphore, #tpu.memory_space<semaphore_mem>>
      %dma_start3A_106 = arith.constant 0 : i32
      %dma_start3A_107 = tpu.memref_slice %arg19[%add3A_33, %dma_start3A_106] : memref<10240x128xf32, #tpu.memory_space<vmem_shared>> -> memref<16x128xf32, #tpu.memory_space<vmem_shared>>
      %dma_start3A_108 = arith.constant 0 : i32
      %dma_start3A_109 = tpu.memref_slice %arg19[%add3A_33, %dma_start3A_108] : memref<10240x128xf32, #tpu.memory_space<vmem_shared>> -> memref<16x128xf32, #tpu.memory_space<vmem_shared>>
      tpu.enqueue_dma source(%arg18 : memref<16x128xf32, #tpu.memory_space<vmem>>) target(%dma_start3A_109 : memref<16x128xf32, #tpu.memory_space<vmem_shared>>) target_semaphore(%run_scoped3A : memref<!tpu.dma_semaphore, #tpu.memory_space<semaphore_mem>>)
      %dma_wait3A_110 = arith.constant 0 : i32
      %dma_wait3A_111 = tpu.memref_slice %arg19[%add3A_33, %dma_wait3A_110] : memref<10240x128xf32, #tpu.memory_space<vmem_shared>> -> memref<16x128xf32, #tpu.memory_space<vmem_shared>>
      %dma_wait3A_112 = arith.constant 0 : i32
      %dma_wait3A_113 = tpu.memref_slice %arg19[%add3A_33, %dma_wait3A_112] : memref<10240x128xf32, #tpu.memory_space<vmem_shared>> -> memref<16x128xf32, #tpu.memory_space<vmem_shared>>
      tpu.wait_dma2 semaphore(%run_scoped3A : memref<!tpu.dma_semaphore, #tpu.memory_space<semaphore_mem>>) src(%arg18 : memref<16x128xf32, #tpu.memory_space<vmem>>) dst(%dma_wait3A_113 : memref<16x128xf32, #tpu.memory_space<vmem_shared>>)
      tpu.yield
    }) : () -> ()
    %add3A_34 = arith.constant 192 : i32
    %add3A_35 = arith.addi %mul3A_9, %add3A_34 : i32
    "tpu.region"() ({
      %run_scoped3A = tpu.sem_alloc : memref<!tpu.dma_semaphore, #tpu.memory_space<semaphore_mem>>
      %dma_start3A_106 = arith.constant 0 : i32
      %dma_start3A_107 = tpu.memref_slice %arg19[%add3A_35, %dma_start3A_106] : memref<10240x128xf32, #tpu.memory_space<vmem_shared>> -> memref<16x128xf32, #tpu.memory_space<vmem_shared>>
      %dma_start3A_108 = arith.constant 0 : i32
      %dma_start3A_109 = tpu.memref_slice %arg19[%add3A_35, %dma_start3A_108] : memref<10240x128xf32, #tpu.memory_space<vmem_shared>> -> memref<16x128xf32, #tpu.memory_space<vmem_shared>>
      tpu.enqueue_dma source(%arg18 : memref<16x128xf32, #tpu.memory_space<vmem>>) target(%dma_start3A_109 : memref<16x128xf32, #tpu.memory_space<vmem_shared>>) target_semaphore(%run_scoped3A : memref<!tpu.dma_semaphore, #tpu.memory_space<semaphore_mem>>)
      %dma_wait3A_110 = arith.constant 0 : i32
      %dma_wait3A_111 = tpu.memref_slice %arg19[%add3A_35, %dma_wait3A_110] : memref<10240x128xf32, #tpu.memory_space<vmem_shared>> -> memref<16x128xf32, #tpu.memory_space<vmem_shared>>
      %dma_wait3A_112 = arith.constant 0 : i32
      %dma_wait3A_113 = tpu.memref_slice %arg19[%add3A_35, %dma_wait3A_112] : memref<10240x128xf32, #tpu.memory_space<vmem_shared>> -> memref<16x128xf32, #tpu.memory_space<vmem_shared>>
      tpu.wait_dma2 semaphore(%run_scoped3A : memref<!tpu.dma_semaphore, #tpu.memory_space<semaphore_mem>>) src(%arg18 : memref<16x128xf32, #tpu.memory_space<vmem>>) dst(%dma_wait3A_113 : memref<16x128xf32, #tpu.memory_space<vmem_shared>>)
      tpu.yield
    }) : () -> ()
    %add3A_36 = arith.constant 208 : i32
    %add3A_37 = arith.addi %mul3A_9, %add3A_36 : i32
    "tpu.region"() ({
      %run_scoped3A = tpu.sem_alloc : memref<!tpu.dma_semaphore, #tpu.memory_space<semaphore_mem>>
      %dma_start3A_106 = arith.constant 0 : i32
      %dma_start3A_107 = tpu.memref_slice %arg19[%add3A_37, %dma_start3A_106] : memref<10240x128xf32, #tpu.memory_space<vmem_shared>> -> memref<16x128xf32, #tpu.memory_space<vmem_shared>>
      %dma_start3A_108 = arith.constant 0 : i32
      %dma_start3A_109 = tpu.memref_slice %arg19[%add3A_37, %dma_start3A_108] : memref<10240x128xf32, #tpu.memory_space<vmem_shared>> -> memref<16x128xf32, #tpu.memory_space<vmem_shared>>
      tpu.enqueue_dma source(%arg18 : memref<16x128xf32, #tpu.memory_space<vmem>>) target(%dma_start3A_109 : memref<16x128xf32, #tpu.memory_space<vmem_shared>>) target_semaphore(%run_scoped3A : memref<!tpu.dma_semaphore, #tpu.memory_space<semaphore_mem>>)
      %dma_wait3A_110 = arith.constant 0 : i32
      %dma_wait3A_111 = tpu.memref_slice %arg19[%add3A_37, %dma_wait3A_110] : memref<10240x128xf32, #tpu.memory_space<vmem_shared>> -> memref<16x128xf32, #tpu.memory_space<vmem_shared>>
      %dma_wait3A_112 = arith.constant 0 : i32
      %dma_wait3A_113 = tpu.memref_slice %arg19[%add3A_37, %dma_wait3A_112] : memref<10240x128xf32, #tpu.memory_space<vmem_shared>> -> memref<16x128xf32, #tpu.memory_space<vmem_shared>>
      tpu.wait_dma2 semaphore(%run_scoped3A : memref<!tpu.dma_semaphore, #tpu.memory_space<semaphore_mem>>) src(%arg18 : memref<16x128xf32, #tpu.memory_space<vmem>>) dst(%dma_wait3A_113 : memref<16x128xf32, #tpu.memory_space<vmem_shared>>)
      tpu.yield
    }) : () -> ()
    %add3A_38 = arith.constant 224 : i32
    %add3A_39 = arith.addi %mul3A_9, %add3A_38 : i32
    "tpu.region"() ({
      %run_scoped3A = tpu.sem_alloc : memref<!tpu.dma_semaphore, #tpu.memory_space<semaphore_mem>>
      %dma_start3A_106 = arith.constant 0 : i32
      %dma_start3A_107 = tpu.memref_slice %arg19[%add3A_39, %dma_start3A_106] : memref<10240x128xf32, #tpu.memory_space<vmem_shared>> -> memref<16x128xf32, #tpu.memory_space<vmem_shared>>
      %dma_start3A_108 = arith.constant 0 : i32
      %dma_start3A_109 = tpu.memref_slice %arg19[%add3A_39, %dma_start3A_108] : memref<10240x128xf32, #tpu.memory_space<vmem_shared>> -> memref<16x128xf32, #tpu.memory_space<vmem_shared>>
      tpu.enqueue_dma source(%arg18 : memref<16x128xf32, #tpu.memory_space<vmem>>) target(%dma_start3A_109 : memref<16x128xf32, #tpu.memory_space<vmem_shared>>) target_semaphore(%run_scoped3A : memref<!tpu.dma_semaphore, #tpu.memory_space<semaphore_mem>>)
      %dma_wait3A_110 = arith.constant 0 : i32
      %dma_wait3A_111 = tpu.memref_slice %arg19[%add3A_39, %dma_wait3A_110] : memref<10240x128xf32, #tpu.memory_space<vmem_shared>> -> memref<16x128xf32, #tpu.memory_space<vmem_shared>>
      %dma_wait3A_112 = arith.constant 0 : i32
      %dma_wait3A_113 = tpu.memref_slice %arg19[%add3A_39, %dma_wait3A_112] : memref<10240x128xf32, #tpu.memory_space<vmem_shared>> -> memref<16x128xf32, #tpu.memory_space<vmem_shared>>
      tpu.wait_dma2 semaphore(%run_scoped3A : memref<!tpu.dma_semaphore, #tpu.memory_space<semaphore_mem>>) src(%arg18 : memref<16x128xf32, #tpu.memory_space<vmem>>) dst(%dma_wait3A_113 : memref<16x128xf32, #tpu.memory_space<vmem_shared>>)
      tpu.yield
    }) : () -> ()
    %add3A_40 = arith.constant 240 : i32
    %add3A_41 = arith.addi %mul3A_9, %add3A_40 : i32
    "tpu.region"() ({
      %run_scoped3A = tpu.sem_alloc : memref<!tpu.dma_semaphore, #tpu.memory_space<semaphore_mem>>
      %dma_start3A_106 = arith.constant 0 : i32
      %dma_start3A_107 = tpu.memref_slice %arg19[%add3A_41, %dma_start3A_106] : memref<10240x128xf32, #tpu.memory_space<vmem_shared>> -> memref<16x128xf32, #tpu.memory_space<vmem_shared>>
      %dma_start3A_108 = arith.constant 0 : i32
      %dma_start3A_109 = tpu.memref_slice %arg19[%add3A_41, %dma_start3A_108] : memref<10240x128xf32, #tpu.memory_space<vmem_shared>> -> memref<16x128xf32, #tpu.memory_space<vmem_shared>>
      tpu.enqueue_dma source(%arg18 : memref<16x128xf32, #tpu.memory_space<vmem>>) target(%dma_start3A_109 : memref<16x128xf32, #tpu.memory_space<vmem_shared>>) target_semaphore(%run_scoped3A : memref<!tpu.dma_semaphore, #tpu.memory_space<semaphore_mem>>)
      %dma_wait3A_110 = arith.constant 0 : i32
      %dma_wait3A_111 = tpu.memref_slice %arg19[%add3A_41, %dma_wait3A_110] : memref<10240x128xf32, #tpu.memory_space<vmem_shared>> -> memref<16x128xf32, #tpu.memory_space<vmem_shared>>
      %dma_wait3A_112 = arith.constant 0 : i32
      %dma_wait3A_113 = tpu.memref_slice %arg19[%add3A_41, %dma_wait3A_112] : memref<10240x128xf32, #tpu.memory_space<vmem_shared>> -> memref<16x128xf32, #tpu.memory_space<vmem_shared>>
      tpu.wait_dma2 semaphore(%run_scoped3A : memref<!tpu.dma_semaphore, #tpu.memory_space<semaphore_mem>>) src(%arg18 : memref<16x128xf32, #tpu.memory_space<vmem>>) dst(%dma_wait3A_113 : memref<16x128xf32, #tpu.memory_space<vmem_shared>>)
      tpu.yield
    }) : () -> ()
    %add3A_42 = arith.constant 256 : i32
    %add3A_43 = arith.addi %mul3A_9, %add3A_42 : i32
    "tpu.region"() ({
      %run_scoped3A = tpu.sem_alloc : memref<!tpu.dma_semaphore, #tpu.memory_space<semaphore_mem>>
      %dma_start3A_106 = arith.constant 0 : i32
      %dma_start3A_107 = tpu.memref_slice %arg19[%add3A_43, %dma_start3A_106] : memref<10240x128xf32, #tpu.memory_space<vmem_shared>> -> memref<16x128xf32, #tpu.memory_space<vmem_shared>>
      %dma_start3A_108 = arith.constant 0 : i32
      %dma_start3A_109 = tpu.memref_slice %arg19[%add3A_43, %dma_start3A_108] : memref<10240x128xf32, #tpu.memory_space<vmem_shared>> -> memref<16x128xf32, #tpu.memory_space<vmem_shared>>
      tpu.enqueue_dma source(%arg18 : memref<16x128xf32, #tpu.memory_space<vmem>>) target(%dma_start3A_109 : memref<16x128xf32, #tpu.memory_space<vmem_shared>>) target_semaphore(%run_scoped3A : memref<!tpu.dma_semaphore, #tpu.memory_space<semaphore_mem>>)
      %dma_wait3A_110 = arith.constant 0 : i32
      %dma_wait3A_111 = tpu.memref_slice %arg19[%add3A_43, %dma_wait3A_110] : memref<10240x128xf32, #tpu.memory_space<vmem_shared>> -> memref<16x128xf32, #tpu.memory_space<vmem_shared>>
      %dma_wait3A_112 = arith.constant 0 : i32
      %dma_wait3A_113 = tpu.memref_slice %arg19[%add3A_43, %dma_wait3A_112] : memref<10240x128xf32, #tpu.memory_space<vmem_shared>> -> memref<16x128xf32, #tpu.memory_space<vmem_shared>>
      tpu.wait_dma2 semaphore(%run_scoped3A : memref<!tpu.dma_semaphore, #tpu.memory_space<semaphore_mem>>) src(%arg18 : memref<16x128xf32, #tpu.memory_space<vmem>>) dst(%dma_wait3A_113 : memref<16x128xf32, #tpu.memory_space<vmem_shared>>)
      tpu.yield
    }) : () -> ()
    %add3A_44 = arith.constant 272 : i32
    %add3A_45 = arith.addi %mul3A_9, %add3A_44 : i32
    "tpu.region"() ({
      %run_scoped3A = tpu.sem_alloc : memref<!tpu.dma_semaphore, #tpu.memory_space<semaphore_mem>>
      %dma_start3A_106 = arith.constant 0 : i32
      %dma_start3A_107 = tpu.memref_slice %arg19[%add3A_45, %dma_start3A_106] : memref<10240x128xf32, #tpu.memory_space<vmem_shared>> -> memref<16x128xf32, #tpu.memory_space<vmem_shared>>
      %dma_start3A_108 = arith.constant 0 : i32
      %dma_start3A_109 = tpu.memref_slice %arg19[%add3A_45, %dma_start3A_108] : memref<10240x128xf32, #tpu.memory_space<vmem_shared>> -> memref<16x128xf32, #tpu.memory_space<vmem_shared>>
      tpu.enqueue_dma source(%arg18 : memref<16x128xf32, #tpu.memory_space<vmem>>) target(%dma_start3A_109 : memref<16x128xf32, #tpu.memory_space<vmem_shared>>) target_semaphore(%run_scoped3A : memref<!tpu.dma_semaphore, #tpu.memory_space<semaphore_mem>>)
      %dma_wait3A_110 = arith.constant 0 : i32
      %dma_wait3A_111 = tpu.memref_slice %arg19[%add3A_45, %dma_wait3A_110] : memref<10240x128xf32, #tpu.memory_space<vmem_shared>> -> memref<16x128xf32, #tpu.memory_space<vmem_shared>>
      %dma_wait3A_112 = arith.constant 0 : i32
      %dma_wait3A_113 = tpu.memref_slice %arg19[%add3A_45, %dma_wait3A_112] : memref<10240x128xf32, #tpu.memory_space<vmem_shared>> -> memref<16x128xf32, #tpu.memory_space<vmem_shared>>
      tpu.wait_dma2 semaphore(%run_scoped3A : memref<!tpu.dma_semaphore, #tpu.memory_space<semaphore_mem>>) src(%arg18 : memref<16x128xf32, #tpu.memory_space<vmem>>) dst(%dma_wait3A_113 : memref<16x128xf32, #tpu.memory_space<vmem_shared>>)
      tpu.yield
    }) : () -> ()
    %add3A_46 = arith.constant 288 : i32
    %add3A_47 = arith.addi %mul3A_9, %add3A_46 : i32
    "tpu.region"() ({
      %run_scoped3A = tpu.sem_alloc : memref<!tpu.dma_semaphore, #tpu.memory_space<semaphore_mem>>
      %dma_start3A_106 = arith.constant 0 : i32
      %dma_start3A_107 = tpu.memref_slice %arg19[%add3A_47, %dma_start3A_106] : memref<10240x128xf32, #tpu.memory_space<vmem_shared>> -> memref<16x128xf32, #tpu.memory_space<vmem_shared>>
      %dma_start3A_108 = arith.constant 0 : i32
      %dma_start3A_109 = tpu.memref_slice %arg19[%add3A_47, %dma_start3A_108] : memref<10240x128xf32, #tpu.memory_space<vmem_shared>> -> memref<16x128xf32, #tpu.memory_space<vmem_shared>>
      tpu.enqueue_dma source(%arg18 : memref<16x128xf32, #tpu.memory_space<vmem>>) target(%dma_start3A_109 : memref<16x128xf32, #tpu.memory_space<vmem_shared>>) target_semaphore(%run_scoped3A : memref<!tpu.dma_semaphore, #tpu.memory_space<semaphore_mem>>)
      %dma_wait3A_110 = arith.constant 0 : i32
      %dma_wait3A_111 = tpu.memref_slice %arg19[%add3A_47, %dma_wait3A_110] : memref<10240x128xf32, #tpu.memory_space<vmem_shared>> -> memref<16x128xf32, #tpu.memory_space<vmem_shared>>
      %dma_wait3A_112 = arith.constant 0 : i32
      %dma_wait3A_113 = tpu.memref_slice %arg19[%add3A_47, %dma_wait3A_112] : memref<10240x128xf32, #tpu.memory_space<vmem_shared>> -> memref<16x128xf32, #tpu.memory_space<vmem_shared>>
      tpu.wait_dma2 semaphore(%run_scoped3A : memref<!tpu.dma_semaphore, #tpu.memory_space<semaphore_mem>>) src(%arg18 : memref<16x128xf32, #tpu.memory_space<vmem>>) dst(%dma_wait3A_113 : memref<16x128xf32, #tpu.memory_space<vmem_shared>>)
      tpu.yield
    }) : () -> ()
    %add3A_48 = arith.constant 304 : i32
    %add3A_49 = arith.addi %mul3A_9, %add3A_48 : i32
    "tpu.region"() ({
      %run_scoped3A = tpu.sem_alloc : memref<!tpu.dma_semaphore, #tpu.memory_space<semaphore_mem>>
      %dma_start3A_106 = arith.constant 0 : i32
      %dma_start3A_107 = tpu.memref_slice %arg19[%add3A_49, %dma_start3A_106] : memref<10240x128xf32, #tpu.memory_space<vmem_shared>> -> memref<16x128xf32, #tpu.memory_space<vmem_shared>>
      %dma_start3A_108 = arith.constant 0 : i32
      %dma_start3A_109 = tpu.memref_slice %arg19[%add3A_49, %dma_start3A_108] : memref<10240x128xf32, #tpu.memory_space<vmem_shared>> -> memref<16x128xf32, #tpu.memory_space<vmem_shared>>
      tpu.enqueue_dma source(%arg18 : memref<16x128xf32, #tpu.memory_space<vmem>>) target(%dma_start3A_109 : memref<16x128xf32, #tpu.memory_space<vmem_shared>>) target_semaphore(%run_scoped3A : memref<!tpu.dma_semaphore, #tpu.memory_space<semaphore_mem>>)
      %dma_wait3A_110 = arith.constant 0 : i32
      %dma_wait3A_111 = tpu.memref_slice %arg19[%add3A_49, %dma_wait3A_110] : memref<10240x128xf32, #tpu.memory_space<vmem_shared>> -> memref<16x128xf32, #tpu.memory_space<vmem_shared>>
      %dma_wait3A_112 = arith.constant 0 : i32
      %dma_wait3A_113 = tpu.memref_slice %arg19[%add3A_49, %dma_wait3A_112] : memref<10240x128xf32, #tpu.memory_space<vmem_shared>> -> memref<16x128xf32, #tpu.memory_space<vmem_shared>>
      tpu.wait_dma2 semaphore(%run_scoped3A : memref<!tpu.dma_semaphore, #tpu.memory_space<semaphore_mem>>) src(%arg18 : memref<16x128xf32, #tpu.memory_space<vmem>>) dst(%dma_wait3A_113 : memref<16x128xf32, #tpu.memory_space<vmem_shared>>)
      tpu.yield
    }) : () -> ()
    %add3A_50 = arith.constant 320 : i32
    %add3A_51 = arith.addi %mul3A_9, %add3A_50 : i32
    "tpu.region"() ({
      %run_scoped3A = tpu.sem_alloc : memref<!tpu.dma_semaphore, #tpu.memory_space<semaphore_mem>>
      %dma_start3A_106 = arith.constant 0 : i32
      %dma_start3A_107 = tpu.memref_slice %arg19[%add3A_51, %dma_start3A_106] : memref<10240x128xf32, #tpu.memory_space<vmem_shared>> -> memref<16x128xf32, #tpu.memory_space<vmem_shared>>
      %dma_start3A_108 = arith.constant 0 : i32
      %dma_start3A_109 = tpu.memref_slice %arg19[%add3A_51, %dma_start3A_108] : memref<10240x128xf32, #tpu.memory_space<vmem_shared>> -> memref<16x128xf32, #tpu.memory_space<vmem_shared>>
      tpu.enqueue_dma source(%arg18 : memref<16x128xf32, #tpu.memory_space<vmem>>) target(%dma_start3A_109 : memref<16x128xf32, #tpu.memory_space<vmem_shared>>) target_semaphore(%run_scoped3A : memref<!tpu.dma_semaphore, #tpu.memory_space<semaphore_mem>>)
      %dma_wait3A_110 = arith.constant 0 : i32
      %dma_wait3A_111 = tpu.memref_slice %arg19[%add3A_51, %dma_wait3A_110] : memref<10240x128xf32, #tpu.memory_space<vmem_shared>> -> memref<16x128xf32, #tpu.memory_space<vmem_shared>>
      %dma_wait3A_112 = arith.constant 0 : i32
      %dma_wait3A_113 = tpu.memref_slice %arg19[%add3A_51, %dma_wait3A_112] : memref<10240x128xf32, #tpu.memory_space<vmem_shared>> -> memref<16x128xf32, #tpu.memory_space<vmem_shared>>
      tpu.wait_dma2 semaphore(%run_scoped3A : memref<!tpu.dma_semaphore, #tpu.memory_space<semaphore_mem>>) src(%arg18 : memref<16x128xf32, #tpu.memory_space<vmem>>) dst(%dma_wait3A_113 : memref<16x128xf32, #tpu.memory_space<vmem_shared>>)
      tpu.yield
    }) : () -> ()
    %add3A_52 = arith.constant 336 : i32
    %add3A_53 = arith.addi %mul3A_9, %add3A_52 : i32
    "tpu.region"() ({
      %run_scoped3A = tpu.sem_alloc : memref<!tpu.dma_semaphore, #tpu.memory_space<semaphore_mem>>
      %dma_start3A_106 = arith.constant 0 : i32
      %dma_start3A_107 = tpu.memref_slice %arg19[%add3A_53, %dma_start3A_106] : memref<10240x128xf32, #tpu.memory_space<vmem_shared>> -> memref<16x128xf32, #tpu.memory_space<vmem_shared>>
      %dma_start3A_108 = arith.constant 0 : i32
      %dma_start3A_109 = tpu.memref_slice %arg19[%add3A_53, %dma_start3A_108] : memref<10240x128xf32, #tpu.memory_space<vmem_shared>> -> memref<16x128xf32, #tpu.memory_space<vmem_shared>>
      tpu.enqueue_dma source(%arg18 : memref<16x128xf32, #tpu.memory_space<vmem>>) target(%dma_start3A_109 : memref<16x128xf32, #tpu.memory_space<vmem_shared>>) target_semaphore(%run_scoped3A : memref<!tpu.dma_semaphore, #tpu.memory_space<semaphore_mem>>)
      %dma_wait3A_110 = arith.constant 0 : i32
      %dma_wait3A_111 = tpu.memref_slice %arg19[%add3A_53, %dma_wait3A_110] : memref<10240x128xf32, #tpu.memory_space<vmem_shared>> -> memref<16x128xf32, #tpu.memory_space<vmem_shared>>
      %dma_wait3A_112 = arith.constant 0 : i32
      %dma_wait3A_113 = tpu.memref_slice %arg19[%add3A_53, %dma_wait3A_112] : memref<10240x128xf32, #tpu.memory_space<vmem_shared>> -> memref<16x128xf32, #tpu.memory_space<vmem_shared>>
      tpu.wait_dma2 semaphore(%run_scoped3A : memref<!tpu.dma_semaphore, #tpu.memory_space<semaphore_mem>>) src(%arg18 : memref<16x128xf32, #tpu.memory_space<vmem>>) dst(%dma_wait3A_113 : memref<16x128xf32, #tpu.memory_space<vmem_shared>>)
      tpu.yield
    }) : () -> ()
    %add3A_54 = arith.constant 352 : i32
    %add3A_55 = arith.addi %mul3A_9, %add3A_54 : i32
    "tpu.region"() ({
      %run_scoped3A = tpu.sem_alloc : memref<!tpu.dma_semaphore, #tpu.memory_space<semaphore_mem>>
      %dma_start3A_106 = arith.constant 0 : i32
      %dma_start3A_107 = tpu.memref_slice %arg19[%add3A_55, %dma_start3A_106] : memref<10240x128xf32, #tpu.memory_space<vmem_shared>> -> memref<16x128xf32, #tpu.memory_space<vmem_shared>>
      %dma_start3A_108 = arith.constant 0 : i32
      %dma_start3A_109 = tpu.memref_slice %arg19[%add3A_55, %dma_start3A_108] : memref<10240x128xf32, #tpu.memory_space<vmem_shared>> -> memref<16x128xf32, #tpu.memory_space<vmem_shared>>
      tpu.enqueue_dma source(%arg18 : memref<16x128xf32, #tpu.memory_space<vmem>>) target(%dma_start3A_109 : memref<16x128xf32, #tpu.memory_space<vmem_shared>>) target_semaphore(%run_scoped3A : memref<!tpu.dma_semaphore, #tpu.memory_space<semaphore_mem>>)
      %dma_wait3A_110 = arith.constant 0 : i32
      %dma_wait3A_111 = tpu.memref_slice %arg19[%add3A_55, %dma_wait3A_110] : memref<10240x128xf32, #tpu.memory_space<vmem_shared>> -> memref<16x128xf32, #tpu.memory_space<vmem_shared>>
      %dma_wait3A_112 = arith.constant 0 : i32
      %dma_wait3A_113 = tpu.memref_slice %arg19[%add3A_55, %dma_wait3A_112] : memref<10240x128xf32, #tpu.memory_space<vmem_shared>> -> memref<16x128xf32, #tpu.memory_space<vmem_shared>>
      tpu.wait_dma2 semaphore(%run_scoped3A : memref<!tpu.dma_semaphore, #tpu.memory_space<semaphore_mem>>) src(%arg18 : memref<16x128xf32, #tpu.memory_space<vmem>>) dst(%dma_wait3A_113 : memref<16x128xf32, #tpu.memory_space<vmem_shared>>)
      tpu.yield
    }) : () -> ()
    %add3A_56 = arith.constant 368 : i32
    %add3A_57 = arith.addi %mul3A_9, %add3A_56 : i32
    "tpu.region"() ({
      %run_scoped3A = tpu.sem_alloc : memref<!tpu.dma_semaphore, #tpu.memory_space<semaphore_mem>>
      %dma_start3A_106 = arith.constant 0 : i32
      %dma_start3A_107 = tpu.memref_slice %arg19[%add3A_57, %dma_start3A_106] : memref<10240x128xf32, #tpu.memory_space<vmem_shared>> -> memref<16x128xf32, #tpu.memory_space<vmem_shared>>
      %dma_start3A_108 = arith.constant 0 : i32
      %dma_start3A_109 = tpu.memref_slice %arg19[%add3A_57, %dma_start3A_108] : memref<10240x128xf32, #tpu.memory_space<vmem_shared>> -> memref<16x128xf32, #tpu.memory_space<vmem_shared>>
      tpu.enqueue_dma source(%arg18 : memref<16x128xf32, #tpu.memory_space<vmem>>) target(%dma_start3A_109 : memref<16x128xf32, #tpu.memory_space<vmem_shared>>) target_semaphore(%run_scoped3A : memref<!tpu.dma_semaphore, #tpu.memory_space<semaphore_mem>>)
      %dma_wait3A_110 = arith.constant 0 : i32
      %dma_wait3A_111 = tpu.memref_slice %arg19[%add3A_57, %dma_wait3A_110] : memref<10240x128xf32, #tpu.memory_space<vmem_shared>> -> memref<16x128xf32, #tpu.memory_space<vmem_shared>>
      %dma_wait3A_112 = arith.constant 0 : i32
      %dma_wait3A_113 = tpu.memref_slice %arg19[%add3A_57, %dma_wait3A_112] : memref<10240x128xf32, #tpu.memory_space<vmem_shared>> -> memref<16x128xf32, #tpu.memory_space<vmem_shared>>
      tpu.wait_dma2 semaphore(%run_scoped3A : memref<!tpu.dma_semaphore, #tpu.memory_space<semaphore_mem>>) src(%arg18 : memref<16x128xf32, #tpu.memory_space<vmem>>) dst(%dma_wait3A_113 : memref<16x128xf32, #tpu.memory_space<vmem_shared>>)
      tpu.yield
    }) : () -> ()
    %add3A_58 = arith.constant 384 : i32
    %add3A_59 = arith.addi %mul3A_9, %add3A_58 : i32
    "tpu.region"() ({
      %run_scoped3A = tpu.sem_alloc : memref<!tpu.dma_semaphore, #tpu.memory_space<semaphore_mem>>
      %dma_start3A_106 = arith.constant 0 : i32
      %dma_start3A_107 = tpu.memref_slice %arg19[%add3A_59, %dma_start3A_106] : memref<10240x128xf32, #tpu.memory_space<vmem_shared>> -> memref<16x128xf32, #tpu.memory_space<vmem_shared>>
      %dma_start3A_108 = arith.constant 0 : i32
      %dma_start3A_109 = tpu.memref_slice %arg19[%add3A_59, %dma_start3A_108] : memref<10240x128xf32, #tpu.memory_space<vmem_shared>> -> memref<16x128xf32, #tpu.memory_space<vmem_shared>>
      tpu.enqueue_dma source(%arg18 : memref<16x128xf32, #tpu.memory_space<vmem>>) target(%dma_start3A_109 : memref<16x128xf32, #tpu.memory_space<vmem_shared>>) target_semaphore(%run_scoped3A : memref<!tpu.dma_semaphore, #tpu.memory_space<semaphore_mem>>)
      %dma_wait3A_110 = arith.constant 0 : i32
      %dma_wait3A_111 = tpu.memref_slice %arg19[%add3A_59, %dma_wait3A_110] : memref<10240x128xf32, #tpu.memory_space<vmem_shared>> -> memref<16x128xf32, #tpu.memory_space<vmem_shared>>
      %dma_wait3A_112 = arith.constant 0 : i32
      %dma_wait3A_113 = tpu.memref_slice %arg19[%add3A_59, %dma_wait3A_112] : memref<10240x128xf32, #tpu.memory_space<vmem_shared>> -> memref<16x128xf32, #tpu.memory_space<vmem_shared>>
      tpu.wait_dma2 semaphore(%run_scoped3A : memref<!tpu.dma_semaphore, #tpu.memory_space<semaphore_mem>>) src(%arg18 : memref<16x128xf32, #tpu.memory_space<vmem>>) dst(%dma_wait3A_113 : memref<16x128xf32, #tpu.memory_space<vmem_shared>>)
      tpu.yield
    }) : () -> ()
    %add3A_60 = arith.constant 400 : i32
    %add3A_61 = arith.addi %mul3A_9, %add3A_60 : i32
    "tpu.region"() ({
      %run_scoped3A = tpu.sem_alloc : memref<!tpu.dma_semaphore, #tpu.memory_space<semaphore_mem>>
      %dma_start3A_106 = arith.constant 0 : i32
      %dma_start3A_107 = tpu.memref_slice %arg19[%add3A_61, %dma_start3A_106] : memref<10240x128xf32, #tpu.memory_space<vmem_shared>> -> memref<16x128xf32, #tpu.memory_space<vmem_shared>>
      %dma_start3A_108 = arith.constant 0 : i32
      %dma_start3A_109 = tpu.memref_slice %arg19[%add3A_61, %dma_start3A_108] : memref<10240x128xf32, #tpu.memory_space<vmem_shared>> -> memref<16x128xf32, #tpu.memory_space<vmem_shared>>
      tpu.enqueue_dma source(%arg18 : memref<16x128xf32, #tpu.memory_space<vmem>>) target(%dma_start3A_109 : memref<16x128xf32, #tpu.memory_space<vmem_shared>>) target_semaphore(%run_scoped3A : memref<!tpu.dma_semaphore, #tpu.memory_space<semaphore_mem>>)
      %dma_wait3A_110 = arith.constant 0 : i32
      %dma_wait3A_111 = tpu.memref_slice %arg19[%add3A_61, %dma_wait3A_110] : memref<10240x128xf32, #tpu.memory_space<vmem_shared>> -> memref<16x128xf32, #tpu.memory_space<vmem_shared>>
      %dma_wait3A_112 = arith.constant 0 : i32
      %dma_wait3A_113 = tpu.memref_slice %arg19[%add3A_61, %dma_wait3A_112] : memref<10240x128xf32, #tpu.memory_space<vmem_shared>> -> memref<16x128xf32, #tpu.memory_space<vmem_shared>>
      tpu.wait_dma2 semaphore(%run_scoped3A : memref<!tpu.dma_semaphore, #tpu.memory_space<semaphore_mem>>) src(%arg18 : memref<16x128xf32, #tpu.memory_space<vmem>>) dst(%dma_wait3A_113 : memref<16x128xf32, #tpu.memory_space<vmem_shared>>)
      tpu.yield
    }) : () -> ()
    %add3A_62 = arith.constant 416 : i32
    %add3A_63 = arith.addi %mul3A_9, %add3A_62 : i32
    "tpu.region"() ({
      %run_scoped3A = tpu.sem_alloc : memref<!tpu.dma_semaphore, #tpu.memory_space<semaphore_mem>>
      %dma_start3A_106 = arith.constant 0 : i32
      %dma_start3A_107 = tpu.memref_slice %arg19[%add3A_63, %dma_start3A_106] : memref<10240x128xf32, #tpu.memory_space<vmem_shared>> -> memref<16x128xf32, #tpu.memory_space<vmem_shared>>
      %dma_start3A_108 = arith.constant 0 : i32
      %dma_start3A_109 = tpu.memref_slice %arg19[%add3A_63, %dma_start3A_108] : memref<10240x128xf32, #tpu.memory_space<vmem_shared>> -> memref<16x128xf32, #tpu.memory_space<vmem_shared>>
      tpu.enqueue_dma source(%arg18 : memref<16x128xf32, #tpu.memory_space<vmem>>) target(%dma_start3A_109 : memref<16x128xf32, #tpu.memory_space<vmem_shared>>) target_semaphore(%run_scoped3A : memref<!tpu.dma_semaphore, #tpu.memory_space<semaphore_mem>>)
      %dma_wait3A_110 = arith.constant 0 : i32
      %dma_wait3A_111 = tpu.memref_slice %arg19[%add3A_63, %dma_wait3A_110] : memref<10240x128xf32, #tpu.memory_space<vmem_shared>> -> memref<16x128xf32, #tpu.memory_space<vmem_shared>>
      %dma_wait3A_112 = arith.constant 0 : i32
      %dma_wait3A_113 = tpu.memref_slice %arg19[%add3A_63, %dma_wait3A_112] : memref<10240x128xf32, #tpu.memory_space<vmem_shared>> -> memref<16x128xf32, #tpu.memory_space<vmem_shared>>
      tpu.wait_dma2 semaphore(%run_scoped3A : memref<!tpu.dma_semaphore, #tpu.memory_space<semaphore_mem>>) src(%arg18 : memref<16x128xf32, #tpu.memory_space<vmem>>) dst(%dma_wait3A_113 : memref<16x128xf32, #tpu.memory_space<vmem_shared>>)
      tpu.yield
    }) : () -> ()
    %add3A_64 = arith.constant 432 : i32
    %add3A_65 = arith.addi %mul3A_9, %add3A_64 : i32
    "tpu.region"() ({
      %run_scoped3A = tpu.sem_alloc : memref<!tpu.dma_semaphore, #tpu.memory_space<semaphore_mem>>
      %dma_start3A_106 = arith.constant 0 : i32
      %dma_start3A_107 = tpu.memref_slice %arg19[%add3A_65, %dma_start3A_106] : memref<10240x128xf32, #tpu.memory_space<vmem_shared>> -> memref<16x128xf32, #tpu.memory_space<vmem_shared>>
      %dma_start3A_108 = arith.constant 0 : i32
      %dma_start3A_109 = tpu.memref_slice %arg19[%add3A_65, %dma_start3A_108] : memref<10240x128xf32, #tpu.memory_space<vmem_shared>> -> memref<16x128xf32, #tpu.memory_space<vmem_shared>>
      tpu.enqueue_dma source(%arg18 : memref<16x128xf32, #tpu.memory_space<vmem>>) target(%dma_start3A_109 : memref<16x128xf32, #tpu.memory_space<vmem_shared>>) target_semaphore(%run_scoped3A : memref<!tpu.dma_semaphore, #tpu.memory_space<semaphore_mem>>)
      %dma_wait3A_110 = arith.constant 0 : i32
      %dma_wait3A_111 = tpu.memref_slice %arg19[%add3A_65, %dma_wait3A_110] : memref<10240x128xf32, #tpu.memory_space<vmem_shared>> -> memref<16x128xf32, #tpu.memory_space<vmem_shared>>
      %dma_wait3A_112 = arith.constant 0 : i32
      %dma_wait3A_113 = tpu.memref_slice %arg19[%add3A_65, %dma_wait3A_112] : memref<10240x128xf32, #tpu.memory_space<vmem_shared>> -> memref<16x128xf32, #tpu.memory_space<vmem_shared>>
      tpu.wait_dma2 semaphore(%run_scoped3A : memref<!tpu.dma_semaphore, #tpu.memory_space<semaphore_mem>>) src(%arg18 : memref<16x128xf32, #tpu.memory_space<vmem>>) dst(%dma_wait3A_113 : memref<16x128xf32, #tpu.memory_space<vmem_shared>>)
      tpu.yield
    }) : () -> ()
    %add3A_66 = arith.constant 448 : i32
    %add3A_67 = arith.addi %mul3A_9, %add3A_66 : i32
    "tpu.region"() ({
      %run_scoped3A = tpu.sem_alloc : memref<!tpu.dma_semaphore, #tpu.memory_space<semaphore_mem>>
      %dma_start3A_106 = arith.constant 0 : i32
      %dma_start3A_107 = tpu.memref_slice %arg19[%add3A_67, %dma_start3A_106] : memref<10240x128xf32, #tpu.memory_space<vmem_shared>> -> memref<16x128xf32, #tpu.memory_space<vmem_shared>>
      %dma_start3A_108 = arith.constant 0 : i32
      %dma_start3A_109 = tpu.memref_slice %arg19[%add3A_67, %dma_start3A_108] : memref<10240x128xf32, #tpu.memory_space<vmem_shared>> -> memref<16x128xf32, #tpu.memory_space<vmem_shared>>
      tpu.enqueue_dma source(%arg18 : memref<16x128xf32, #tpu.memory_space<vmem>>) target(%dma_start3A_109 : memref<16x128xf32, #tpu.memory_space<vmem_shared>>) target_semaphore(%run_scoped3A : memref<!tpu.dma_semaphore, #tpu.memory_space<semaphore_mem>>)
      %dma_wait3A_110 = arith.constant 0 : i32
      %dma_wait3A_111 = tpu.memref_slice %arg19[%add3A_67, %dma_wait3A_110] : memref<10240x128xf32, #tpu.memory_space<vmem_shared>> -> memref<16x128xf32, #tpu.memory_space<vmem_shared>>
      %dma_wait3A_112 = arith.constant 0 : i32
      %dma_wait3A_113 = tpu.memref_slice %arg19[%add3A_67, %dma_wait3A_112] : memref<10240x128xf32, #tpu.memory_space<vmem_shared>> -> memref<16x128xf32, #tpu.memory_space<vmem_shared>>
      tpu.wait_dma2 semaphore(%run_scoped3A : memref<!tpu.dma_semaphore, #tpu.memory_space<semaphore_mem>>) src(%arg18 : memref<16x128xf32, #tpu.memory_space<vmem>>) dst(%dma_wait3A_113 : memref<16x128xf32, #tpu.memory_space<vmem_shared>>)
      tpu.yield
    }) : () -> ()
    %add3A_68 = arith.constant 464 : i32
    %add3A_69 = arith.addi %mul3A_9, %add3A_68 : i32
    "tpu.region"() ({
      %run_scoped3A = tpu.sem_alloc : memref<!tpu.dma_semaphore, #tpu.memory_space<semaphore_mem>>
      %dma_start3A_106 = arith.constant 0 : i32
      %dma_start3A_107 = tpu.memref_slice %arg19[%add3A_69, %dma_start3A_106] : memref<10240x128xf32, #tpu.memory_space<vmem_shared>> -> memref<16x128xf32, #tpu.memory_space<vmem_shared>>
      %dma_start3A_108 = arith.constant 0 : i32
      %dma_start3A_109 = tpu.memref_slice %arg19[%add3A_69, %dma_start3A_108] : memref<10240x128xf32, #tpu.memory_space<vmem_shared>> -> memref<16x128xf32, #tpu.memory_space<vmem_shared>>
      tpu.enqueue_dma source(%arg18 : memref<16x128xf32, #tpu.memory_space<vmem>>) target(%dma_start3A_109 : memref<16x128xf32, #tpu.memory_space<vmem_shared>>) target_semaphore(%run_scoped3A : memref<!tpu.dma_semaphore, #tpu.memory_space<semaphore_mem>>)
      %dma_wait3A_110 = arith.constant 0 : i32
      %dma_wait3A_111 = tpu.memref_slice %arg19[%add3A_69, %dma_wait3A_110] : memref<10240x128xf32, #tpu.memory_space<vmem_shared>> -> memref<16x128xf32, #tpu.memory_space<vmem_shared>>
      %dma_wait3A_112 = arith.constant 0 : i32
      %dma_wait3A_113 = tpu.memref_slice %arg19[%add3A_69, %dma_wait3A_112] : memref<10240x128xf32, #tpu.memory_space<vmem_shared>> -> memref<16x128xf32, #tpu.memory_space<vmem_shared>>
      tpu.wait_dma2 semaphore(%run_scoped3A : memref<!tpu.dma_semaphore, #tpu.memory_space<semaphore_mem>>) src(%arg18 : memref<16x128xf32, #tpu.memory_space<vmem>>) dst(%dma_wait3A_113 : memref<16x128xf32, #tpu.memory_space<vmem_shared>>)
      tpu.yield
    }) : () -> ()
    %add3A_70 = arith.constant 480 : i32
    %add3A_71 = arith.addi %mul3A_9, %add3A_70 : i32
    "tpu.region"() ({
      %run_scoped3A = tpu.sem_alloc : memref<!tpu.dma_semaphore, #tpu.memory_space<semaphore_mem>>
      %dma_start3A_106 = arith.constant 0 : i32
      %dma_start3A_107 = tpu.memref_slice %arg19[%add3A_71, %dma_start3A_106] : memref<10240x128xf32, #tpu.memory_space<vmem_shared>> -> memref<16x128xf32, #tpu.memory_space<vmem_shared>>
      %dma_start3A_108 = arith.constant 0 : i32
      %dma_start3A_109 = tpu.memref_slice %arg19[%add3A_71, %dma_start3A_108] : memref<10240x128xf32, #tpu.memory_space<vmem_shared>> -> memref<16x128xf32, #tpu.memory_space<vmem_shared>>
      tpu.enqueue_dma source(%arg18 : memref<16x128xf32, #tpu.memory_space<vmem>>) target(%dma_start3A_109 : memref<16x128xf32, #tpu.memory_space<vmem_shared>>) target_semaphore(%run_scoped3A : memref<!tpu.dma_semaphore, #tpu.memory_space<semaphore_mem>>)
      %dma_wait3A_110 = arith.constant 0 : i32
      %dma_wait3A_111 = tpu.memref_slice %arg19[%add3A_71, %dma_wait3A_110] : memref<10240x128xf32, #tpu.memory_space<vmem_shared>> -> memref<16x128xf32, #tpu.memory_space<vmem_shared>>
      %dma_wait3A_112 = arith.constant 0 : i32
      %dma_wait3A_113 = tpu.memref_slice %arg19[%add3A_71, %dma_wait3A_112] : memref<10240x128xf32, #tpu.memory_space<vmem_shared>> -> memref<16x128xf32, #tpu.memory_space<vmem_shared>>
      tpu.wait_dma2 semaphore(%run_scoped3A : memref<!tpu.dma_semaphore, #tpu.memory_space<semaphore_mem>>) src(%arg18 : memref<16x128xf32, #tpu.memory_space<vmem>>) dst(%dma_wait3A_113 : memref<16x128xf32, #tpu.memory_space<vmem_shared>>)
      tpu.yield
    }) : () -> ()
    %add3A_72 = arith.constant 496 : i32
    %add3A_73 = arith.addi %mul3A_9, %add3A_72 : i32
    "tpu.region"() ({
      %run_scoped3A = tpu.sem_alloc : memref<!tpu.dma_semaphore, #tpu.memory_space<semaphore_mem>>
      %dma_start3A_106 = arith.constant 0 : i32
      %dma_start3A_107 = tpu.memref_slice %arg19[%add3A_73, %dma_start3A_106] : memref<10240x128xf32, #tpu.memory_space<vmem_shared>> -> memref<16x128xf32, #tpu.memory_space<vmem_shared>>
      %dma_start3A_108 = arith.constant 0 : i32
      %dma_start3A_109 = tpu.memref_slice %arg19[%add3A_73, %dma_start3A_108] : memref<10240x128xf32, #tpu.memory_space<vmem_shared>> -> memref<16x128xf32, #tpu.memory_space<vmem_shared>>
      tpu.enqueue_dma source(%arg18 : memref<16x128xf32, #tpu.memory_space<vmem>>) target(%dma_start3A_109 : memref<16x128xf32, #tpu.memory_space<vmem_shared>>) target_semaphore(%run_scoped3A : memref<!tpu.dma_semaphore, #tpu.memory_space<semaphore_mem>>)
      %dma_wait3A_110 = arith.constant 0 : i32
      %dma_wait3A_111 = tpu.memref_slice %arg19[%add3A_73, %dma_wait3A_110] : memref<10240x128xf32, #tpu.memory_space<vmem_shared>> -> memref<16x128xf32, #tpu.memory_space<vmem_shared>>
      %dma_wait3A_112 = arith.constant 0 : i32
      %dma_wait3A_113 = tpu.memref_slice %arg19[%add3A_73, %dma_wait3A_112] : memref<10240x128xf32, #tpu.memory_space<vmem_shared>> -> memref<16x128xf32, #tpu.memory_space<vmem_shared>>
      tpu.wait_dma2 semaphore(%run_scoped3A : memref<!tpu.dma_semaphore, #tpu.memory_space<semaphore_mem>>) src(%arg18 : memref<16x128xf32, #tpu.memory_space<vmem>>) dst(%dma_wait3A_113 : memref<16x128xf32, #tpu.memory_space<vmem_shared>>)
      tpu.yield
    }) : () -> ()
    %add3A_74 = arith.constant 512 : i32
    %add3A_75 = arith.addi %mul3A_9, %add3A_74 : i32
    "tpu.region"() ({
      %run_scoped3A = tpu.sem_alloc : memref<!tpu.dma_semaphore, #tpu.memory_space<semaphore_mem>>
      %dma_start3A_106 = arith.constant 0 : i32
      %dma_start3A_107 = tpu.memref_slice %arg19[%add3A_75, %dma_start3A_106] : memref<10240x128xf32, #tpu.memory_space<vmem_shared>> -> memref<16x128xf32, #tpu.memory_space<vmem_shared>>
      %dma_start3A_108 = arith.constant 0 : i32
      %dma_start3A_109 = tpu.memref_slice %arg19[%add3A_75, %dma_start3A_108] : memref<10240x128xf32, #tpu.memory_space<vmem_shared>> -> memref<16x128xf32, #tpu.memory_space<vmem_shared>>
      tpu.enqueue_dma source(%arg18 : memref<16x128xf32, #tpu.memory_space<vmem>>) target(%dma_start3A_109 : memref<16x128xf32, #tpu.memory_space<vmem_shared>>) target_semaphore(%run_scoped3A : memref<!tpu.dma_semaphore, #tpu.memory_space<semaphore_mem>>)
      %dma_wait3A_110 = arith.constant 0 : i32
      %dma_wait3A_111 = tpu.memref_slice %arg19[%add3A_75, %dma_wait3A_110] : memref<10240x128xf32, #tpu.memory_space<vmem_shared>> -> memref<16x128xf32, #tpu.memory_space<vmem_shared>>
      %dma_wait3A_112 = arith.constant 0 : i32
      %dma_wait3A_113 = tpu.memref_slice %arg19[%add3A_75, %dma_wait3A_112] : memref<10240x128xf32, #tpu.memory_space<vmem_shared>> -> memref<16x128xf32, #tpu.memory_space<vmem_shared>>
      tpu.wait_dma2 semaphore(%run_scoped3A : memref<!tpu.dma_semaphore, #tpu.memory_space<semaphore_mem>>) src(%arg18 : memref<16x128xf32, #tpu.memory_space<vmem>>) dst(%dma_wait3A_113 : memref<16x128xf32, #tpu.memory_space<vmem_shared>>)
      tpu.yield
    }) : () -> ()
    %add3A_76 = arith.constant 528 : i32
    %add3A_77 = arith.addi %mul3A_9, %add3A_76 : i32
    "tpu.region"() ({
      %run_scoped3A = tpu.sem_alloc : memref<!tpu.dma_semaphore, #tpu.memory_space<semaphore_mem>>
      %dma_start3A_106 = arith.constant 0 : i32
      %dma_start3A_107 = tpu.memref_slice %arg19[%add3A_77, %dma_start3A_106] : memref<10240x128xf32, #tpu.memory_space<vmem_shared>> -> memref<16x128xf32, #tpu.memory_space<vmem_shared>>
      %dma_start3A_108 = arith.constant 0 : i32
      %dma_start3A_109 = tpu.memref_slice %arg19[%add3A_77, %dma_start3A_108] : memref<10240x128xf32, #tpu.memory_space<vmem_shared>> -> memref<16x128xf32, #tpu.memory_space<vmem_shared>>
      tpu.enqueue_dma source(%arg18 : memref<16x128xf32, #tpu.memory_space<vmem>>) target(%dma_start3A_109 : memref<16x128xf32, #tpu.memory_space<vmem_shared>>) target_semaphore(%run_scoped3A : memref<!tpu.dma_semaphore, #tpu.memory_space<semaphore_mem>>)
      %dma_wait3A_110 = arith.constant 0 : i32
      %dma_wait3A_111 = tpu.memref_slice %arg19[%add3A_77, %dma_wait3A_110] : memref<10240x128xf32, #tpu.memory_space<vmem_shared>> -> memref<16x128xf32, #tpu.memory_space<vmem_shared>>
      %dma_wait3A_112 = arith.constant 0 : i32
      %dma_wait3A_113 = tpu.memref_slice %arg19[%add3A_77, %dma_wait3A_112] : memref<10240x128xf32, #tpu.memory_space<vmem_shared>> -> memref<16x128xf32, #tpu.memory_space<vmem_shared>>
      tpu.wait_dma2 semaphore(%run_scoped3A : memref<!tpu.dma_semaphore, #tpu.memory_space<semaphore_mem>>) src(%arg18 : memref<16x128xf32, #tpu.memory_space<vmem>>) dst(%dma_wait3A_113 : memref<16x128xf32, #tpu.memory_space<vmem_shared>>)
      tpu.yield
    }) : () -> ()
    %add3A_78 = arith.constant 544 : i32
    %add3A_79 = arith.addi %mul3A_9, %add3A_78 : i32
    "tpu.region"() ({
      %run_scoped3A = tpu.sem_alloc : memref<!tpu.dma_semaphore, #tpu.memory_space<semaphore_mem>>
      %dma_start3A_106 = arith.constant 0 : i32
      %dma_start3A_107 = tpu.memref_slice %arg19[%add3A_79, %dma_start3A_106] : memref<10240x128xf32, #tpu.memory_space<vmem_shared>> -> memref<16x128xf32, #tpu.memory_space<vmem_shared>>
      %dma_start3A_108 = arith.constant 0 : i32
      %dma_start3A_109 = tpu.memref_slice %arg19[%add3A_79, %dma_start3A_108] : memref<10240x128xf32, #tpu.memory_space<vmem_shared>> -> memref<16x128xf32, #tpu.memory_space<vmem_shared>>
      tpu.enqueue_dma source(%arg18 : memref<16x128xf32, #tpu.memory_space<vmem>>) target(%dma_start3A_109 : memref<16x128xf32, #tpu.memory_space<vmem_shared>>) target_semaphore(%run_scoped3A : memref<!tpu.dma_semaphore, #tpu.memory_space<semaphore_mem>>)
      %dma_wait3A_110 = arith.constant 0 : i32
      %dma_wait3A_111 = tpu.memref_slice %arg19[%add3A_79, %dma_wait3A_110] : memref<10240x128xf32, #tpu.memory_space<vmem_shared>> -> memref<16x128xf32, #tpu.memory_space<vmem_shared>>
      %dma_wait3A_112 = arith.constant 0 : i32
      %dma_wait3A_113 = tpu.memref_slice %arg19[%add3A_79, %dma_wait3A_112] : memref<10240x128xf32, #tpu.memory_space<vmem_shared>> -> memref<16x128xf32, #tpu.memory_space<vmem_shared>>
      tpu.wait_dma2 semaphore(%run_scoped3A : memref<!tpu.dma_semaphore, #tpu.memory_space<semaphore_mem>>) src(%arg18 : memref<16x128xf32, #tpu.memory_space<vmem>>) dst(%dma_wait3A_113 : memref<16x128xf32, #tpu.memory_space<vmem_shared>>)
      tpu.yield
    }) : () -> ()
    %add3A_80 = arith.constant 560 : i32
    %add3A_81 = arith.addi %mul3A_9, %add3A_80 : i32
    "tpu.region"() ({
      %run_scoped3A = tpu.sem_alloc : memref<!tpu.dma_semaphore, #tpu.memory_space<semaphore_mem>>
      %dma_start3A_106 = arith.constant 0 : i32
      %dma_start3A_107 = tpu.memref_slice %arg19[%add3A_81, %dma_start3A_106] : memref<10240x128xf32, #tpu.memory_space<vmem_shared>> -> memref<16x128xf32, #tpu.memory_space<vmem_shared>>
      %dma_start3A_108 = arith.constant 0 : i32
      %dma_start3A_109 = tpu.memref_slice %arg19[%add3A_81, %dma_start3A_108] : memref<10240x128xf32, #tpu.memory_space<vmem_shared>> -> memref<16x128xf32, #tpu.memory_space<vmem_shared>>
      tpu.enqueue_dma source(%arg18 : memref<16x128xf32, #tpu.memory_space<vmem>>) target(%dma_start3A_109 : memref<16x128xf32, #tpu.memory_space<vmem_shared>>) target_semaphore(%run_scoped3A : memref<!tpu.dma_semaphore, #tpu.memory_space<semaphore_mem>>)
      %dma_wait3A_110 = arith.constant 0 : i32
      %dma_wait3A_111 = tpu.memref_slice %arg19[%add3A_81, %dma_wait3A_110] : memref<10240x128xf32, #tpu.memory_space<vmem_shared>> -> memref<16x128xf32, #tpu.memory_space<vmem_shared>>
      %dma_wait3A_112 = arith.constant 0 : i32
      %dma_wait3A_113 = tpu.memref_slice %arg19[%add3A_81, %dma_wait3A_112] : memref<10240x128xf32, #tpu.memory_space<vmem_shared>> -> memref<16x128xf32, #tpu.memory_space<vmem_shared>>
      tpu.wait_dma2 semaphore(%run_scoped3A : memref<!tpu.dma_semaphore, #tpu.memory_space<semaphore_mem>>) src(%arg18 : memref<16x128xf32, #tpu.memory_space<vmem>>) dst(%dma_wait3A_113 : memref<16x128xf32, #tpu.memory_space<vmem_shared>>)
      tpu.yield
    }) : () -> ()
    %add3A_82 = arith.constant 576 : i32
    %add3A_83 = arith.addi %mul3A_9, %add3A_82 : i32
    "tpu.region"() ({
      %run_scoped3A = tpu.sem_alloc : memref<!tpu.dma_semaphore, #tpu.memory_space<semaphore_mem>>
      %dma_start3A_106 = arith.constant 0 : i32
      %dma_start3A_107 = tpu.memref_slice %arg19[%add3A_83, %dma_start3A_106] : memref<10240x128xf32, #tpu.memory_space<vmem_shared>> -> memref<16x128xf32, #tpu.memory_space<vmem_shared>>
      %dma_start3A_108 = arith.constant 0 : i32
      %dma_start3A_109 = tpu.memref_slice %arg19[%add3A_83, %dma_start3A_108] : memref<10240x128xf32, #tpu.memory_space<vmem_shared>> -> memref<16x128xf32, #tpu.memory_space<vmem_shared>>
      tpu.enqueue_dma source(%arg18 : memref<16x128xf32, #tpu.memory_space<vmem>>) target(%dma_start3A_109 : memref<16x128xf32, #tpu.memory_space<vmem_shared>>) target_semaphore(%run_scoped3A : memref<!tpu.dma_semaphore, #tpu.memory_space<semaphore_mem>>)
      %dma_wait3A_110 = arith.constant 0 : i32
      %dma_wait3A_111 = tpu.memref_slice %arg19[%add3A_83, %dma_wait3A_110] : memref<10240x128xf32, #tpu.memory_space<vmem_shared>> -> memref<16x128xf32, #tpu.memory_space<vmem_shared>>
      %dma_wait3A_112 = arith.constant 0 : i32
      %dma_wait3A_113 = tpu.memref_slice %arg19[%add3A_83, %dma_wait3A_112] : memref<10240x128xf32, #tpu.memory_space<vmem_shared>> -> memref<16x128xf32, #tpu.memory_space<vmem_shared>>
      tpu.wait_dma2 semaphore(%run_scoped3A : memref<!tpu.dma_semaphore, #tpu.memory_space<semaphore_mem>>) src(%arg18 : memref<16x128xf32, #tpu.memory_space<vmem>>) dst(%dma_wait3A_113 : memref<16x128xf32, #tpu.memory_space<vmem_shared>>)
      tpu.yield
    }) : () -> ()
    %add3A_84 = arith.constant 592 : i32
    %add3A_85 = arith.addi %mul3A_9, %add3A_84 : i32
    "tpu.region"() ({
      %run_scoped3A = tpu.sem_alloc : memref<!tpu.dma_semaphore, #tpu.memory_space<semaphore_mem>>
      %dma_start3A_106 = arith.constant 0 : i32
      %dma_start3A_107 = tpu.memref_slice %arg19[%add3A_85, %dma_start3A_106] : memref<10240x128xf32, #tpu.memory_space<vmem_shared>> -> memref<16x128xf32, #tpu.memory_space<vmem_shared>>
      %dma_start3A_108 = arith.constant 0 : i32
      %dma_start3A_109 = tpu.memref_slice %arg19[%add3A_85, %dma_start3A_108] : memref<10240x128xf32, #tpu.memory_space<vmem_shared>> -> memref<16x128xf32, #tpu.memory_space<vmem_shared>>
      tpu.enqueue_dma source(%arg18 : memref<16x128xf32, #tpu.memory_space<vmem>>) target(%dma_start3A_109 : memref<16x128xf32, #tpu.memory_space<vmem_shared>>) target_semaphore(%run_scoped3A : memref<!tpu.dma_semaphore, #tpu.memory_space<semaphore_mem>>)
      %dma_wait3A_110 = arith.constant 0 : i32
      %dma_wait3A_111 = tpu.memref_slice %arg19[%add3A_85, %dma_wait3A_110] : memref<10240x128xf32, #tpu.memory_space<vmem_shared>> -> memref<16x128xf32, #tpu.memory_space<vmem_shared>>
      %dma_wait3A_112 = arith.constant 0 : i32
      %dma_wait3A_113 = tpu.memref_slice %arg19[%add3A_85, %dma_wait3A_112] : memref<10240x128xf32, #tpu.memory_space<vmem_shared>> -> memref<16x128xf32, #tpu.memory_space<vmem_shared>>
      tpu.wait_dma2 semaphore(%run_scoped3A : memref<!tpu.dma_semaphore, #tpu.memory_space<semaphore_mem>>) src(%arg18 : memref<16x128xf32, #tpu.memory_space<vmem>>) dst(%dma_wait3A_113 : memref<16x128xf32, #tpu.memory_space<vmem_shared>>)
      tpu.yield
    }) : () -> ()
    %add3A_86 = arith.constant 608 : i32
    %add3A_87 = arith.addi %mul3A_9, %add3A_86 : i32
    "tpu.region"() ({
      %run_scoped3A = tpu.sem_alloc : memref<!tpu.dma_semaphore, #tpu.memory_space<semaphore_mem>>
      %dma_start3A_106 = arith.constant 0 : i32
      %dma_start3A_107 = tpu.memref_slice %arg19[%add3A_87, %dma_start3A_106] : memref<10240x128xf32, #tpu.memory_space<vmem_shared>> -> memref<16x128xf32, #tpu.memory_space<vmem_shared>>
      %dma_start3A_108 = arith.constant 0 : i32
      %dma_start3A_109 = tpu.memref_slice %arg19[%add3A_87, %dma_start3A_108] : memref<10240x128xf32, #tpu.memory_space<vmem_shared>> -> memref<16x128xf32, #tpu.memory_space<vmem_shared>>
      tpu.enqueue_dma source(%arg18 : memref<16x128xf32, #tpu.memory_space<vmem>>) target(%dma_start3A_109 : memref<16x128xf32, #tpu.memory_space<vmem_shared>>) target_semaphore(%run_scoped3A : memref<!tpu.dma_semaphore, #tpu.memory_space<semaphore_mem>>)
      %dma_wait3A_110 = arith.constant 0 : i32
      %dma_wait3A_111 = tpu.memref_slice %arg19[%add3A_87, %dma_wait3A_110] : memref<10240x128xf32, #tpu.memory_space<vmem_shared>> -> memref<16x128xf32, #tpu.memory_space<vmem_shared>>
      %dma_wait3A_112 = arith.constant 0 : i32
      %dma_wait3A_113 = tpu.memref_slice %arg19[%add3A_87, %dma_wait3A_112] : memref<10240x128xf32, #tpu.memory_space<vmem_shared>> -> memref<16x128xf32, #tpu.memory_space<vmem_shared>>
      tpu.wait_dma2 semaphore(%run_scoped3A : memref<!tpu.dma_semaphore, #tpu.memory_space<semaphore_mem>>) src(%arg18 : memref<16x128xf32, #tpu.memory_space<vmem>>) dst(%dma_wait3A_113 : memref<16x128xf32, #tpu.memory_space<vmem_shared>>)
      tpu.yield
    }) : () -> ()
    %add3A_88 = arith.constant 624 : i32
    %add3A_89 = arith.addi %mul3A_9, %add3A_88 : i32
    "tpu.region"() ({
      %run_scoped3A = tpu.sem_alloc : memref<!tpu.dma_semaphore, #tpu.memory_space<semaphore_mem>>
      %dma_start3A_106 = arith.constant 0 : i32
      %dma_start3A_107 = tpu.memref_slice %arg19[%add3A_89, %dma_start3A_106] : memref<10240x128xf32, #tpu.memory_space<vmem_shared>> -> memref<16x128xf32, #tpu.memory_space<vmem_shared>>
      %dma_start3A_108 = arith.constant 0 : i32
      %dma_start3A_109 = tpu.memref_slice %arg19[%add3A_89, %dma_start3A_108] : memref<10240x128xf32, #tpu.memory_space<vmem_shared>> -> memref<16x128xf32, #tpu.memory_space<vmem_shared>>
      tpu.enqueue_dma source(%arg18 : memref<16x128xf32, #tpu.memory_space<vmem>>) target(%dma_start3A_109 : memref<16x128xf32, #tpu.memory_space<vmem_shared>>) target_semaphore(%run_scoped3A : memref<!tpu.dma_semaphore, #tpu.memory_space<semaphore_mem>>)
      %dma_wait3A_110 = arith.constant 0 : i32
      %dma_wait3A_111 = tpu.memref_slice %arg19[%add3A_89, %dma_wait3A_110] : memref<10240x128xf32, #tpu.memory_space<vmem_shared>> -> memref<16x128xf32, #tpu.memory_space<vmem_shared>>
      %dma_wait3A_112 = arith.constant 0 : i32
      %dma_wait3A_113 = tpu.memref_slice %arg19[%add3A_89, %dma_wait3A_112] : memref<10240x128xf32, #tpu.memory_space<vmem_shared>> -> memref<16x128xf32, #tpu.memory_space<vmem_shared>>
      tpu.wait_dma2 semaphore(%run_scoped3A : memref<!tpu.dma_semaphore, #tpu.memory_space<semaphore_mem>>) src(%arg18 : memref<16x128xf32, #tpu.memory_space<vmem>>) dst(%dma_wait3A_113 : memref<16x128xf32, #tpu.memory_space<vmem_shared>>)
      tpu.yield
    }) : () -> ()
    %barrier3A = arith.constant 0 : index
    tpu.barrier barrier_id(%barrier3A)
    %scan3A_90 = arith.constant 0 : i32
    %scan3A_91 = arith.constant 0 : i32
    %scan3A_92 = arith.constant 31 : i32
    %scan3A_93 = arith.addi %scan3A_91, %scan3A_92 : i32
    %scan3A_94 = arith.constant 1 : i32
    scf.for %scan3A_106 = %scan3A_91 to %scan3A_93 step %scan3A_94  : i32 {
      %mul3A_107 = arith.constant 4 : i32
      %mul3A_108 = arith.muli %mul3A_107, %scan3A_106 : i32
      %add3A_109 = arith.constant 0 : i32
      %add3A_110 = arith.addi %mul3A_108, %add3A_109 : i32
      %mul3A_111 = arith.constant 80 : i32
      %mul3A_112 = arith.muli %add3A_110, %mul3A_111 : i32
      %add3A_113 = arith.addi %mul3A_2, %mul3A_112 : i32
      "tpu.region"() ({
        %run_scoped3A = tpu.sem_alloc : memref<!tpu.dma_semaphore, #tpu.memory_space<semaphore_mem>>
        %dma_start3A_159 = tpu.memref_slice %arg3[%add3A_113] : memref<320000xi32, #tpu.memory_space<hbm>> -> memref<80xi32, #tpu.memory_space<hbm>>
        %dma_start3A_160 = tpu.memref_slice %arg3[%add3A_113] : memref<320000xi32, #tpu.memory_space<hbm>> -> memref<80xi32, #tpu.memory_space<hbm>>
        tpu.enqueue_dma source(%dma_start3A_160 : memref<80xi32, #tpu.memory_space<hbm>>) target(%arg6 : memref<80xi32, #tpu.memory_space<vmem>>) target_semaphore(%run_scoped3A : memref<!tpu.dma_semaphore, #tpu.memory_space<semaphore_mem>>)
        %dma_wait3A_161 = tpu.memref_slice %arg3[%add3A_113] : memref<320000xi32, #tpu.memory_space<hbm>> -> memref<80xi32, #tpu.memory_space<hbm>>
        %dma_wait3A_162 = tpu.memref_slice %arg3[%add3A_113] : memref<320000xi32, #tpu.memory_space<hbm>> -> memref<80xi32, #tpu.memory_space<hbm>>
        tpu.wait_dma2 semaphore(%run_scoped3A : memref<!tpu.dma_semaphore, #tpu.memory_space<semaphore_mem>>) src(%dma_wait3A_162 : memref<80xi32, #tpu.memory_space<hbm>>) dst(%arg6 : memref<80xi32, #tpu.memory_space<vmem>>)
        tpu.yield
      }) : () -> ()
      "tpu.region"() ({
        %run_scoped3A = tpu.sem_alloc : memref<!tpu.dma_semaphore, #tpu.memory_space<semaphore_mem>>
        %dma_start3A_159 = tpu.memref_slice %arg4[%add3A_113] : memref<320000xi32, #tpu.memory_space<hbm>> -> memref<80xi32, #tpu.memory_space<hbm>>
        %dma_start3A_160 = tpu.memref_slice %arg4[%add3A_113] : memref<320000xi32, #tpu.memory_space<hbm>> -> memref<80xi32, #tpu.memory_space<hbm>>
        tpu.enqueue_dma source(%dma_start3A_160 : memref<80xi32, #tpu.memory_space<hbm>>) target(%arg7 : memref<80xi32, #tpu.memory_space<vmem>>) target_semaphore(%run_scoped3A : memref<!tpu.dma_semaphore, #tpu.memory_space<semaphore_mem>>)
        %dma_wait3A_161 = tpu.memref_slice %arg4[%add3A_113] : memref<320000xi32, #tpu.memory_space<hbm>> -> memref<80xi32, #tpu.memory_space<hbm>>
        %dma_wait3A_162 = tpu.memref_slice %arg4[%add3A_113] : memref<320000xi32, #tpu.memory_space<hbm>> -> memref<80xi32, #tpu.memory_space<hbm>>
        tpu.wait_dma2 semaphore(%run_scoped3A : memref<!tpu.dma_semaphore, #tpu.memory_space<semaphore_mem>>) src(%dma_wait3A_162 : memref<80xi32, #tpu.memory_space<hbm>>) dst(%arg7 : memref<80xi32, #tpu.memory_space<vmem>>)
        tpu.yield
      }) : () -> ()
      %dma_start3A_114 = arith.constant 0 : i32
      %dma_start3A_115 = arith.constant 0 : i32
      %dma_start3A_116 = tpu.memref_slice %arg2[%dma_start3A_114, %dma_start3A_115] : memref<10240x128xf32, #tpu.memory_space<hbm>> -> memref<10240x128xf32, #tpu.memory_space<hbm>>
      tpu.enqueue_indirect_dma source(%dma_start3A_116 : memref<10240x128xf32, #tpu.memory_space<hbm>>) target(%arg8 : memref<80x128xf32, #tpu.memory_space<vmem>>) offsets(%arg7 : memref<80xi32, #tpu.memory_space<vmem>>) semaphore(%arg20 : memref<!tpu.dma_semaphore, #tpu.memory_space<semaphore_mem>>)
      %mul3A_117 = arith.constant 4 : i32
      %mul3A_118 = arith.muli %mul3A_117, %scan3A_106 : i32
      %add3A_119 = arith.constant 1 : i32
      %add3A_120 = arith.addi %mul3A_118, %add3A_119 : i32
      %mul3A_121 = arith.constant 80 : i32
      %mul3A_122 = arith.muli %add3A_120, %mul3A_121 : i32
      %add3A_123 = arith.addi %mul3A_2, %mul3A_122 : i32
      "tpu.region"() ({
        %run_scoped3A = tpu.sem_alloc : memref<!tpu.dma_semaphore, #tpu.memory_space<semaphore_mem>>
        %dma_start3A_159 = tpu.memref_slice %arg3[%add3A_123] : memref<320000xi32, #tpu.memory_space<hbm>> -> memref<80xi32, #tpu.memory_space<hbm>>
        %dma_start3A_160 = tpu.memref_slice %arg3[%add3A_123] : memref<320000xi32, #tpu.memory_space<hbm>> -> memref<80xi32, #tpu.memory_space<hbm>>
        tpu.enqueue_dma source(%dma_start3A_160 : memref<80xi32, #tpu.memory_space<hbm>>) target(%arg9 : memref<80xi32, #tpu.memory_space<vmem>>) target_semaphore(%run_scoped3A : memref<!tpu.dma_semaphore, #tpu.memory_space<semaphore_mem>>)
        %dma_wait3A_161 = tpu.memref_slice %arg3[%add3A_123] : memref<320000xi32, #tpu.memory_space<hbm>> -> memref<80xi32, #tpu.memory_space<hbm>>
        %dma_wait3A_162 = tpu.memref_slice %arg3[%add3A_123] : memref<320000xi32, #tpu.memory_space<hbm>> -> memref<80xi32, #tpu.memory_space<hbm>>
        tpu.wait_dma2 semaphore(%run_scoped3A : memref<!tpu.dma_semaphore, #tpu.memory_space<semaphore_mem>>) src(%dma_wait3A_162 : memref<80xi32, #tpu.memory_space<hbm>>) dst(%arg9 : memref<80xi32, #tpu.memory_space<vmem>>)
        tpu.yield
      }) : () -> ()
      "tpu.region"() ({
        %run_scoped3A = tpu.sem_alloc : memref<!tpu.dma_semaphore, #tpu.memory_space<semaphore_mem>>
        %dma_start3A_159 = tpu.memref_slice %arg4[%add3A_123] : memref<320000xi32, #tpu.memory_space<hbm>> -> memref<80xi32, #tpu.memory_space<hbm>>
        %dma_start3A_160 = tpu.memref_slice %arg4[%add3A_123] : memref<320000xi32, #tpu.memory_space<hbm>> -> memref<80xi32, #tpu.memory_space<hbm>>
        tpu.enqueue_dma source(%dma_start3A_160 : memref<80xi32, #tpu.memory_space<hbm>>) target(%arg10 : memref<80xi32, #tpu.memory_space<vmem>>) target_semaphore(%run_scoped3A : memref<!tpu.dma_semaphore, #tpu.memory_space<semaphore_mem>>)
        %dma_wait3A_161 = tpu.memref_slice %arg4[%add3A_123] : memref<320000xi32, #tpu.memory_space<hbm>> -> memref<80xi32, #tpu.memory_space<hbm>>
        %dma_wait3A_162 = tpu.memref_slice %arg4[%add3A_123] : memref<320000xi32, #tpu.memory_space<hbm>> -> memref<80xi32, #tpu.memory_space<hbm>>
        tpu.wait_dma2 semaphore(%run_scoped3A : memref<!tpu.dma_semaphore, #tpu.memory_space<semaphore_mem>>) src(%dma_wait3A_162 : memref<80xi32, #tpu.memory_space<hbm>>) dst(%arg10 : memref<80xi32, #tpu.memory_space<vmem>>)
        tpu.yield
      }) : () -> ()
      %dma_start3A_124 = arith.constant 0 : i32
      %dma_start3A_125 = arith.constant 0 : i32
      %dma_start3A_126 = tpu.memref_slice %arg2[%dma_start3A_124, %dma_start3A_125] : memref<10240x128xf32, #tpu.memory_space<hbm>> -> memref<10240x128xf32, #tpu.memory_space<hbm>>
      tpu.enqueue_indirect_dma source(%dma_start3A_126 : memref<10240x128xf32, #tpu.memory_space<hbm>>) target(%arg11 : memref<80x128xf32, #tpu.memory_space<vmem>>) offsets(%arg10 : memref<80xi32, #tpu.memory_space<vmem>>) semaphore(%arg21 : memref<!tpu.dma_semaphore, #tpu.memory_space<semaphore_mem>>)
      %mul3A_127 = arith.constant 4 : i32
      %mul3A_128 = arith.muli %mul3A_127, %scan3A_106 : i32
      %add3A_129 = arith.constant 2 : i32
      %add3A_130 = arith.addi %mul3A_128, %add3A_129 : i32
      %mul3A_131 = arith.constant 80 : i32
      %mul3A_132 = arith.muli %add3A_130, %mul3A_131 : i32
      %add3A_133 = arith.addi %mul3A_2, %mul3A_132 : i32
      "tpu.region"() ({
        %run_scoped3A = tpu.sem_alloc : memref<!tpu.dma_semaphore, #tpu.memory_space<semaphore_mem>>
        %dma_start3A_159 = tpu.memref_slice %arg3[%add3A_133] : memref<320000xi32, #tpu.memory_space<hbm>> -> memref<80xi32, #tpu.memory_space<hbm>>
        %dma_start3A_160 = tpu.memref_slice %arg3[%add3A_133] : memref<320000xi32, #tpu.memory_space<hbm>> -> memref<80xi32, #tpu.memory_space<hbm>>
        tpu.enqueue_dma source(%dma_start3A_160 : memref<80xi32, #tpu.memory_space<hbm>>) target(%arg12 : memref<80xi32, #tpu.memory_space<vmem>>) target_semaphore(%run_scoped3A : memref<!tpu.dma_semaphore, #tpu.memory_space<semaphore_mem>>)
        %dma_wait3A_161 = tpu.memref_slice %arg3[%add3A_133] : memref<320000xi32, #tpu.memory_space<hbm>> -> memref<80xi32, #tpu.memory_space<hbm>>
        %dma_wait3A_162 = tpu.memref_slice %arg3[%add3A_133] : memref<320000xi32, #tpu.memory_space<hbm>> -> memref<80xi32, #tpu.memory_space<hbm>>
        tpu.wait_dma2 semaphore(%run_scoped3A : memref<!tpu.dma_semaphore, #tpu.memory_space<semaphore_mem>>) src(%dma_wait3A_162 : memref<80xi32, #tpu.memory_space<hbm>>) dst(%arg12 : memref<80xi32, #tpu.memory_space<vmem>>)
        tpu.yield
      }) : () -> ()
      "tpu.region"() ({
        %run_scoped3A = tpu.sem_alloc : memref<!tpu.dma_semaphore, #tpu.memory_space<semaphore_mem>>
        %dma_start3A_159 = tpu.memref_slice %arg4[%add3A_133] : memref<320000xi32, #tpu.memory_space<hbm>> -> memref<80xi32, #tpu.memory_space<hbm>>
        %dma_start3A_160 = tpu.memref_slice %arg4[%add3A_133] : memref<320000xi32, #tpu.memory_space<hbm>> -> memref<80xi32, #tpu.memory_space<hbm>>
        tpu.enqueue_dma source(%dma_start3A_160 : memref<80xi32, #tpu.memory_space<hbm>>) target(%arg13 : memref<80xi32, #tpu.memory_space<vmem>>) target_semaphore(%run_scoped3A : memref<!tpu.dma_semaphore, #tpu.memory_space<semaphore_mem>>)
        %dma_wait3A_161 = tpu.memref_slice %arg4[%add3A_133] : memref<320000xi32, #tpu.memory_space<hbm>> -> memref<80xi32, #tpu.memory_space<hbm>>
        %dma_wait3A_162 = tpu.memref_slice %arg4[%add3A_133] : memref<320000xi32, #tpu.memory_space<hbm>> -> memref<80xi32, #tpu.memory_space<hbm>>
        tpu.wait_dma2 semaphore(%run_scoped3A : memref<!tpu.dma_semaphore, #tpu.memory_space<semaphore_mem>>) src(%dma_wait3A_162 : memref<80xi32, #tpu.memory_space<hbm>>) dst(%arg13 : memref<80xi32, #tpu.memory_space<vmem>>)
        tpu.yield
      }) : () -> ()
      %dma_start3A_134 = arith.constant 0 : i32
      %dma_start3A_135 = arith.constant 0 : i32
      %dma_start3A_136 = tpu.memref_slice %arg2[%dma_start3A_134, %dma_start3A_135] : memref<10240x128xf32, #tpu.memory_space<hbm>> -> memref<10240x128xf32, #tpu.memory_space<hbm>>
      tpu.enqueue_indirect_dma source(%dma_start3A_136 : memref<10240x128xf32, #tpu.memory_space<hbm>>) target(%arg14 : memref<80x128xf32, #tpu.memory_space<vmem>>) offsets(%arg13 : memref<80xi32, #tpu.memory_space<vmem>>) semaphore(%arg22 : memref<!tpu.dma_semaphore, #tpu.memory_space<semaphore_mem>>)
      %mul3A_137 = arith.constant 4 : i32
      %mul3A_138 = arith.muli %mul3A_137, %scan3A_106 : i32
      %add3A_139 = arith.constant 3 : i32
      %add3A_140 = arith.addi %mul3A_138, %add3A_139 : i32
      %mul3A_141 = arith.constant 80 : i32
      %mul3A_142 = arith.muli %add3A_140, %mul3A_141 : i32
      %add3A_143 = arith.addi %mul3A_2, %mul3A_142 : i32
      "tpu.region"() ({
        %run_scoped3A = tpu.sem_alloc : memref<!tpu.dma_semaphore, #tpu.memory_space<semaphore_mem>>
        %dma_start3A_159 = tpu.memref_slice %arg3[%add3A_143] : memref<320000xi32, #tpu.memory_space<hbm>> -> memref<80xi32, #tpu.memory_space<hbm>>
        %dma_start3A_160 = tpu.memref_slice %arg3[%add3A_143] : memref<320000xi32, #tpu.memory_space<hbm>> -> memref<80xi32, #tpu.memory_space<hbm>>
        tpu.enqueue_dma source(%dma_start3A_160 : memref<80xi32, #tpu.memory_space<hbm>>) target(%arg15 : memref<80xi32, #tpu.memory_space<vmem>>) target_semaphore(%run_scoped3A : memref<!tpu.dma_semaphore, #tpu.memory_space<semaphore_mem>>)
        %dma_wait3A_161 = tpu.memref_slice %arg3[%add3A_143] : memref<320000xi32, #tpu.memory_space<hbm>> -> memref<80xi32, #tpu.memory_space<hbm>>
        %dma_wait3A_162 = tpu.memref_slice %arg3[%add3A_143] : memref<320000xi32, #tpu.memory_space<hbm>> -> memref<80xi32, #tpu.memory_space<hbm>>
        tpu.wait_dma2 semaphore(%run_scoped3A : memref<!tpu.dma_semaphore, #tpu.memory_space<semaphore_mem>>) src(%dma_wait3A_162 : memref<80xi32, #tpu.memory_space<hbm>>) dst(%arg15 : memref<80xi32, #tpu.memory_space<vmem>>)
        tpu.yield
      }) : () -> ()
      "tpu.region"() ({
        %run_scoped3A = tpu.sem_alloc : memref<!tpu.dma_semaphore, #tpu.memory_space<semaphore_mem>>
        %dma_start3A_159 = tpu.memref_slice %arg4[%add3A_143] : memref<320000xi32, #tpu.memory_space<hbm>> -> memref<80xi32, #tpu.memory_space<hbm>>
        %dma_start3A_160 = tpu.memref_slice %arg4[%add3A_143] : memref<320000xi32, #tpu.memory_space<hbm>> -> memref<80xi32, #tpu.memory_space<hbm>>
        tpu.enqueue_dma source(%dma_start3A_160 : memref<80xi32, #tpu.memory_space<hbm>>) target(%arg16 : memref<80xi32, #tpu.memory_space<vmem>>) target_semaphore(%run_scoped3A : memref<!tpu.dma_semaphore, #tpu.memory_space<semaphore_mem>>)
        %dma_wait3A_161 = tpu.memref_slice %arg4[%add3A_143] : memref<320000xi32, #tpu.memory_space<hbm>> -> memref<80xi32, #tpu.memory_space<hbm>>
        %dma_wait3A_162 = tpu.memref_slice %arg4[%add3A_143] : memref<320000xi32, #tpu.memory_space<hbm>> -> memref<80xi32, #tpu.memory_space<hbm>>
        tpu.wait_dma2 semaphore(%run_scoped3A : memref<!tpu.dma_semaphore, #tpu.memory_space<semaphore_mem>>) src(%dma_wait3A_162 : memref<80xi32, #tpu.memory_space<hbm>>) dst(%arg16 : memref<80xi32, #tpu.memory_space<vmem>>)
        tpu.yield
      }) : () -> ()
      %dma_start3A_144 = arith.constant 0 : i32
      %dma_start3A_145 = arith.constant 0 : i32
      %dma_start3A_146 = tpu.memref_slice %arg2[%dma_start3A_144, %dma_start3A_145] : memref<10240x128xf32, #tpu.memory_space<hbm>> -> memref<10240x128xf32, #tpu.memory_space<hbm>>
      tpu.enqueue_indirect_dma source(%dma_start3A_146 : memref<10240x128xf32, #tpu.memory_space<hbm>>) target(%arg17 : memref<80x128xf32, #tpu.memory_space<vmem>>) offsets(%arg16 : memref<80xi32, #tpu.memory_space<vmem>>) semaphore(%arg23 : memref<!tpu.dma_semaphore, #tpu.memory_space<semaphore_mem>>)
      %dma_wait3A_147 = arith.constant 0 : i32
      %dma_wait3A_148 = arith.constant 0 : i32
      %dma_wait3A_149 = tpu.memref_slice %arg2[%dma_wait3A_147, %dma_wait3A_148] : memref<10240x128xf32, #tpu.memory_space<hbm>> -> memref<10240x128xf32, #tpu.memory_space<hbm>>
      tpu.wait_indirect_dma semaphore(%arg20 : memref<!tpu.dma_semaphore, #tpu.memory_space<semaphore_mem>>) src(%dma_wait3A_149 : memref<10240x128xf32, #tpu.memory_space<hbm>>) dst(%arg8 : memref<80x128xf32, #tpu.memory_space<vmem>>)
      "tpu.region"() ({
        %run_scoped3A = tpu.sem_alloc : memref<!tpu.dma_semaphore, #tpu.memory_space<semaphore_mem>>
        %dma_start3A_159 = arith.constant 0 : i32
        %dma_start3A_160 = arith.constant 0 : i32
        %dma_start3A_161 = tpu.memref_slice %arg19[%dma_start3A_159, %dma_start3A_160] : memref<10240x128xf32, #tpu.memory_space<vmem_shared>> -> memref<10240x128xf32, #tpu.memory_space<vmem_shared>>
        tpu.enqueue_indirect_dma source(%arg8 : memref<80x128xf32, #tpu.memory_space<vmem>>) target(%dma_start3A_161 : memref<10240x128xf32, #tpu.memory_space<vmem_shared>>) offsets(%arg6 : memref<80xi32, #tpu.memory_space<vmem>>) semaphore(%run_scoped3A : memref<!tpu.dma_semaphore, #tpu.memory_space<semaphore_mem>>) {add = true}
        %dma_wait3A_162 = arith.constant 0 : i32
        %dma_wait3A_163 = arith.constant 0 : i32
        %dma_wait3A_164 = tpu.memref_slice %arg19[%dma_wait3A_162, %dma_wait3A_163] : memref<10240x128xf32, #tpu.memory_space<vmem_shared>> -> memref<10240x128xf32, #tpu.memory_space<vmem_shared>>
        tpu.wait_indirect_dma semaphore(%run_scoped3A : memref<!tpu.dma_semaphore, #tpu.memory_space<semaphore_mem>>) src(%arg8 : memref<80x128xf32, #tpu.memory_space<vmem>>) dst(%dma_wait3A_164 : memref<10240x128xf32, #tpu.memory_space<vmem_shared>>)
        tpu.yield
      }) : () -> ()
      %dma_wait3A_150 = arith.constant 0 : i32
      %dma_wait3A_151 = arith.constant 0 : i32
      %dma_wait3A_152 = tpu.memref_slice %arg2[%dma_wait3A_150, %dma_wait3A_151] : memref<10240x128xf32, #tpu.memory_space<hbm>> -> memref<10240x128xf32, #tpu.memory_space<hbm>>
      tpu.wait_indirect_dma semaphore(%arg21 : memref<!tpu.dma_semaphore, #tpu.memory_space<semaphore_mem>>) src(%dma_wait3A_152 : memref<10240x128xf32, #tpu.memory_space<hbm>>) dst(%arg11 : memref<80x128xf32, #tpu.memory_space<vmem>>)
      "tpu.region"() ({
        %run_scoped3A = tpu.sem_alloc : memref<!tpu.dma_semaphore, #tpu.memory_space<semaphore_mem>>
        %dma_start3A_159 = arith.constant 0 : i32
        %dma_start3A_160 = arith.constant 0 : i32
        %dma_start3A_161 = tpu.memref_slice %arg19[%dma_start3A_159, %dma_start3A_160] : memref<10240x128xf32, #tpu.memory_space<vmem_shared>> -> memref<10240x128xf32, #tpu.memory_space<vmem_shared>>
        tpu.enqueue_indirect_dma source(%arg11 : memref<80x128xf32, #tpu.memory_space<vmem>>) target(%dma_start3A_161 : memref<10240x128xf32, #tpu.memory_space<vmem_shared>>) offsets(%arg9 : memref<80xi32, #tpu.memory_space<vmem>>) semaphore(%run_scoped3A : memref<!tpu.dma_semaphore, #tpu.memory_space<semaphore_mem>>) {add = true}
        %dma_wait3A_162 = arith.constant 0 : i32
        %dma_wait3A_163 = arith.constant 0 : i32
        %dma_wait3A_164 = tpu.memref_slice %arg19[%dma_wait3A_162, %dma_wait3A_163] : memref<10240x128xf32, #tpu.memory_space<vmem_shared>> -> memref<10240x128xf32, #tpu.memory_space<vmem_shared>>
        tpu.wait_indirect_dma semaphore(%run_scoped3A : memref<!tpu.dma_semaphore, #tpu.memory_space<semaphore_mem>>) src(%arg11 : memref<80x128xf32, #tpu.memory_space<vmem>>) dst(%dma_wait3A_164 : memref<10240x128xf32, #tpu.memory_space<vmem_shared>>)
        tpu.yield
      }) : () -> ()
      %dma_wait3A_153 = arith.constant 0 : i32
      %dma_wait3A_154 = arith.constant 0 : i32
      %dma_wait3A_155 = tpu.memref_slice %arg2[%dma_wait3A_153, %dma_wait3A_154] : memref<10240x128xf32, #tpu.memory_space<hbm>> -> memref<10240x128xf32, #tpu.memory_space<hbm>>
      tpu.wait_indirect_dma semaphore(%arg22 : memref<!tpu.dma_semaphore, #tpu.memory_space<semaphore_mem>>) src(%dma_wait3A_155 : memref<10240x128xf32, #tpu.memory_space<hbm>>) dst(%arg14 : memref<80x128xf32, #tpu.memory_space<vmem>>)
      "tpu.region"() ({
        %run_scoped3A = tpu.sem_alloc : memref<!tpu.dma_semaphore, #tpu.memory_space<semaphore_mem>>
        %dma_start3A_159 = arith.constant 0 : i32
        %dma_start3A_160 = arith.constant 0 : i32
        %dma_start3A_161 = tpu.memref_slice %arg19[%dma_start3A_159, %dma_start3A_160] : memref<10240x128xf32, #tpu.memory_space<vmem_shared>> -> memref<10240x128xf32, #tpu.memory_space<vmem_shared>>
        tpu.enqueue_indirect_dma source(%arg14 : memref<80x128xf32, #tpu.memory_space<vmem>>) target(%dma_start3A_161 : memref<10240x128xf32, #tpu.memory_space<vmem_shared>>) offsets(%arg12 : memref<80xi32, #tpu.memory_space<vmem>>) semaphore(%run_scoped3A : memref<!tpu.dma_semaphore, #tpu.memory_space<semaphore_mem>>) {add = true}
        %dma_wait3A_162 = arith.constant 0 : i32
        %dma_wait3A_163 = arith.constant 0 : i32
        %dma_wait3A_164 = tpu.memref_slice %arg19[%dma_wait3A_162, %dma_wait3A_163] : memref<10240x128xf32, #tpu.memory_space<vmem_shared>> -> memref<10240x128xf32, #tpu.memory_space<vmem_shared>>
        tpu.wait_indirect_dma semaphore(%run_scoped3A : memref<!tpu.dma_semaphore, #tpu.memory_space<semaphore_mem>>) src(%arg14 : memref<80x128xf32, #tpu.memory_space<vmem>>) dst(%dma_wait3A_164 : memref<10240x128xf32, #tpu.memory_space<vmem_shared>>)
        tpu.yield
      }) : () -> ()
      %dma_wait3A_156 = arith.constant 0 : i32
      %dma_wait3A_157 = arith.constant 0 : i32
      %dma_wait3A_158 = tpu.memref_slice %arg2[%dma_wait3A_156, %dma_wait3A_157] : memref<10240x128xf32, #tpu.memory_space<hbm>> -> memref<10240x128xf32, #tpu.memory_space<hbm>>
      tpu.wait_indirect_dma semaphore(%arg23 : memref<!tpu.dma_semaphore, #tpu.memory_space<semaphore_mem>>) src(%dma_wait3A_158 : memref<10240x128xf32, #tpu.memory_space<hbm>>) dst(%arg17 : memref<80x128xf32, #tpu.memory_space<vmem>>)
      "tpu.region"() ({
        %run_scoped3A = tpu.sem_alloc : memref<!tpu.dma_semaphore, #tpu.memory_space<semaphore_mem>>
        %dma_start3A_159 = arith.constant 0 : i32
        %dma_start3A_160 = arith.constant 0 : i32
        %dma_start3A_161 = tpu.memref_slice %arg19[%dma_start3A_159, %dma_start3A_160] : memref<10240x128xf32, #tpu.memory_space<vmem_shared>> -> memref<10240x128xf32, #tpu.memory_space<vmem_shared>>
        tpu.enqueue_indirect_dma source(%arg17 : memref<80x128xf32, #tpu.memory_space<vmem>>) target(%dma_start3A_161 : memref<10240x128xf32, #tpu.memory_space<vmem_shared>>) offsets(%arg15 : memref<80xi32, #tpu.memory_space<vmem>>) semaphore(%run_scoped3A : memref<!tpu.dma_semaphore, #tpu.memory_space<semaphore_mem>>) {add = true}
        %dma_wait3A_162 = arith.constant 0 : i32
        %dma_wait3A_163 = arith.constant 0 : i32
        %dma_wait3A_164 = tpu.memref_slice %arg19[%dma_wait3A_162, %dma_wait3A_163] : memref<10240x128xf32, #tpu.memory_space<vmem_shared>> -> memref<10240x128xf32, #tpu.memory_space<vmem_shared>>
        tpu.wait_indirect_dma semaphore(%run_scoped3A : memref<!tpu.dma_semaphore, #tpu.memory_space<semaphore_mem>>) src(%arg17 : memref<80x128xf32, #tpu.memory_space<vmem>>) dst(%dma_wait3A_164 : memref<10240x128xf32, #tpu.memory_space<vmem_shared>>)
        tpu.yield
      }) : () -> ()
    }
    %scan3A_95 = arith.constant 31 : i32
    %add3A_96 = arith.constant 9920 : i32
    %add3A_97 = arith.addi %mul3A_2, %add3A_96 : i32
    "tpu.region"() ({
      %run_scoped3A = tpu.sem_alloc : memref<!tpu.dma_semaphore, #tpu.memory_space<semaphore_mem>>
      %dma_start3A_106 = tpu.memref_slice %arg3[%add3A_97] : memref<320000xi32, #tpu.memory_space<hbm>> -> memref<80xi32, #tpu.memory_space<hbm>>
      %dma_start3A_107 = tpu.memref_slice %arg3[%add3A_97] : memref<320000xi32, #tpu.memory_space<hbm>> -> memref<80xi32, #tpu.memory_space<hbm>>
      tpu.enqueue_dma source(%dma_start3A_107 : memref<80xi32, #tpu.memory_space<hbm>>) target(%arg6 : memref<80xi32, #tpu.memory_space<vmem>>) target_semaphore(%run_scoped3A : memref<!tpu.dma_semaphore, #tpu.memory_space<semaphore_mem>>)
      %dma_wait3A_108 = tpu.memref_slice %arg3[%add3A_97] : memref<320000xi32, #tpu.memory_space<hbm>> -> memref<80xi32, #tpu.memory_space<hbm>>
      %dma_wait3A_109 = tpu.memref_slice %arg3[%add3A_97] : memref<320000xi32, #tpu.memory_space<hbm>> -> memref<80xi32, #tpu.memory_space<hbm>>
      tpu.wait_dma2 semaphore(%run_scoped3A : memref<!tpu.dma_semaphore, #tpu.memory_space<semaphore_mem>>) src(%dma_wait3A_109 : memref<80xi32, #tpu.memory_space<hbm>>) dst(%arg6 : memref<80xi32, #tpu.memory_space<vmem>>)
      tpu.yield
    }) : () -> ()
    "tpu.region"() ({
      %run_scoped3A = tpu.sem_alloc : memref<!tpu.dma_semaphore, #tpu.memory_space<semaphore_mem>>
      %dma_start3A_106 = tpu.memref_slice %arg4[%add3A_97] : memref<320000xi32, #tpu.memory_space<hbm>> -> memref<80xi32, #tpu.memory_space<hbm>>
      %dma_start3A_107 = tpu.memref_slice %arg4[%add3A_97] : memref<320000xi32, #tpu.memory_space<hbm>> -> memref<80xi32, #tpu.memory_space<hbm>>
      tpu.enqueue_dma source(%dma_start3A_107 : memref<80xi32, #tpu.memory_space<hbm>>) target(%arg7 : memref<80xi32, #tpu.memory_space<vmem>>) target_semaphore(%run_scoped3A : memref<!tpu.dma_semaphore, #tpu.memory_space<semaphore_mem>>)
      %dma_wait3A_108 = tpu.memref_slice %arg4[%add3A_97] : memref<320000xi32, #tpu.memory_space<hbm>> -> memref<80xi32, #tpu.memory_space<hbm>>
      %dma_wait3A_109 = tpu.memref_slice %arg4[%add3A_97] : memref<320000xi32, #tpu.memory_space<hbm>> -> memref<80xi32, #tpu.memory_space<hbm>>
      tpu.wait_dma2 semaphore(%run_scoped3A : memref<!tpu.dma_semaphore, #tpu.memory_space<semaphore_mem>>) src(%dma_wait3A_109 : memref<80xi32, #tpu.memory_space<hbm>>) dst(%arg7 : memref<80xi32, #tpu.memory_space<vmem>>)
      tpu.yield
    }) : () -> ()
    %dma_start3A = arith.constant 0 : i32
    %dma_start3A_98 = arith.constant 0 : i32
    %dma_start3A_99 = tpu.memref_slice %arg2[%dma_start3A, %dma_start3A_98] : memref<10240x128xf32, #tpu.memory_space<hbm>> -> memref<10240x128xf32, #tpu.memory_space<hbm>>
    tpu.enqueue_indirect_dma source(%dma_start3A_99 : memref<10240x128xf32, #tpu.memory_space<hbm>>) target(%arg8 : memref<80x128xf32, #tpu.memory_space<vmem>>) offsets(%arg7 : memref<80xi32, #tpu.memory_space<vmem>>) semaphore(%arg20 : memref<!tpu.dma_semaphore, #tpu.memory_space<semaphore_mem>>)
    %dma_wait3A = arith.constant 0 : i32
    %dma_wait3A_100 = arith.constant 0 : i32
    %dma_wait3A_101 = tpu.memref_slice %arg2[%dma_wait3A, %dma_wait3A_100] : memref<10240x128xf32, #tpu.memory_space<hbm>> -> memref<10240x128xf32, #tpu.memory_space<hbm>>
    tpu.wait_indirect_dma semaphore(%arg20 : memref<!tpu.dma_semaphore, #tpu.memory_space<semaphore_mem>>) src(%dma_wait3A_101 : memref<10240x128xf32, #tpu.memory_space<hbm>>) dst(%arg8 : memref<80x128xf32, #tpu.memory_space<vmem>>)
    "tpu.region"() ({
      %run_scoped3A = tpu.sem_alloc : memref<!tpu.dma_semaphore, #tpu.memory_space<semaphore_mem>>
      %dma_start3A_106 = arith.constant 0 : i32
      %dma_start3A_107 = arith.constant 0 : i32
      %dma_start3A_108 = tpu.memref_slice %arg19[%dma_start3A_106, %dma_start3A_107] : memref<10240x128xf32, #tpu.memory_space<vmem_shared>> -> memref<10240x128xf32, #tpu.memory_space<vmem_shared>>
      tpu.enqueue_indirect_dma source(%arg8 : memref<80x128xf32, #tpu.memory_space<vmem>>) target(%dma_start3A_108 : memref<10240x128xf32, #tpu.memory_space<vmem_shared>>) offsets(%arg6 : memref<80xi32, #tpu.memory_space<vmem>>) semaphore(%run_scoped3A : memref<!tpu.dma_semaphore, #tpu.memory_space<semaphore_mem>>) {add = true}
      %dma_wait3A_109 = arith.constant 0 : i32
      %dma_wait3A_110 = arith.constant 0 : i32
      %dma_wait3A_111 = tpu.memref_slice %arg19[%dma_wait3A_109, %dma_wait3A_110] : memref<10240x128xf32, #tpu.memory_space<vmem_shared>> -> memref<10240x128xf32, #tpu.memory_space<vmem_shared>>
      tpu.wait_indirect_dma semaphore(%run_scoped3A : memref<!tpu.dma_semaphore, #tpu.memory_space<semaphore_mem>>) src(%arg8 : memref<80x128xf32, #tpu.memory_space<vmem>>) dst(%dma_wait3A_111 : memref<10240x128xf32, #tpu.memory_space<vmem_shared>>)
      tpu.yield
    }) : () -> ()
    %barrier3A_102 = arith.constant 0 : index
    tpu.barrier barrier_id(%barrier3A_102)
    %mul3A_103 = arith.constant 10240 : i32
    %mul3A_104 = arith.muli %arg0, %mul3A_103 : i32
    %add3A_105 = arith.addi %mul3A_104, %mul3A_9 : i32
    "tpu.region"() ({
      %run_scoped3A = tpu.sem_alloc : memref<!tpu.dma_semaphore, #tpu.memory_space<semaphore_mem>>
      %dma_start3A_106 = arith.constant 0 : i32
      %dma_start3A_107 = tpu.memref_slice %arg5[%add3A_105, %dma_start3A_106] : memref<20480x128xf32, #tpu.memory_space<hbm>> -> memref<640x128xf32, #tpu.memory_space<hbm>>
      %dma_start3A_108 = arith.constant 0 : i32
      %dma_start3A_109 = tpu.memref_slice %arg19[%mul3A_9, %dma_start3A_108] : memref<10240x128xf32, #tpu.memory_space<vmem_shared>> -> memref<640x128xf32, #tpu.memory_space<vmem_shared>>
      tpu.enqueue_dma source(%dma_start3A_109 : memref<640x128xf32, #tpu.memory_space<vmem_shared>>) target(%dma_start3A_107 : memref<640x128xf32, #tpu.memory_space<hbm>>) target_semaphore(%run_scoped3A : memref<!tpu.dma_semaphore, #tpu.memory_space<semaphore_mem>>)
      %dma_wait3A_110 = arith.constant 0 : i32
      %dma_wait3A_111 = tpu.memref_slice %arg5[%add3A_105, %dma_wait3A_110] : memref<20480x128xf32, #tpu.memory_space<hbm>> -> memref<640x128xf32, #tpu.memory_space<hbm>>
      %dma_wait3A_112 = arith.constant 0 : i32
      %dma_wait3A_113 = tpu.memref_slice %arg19[%mul3A_9, %dma_wait3A_112] : memref<10240x128xf32, #tpu.memory_space<vmem_shared>> -> memref<640x128xf32, #tpu.memory_space<vmem_shared>>
      tpu.wait_dma2 semaphore(%run_scoped3A : memref<!tpu.dma_semaphore, #tpu.memory_space<semaphore_mem>>) src(%dma_wait3A_113 : memref<640x128xf32, #tpu.memory_space<vmem_shared>>) dst(%dma_wait3A_111 : memref<640x128xf32, #tpu.memory_space<hbm>>)
      tpu.yield
    }) : () -> ()
    return
  }
}

#map = affine_map<(d0, d1) -> (0, 0)>
#map1 = affine_map<(d0, d1) -> (0)>
module attributes {stable_mosaic.version = 14 : i64} {
  func.func @sc_agg(%arg0: i32, %arg1: i32, %arg2: memref<10240x128xf32, #tpu.memory_space<hbm>>, %arg3: memref<320000xi32, #tpu.memory_space<hbm>>, %arg4: memref<320000xi32, #tpu.memory_space<hbm>>, %arg5: memref<20480x128xf32, #tpu.memory_space<hbm>>, %arg6: memref<80xi32, #tpu.memory_space<vmem>>, %arg7: memref<80xi32, #tpu.memory_space<vmem>>, %arg8: memref<80x128xf32, #tpu.memory_space<vmem>>, %arg9: memref<80xi32, #tpu.memory_space<vmem>>, %arg10: memref<80xi32, #tpu.memory_space<vmem>>, %arg11: memref<80x128xf32, #tpu.memory_space<vmem>>, %arg12: memref<80xi32, #tpu.memory_space<vmem>>, %arg13: memref<80xi32, #tpu.memory_space<vmem>>, %arg14: memref<80x128xf32, #tpu.memory_space<vmem>>, %arg15: memref<80xi32, #tpu.memory_space<vmem>>, %arg16: memref<80xi32, #tpu.memory_space<vmem>>, %arg17: memref<80x128xf32, #tpu.memory_space<vmem>>, %arg18: memref<16x128xf32, #tpu.memory_space<vmem>>, %arg19: memref<10240x128xf32, #tpu.memory_space<vmem_shared>>, %arg20: memref<!tpu.dma_semaphore, #tpu.memory_space<semaphore_mem>>, %arg21: memref<!tpu.dma_semaphore, #tpu.memory_space<semaphore_mem>>, %arg22: memref<!tpu.dma_semaphore, #tpu.memory_space<semaphore_mem>>, %arg23: memref<!tpu.dma_semaphore, #tpu.memory_space<semaphore_mem>>) attributes {dimension_semantics = [#tpu.dimension_semantics<core_parallel>, #tpu.dimension_semantics<subcore_parallel>], iteration_bounds = array<i64: 2, 16>, scalar_prefetch = 0 : i64, scratch_operands = 18 : i64, tpu.core_type = #tpu.core_type<sc_vector_subcore>, window_params = [{transform_indices = #map}, {transform_indices = #map1}, {transform_indices = #map1}, {transform_indices = #map}]} {
    %mul3A = arith.constant 2 : i32
    %mul3A_0 = arith.muli %arg1, %mul3A : i32
    %add3A = arith.addi %mul3A_0, %arg0 : i32
    %mul3A_1 = arith.constant 10000 : i32
    %mul3A_2 = arith.muli %add3A, %mul3A_1 : i32
    %scan3A = arith.constant 0 : i32
    %scan3A_3 = arith.constant 0 : i32
    %scan3A_4 = arith.constant 16 : i32
    %scan3A_5 = arith.addi %scan3A_3, %scan3A_4 : i32
    %scan3A_6 = arith.constant 1 : i32
    scf.for %scan3A_106 = %scan3A_3 to %scan3A_5 step %scan3A_6  : i32 {
      %broadcast_in_dim3A = arith.constant 0.000000e+00 : f32
      %broadcast_in_dim3A_107 = vector.broadcast %broadcast_in_dim3A : f32 to vector<16xf32>
      %swap3A = arith.index_cast %scan3A_106 : i32 to index
      %swap3A_108 = arith.constant 0 : index
      %swap3A_109 = tpu.vector_load %arg18[%swap3A, %swap3A_108] {strides = array<i32>} : memref<16x128xf32, #tpu.memory_space<vmem>>, vector<1x16xf32>,
      %swap3A_110 = vector.shape_cast %swap3A_109 : vector<1x16xf32> to vector<16xf32>
      %swap3A_111 = vector.shape_cast %broadcast_in_dim3A_107 : vector<16xf32> to vector<1x16xf32>
      tpu.vector_store %arg18[%swap3A, %swap3A_108], %swap3A_111 {strides = array<i32>} : memref<16x128xf32, #tpu.memory_space<vmem>>, vector<1x16xf32>,
      %broadcast_in_dim3A_112 = arith.constant 0.000000e+00 : f32
      %broadcast_in_dim3A_113 = vector.broadcast %broadcast_in_dim3A_112 : f32 to vector<16xf32>
      %swap3A_114 = arith.index_cast %scan3A_106 : i32 to index
      %swap3A_115 = arith.constant 16 : index
      %swap3A_116 = tpu.vector_load %arg18[%swap3A_114, %swap3A_115] {strides = array<i32>} : memref<16x128xf32, #tpu.memory_space<vmem>>, vector<1x16xf32>,
      %swap3A_117 = vector.shape_cast %swap3A_116 : vector<1x16xf32> to vector<16xf32>
      %swap3A_118 = vector.shape_cast %broadcast_in_dim3A_113 : vector<16xf32> to vector<1x16xf32>
      tpu.vector_store %arg18[%swap3A_114, %swap3A_115], %swap3A_118 {strides = array<i32>} : memref<16x128xf32, #tpu.memory_space<vmem>>, vector<1x16xf32>,
      %broadcast_in_dim3A_119 = arith.constant 0.000000e+00 : f32
      %broadcast_in_dim3A_120 = vector.broadcast %broadcast_in_dim3A_119 : f32 to vector<16xf32>
      %swap3A_121 = arith.index_cast %scan3A_106 : i32 to index
      %swap3A_122 = arith.constant 32 : index
      %swap3A_123 = tpu.vector_load %arg18[%swap3A_121, %swap3A_122] {strides = array<i32>} : memref<16x128xf32, #tpu.memory_space<vmem>>, vector<1x16xf32>,
      %swap3A_124 = vector.shape_cast %swap3A_123 : vector<1x16xf32> to vector<16xf32>
      %swap3A_125 = vector.shape_cast %broadcast_in_dim3A_120 : vector<16xf32> to vector<1x16xf32>
      tpu.vector_store %arg18[%swap3A_121, %swap3A_122], %swap3A_125 {strides = array<i32>} : memref<16x128xf32, #tpu.memory_space<vmem>>, vector<1x16xf32>,
      %broadcast_in_dim3A_126 = arith.constant 0.000000e+00 : f32
      %broadcast_in_dim3A_127 = vector.broadcast %broadcast_in_dim3A_126 : f32 to vector<16xf32>
      %swap3A_128 = arith.index_cast %scan3A_106 : i32 to index
      %swap3A_129 = arith.constant 48 : index
      %swap3A_130 = tpu.vector_load %arg18[%swap3A_128, %swap3A_129] {strides = array<i32>} : memref<16x128xf32, #tpu.memory_space<vmem>>, vector<1x16xf32>,
      %swap3A_131 = vector.shape_cast %swap3A_130 : vector<1x16xf32> to vector<16xf32>
      %swap3A_132 = vector.shape_cast %broadcast_in_dim3A_127 : vector<16xf32> to vector<1x16xf32>
      tpu.vector_store %arg18[%swap3A_128, %swap3A_129], %swap3A_132 {strides = array<i32>} : memref<16x128xf32, #tpu.memory_space<vmem>>, vector<1x16xf32>,
      %broadcast_in_dim3A_133 = arith.constant 0.000000e+00 : f32
      %broadcast_in_dim3A_134 = vector.broadcast %broadcast_in_dim3A_133 : f32 to vector<16xf32>
      %swap3A_135 = arith.index_cast %scan3A_106 : i32 to index
      %swap3A_136 = arith.constant 64 : index
      %swap3A_137 = tpu.vector_load %arg18[%swap3A_135, %swap3A_136] {strides = array<i32>} : memref<16x128xf32, #tpu.memory_space<vmem>>, vector<1x16xf32>,
      %swap3A_138 = vector.shape_cast %swap3A_137 : vector<1x16xf32> to vector<16xf32>
      %swap3A_139 = vector.shape_cast %broadcast_in_dim3A_134 : vector<16xf32> to vector<1x16xf32>
      tpu.vector_store %arg18[%swap3A_135, %swap3A_136], %swap3A_139 {strides = array<i32>} : memref<16x128xf32, #tpu.memory_space<vmem>>, vector<1x16xf32>,
      %broadcast_in_dim3A_140 = arith.constant 0.000000e+00 : f32
      %broadcast_in_dim3A_141 = vector.broadcast %broadcast_in_dim3A_140 : f32 to vector<16xf32>
      %swap3A_142 = arith.index_cast %scan3A_106 : i32 to index
      %swap3A_143 = arith.constant 80 : index
      %swap3A_144 = tpu.vector_load %arg18[%swap3A_142, %swap3A_143] {strides = array<i32>} : memref<16x128xf32, #tpu.memory_space<vmem>>, vector<1x16xf32>,
      %swap3A_145 = vector.shape_cast %swap3A_144 : vector<1x16xf32> to vector<16xf32>
      %swap3A_146 = vector.shape_cast %broadcast_in_dim3A_141 : vector<16xf32> to vector<1x16xf32>
      tpu.vector_store %arg18[%swap3A_142, %swap3A_143], %swap3A_146 {strides = array<i32>} : memref<16x128xf32, #tpu.memory_space<vmem>>, vector<1x16xf32>,
      %broadcast_in_dim3A_147 = arith.constant 0.000000e+00 : f32
      %broadcast_in_dim3A_148 = vector.broadcast %broadcast_in_dim3A_147 : f32 to vector<16xf32>
      %swap3A_149 = arith.index_cast %scan3A_106 : i32 to index
      %swap3A_150 = arith.constant 96 : index
      %swap3A_151 = tpu.vector_load %arg18[%swap3A_149, %swap3A_150] {strides = array<i32>} : memref<16x128xf32, #tpu.memory_space<vmem>>, vector<1x16xf32>,
      %swap3A_152 = vector.shape_cast %swap3A_151 : vector<1x16xf32> to vector<16xf32>
      %swap3A_153 = vector.shape_cast %broadcast_in_dim3A_148 : vector<16xf32> to vector<1x16xf32>
      tpu.vector_store %arg18[%swap3A_149, %swap3A_150], %swap3A_153 {strides = array<i32>} : memref<16x128xf32, #tpu.memory_space<vmem>>, vector<1x16xf32>,
      %broadcast_in_dim3A_154 = arith.constant 0.000000e+00 : f32
      %broadcast_in_dim3A_155 = vector.broadcast %broadcast_in_dim3A_154 : f32 to vector<16xf32>
      %swap3A_156 = arith.index_cast %scan3A_106 : i32 to index
      %swap3A_157 = arith.constant 112 : index
      %swap3A_158 = tpu.vector_load %arg18[%swap3A_156, %swap3A_157] {strides = array<i32>} : memref<16x128xf32, #tpu.memory_space<vmem>>, vector<1x16xf32>,
      %swap3A_159 = vector.shape_cast %swap3A_158 : vector<1x16xf32> to vector<16xf32>
      %swap3A_160 = vector.shape_cast %broadcast_in_dim3A_155 : vector<16xf32> to vector<1x16xf32>
      tpu.vector_store %arg18[%swap3A_156, %swap3A_157], %swap3A_160 {strides = array<i32>} : memref<16x128xf32, #tpu.memory_space<vmem>>, vector<1x16xf32>,
    }
    %scan3A_7 = arith.constant 16 : i32
    %mul3A_8 = arith.constant 640 : i32
    %mul3A_9 = arith.muli %arg1, %mul3A_8 : i32
    %add3A_10 = arith.constant 0 : i32
    %add3A_11 = arith.addi %mul3A_9, %add3A_10 : i32
    "tpu.region"() ({
      %run_scoped3A = tpu.sem_alloc : memref<!tpu.dma_semaphore, #tpu.memory_space<semaphore_mem>>
      %dma_start3A_106 = arith.constant 0 : i32
      %dma_start3A_107 = tpu.memref_slice %arg19[%add3A_11, %dma_start3A_106] : memref<10240x128xf32, #tpu.memory_space<vmem_shared>> -> memref<16x128xf32, #tpu.memory_space<vmem_shared>>
      %dma_start3A_108 = arith.constant 0 : i32
      %dma_start3A_109 = tpu.memref_slice %arg19[%add3A_11, %dma_start3A_108] : memref<10240x128xf32, #tpu.memory_space<vmem_shared>> -> memref<16x128xf32, #tpu.memory_space<vmem_shared>>
      tpu.enqueue_dma source(%arg18 : memref<16x128xf32, #tpu.memory_space<vmem>>) target(%dma_start3A_109 : memref<16x128xf32, #tpu.memory_space<vmem_shared>>) target_semaphore(%run_scoped3A : memref<!tpu.dma_semaphore, #tpu.memory_space<semaphore_mem>>)
      %dma_wait3A_110 = arith.constant 0 : i32
      %dma_wait3A_111 = tpu.memref_slice %arg19[%add3A_11, %dma_wait3A_110] : memref<10240x128xf32, #tpu.memory_space<vmem_shared>> -> memref<16x128xf32, #tpu.memory_space<vmem_shared>>
      %dma_wait3A_112 = arith.constant 0 : i32
      %dma_wait3A_113 = tpu.memref_slice %arg19[%add3A_11, %dma_wait3A_112] : memref<10240x128xf32, #tpu.memory_space<vmem_shared>> -> memref<16x128xf32, #tpu.memory_space<vmem_shared>>
      tpu.wait_dma2 semaphore(%run_scoped3A : memref<!tpu.dma_semaphore, #tpu.memory_space<semaphore_mem>>) src(%arg18 : memref<16x128xf32, #tpu.memory_space<vmem>>) dst(%dma_wait3A_113 : memref<16x128xf32, #tpu.memory_space<vmem_shared>>)
      tpu.yield
    }) : () -> ()
    %add3A_12 = arith.constant 16 : i32
    %add3A_13 = arith.addi %mul3A_9, %add3A_12 : i32
    "tpu.region"() ({
      %run_scoped3A = tpu.sem_alloc : memref<!tpu.dma_semaphore, #tpu.memory_space<semaphore_mem>>
      %dma_start3A_106 = arith.constant 0 : i32
      %dma_start3A_107 = tpu.memref_slice %arg19[%add3A_13, %dma_start3A_106] : memref<10240x128xf32, #tpu.memory_space<vmem_shared>> -> memref<16x128xf32, #tpu.memory_space<vmem_shared>>
      %dma_start3A_108 = arith.constant 0 : i32
      %dma_start3A_109 = tpu.memref_slice %arg19[%add3A_13, %dma_start3A_108] : memref<10240x128xf32, #tpu.memory_space<vmem_shared>> -> memref<16x128xf32, #tpu.memory_space<vmem_shared>>
      tpu.enqueue_dma source(%arg18 : memref<16x128xf32, #tpu.memory_space<vmem>>) target(%dma_start3A_109 : memref<16x128xf32, #tpu.memory_space<vmem_shared>>) target_semaphore(%run_scoped3A : memref<!tpu.dma_semaphore, #tpu.memory_space<semaphore_mem>>)
      %dma_wait3A_110 = arith.constant 0 : i32
      %dma_wait3A_111 = tpu.memref_slice %arg19[%add3A_13, %dma_wait3A_110] : memref<10240x128xf32, #tpu.memory_space<vmem_shared>> -> memref<16x128xf32, #tpu.memory_space<vmem_shared>>
      %dma_wait3A_112 = arith.constant 0 : i32
      %dma_wait3A_113 = tpu.memref_slice %arg19[%add3A_13, %dma_wait3A_112] : memref<10240x128xf32, #tpu.memory_space<vmem_shared>> -> memref<16x128xf32, #tpu.memory_space<vmem_shared>>
      tpu.wait_dma2 semaphore(%run_scoped3A : memref<!tpu.dma_semaphore, #tpu.memory_space<semaphore_mem>>) src(%arg18 : memref<16x128xf32, #tpu.memory_space<vmem>>) dst(%dma_wait3A_113 : memref<16x128xf32, #tpu.memory_space<vmem_shared>>)
      tpu.yield
    }) : () -> ()
    %add3A_14 = arith.constant 32 : i32
    %add3A_15 = arith.addi %mul3A_9, %add3A_14 : i32
    "tpu.region"() ({
      %run_scoped3A = tpu.sem_alloc : memref<!tpu.dma_semaphore, #tpu.memory_space<semaphore_mem>>
      %dma_start3A_106 = arith.constant 0 : i32
      %dma_start3A_107 = tpu.memref_slice %arg19[%add3A_15, %dma_start3A_106] : memref<10240x128xf32, #tpu.memory_space<vmem_shared>> -> memref<16x128xf32, #tpu.memory_space<vmem_shared>>
      %dma_start3A_108 = arith.constant 0 : i32
      %dma_start3A_109 = tpu.memref_slice %arg19[%add3A_15, %dma_start3A_108] : memref<10240x128xf32, #tpu.memory_space<vmem_shared>> -> memref<16x128xf32, #tpu.memory_space<vmem_shared>>
      tpu.enqueue_dma source(%arg18 : memref<16x128xf32, #tpu.memory_space<vmem>>) target(%dma_start3A_109 : memref<16x128xf32, #tpu.memory_space<vmem_shared>>) target_semaphore(%run_scoped3A : memref<!tpu.dma_semaphore, #tpu.memory_space<semaphore_mem>>)
      %dma_wait3A_110 = arith.constant 0 : i32
      %dma_wait3A_111 = tpu.memref_slice %arg19[%add3A_15, %dma_wait3A_110] : memref<10240x128xf32, #tpu.memory_space<vmem_shared>> -> memref<16x128xf32, #tpu.memory_space<vmem_shared>>
      %dma_wait3A_112 = arith.constant 0 : i32
      %dma_wait3A_113 = tpu.memref_slice %arg19[%add3A_15, %dma_wait3A_112] : memref<10240x128xf32, #tpu.memory_space<vmem_shared>> -> memref<16x128xf32, #tpu.memory_space<vmem_shared>>
      tpu.wait_dma2 semaphore(%run_scoped3A : memref<!tpu.dma_semaphore, #tpu.memory_space<semaphore_mem>>) src(%arg18 : memref<16x128xf32, #tpu.memory_space<vmem>>) dst(%dma_wait3A_113 : memref<16x128xf32, #tpu.memory_space<vmem_shared>>)
      tpu.yield
    }) : () -> ()
    %add3A_16 = arith.constant 48 : i32
    %add3A_17 = arith.addi %mul3A_9, %add3A_16 : i32
    "tpu.region"() ({
      %run_scoped3A = tpu.sem_alloc : memref<!tpu.dma_semaphore, #tpu.memory_space<semaphore_mem>>
      %dma_start3A_106 = arith.constant 0 : i32
      %dma_start3A_107 = tpu.memref_slice %arg19[%add3A_17, %dma_start3A_106] : memref<10240x128xf32, #tpu.memory_space<vmem_shared>> -> memref<16x128xf32, #tpu.memory_space<vmem_shared>>
      %dma_start3A_108 = arith.constant 0 : i32
      %dma_start3A_109 = tpu.memref_slice %arg19[%add3A_17, %dma_start3A_108] : memref<10240x128xf32, #tpu.memory_space<vmem_shared>> -> memref<16x128xf32, #tpu.memory_space<vmem_shared>>
      tpu.enqueue_dma source(%arg18 : memref<16x128xf32, #tpu.memory_space<vmem>>) target(%dma_start3A_109 : memref<16x128xf32, #tpu.memory_space<vmem_shared>>) target_semaphore(%run_scoped3A : memref<!tpu.dma_semaphore, #tpu.memory_space<semaphore_mem>>)
      %dma_wait3A_110 = arith.constant 0 : i32
      %dma_wait3A_111 = tpu.memref_slice %arg19[%add3A_17, %dma_wait3A_110] : memref<10240x128xf32, #tpu.memory_space<vmem_shared>> -> memref<16x128xf32, #tpu.memory_space<vmem_shared>>
      %dma_wait3A_112 = arith.constant 0 : i32
      %dma_wait3A_113 = tpu.memref_slice %arg19[%add3A_17, %dma_wait3A_112] : memref<10240x128xf32, #tpu.memory_space<vmem_shared>> -> memref<16x128xf32, #tpu.memory_space<vmem_shared>>
      tpu.wait_dma2 semaphore(%run_scoped3A : memref<!tpu.dma_semaphore, #tpu.memory_space<semaphore_mem>>) src(%arg18 : memref<16x128xf32, #tpu.memory_space<vmem>>) dst(%dma_wait3A_113 : memref<16x128xf32, #tpu.memory_space<vmem_shared>>)
      tpu.yield
    }) : () -> ()
    %add3A_18 = arith.constant 64 : i32
    %add3A_19 = arith.addi %mul3A_9, %add3A_18 : i32
    "tpu.region"() ({
      %run_scoped3A = tpu.sem_alloc : memref<!tpu.dma_semaphore, #tpu.memory_space<semaphore_mem>>
      %dma_start3A_106 = arith.constant 0 : i32
      %dma_start3A_107 = tpu.memref_slice %arg19[%add3A_19, %dma_start3A_106] : memref<10240x128xf32, #tpu.memory_space<vmem_shared>> -> memref<16x128xf32, #tpu.memory_space<vmem_shared>>
      %dma_start3A_108 = arith.constant 0 : i32
      %dma_start3A_109 = tpu.memref_slice %arg19[%add3A_19, %dma_start3A_108] : memref<10240x128xf32, #tpu.memory_space<vmem_shared>> -> memref<16x128xf32, #tpu.memory_space<vmem_shared>>
      tpu.enqueue_dma source(%arg18 : memref<16x128xf32, #tpu.memory_space<vmem>>) target(%dma_start3A_109 : memref<16x128xf32, #tpu.memory_space<vmem_shared>>) target_semaphore(%run_scoped3A : memref<!tpu.dma_semaphore, #tpu.memory_space<semaphore_mem>>)
      %dma_wait3A_110 = arith.constant 0 : i32
      %dma_wait3A_111 = tpu.memref_slice %arg19[%add3A_19, %dma_wait3A_110] : memref<10240x128xf32, #tpu.memory_space<vmem_shared>> -> memref<16x128xf32, #tpu.memory_space<vmem_shared>>
      %dma_wait3A_112 = arith.constant 0 : i32
      %dma_wait3A_113 = tpu.memref_slice %arg19[%add3A_19, %dma_wait3A_112] : memref<10240x128xf32, #tpu.memory_space<vmem_shared>> -> memref<16x128xf32, #tpu.memory_space<vmem_shared>>
      tpu.wait_dma2 semaphore(%run_scoped3A : memref<!tpu.dma_semaphore, #tpu.memory_space<semaphore_mem>>) src(%arg18 : memref<16x128xf32, #tpu.memory_space<vmem>>) dst(%dma_wait3A_113 : memref<16x128xf32, #tpu.memory_space<vmem_shared>>)
      tpu.yield
    }) : () -> ()
    %add3A_20 = arith.constant 80 : i32
    %add3A_21 = arith.addi %mul3A_9, %add3A_20 : i32
    "tpu.region"() ({
      %run_scoped3A = tpu.sem_alloc : memref<!tpu.dma_semaphore, #tpu.memory_space<semaphore_mem>>
      %dma_start3A_106 = arith.constant 0 : i32
      %dma_start3A_107 = tpu.memref_slice %arg19[%add3A_21, %dma_start3A_106] : memref<10240x128xf32, #tpu.memory_space<vmem_shared>> -> memref<16x128xf32, #tpu.memory_space<vmem_shared>>
      %dma_start3A_108 = arith.constant 0 : i32
      %dma_start3A_109 = tpu.memref_slice %arg19[%add3A_21, %dma_start3A_108] : memref<10240x128xf32, #tpu.memory_space<vmem_shared>> -> memref<16x128xf32, #tpu.memory_space<vmem_shared>>
      tpu.enqueue_dma source(%arg18 : memref<16x128xf32, #tpu.memory_space<vmem>>) target(%dma_start3A_109 : memref<16x128xf32, #tpu.memory_space<vmem_shared>>) target_semaphore(%run_scoped3A : memref<!tpu.dma_semaphore, #tpu.memory_space<semaphore_mem>>)
      %dma_wait3A_110 = arith.constant 0 : i32
      %dma_wait3A_111 = tpu.memref_slice %arg19[%add3A_21, %dma_wait3A_110] : memref<10240x128xf32, #tpu.memory_space<vmem_shared>> -> memref<16x128xf32, #tpu.memory_space<vmem_shared>>
      %dma_wait3A_112 = arith.constant 0 : i32
      %dma_wait3A_113 = tpu.memref_slice %arg19[%add3A_21, %dma_wait3A_112] : memref<10240x128xf32, #tpu.memory_space<vmem_shared>> -> memref<16x128xf32, #tpu.memory_space<vmem_shared>>
      tpu.wait_dma2 semaphore(%run_scoped3A : memref<!tpu.dma_semaphore, #tpu.memory_space<semaphore_mem>>) src(%arg18 : memref<16x128xf32, #tpu.memory_space<vmem>>) dst(%dma_wait3A_113 : memref<16x128xf32, #tpu.memory_space<vmem_shared>>)
      tpu.yield
    }) : () -> ()
    %add3A_22 = arith.constant 96 : i32
    %add3A_23 = arith.addi %mul3A_9, %add3A_22 : i32
    "tpu.region"() ({
      %run_scoped3A = tpu.sem_alloc : memref<!tpu.dma_semaphore, #tpu.memory_space<semaphore_mem>>
      %dma_start3A_106 = arith.constant 0 : i32
      %dma_start3A_107 = tpu.memref_slice %arg19[%add3A_23, %dma_start3A_106] : memref<10240x128xf32, #tpu.memory_space<vmem_shared>> -> memref<16x128xf32, #tpu.memory_space<vmem_shared>>
      %dma_start3A_108 = arith.constant 0 : i32
      %dma_start3A_109 = tpu.memref_slice %arg19[%add3A_23, %dma_start3A_108] : memref<10240x128xf32, #tpu.memory_space<vmem_shared>> -> memref<16x128xf32, #tpu.memory_space<vmem_shared>>
      tpu.enqueue_dma source(%arg18 : memref<16x128xf32, #tpu.memory_space<vmem>>) target(%dma_start3A_109 : memref<16x128xf32, #tpu.memory_space<vmem_shared>>) target_semaphore(%run_scoped3A : memref<!tpu.dma_semaphore, #tpu.memory_space<semaphore_mem>>)
      %dma_wait3A_110 = arith.constant 0 : i32
      %dma_wait3A_111 = tpu.memref_slice %arg19[%add3A_23, %dma_wait3A_110] : memref<10240x128xf32, #tpu.memory_space<vmem_shared>> -> memref<16x128xf32, #tpu.memory_space<vmem_shared>>
      %dma_wait3A_112 = arith.constant 0 : i32
      %dma_wait3A_113 = tpu.memref_slice %arg19[%add3A_23, %dma_wait3A_112] : memref<10240x128xf32, #tpu.memory_space<vmem_shared>> -> memref<16x128xf32, #tpu.memory_space<vmem_shared>>
      tpu.wait_dma2 semaphore(%run_scoped3A : memref<!tpu.dma_semaphore, #tpu.memory_space<semaphore_mem>>) src(%arg18 : memref<16x128xf32, #tpu.memory_space<vmem>>) dst(%dma_wait3A_113 : memref<16x128xf32, #tpu.memory_space<vmem_shared>>)
      tpu.yield
    }) : () -> ()
    %add3A_24 = arith.constant 112 : i32
    %add3A_25 = arith.addi %mul3A_9, %add3A_24 : i32
    "tpu.region"() ({
      %run_scoped3A = tpu.sem_alloc : memref<!tpu.dma_semaphore, #tpu.memory_space<semaphore_mem>>
      %dma_start3A_106 = arith.constant 0 : i32
      %dma_start3A_107 = tpu.memref_slice %arg19[%add3A_25, %dma_start3A_106] : memref<10240x128xf32, #tpu.memory_space<vmem_shared>> -> memref<16x128xf32, #tpu.memory_space<vmem_shared>>
      %dma_start3A_108 = arith.constant 0 : i32
      %dma_start3A_109 = tpu.memref_slice %arg19[%add3A_25, %dma_start3A_108] : memref<10240x128xf32, #tpu.memory_space<vmem_shared>> -> memref<16x128xf32, #tpu.memory_space<vmem_shared>>
      tpu.enqueue_dma source(%arg18 : memref<16x128xf32, #tpu.memory_space<vmem>>) target(%dma_start3A_109 : memref<16x128xf32, #tpu.memory_space<vmem_shared>>) target_semaphore(%run_scoped3A : memref<!tpu.dma_semaphore, #tpu.memory_space<semaphore_mem>>)
      %dma_wait3A_110 = arith.constant 0 : i32
      %dma_wait3A_111 = tpu.memref_slice %arg19[%add3A_25, %dma_wait3A_110] : memref<10240x128xf32, #tpu.memory_space<vmem_shared>> -> memref<16x128xf32, #tpu.memory_space<vmem_shared>>
      %dma_wait3A_112 = arith.constant 0 : i32
      %dma_wait3A_113 = tpu.memref_slice %arg19[%add3A_25, %dma_wait3A_112] : memref<10240x128xf32, #tpu.memory_space<vmem_shared>> -> memref<16x128xf32, #tpu.memory_space<vmem_shared>>
      tpu.wait_dma2 semaphore(%run_scoped3A : memref<!tpu.dma_semaphore, #tpu.memory_space<semaphore_mem>>) src(%arg18 : memref<16x128xf32, #tpu.memory_space<vmem>>) dst(%dma_wait3A_113 : memref<16x128xf32, #tpu.memory_space<vmem_shared>>)
      tpu.yield
    }) : () -> ()
    %add3A_26 = arith.constant 128 : i32
    %add3A_27 = arith.addi %mul3A_9, %add3A_26 : i32
    "tpu.region"() ({
      %run_scoped3A = tpu.sem_alloc : memref<!tpu.dma_semaphore, #tpu.memory_space<semaphore_mem>>
      %dma_start3A_106 = arith.constant 0 : i32
      %dma_start3A_107 = tpu.memref_slice %arg19[%add3A_27, %dma_start3A_106] : memref<10240x128xf32, #tpu.memory_space<vmem_shared>> -> memref<16x128xf32, #tpu.memory_space<vmem_shared>>
      %dma_start3A_108 = arith.constant 0 : i32
      %dma_start3A_109 = tpu.memref_slice %arg19[%add3A_27, %dma_start3A_108] : memref<10240x128xf32, #tpu.memory_space<vmem_shared>> -> memref<16x128xf32, #tpu.memory_space<vmem_shared>>
      tpu.enqueue_dma source(%arg18 : memref<16x128xf32, #tpu.memory_space<vmem>>) target(%dma_start3A_109 : memref<16x128xf32, #tpu.memory_space<vmem_shared>>) target_semaphore(%run_scoped3A : memref<!tpu.dma_semaphore, #tpu.memory_space<semaphore_mem>>)
      %dma_wait3A_110 = arith.constant 0 : i32
      %dma_wait3A_111 = tpu.memref_slice %arg19[%add3A_27, %dma_wait3A_110] : memref<10240x128xf32, #tpu.memory_space<vmem_shared>> -> memref<16x128xf32, #tpu.memory_space<vmem_shared>>
      %dma_wait3A_112 = arith.constant 0 : i32
      %dma_wait3A_113 = tpu.memref_slice %arg19[%add3A_27, %dma_wait3A_112] : memref<10240x128xf32, #tpu.memory_space<vmem_shared>> -> memref<16x128xf32, #tpu.memory_space<vmem_shared>>
      tpu.wait_dma2 semaphore(%run_scoped3A : memref<!tpu.dma_semaphore, #tpu.memory_space<semaphore_mem>>) src(%arg18 : memref<16x128xf32, #tpu.memory_space<vmem>>) dst(%dma_wait3A_113 : memref<16x128xf32, #tpu.memory_space<vmem_shared>>)
      tpu.yield
    }) : () -> ()
    %add3A_28 = arith.constant 144 : i32
    %add3A_29 = arith.addi %mul3A_9, %add3A_28 : i32
    "tpu.region"() ({
      %run_scoped3A = tpu.sem_alloc : memref<!tpu.dma_semaphore, #tpu.memory_space<semaphore_mem>>
      %dma_start3A_106 = arith.constant 0 : i32
      %dma_start3A_107 = tpu.memref_slice %arg19[%add3A_29, %dma_start3A_106] : memref<10240x128xf32, #tpu.memory_space<vmem_shared>> -> memref<16x128xf32, #tpu.memory_space<vmem_shared>>
      %dma_start3A_108 = arith.constant 0 : i32
      %dma_start3A_109 = tpu.memref_slice %arg19[%add3A_29, %dma_start3A_108] : memref<10240x128xf32, #tpu.memory_space<vmem_shared>> -> memref<16x128xf32, #tpu.memory_space<vmem_shared>>
      tpu.enqueue_dma source(%arg18 : memref<16x128xf32, #tpu.memory_space<vmem>>) target(%dma_start3A_109 : memref<16x128xf32, #tpu.memory_space<vmem_shared>>) target_semaphore(%run_scoped3A : memref<!tpu.dma_semaphore, #tpu.memory_space<semaphore_mem>>)
      %dma_wait3A_110 = arith.constant 0 : i32
      %dma_wait3A_111 = tpu.memref_slice %arg19[%add3A_29, %dma_wait3A_110] : memref<10240x128xf32, #tpu.memory_space<vmem_shared>> -> memref<16x128xf32, #tpu.memory_space<vmem_shared>>
      %dma_wait3A_112 = arith.constant 0 : i32
      %dma_wait3A_113 = tpu.memref_slice %arg19[%add3A_29, %dma_wait3A_112] : memref<10240x128xf32, #tpu.memory_space<vmem_shared>> -> memref<16x128xf32, #tpu.memory_space<vmem_shared>>
      tpu.wait_dma2 semaphore(%run_scoped3A : memref<!tpu.dma_semaphore, #tpu.memory_space<semaphore_mem>>) src(%arg18 : memref<16x128xf32, #tpu.memory_space<vmem>>) dst(%dma_wait3A_113 : memref<16x128xf32, #tpu.memory_space<vmem_shared>>)
      tpu.yield
    }) : () -> ()
    %add3A_30 = arith.constant 160 : i32
    %add3A_31 = arith.addi %mul3A_9, %add3A_30 : i32
    "tpu.region"() ({
      %run_scoped3A = tpu.sem_alloc : memref<!tpu.dma_semaphore, #tpu.memory_space<semaphore_mem>>
      %dma_start3A_106 = arith.constant 0 : i32
      %dma_start3A_107 = tpu.memref_slice %arg19[%add3A_31, %dma_start3A_106] : memref<10240x128xf32, #tpu.memory_space<vmem_shared>> -> memref<16x128xf32, #tpu.memory_space<vmem_shared>>
      %dma_start3A_108 = arith.constant 0 : i32
      %dma_start3A_109 = tpu.memref_slice %arg19[%add3A_31, %dma_start3A_108] : memref<10240x128xf32, #tpu.memory_space<vmem_shared>> -> memref<16x128xf32, #tpu.memory_space<vmem_shared>>
      tpu.enqueue_dma source(%arg18 : memref<16x128xf32, #tpu.memory_space<vmem>>) target(%dma_start3A_109 : memref<16x128xf32, #tpu.memory_space<vmem_shared>>) target_semaphore(%run_scoped3A : memref<!tpu.dma_semaphore, #tpu.memory_space<semaphore_mem>>)
      %dma_wait3A_110 = arith.constant 0 : i32
      %dma_wait3A_111 = tpu.memref_slice %arg19[%add3A_31, %dma_wait3A_110] : memref<10240x128xf32, #tpu.memory_space<vmem_shared>> -> memref<16x128xf32, #tpu.memory_space<vmem_shared>>
      %dma_wait3A_112 = arith.constant 0 : i32
      %dma_wait3A_113 = tpu.memref_slice %arg19[%add3A_31, %dma_wait3A_112] : memref<10240x128xf32, #tpu.memory_space<vmem_shared>> -> memref<16x128xf32, #tpu.memory_space<vmem_shared>>
      tpu.wait_dma2 semaphore(%run_scoped3A : memref<!tpu.dma_semaphore, #tpu.memory_space<semaphore_mem>>) src(%arg18 : memref<16x128xf32, #tpu.memory_space<vmem>>) dst(%dma_wait3A_113 : memref<16x128xf32, #tpu.memory_space<vmem_shared>>)
      tpu.yield
    }) : () -> ()
    %add3A_32 = arith.constant 176 : i32
    %add3A_33 = arith.addi %mul3A_9, %add3A_32 : i32
    "tpu.region"() ({
      %run_scoped3A = tpu.sem_alloc : memref<!tpu.dma_semaphore, #tpu.memory_space<semaphore_mem>>
      %dma_start3A_106 = arith.constant 0 : i32
      %dma_start3A_107 = tpu.memref_slice %arg19[%add3A_33, %dma_start3A_106] : memref<10240x128xf32, #tpu.memory_space<vmem_shared>> -> memref<16x128xf32, #tpu.memory_space<vmem_shared>>
      %dma_start3A_108 = arith.constant 0 : i32
      %dma_start3A_109 = tpu.memref_slice %arg19[%add3A_33, %dma_start3A_108] : memref<10240x128xf32, #tpu.memory_space<vmem_shared>> -> memref<16x128xf32, #tpu.memory_space<vmem_shared>>
      tpu.enqueue_dma source(%arg18 : memref<16x128xf32, #tpu.memory_space<vmem>>) target(%dma_start3A_109 : memref<16x128xf32, #tpu.memory_space<vmem_shared>>) target_semaphore(%run_scoped3A : memref<!tpu.dma_semaphore, #tpu.memory_space<semaphore_mem>>)
      %dma_wait3A_110 = arith.constant 0 : i32
      %dma_wait3A_111 = tpu.memref_slice %arg19[%add3A_33, %dma_wait3A_110] : memref<10240x128xf32, #tpu.memory_space<vmem_shared>> -> memref<16x128xf32, #tpu.memory_space<vmem_shared>>
      %dma_wait3A_112 = arith.constant 0 : i32
      %dma_wait3A_113 = tpu.memref_slice %arg19[%add3A_33, %dma_wait3A_112] : memref<10240x128xf32, #tpu.memory_space<vmem_shared>> -> memref<16x128xf32, #tpu.memory_space<vmem_shared>>
      tpu.wait_dma2 semaphore(%run_scoped3A : memref<!tpu.dma_semaphore, #tpu.memory_space<semaphore_mem>>) src(%arg18 : memref<16x128xf32, #tpu.memory_space<vmem>>) dst(%dma_wait3A_113 : memref<16x128xf32, #tpu.memory_space<vmem_shared>>)
      tpu.yield
    }) : () -> ()
    %add3A_34 = arith.constant 192 : i32
    %add3A_35 = arith.addi %mul3A_9, %add3A_34 : i32
    "tpu.region"() ({
      %run_scoped3A = tpu.sem_alloc : memref<!tpu.dma_semaphore, #tpu.memory_space<semaphore_mem>>
      %dma_start3A_106 = arith.constant 0 : i32
      %dma_start3A_107 = tpu.memref_slice %arg19[%add3A_35, %dma_start3A_106] : memref<10240x128xf32, #tpu.memory_space<vmem_shared>> -> memref<16x128xf32, #tpu.memory_space<vmem_shared>>
      %dma_start3A_108 = arith.constant 0 : i32
      %dma_start3A_109 = tpu.memref_slice %arg19[%add3A_35, %dma_start3A_108] : memref<10240x128xf32, #tpu.memory_space<vmem_shared>> -> memref<16x128xf32, #tpu.memory_space<vmem_shared>>
      tpu.enqueue_dma source(%arg18 : memref<16x128xf32, #tpu.memory_space<vmem>>) target(%dma_start3A_109 : memref<16x128xf32, #tpu.memory_space<vmem_shared>>) target_semaphore(%run_scoped3A : memref<!tpu.dma_semaphore, #tpu.memory_space<semaphore_mem>>)
      %dma_wait3A_110 = arith.constant 0 : i32
      %dma_wait3A_111 = tpu.memref_slice %arg19[%add3A_35, %dma_wait3A_110] : memref<10240x128xf32, #tpu.memory_space<vmem_shared>> -> memref<16x128xf32, #tpu.memory_space<vmem_shared>>
      %dma_wait3A_112 = arith.constant 0 : i32
      %dma_wait3A_113 = tpu.memref_slice %arg19[%add3A_35, %dma_wait3A_112] : memref<10240x128xf32, #tpu.memory_space<vmem_shared>> -> memref<16x128xf32, #tpu.memory_space<vmem_shared>>
      tpu.wait_dma2 semaphore(%run_scoped3A : memref<!tpu.dma_semaphore, #tpu.memory_space<semaphore_mem>>) src(%arg18 : memref<16x128xf32, #tpu.memory_space<vmem>>) dst(%dma_wait3A_113 : memref<16x128xf32, #tpu.memory_space<vmem_shared>>)
      tpu.yield
    }) : () -> ()
    %add3A_36 = arith.constant 208 : i32
    %add3A_37 = arith.addi %mul3A_9, %add3A_36 : i32
    "tpu.region"() ({
      %run_scoped3A = tpu.sem_alloc : memref<!tpu.dma_semaphore, #tpu.memory_space<semaphore_mem>>
      %dma_start3A_106 = arith.constant 0 : i32
      %dma_start3A_107 = tpu.memref_slice %arg19[%add3A_37, %dma_start3A_106] : memref<10240x128xf32, #tpu.memory_space<vmem_shared>> -> memref<16x128xf32, #tpu.memory_space<vmem_shared>>
      %dma_start3A_108 = arith.constant 0 : i32
      %dma_start3A_109 = tpu.memref_slice %arg19[%add3A_37, %dma_start3A_108] : memref<10240x128xf32, #tpu.memory_space<vmem_shared>> -> memref<16x128xf32, #tpu.memory_space<vmem_shared>>
      tpu.enqueue_dma source(%arg18 : memref<16x128xf32, #tpu.memory_space<vmem>>) target(%dma_start3A_109 : memref<16x128xf32, #tpu.memory_space<vmem_shared>>) target_semaphore(%run_scoped3A : memref<!tpu.dma_semaphore, #tpu.memory_space<semaphore_mem>>)
      %dma_wait3A_110 = arith.constant 0 : i32
      %dma_wait3A_111 = tpu.memref_slice %arg19[%add3A_37, %dma_wait3A_110] : memref<10240x128xf32, #tpu.memory_space<vmem_shared>> -> memref<16x128xf32, #tpu.memory_space<vmem_shared>>
      %dma_wait3A_112 = arith.constant 0 : i32
      %dma_wait3A_113 = tpu.memref_slice %arg19[%add3A_37, %dma_wait3A_112] : memref<10240x128xf32, #tpu.memory_space<vmem_shared>> -> memref<16x128xf32, #tpu.memory_space<vmem_shared>>
      tpu.wait_dma2 semaphore(%run_scoped3A : memref<!tpu.dma_semaphore, #tpu.memory_space<semaphore_mem>>) src(%arg18 : memref<16x128xf32, #tpu.memory_space<vmem>>) dst(%dma_wait3A_113 : memref<16x128xf32, #tpu.memory_space<vmem_shared>>)
      tpu.yield
    }) : () -> ()
    %add3A_38 = arith.constant 224 : i32
    %add3A_39 = arith.addi %mul3A_9, %add3A_38 : i32
    "tpu.region"() ({
      %run_scoped3A = tpu.sem_alloc : memref<!tpu.dma_semaphore, #tpu.memory_space<semaphore_mem>>
      %dma_start3A_106 = arith.constant 0 : i32
      %dma_start3A_107 = tpu.memref_slice %arg19[%add3A_39, %dma_start3A_106] : memref<10240x128xf32, #tpu.memory_space<vmem_shared>> -> memref<16x128xf32, #tpu.memory_space<vmem_shared>>
      %dma_start3A_108 = arith.constant 0 : i32
      %dma_start3A_109 = tpu.memref_slice %arg19[%add3A_39, %dma_start3A_108] : memref<10240x128xf32, #tpu.memory_space<vmem_shared>> -> memref<16x128xf32, #tpu.memory_space<vmem_shared>>
      tpu.enqueue_dma source(%arg18 : memref<16x128xf32, #tpu.memory_space<vmem>>) target(%dma_start3A_109 : memref<16x128xf32, #tpu.memory_space<vmem_shared>>) target_semaphore(%run_scoped3A : memref<!tpu.dma_semaphore, #tpu.memory_space<semaphore_mem>>)
      %dma_wait3A_110 = arith.constant 0 : i32
      %dma_wait3A_111 = tpu.memref_slice %arg19[%add3A_39, %dma_wait3A_110] : memref<10240x128xf32, #tpu.memory_space<vmem_shared>> -> memref<16x128xf32, #tpu.memory_space<vmem_shared>>
      %dma_wait3A_112 = arith.constant 0 : i32
      %dma_wait3A_113 = tpu.memref_slice %arg19[%add3A_39, %dma_wait3A_112] : memref<10240x128xf32, #tpu.memory_space<vmem_shared>> -> memref<16x128xf32, #tpu.memory_space<vmem_shared>>
      tpu.wait_dma2 semaphore(%run_scoped3A : memref<!tpu.dma_semaphore, #tpu.memory_space<semaphore_mem>>) src(%arg18 : memref<16x128xf32, #tpu.memory_space<vmem>>) dst(%dma_wait3A_113 : memref<16x128xf32, #tpu.memory_space<vmem_shared>>)
      tpu.yield
    }) : () -> ()
    %add3A_40 = arith.constant 240 : i32
    %add3A_41 = arith.addi %mul3A_9, %add3A_40 : i32
    "tpu.region"() ({
      %run_scoped3A = tpu.sem_alloc : memref<!tpu.dma_semaphore, #tpu.memory_space<semaphore_mem>>
      %dma_start3A_106 = arith.constant 0 : i32
      %dma_start3A_107 = tpu.memref_slice %arg19[%add3A_41, %dma_start3A_106] : memref<10240x128xf32, #tpu.memory_space<vmem_shared>> -> memref<16x128xf32, #tpu.memory_space<vmem_shared>>
      %dma_start3A_108 = arith.constant 0 : i32
      %dma_start3A_109 = tpu.memref_slice %arg19[%add3A_41, %dma_start3A_108] : memref<10240x128xf32, #tpu.memory_space<vmem_shared>> -> memref<16x128xf32, #tpu.memory_space<vmem_shared>>
      tpu.enqueue_dma source(%arg18 : memref<16x128xf32, #tpu.memory_space<vmem>>) target(%dma_start3A_109 : memref<16x128xf32, #tpu.memory_space<vmem_shared>>) target_semaphore(%run_scoped3A : memref<!tpu.dma_semaphore, #tpu.memory_space<semaphore_mem>>)
      %dma_wait3A_110 = arith.constant 0 : i32
      %dma_wait3A_111 = tpu.memref_slice %arg19[%add3A_41, %dma_wait3A_110] : memref<10240x128xf32, #tpu.memory_space<vmem_shared>> -> memref<16x128xf32, #tpu.memory_space<vmem_shared>>
      %dma_wait3A_112 = arith.constant 0 : i32
      %dma_wait3A_113 = tpu.memref_slice %arg19[%add3A_41, %dma_wait3A_112] : memref<10240x128xf32, #tpu.memory_space<vmem_shared>> -> memref<16x128xf32, #tpu.memory_space<vmem_shared>>
      tpu.wait_dma2 semaphore(%run_scoped3A : memref<!tpu.dma_semaphore, #tpu.memory_space<semaphore_mem>>) src(%arg18 : memref<16x128xf32, #tpu.memory_space<vmem>>) dst(%dma_wait3A_113 : memref<16x128xf32, #tpu.memory_space<vmem_shared>>)
      tpu.yield
    }) : () -> ()
    %add3A_42 = arith.constant 256 : i32
    %add3A_43 = arith.addi %mul3A_9, %add3A_42 : i32
    "tpu.region"() ({
      %run_scoped3A = tpu.sem_alloc : memref<!tpu.dma_semaphore, #tpu.memory_space<semaphore_mem>>
      %dma_start3A_106 = arith.constant 0 : i32
      %dma_start3A_107 = tpu.memref_slice %arg19[%add3A_43, %dma_start3A_106] : memref<10240x128xf32, #tpu.memory_space<vmem_shared>> -> memref<16x128xf32, #tpu.memory_space<vmem_shared>>
      %dma_start3A_108 = arith.constant 0 : i32
      %dma_start3A_109 = tpu.memref_slice %arg19[%add3A_43, %dma_start3A_108] : memref<10240x128xf32, #tpu.memory_space<vmem_shared>> -> memref<16x128xf32, #tpu.memory_space<vmem_shared>>
      tpu.enqueue_dma source(%arg18 : memref<16x128xf32, #tpu.memory_space<vmem>>) target(%dma_start3A_109 : memref<16x128xf32, #tpu.memory_space<vmem_shared>>) target_semaphore(%run_scoped3A : memref<!tpu.dma_semaphore, #tpu.memory_space<semaphore_mem>>)
      %dma_wait3A_110 = arith.constant 0 : i32
      %dma_wait3A_111 = tpu.memref_slice %arg19[%add3A_43, %dma_wait3A_110] : memref<10240x128xf32, #tpu.memory_space<vmem_shared>> -> memref<16x128xf32, #tpu.memory_space<vmem_shared>>
      %dma_wait3A_112 = arith.constant 0 : i32
      %dma_wait3A_113 = tpu.memref_slice %arg19[%add3A_43, %dma_wait3A_112] : memref<10240x128xf32, #tpu.memory_space<vmem_shared>> -> memref<16x128xf32, #tpu.memory_space<vmem_shared>>
      tpu.wait_dma2 semaphore(%run_scoped3A : memref<!tpu.dma_semaphore, #tpu.memory_space<semaphore_mem>>) src(%arg18 : memref<16x128xf32, #tpu.memory_space<vmem>>) dst(%dma_wait3A_113 : memref<16x128xf32, #tpu.memory_space<vmem_shared>>)
      tpu.yield
    }) : () -> ()
    %add3A_44 = arith.constant 272 : i32
    %add3A_45 = arith.addi %mul3A_9, %add3A_44 : i32
    "tpu.region"() ({
      %run_scoped3A = tpu.sem_alloc : memref<!tpu.dma_semaphore, #tpu.memory_space<semaphore_mem>>
      %dma_start3A_106 = arith.constant 0 : i32
      %dma_start3A_107 = tpu.memref_slice %arg19[%add3A_45, %dma_start3A_106] : memref<10240x128xf32, #tpu.memory_space<vmem_shared>> -> memref<16x128xf32, #tpu.memory_space<vmem_shared>>
      %dma_start3A_108 = arith.constant 0 : i32
      %dma_start3A_109 = tpu.memref_slice %arg19[%add3A_45, %dma_start3A_108] : memref<10240x128xf32, #tpu.memory_space<vmem_shared>> -> memref<16x128xf32, #tpu.memory_space<vmem_shared>>
      tpu.enqueue_dma source(%arg18 : memref<16x128xf32, #tpu.memory_space<vmem>>) target(%dma_start3A_109 : memref<16x128xf32, #tpu.memory_space<vmem_shared>>) target_semaphore(%run_scoped3A : memref<!tpu.dma_semaphore, #tpu.memory_space<semaphore_mem>>)
      %dma_wait3A_110 = arith.constant 0 : i32
      %dma_wait3A_111 = tpu.memref_slice %arg19[%add3A_45, %dma_wait3A_110] : memref<10240x128xf32, #tpu.memory_space<vmem_shared>> -> memref<16x128xf32, #tpu.memory_space<vmem_shared>>
      %dma_wait3A_112 = arith.constant 0 : i32
      %dma_wait3A_113 = tpu.memref_slice %arg19[%add3A_45, %dma_wait3A_112] : memref<10240x128xf32, #tpu.memory_space<vmem_shared>> -> memref<16x128xf32, #tpu.memory_space<vmem_shared>>
      tpu.wait_dma2 semaphore(%run_scoped3A : memref<!tpu.dma_semaphore, #tpu.memory_space<semaphore_mem>>) src(%arg18 : memref<16x128xf32, #tpu.memory_space<vmem>>) dst(%dma_wait3A_113 : memref<16x128xf32, #tpu.memory_space<vmem_shared>>)
      tpu.yield
    }) : () -> ()
    %add3A_46 = arith.constant 288 : i32
    %add3A_47 = arith.addi %mul3A_9, %add3A_46 : i32
    "tpu.region"() ({
      %run_scoped3A = tpu.sem_alloc : memref<!tpu.dma_semaphore, #tpu.memory_space<semaphore_mem>>
      %dma_start3A_106 = arith.constant 0 : i32
      %dma_start3A_107 = tpu.memref_slice %arg19[%add3A_47, %dma_start3A_106] : memref<10240x128xf32, #tpu.memory_space<vmem_shared>> -> memref<16x128xf32, #tpu.memory_space<vmem_shared>>
      %dma_start3A_108 = arith.constant 0 : i32
      %dma_start3A_109 = tpu.memref_slice %arg19[%add3A_47, %dma_start3A_108] : memref<10240x128xf32, #tpu.memory_space<vmem_shared>> -> memref<16x128xf32, #tpu.memory_space<vmem_shared>>
      tpu.enqueue_dma source(%arg18 : memref<16x128xf32, #tpu.memory_space<vmem>>) target(%dma_start3A_109 : memref<16x128xf32, #tpu.memory_space<vmem_shared>>) target_semaphore(%run_scoped3A : memref<!tpu.dma_semaphore, #tpu.memory_space<semaphore_mem>>)
      %dma_wait3A_110 = arith.constant 0 : i32
      %dma_wait3A_111 = tpu.memref_slice %arg19[%add3A_47, %dma_wait3A_110] : memref<10240x128xf32, #tpu.memory_space<vmem_shared>> -> memref<16x128xf32, #tpu.memory_space<vmem_shared>>
      %dma_wait3A_112 = arith.constant 0 : i32
      %dma_wait3A_113 = tpu.memref_slice %arg19[%add3A_47, %dma_wait3A_112] : memref<10240x128xf32, #tpu.memory_space<vmem_shared>> -> memref<16x128xf32, #tpu.memory_space<vmem_shared>>
      tpu.wait_dma2 semaphore(%run_scoped3A : memref<!tpu.dma_semaphore, #tpu.memory_space<semaphore_mem>>) src(%arg18 : memref<16x128xf32, #tpu.memory_space<vmem>>) dst(%dma_wait3A_113 : memref<16x128xf32, #tpu.memory_space<vmem_shared>>)
      tpu.yield
    }) : () -> ()
    %add3A_48 = arith.constant 304 : i32
    %add3A_49 = arith.addi %mul3A_9, %add3A_48 : i32
    "tpu.region"() ({
      %run_scoped3A = tpu.sem_alloc : memref<!tpu.dma_semaphore, #tpu.memory_space<semaphore_mem>>
      %dma_start3A_106 = arith.constant 0 : i32
      %dma_start3A_107 = tpu.memref_slice %arg19[%add3A_49, %dma_start3A_106] : memref<10240x128xf32, #tpu.memory_space<vmem_shared>> -> memref<16x128xf32, #tpu.memory_space<vmem_shared>>
      %dma_start3A_108 = arith.constant 0 : i32
      %dma_start3A_109 = tpu.memref_slice %arg19[%add3A_49, %dma_start3A_108] : memref<10240x128xf32, #tpu.memory_space<vmem_shared>> -> memref<16x128xf32, #tpu.memory_space<vmem_shared>>
      tpu.enqueue_dma source(%arg18 : memref<16x128xf32, #tpu.memory_space<vmem>>) target(%dma_start3A_109 : memref<16x128xf32, #tpu.memory_space<vmem_shared>>) target_semaphore(%run_scoped3A : memref<!tpu.dma_semaphore, #tpu.memory_space<semaphore_mem>>)
      %dma_wait3A_110 = arith.constant 0 : i32
      %dma_wait3A_111 = tpu.memref_slice %arg19[%add3A_49, %dma_wait3A_110] : memref<10240x128xf32, #tpu.memory_space<vmem_shared>> -> memref<16x128xf32, #tpu.memory_space<vmem_shared>>
      %dma_wait3A_112 = arith.constant 0 : i32
      %dma_wait3A_113 = tpu.memref_slice %arg19[%add3A_49, %dma_wait3A_112] : memref<10240x128xf32, #tpu.memory_space<vmem_shared>> -> memref<16x128xf32, #tpu.memory_space<vmem_shared>>
      tpu.wait_dma2 semaphore(%run_scoped3A : memref<!tpu.dma_semaphore, #tpu.memory_space<semaphore_mem>>) src(%arg18 : memref<16x128xf32, #tpu.memory_space<vmem>>) dst(%dma_wait3A_113 : memref<16x128xf32, #tpu.memory_space<vmem_shared>>)
      tpu.yield
    }) : () -> ()
    %add3A_50 = arith.constant 320 : i32
    %add3A_51 = arith.addi %mul3A_9, %add3A_50 : i32
    "tpu.region"() ({
      %run_scoped3A = tpu.sem_alloc : memref<!tpu.dma_semaphore, #tpu.memory_space<semaphore_mem>>
      %dma_start3A_106 = arith.constant 0 : i32
      %dma_start3A_107 = tpu.memref_slice %arg19[%add3A_51, %dma_start3A_106] : memref<10240x128xf32, #tpu.memory_space<vmem_shared>> -> memref<16x128xf32, #tpu.memory_space<vmem_shared>>
      %dma_start3A_108 = arith.constant 0 : i32
      %dma_start3A_109 = tpu.memref_slice %arg19[%add3A_51, %dma_start3A_108] : memref<10240x128xf32, #tpu.memory_space<vmem_shared>> -> memref<16x128xf32, #tpu.memory_space<vmem_shared>>
      tpu.enqueue_dma source(%arg18 : memref<16x128xf32, #tpu.memory_space<vmem>>) target(%dma_start3A_109 : memref<16x128xf32, #tpu.memory_space<vmem_shared>>) target_semaphore(%run_scoped3A : memref<!tpu.dma_semaphore, #tpu.memory_space<semaphore_mem>>)
      %dma_wait3A_110 = arith.constant 0 : i32
      %dma_wait3A_111 = tpu.memref_slice %arg19[%add3A_51, %dma_wait3A_110] : memref<10240x128xf32, #tpu.memory_space<vmem_shared>> -> memref<16x128xf32, #tpu.memory_space<vmem_shared>>
      %dma_wait3A_112 = arith.constant 0 : i32
      %dma_wait3A_113 = tpu.memref_slice %arg19[%add3A_51, %dma_wait3A_112] : memref<10240x128xf32, #tpu.memory_space<vmem_shared>> -> memref<16x128xf32, #tpu.memory_space<vmem_shared>>
      tpu.wait_dma2 semaphore(%run_scoped3A : memref<!tpu.dma_semaphore, #tpu.memory_space<semaphore_mem>>) src(%arg18 : memref<16x128xf32, #tpu.memory_space<vmem>>) dst(%dma_wait3A_113 : memref<16x128xf32, #tpu.memory_space<vmem_shared>>)
      tpu.yield
    }) : () -> ()
    %add3A_52 = arith.constant 336 : i32
    %add3A_53 = arith.addi %mul3A_9, %add3A_52 : i32
    "tpu.region"() ({
      %run_scoped3A = tpu.sem_alloc : memref<!tpu.dma_semaphore, #tpu.memory_space<semaphore_mem>>
      %dma_start3A_106 = arith.constant 0 : i32
      %dma_start3A_107 = tpu.memref_slice %arg19[%add3A_53, %dma_start3A_106] : memref<10240x128xf32, #tpu.memory_space<vmem_shared>> -> memref<16x128xf32, #tpu.memory_space<vmem_shared>>
      %dma_start3A_108 = arith.constant 0 : i32
      %dma_start3A_109 = tpu.memref_slice %arg19[%add3A_53, %dma_start3A_108] : memref<10240x128xf32, #tpu.memory_space<vmem_shared>> -> memref<16x128xf32, #tpu.memory_space<vmem_shared>>
      tpu.enqueue_dma source(%arg18 : memref<16x128xf32, #tpu.memory_space<vmem>>) target(%dma_start3A_109 : memref<16x128xf32, #tpu.memory_space<vmem_shared>>) target_semaphore(%run_scoped3A : memref<!tpu.dma_semaphore, #tpu.memory_space<semaphore_mem>>)
      %dma_wait3A_110 = arith.constant 0 : i32
      %dma_wait3A_111 = tpu.memref_slice %arg19[%add3A_53, %dma_wait3A_110] : memref<10240x128xf32, #tpu.memory_space<vmem_shared>> -> memref<16x128xf32, #tpu.memory_space<vmem_shared>>
      %dma_wait3A_112 = arith.constant 0 : i32
      %dma_wait3A_113 = tpu.memref_slice %arg19[%add3A_53, %dma_wait3A_112] : memref<10240x128xf32, #tpu.memory_space<vmem_shared>> -> memref<16x128xf32, #tpu.memory_space<vmem_shared>>
      tpu.wait_dma2 semaphore(%run_scoped3A : memref<!tpu.dma_semaphore, #tpu.memory_space<semaphore_mem>>) src(%arg18 : memref<16x128xf32, #tpu.memory_space<vmem>>) dst(%dma_wait3A_113 : memref<16x128xf32, #tpu.memory_space<vmem_shared>>)
      tpu.yield
    }) : () -> ()
    %add3A_54 = arith.constant 352 : i32
    %add3A_55 = arith.addi %mul3A_9, %add3A_54 : i32
    "tpu.region"() ({
      %run_scoped3A = tpu.sem_alloc : memref<!tpu.dma_semaphore, #tpu.memory_space<semaphore_mem>>
      %dma_start3A_106 = arith.constant 0 : i32
      %dma_start3A_107 = tpu.memref_slice %arg19[%add3A_55, %dma_start3A_106] : memref<10240x128xf32, #tpu.memory_space<vmem_shared>> -> memref<16x128xf32, #tpu.memory_space<vmem_shared>>
      %dma_start3A_108 = arith.constant 0 : i32
      %dma_start3A_109 = tpu.memref_slice %arg19[%add3A_55, %dma_start3A_108] : memref<10240x128xf32, #tpu.memory_space<vmem_shared>> -> memref<16x128xf32, #tpu.memory_space<vmem_shared>>
      tpu.enqueue_dma source(%arg18 : memref<16x128xf32, #tpu.memory_space<vmem>>) target(%dma_start3A_109 : memref<16x128xf32, #tpu.memory_space<vmem_shared>>) target_semaphore(%run_scoped3A : memref<!tpu.dma_semaphore, #tpu.memory_space<semaphore_mem>>)
      %dma_wait3A_110 = arith.constant 0 : i32
      %dma_wait3A_111 = tpu.memref_slice %arg19[%add3A_55, %dma_wait3A_110] : memref<10240x128xf32, #tpu.memory_space<vmem_shared>> -> memref<16x128xf32, #tpu.memory_space<vmem_shared>>
      %dma_wait3A_112 = arith.constant 0 : i32
      %dma_wait3A_113 = tpu.memref_slice %arg19[%add3A_55, %dma_wait3A_112] : memref<10240x128xf32, #tpu.memory_space<vmem_shared>> -> memref<16x128xf32, #tpu.memory_space<vmem_shared>>
      tpu.wait_dma2 semaphore(%run_scoped3A : memref<!tpu.dma_semaphore, #tpu.memory_space<semaphore_mem>>) src(%arg18 : memref<16x128xf32, #tpu.memory_space<vmem>>) dst(%dma_wait3A_113 : memref<16x128xf32, #tpu.memory_space<vmem_shared>>)
      tpu.yield
    }) : () -> ()
    %add3A_56 = arith.constant 368 : i32
    %add3A_57 = arith.addi %mul3A_9, %add3A_56 : i32
    "tpu.region"() ({
      %run_scoped3A = tpu.sem_alloc : memref<!tpu.dma_semaphore, #tpu.memory_space<semaphore_mem>>
      %dma_start3A_106 = arith.constant 0 : i32
      %dma_start3A_107 = tpu.memref_slice %arg19[%add3A_57, %dma_start3A_106] : memref<10240x128xf32, #tpu.memory_space<vmem_shared>> -> memref<16x128xf32, #tpu.memory_space<vmem_shared>>
      %dma_start3A_108 = arith.constant 0 : i32
      %dma_start3A_109 = tpu.memref_slice %arg19[%add3A_57, %dma_start3A_108] : memref<10240x128xf32, #tpu.memory_space<vmem_shared>> -> memref<16x128xf32, #tpu.memory_space<vmem_shared>>
      tpu.enqueue_dma source(%arg18 : memref<16x128xf32, #tpu.memory_space<vmem>>) target(%dma_start3A_109 : memref<16x128xf32, #tpu.memory_space<vmem_shared>>) target_semaphore(%run_scoped3A : memref<!tpu.dma_semaphore, #tpu.memory_space<semaphore_mem>>)
      %dma_wait3A_110 = arith.constant 0 : i32
      %dma_wait3A_111 = tpu.memref_slice %arg19[%add3A_57, %dma_wait3A_110] : memref<10240x128xf32, #tpu.memory_space<vmem_shared>> -> memref<16x128xf32, #tpu.memory_space<vmem_shared>>
      %dma_wait3A_112 = arith.constant 0 : i32
      %dma_wait3A_113 = tpu.memref_slice %arg19[%add3A_57, %dma_wait3A_112] : memref<10240x128xf32, #tpu.memory_space<vmem_shared>> -> memref<16x128xf32, #tpu.memory_space<vmem_shared>>
      tpu.wait_dma2 semaphore(%run_scoped3A : memref<!tpu.dma_semaphore, #tpu.memory_space<semaphore_mem>>) src(%arg18 : memref<16x128xf32, #tpu.memory_space<vmem>>) dst(%dma_wait3A_113 : memref<16x128xf32, #tpu.memory_space<vmem_shared>>)
      tpu.yield
    }) : () -> ()
    %add3A_58 = arith.constant 384 : i32
    %add3A_59 = arith.addi %mul3A_9, %add3A_58 : i32
    "tpu.region"() ({
      %run_scoped3A = tpu.sem_alloc : memref<!tpu.dma_semaphore, #tpu.memory_space<semaphore_mem>>
      %dma_start3A_106 = arith.constant 0 : i32
      %dma_start3A_107 = tpu.memref_slice %arg19[%add3A_59, %dma_start3A_106] : memref<10240x128xf32, #tpu.memory_space<vmem_shared>> -> memref<16x128xf32, #tpu.memory_space<vmem_shared>>
      %dma_start3A_108 = arith.constant 0 : i32
      %dma_start3A_109 = tpu.memref_slice %arg19[%add3A_59, %dma_start3A_108] : memref<10240x128xf32, #tpu.memory_space<vmem_shared>> -> memref<16x128xf32, #tpu.memory_space<vmem_shared>>
      tpu.enqueue_dma source(%arg18 : memref<16x128xf32, #tpu.memory_space<vmem>>) target(%dma_start3A_109 : memref<16x128xf32, #tpu.memory_space<vmem_shared>>) target_semaphore(%run_scoped3A : memref<!tpu.dma_semaphore, #tpu.memory_space<semaphore_mem>>)
      %dma_wait3A_110 = arith.constant 0 : i32
      %dma_wait3A_111 = tpu.memref_slice %arg19[%add3A_59, %dma_wait3A_110] : memref<10240x128xf32, #tpu.memory_space<vmem_shared>> -> memref<16x128xf32, #tpu.memory_space<vmem_shared>>
      %dma_wait3A_112 = arith.constant 0 : i32
      %dma_wait3A_113 = tpu.memref_slice %arg19[%add3A_59, %dma_wait3A_112] : memref<10240x128xf32, #tpu.memory_space<vmem_shared>> -> memref<16x128xf32, #tpu.memory_space<vmem_shared>>
      tpu.wait_dma2 semaphore(%run_scoped3A : memref<!tpu.dma_semaphore, #tpu.memory_space<semaphore_mem>>) src(%arg18 : memref<16x128xf32, #tpu.memory_space<vmem>>) dst(%dma_wait3A_113 : memref<16x128xf32, #tpu.memory_space<vmem_shared>>)
      tpu.yield
    }) : () -> ()
    %add3A_60 = arith.constant 400 : i32
    %add3A_61 = arith.addi %mul3A_9, %add3A_60 : i32
    "tpu.region"() ({
      %run_scoped3A = tpu.sem_alloc : memref<!tpu.dma_semaphore, #tpu.memory_space<semaphore_mem>>
      %dma_start3A_106 = arith.constant 0 : i32
      %dma_start3A_107 = tpu.memref_slice %arg19[%add3A_61, %dma_start3A_106] : memref<10240x128xf32, #tpu.memory_space<vmem_shared>> -> memref<16x128xf32, #tpu.memory_space<vmem_shared>>
      %dma_start3A_108 = arith.constant 0 : i32
      %dma_start3A_109 = tpu.memref_slice %arg19[%add3A_61, %dma_start3A_108] : memref<10240x128xf32, #tpu.memory_space<vmem_shared>> -> memref<16x128xf32, #tpu.memory_space<vmem_shared>>
      tpu.enqueue_dma source(%arg18 : memref<16x128xf32, #tpu.memory_space<vmem>>) target(%dma_start3A_109 : memref<16x128xf32, #tpu.memory_space<vmem_shared>>) target_semaphore(%run_scoped3A : memref<!tpu.dma_semaphore, #tpu.memory_space<semaphore_mem>>)
      %dma_wait3A_110 = arith.constant 0 : i32
      %dma_wait3A_111 = tpu.memref_slice %arg19[%add3A_61, %dma_wait3A_110] : memref<10240x128xf32, #tpu.memory_space<vmem_shared>> -> memref<16x128xf32, #tpu.memory_space<vmem_shared>>
      %dma_wait3A_112 = arith.constant 0 : i32
      %dma_wait3A_113 = tpu.memref_slice %arg19[%add3A_61, %dma_wait3A_112] : memref<10240x128xf32, #tpu.memory_space<vmem_shared>> -> memref<16x128xf32, #tpu.memory_space<vmem_shared>>
      tpu.wait_dma2 semaphore(%run_scoped3A : memref<!tpu.dma_semaphore, #tpu.memory_space<semaphore_mem>>) src(%arg18 : memref<16x128xf32, #tpu.memory_space<vmem>>) dst(%dma_wait3A_113 : memref<16x128xf32, #tpu.memory_space<vmem_shared>>)
      tpu.yield
    }) : () -> ()
    %add3A_62 = arith.constant 416 : i32
    %add3A_63 = arith.addi %mul3A_9, %add3A_62 : i32
    "tpu.region"() ({
      %run_scoped3A = tpu.sem_alloc : memref<!tpu.dma_semaphore, #tpu.memory_space<semaphore_mem>>
      %dma_start3A_106 = arith.constant 0 : i32
      %dma_start3A_107 = tpu.memref_slice %arg19[%add3A_63, %dma_start3A_106] : memref<10240x128xf32, #tpu.memory_space<vmem_shared>> -> memref<16x128xf32, #tpu.memory_space<vmem_shared>>
      %dma_start3A_108 = arith.constant 0 : i32
      %dma_start3A_109 = tpu.memref_slice %arg19[%add3A_63, %dma_start3A_108] : memref<10240x128xf32, #tpu.memory_space<vmem_shared>> -> memref<16x128xf32, #tpu.memory_space<vmem_shared>>
      tpu.enqueue_dma source(%arg18 : memref<16x128xf32, #tpu.memory_space<vmem>>) target(%dma_start3A_109 : memref<16x128xf32, #tpu.memory_space<vmem_shared>>) target_semaphore(%run_scoped3A : memref<!tpu.dma_semaphore, #tpu.memory_space<semaphore_mem>>)
      %dma_wait3A_110 = arith.constant 0 : i32
      %dma_wait3A_111 = tpu.memref_slice %arg19[%add3A_63, %dma_wait3A_110] : memref<10240x128xf32, #tpu.memory_space<vmem_shared>> -> memref<16x128xf32, #tpu.memory_space<vmem_shared>>
      %dma_wait3A_112 = arith.constant 0 : i32
      %dma_wait3A_113 = tpu.memref_slice %arg19[%add3A_63, %dma_wait3A_112] : memref<10240x128xf32, #tpu.memory_space<vmem_shared>> -> memref<16x128xf32, #tpu.memory_space<vmem_shared>>
      tpu.wait_dma2 semaphore(%run_scoped3A : memref<!tpu.dma_semaphore, #tpu.memory_space<semaphore_mem>>) src(%arg18 : memref<16x128xf32, #tpu.memory_space<vmem>>) dst(%dma_wait3A_113 : memref<16x128xf32, #tpu.memory_space<vmem_shared>>)
      tpu.yield
    }) : () -> ()
    %add3A_64 = arith.constant 432 : i32
    %add3A_65 = arith.addi %mul3A_9, %add3A_64 : i32
    "tpu.region"() ({
      %run_scoped3A = tpu.sem_alloc : memref<!tpu.dma_semaphore, #tpu.memory_space<semaphore_mem>>
      %dma_start3A_106 = arith.constant 0 : i32
      %dma_start3A_107 = tpu.memref_slice %arg19[%add3A_65, %dma_start3A_106] : memref<10240x128xf32, #tpu.memory_space<vmem_shared>> -> memref<16x128xf32, #tpu.memory_space<vmem_shared>>
      %dma_start3A_108 = arith.constant 0 : i32
      %dma_start3A_109 = tpu.memref_slice %arg19[%add3A_65, %dma_start3A_108] : memref<10240x128xf32, #tpu.memory_space<vmem_shared>> -> memref<16x128xf32, #tpu.memory_space<vmem_shared>>
      tpu.enqueue_dma source(%arg18 : memref<16x128xf32, #tpu.memory_space<vmem>>) target(%dma_start3A_109 : memref<16x128xf32, #tpu.memory_space<vmem_shared>>) target_semaphore(%run_scoped3A : memref<!tpu.dma_semaphore, #tpu.memory_space<semaphore_mem>>)
      %dma_wait3A_110 = arith.constant 0 : i32
      %dma_wait3A_111 = tpu.memref_slice %arg19[%add3A_65, %dma_wait3A_110] : memref<10240x128xf32, #tpu.memory_space<vmem_shared>> -> memref<16x128xf32, #tpu.memory_space<vmem_shared>>
      %dma_wait3A_112 = arith.constant 0 : i32
      %dma_wait3A_113 = tpu.memref_slice %arg19[%add3A_65, %dma_wait3A_112] : memref<10240x128xf32, #tpu.memory_space<vmem_shared>> -> memref<16x128xf32, #tpu.memory_space<vmem_shared>>
      tpu.wait_dma2 semaphore(%run_scoped3A : memref<!tpu.dma_semaphore, #tpu.memory_space<semaphore_mem>>) src(%arg18 : memref<16x128xf32, #tpu.memory_space<vmem>>) dst(%dma_wait3A_113 : memref<16x128xf32, #tpu.memory_space<vmem_shared>>)
      tpu.yield
    }) : () -> ()
    %add3A_66 = arith.constant 448 : i32
    %add3A_67 = arith.addi %mul3A_9, %add3A_66 : i32
    "tpu.region"() ({
      %run_scoped3A = tpu.sem_alloc : memref<!tpu.dma_semaphore, #tpu.memory_space<semaphore_mem>>
      %dma_start3A_106 = arith.constant 0 : i32
      %dma_start3A_107 = tpu.memref_slice %arg19[%add3A_67, %dma_start3A_106] : memref<10240x128xf32, #tpu.memory_space<vmem_shared>> -> memref<16x128xf32, #tpu.memory_space<vmem_shared>>
      %dma_start3A_108 = arith.constant 0 : i32
      %dma_start3A_109 = tpu.memref_slice %arg19[%add3A_67, %dma_start3A_108] : memref<10240x128xf32, #tpu.memory_space<vmem_shared>> -> memref<16x128xf32, #tpu.memory_space<vmem_shared>>
      tpu.enqueue_dma source(%arg18 : memref<16x128xf32, #tpu.memory_space<vmem>>) target(%dma_start3A_109 : memref<16x128xf32, #tpu.memory_space<vmem_shared>>) target_semaphore(%run_scoped3A : memref<!tpu.dma_semaphore, #tpu.memory_space<semaphore_mem>>)
      %dma_wait3A_110 = arith.constant 0 : i32
      %dma_wait3A_111 = tpu.memref_slice %arg19[%add3A_67, %dma_wait3A_110] : memref<10240x128xf32, #tpu.memory_space<vmem_shared>> -> memref<16x128xf32, #tpu.memory_space<vmem_shared>>
      %dma_wait3A_112 = arith.constant 0 : i32
      %dma_wait3A_113 = tpu.memref_slice %arg19[%add3A_67, %dma_wait3A_112] : memref<10240x128xf32, #tpu.memory_space<vmem_shared>> -> memref<16x128xf32, #tpu.memory_space<vmem_shared>>
      tpu.wait_dma2 semaphore(%run_scoped3A : memref<!tpu.dma_semaphore, #tpu.memory_space<semaphore_mem>>) src(%arg18 : memref<16x128xf32, #tpu.memory_space<vmem>>) dst(%dma_wait3A_113 : memref<16x128xf32, #tpu.memory_space<vmem_shared>>)
      tpu.yield
    }) : () -> ()
    %add3A_68 = arith.constant 464 : i32
    %add3A_69 = arith.addi %mul3A_9, %add3A_68 : i32
    "tpu.region"() ({
      %run_scoped3A = tpu.sem_alloc : memref<!tpu.dma_semaphore, #tpu.memory_space<semaphore_mem>>
      %dma_start3A_106 = arith.constant 0 : i32
      %dma_start3A_107 = tpu.memref_slice %arg19[%add3A_69, %dma_start3A_106] : memref<10240x128xf32, #tpu.memory_space<vmem_shared>> -> memref<16x128xf32, #tpu.memory_space<vmem_shared>>
      %dma_start3A_108 = arith.constant 0 : i32
      %dma_start3A_109 = tpu.memref_slice %arg19[%add3A_69, %dma_start3A_108] : memref<10240x128xf32, #tpu.memory_space<vmem_shared>> -> memref<16x128xf32, #tpu.memory_space<vmem_shared>>
      tpu.enqueue_dma source(%arg18 : memref<16x128xf32, #tpu.memory_space<vmem>>) target(%dma_start3A_109 : memref<16x128xf32, #tpu.memory_space<vmem_shared>>) target_semaphore(%run_scoped3A : memref<!tpu.dma_semaphore, #tpu.memory_space<semaphore_mem>>)
      %dma_wait3A_110 = arith.constant 0 : i32
      %dma_wait3A_111 = tpu.memref_slice %arg19[%add3A_69, %dma_wait3A_110] : memref<10240x128xf32, #tpu.memory_space<vmem_shared>> -> memref<16x128xf32, #tpu.memory_space<vmem_shared>>
      %dma_wait3A_112 = arith.constant 0 : i32
      %dma_wait3A_113 = tpu.memref_slice %arg19[%add3A_69, %dma_wait3A_112] : memref<10240x128xf32, #tpu.memory_space<vmem_shared>> -> memref<16x128xf32, #tpu.memory_space<vmem_shared>>
      tpu.wait_dma2 semaphore(%run_scoped3A : memref<!tpu.dma_semaphore, #tpu.memory_space<semaphore_mem>>) src(%arg18 : memref<16x128xf32, #tpu.memory_space<vmem>>) dst(%dma_wait3A_113 : memref<16x128xf32, #tpu.memory_space<vmem_shared>>)
      tpu.yield
    }) : () -> ()
    %add3A_70 = arith.constant 480 : i32
    %add3A_71 = arith.addi %mul3A_9, %add3A_70 : i32
    "tpu.region"() ({
      %run_scoped3A = tpu.sem_alloc : memref<!tpu.dma_semaphore, #tpu.memory_space<semaphore_mem>>
      %dma_start3A_106 = arith.constant 0 : i32
      %dma_start3A_107 = tpu.memref_slice %arg19[%add3A_71, %dma_start3A_106] : memref<10240x128xf32, #tpu.memory_space<vmem_shared>> -> memref<16x128xf32, #tpu.memory_space<vmem_shared>>
      %dma_start3A_108 = arith.constant 0 : i32
      %dma_start3A_109 = tpu.memref_slice %arg19[%add3A_71, %dma_start3A_108] : memref<10240x128xf32, #tpu.memory_space<vmem_shared>> -> memref<16x128xf32, #tpu.memory_space<vmem_shared>>
      tpu.enqueue_dma source(%arg18 : memref<16x128xf32, #tpu.memory_space<vmem>>) target(%dma_start3A_109 : memref<16x128xf32, #tpu.memory_space<vmem_shared>>) target_semaphore(%run_scoped3A : memref<!tpu.dma_semaphore, #tpu.memory_space<semaphore_mem>>)
      %dma_wait3A_110 = arith.constant 0 : i32
      %dma_wait3A_111 = tpu.memref_slice %arg19[%add3A_71, %dma_wait3A_110] : memref<10240x128xf32, #tpu.memory_space<vmem_shared>> -> memref<16x128xf32, #tpu.memory_space<vmem_shared>>
      %dma_wait3A_112 = arith.constant 0 : i32
      %dma_wait3A_113 = tpu.memref_slice %arg19[%add3A_71, %dma_wait3A_112] : memref<10240x128xf32, #tpu.memory_space<vmem_shared>> -> memref<16x128xf32, #tpu.memory_space<vmem_shared>>
      tpu.wait_dma2 semaphore(%run_scoped3A : memref<!tpu.dma_semaphore, #tpu.memory_space<semaphore_mem>>) src(%arg18 : memref<16x128xf32, #tpu.memory_space<vmem>>) dst(%dma_wait3A_113 : memref<16x128xf32, #tpu.memory_space<vmem_shared>>)
      tpu.yield
    }) : () -> ()
    %add3A_72 = arith.constant 496 : i32
    %add3A_73 = arith.addi %mul3A_9, %add3A_72 : i32
    "tpu.region"() ({
      %run_scoped3A = tpu.sem_alloc : memref<!tpu.dma_semaphore, #tpu.memory_space<semaphore_mem>>
      %dma_start3A_106 = arith.constant 0 : i32
      %dma_start3A_107 = tpu.memref_slice %arg19[%add3A_73, %dma_start3A_106] : memref<10240x128xf32, #tpu.memory_space<vmem_shared>> -> memref<16x128xf32, #tpu.memory_space<vmem_shared>>
      %dma_start3A_108 = arith.constant 0 : i32
      %dma_start3A_109 = tpu.memref_slice %arg19[%add3A_73, %dma_start3A_108] : memref<10240x128xf32, #tpu.memory_space<vmem_shared>> -> memref<16x128xf32, #tpu.memory_space<vmem_shared>>
      tpu.enqueue_dma source(%arg18 : memref<16x128xf32, #tpu.memory_space<vmem>>) target(%dma_start3A_109 : memref<16x128xf32, #tpu.memory_space<vmem_shared>>) target_semaphore(%run_scoped3A : memref<!tpu.dma_semaphore, #tpu.memory_space<semaphore_mem>>)
      %dma_wait3A_110 = arith.constant 0 : i32
      %dma_wait3A_111 = tpu.memref_slice %arg19[%add3A_73, %dma_wait3A_110] : memref<10240x128xf32, #tpu.memory_space<vmem_shared>> -> memref<16x128xf32, #tpu.memory_space<vmem_shared>>
      %dma_wait3A_112 = arith.constant 0 : i32
      %dma_wait3A_113 = tpu.memref_slice %arg19[%add3A_73, %dma_wait3A_112] : memref<10240x128xf32, #tpu.memory_space<vmem_shared>> -> memref<16x128xf32, #tpu.memory_space<vmem_shared>>
      tpu.wait_dma2 semaphore(%run_scoped3A : memref<!tpu.dma_semaphore, #tpu.memory_space<semaphore_mem>>) src(%arg18 : memref<16x128xf32, #tpu.memory_space<vmem>>) dst(%dma_wait3A_113 : memref<16x128xf32, #tpu.memory_space<vmem_shared>>)
      tpu.yield
    }) : () -> ()
    %add3A_74 = arith.constant 512 : i32
    %add3A_75 = arith.addi %mul3A_9, %add3A_74 : i32
    "tpu.region"() ({
      %run_scoped3A = tpu.sem_alloc : memref<!tpu.dma_semaphore, #tpu.memory_space<semaphore_mem>>
      %dma_start3A_106 = arith.constant 0 : i32
      %dma_start3A_107 = tpu.memref_slice %arg19[%add3A_75, %dma_start3A_106] : memref<10240x128xf32, #tpu.memory_space<vmem_shared>> -> memref<16x128xf32, #tpu.memory_space<vmem_shared>>
      %dma_start3A_108 = arith.constant 0 : i32
      %dma_start3A_109 = tpu.memref_slice %arg19[%add3A_75, %dma_start3A_108] : memref<10240x128xf32, #tpu.memory_space<vmem_shared>> -> memref<16x128xf32, #tpu.memory_space<vmem_shared>>
      tpu.enqueue_dma source(%arg18 : memref<16x128xf32, #tpu.memory_space<vmem>>) target(%dma_start3A_109 : memref<16x128xf32, #tpu.memory_space<vmem_shared>>) target_semaphore(%run_scoped3A : memref<!tpu.dma_semaphore, #tpu.memory_space<semaphore_mem>>)
      %dma_wait3A_110 = arith.constant 0 : i32
      %dma_wait3A_111 = tpu.memref_slice %arg19[%add3A_75, %dma_wait3A_110] : memref<10240x128xf32, #tpu.memory_space<vmem_shared>> -> memref<16x128xf32, #tpu.memory_space<vmem_shared>>
      %dma_wait3A_112 = arith.constant 0 : i32
      %dma_wait3A_113 = tpu.memref_slice %arg19[%add3A_75, %dma_wait3A_112] : memref<10240x128xf32, #tpu.memory_space<vmem_shared>> -> memref<16x128xf32, #tpu.memory_space<vmem_shared>>
      tpu.wait_dma2 semaphore(%run_scoped3A : memref<!tpu.dma_semaphore, #tpu.memory_space<semaphore_mem>>) src(%arg18 : memref<16x128xf32, #tpu.memory_space<vmem>>) dst(%dma_wait3A_113 : memref<16x128xf32, #tpu.memory_space<vmem_shared>>)
      tpu.yield
    }) : () -> ()
    %add3A_76 = arith.constant 528 : i32
    %add3A_77 = arith.addi %mul3A_9, %add3A_76 : i32
    "tpu.region"() ({
      %run_scoped3A = tpu.sem_alloc : memref<!tpu.dma_semaphore, #tpu.memory_space<semaphore_mem>>
      %dma_start3A_106 = arith.constant 0 : i32
      %dma_start3A_107 = tpu.memref_slice %arg19[%add3A_77, %dma_start3A_106] : memref<10240x128xf32, #tpu.memory_space<vmem_shared>> -> memref<16x128xf32, #tpu.memory_space<vmem_shared>>
      %dma_start3A_108 = arith.constant 0 : i32
      %dma_start3A_109 = tpu.memref_slice %arg19[%add3A_77, %dma_start3A_108] : memref<10240x128xf32, #tpu.memory_space<vmem_shared>> -> memref<16x128xf32, #tpu.memory_space<vmem_shared>>
      tpu.enqueue_dma source(%arg18 : memref<16x128xf32, #tpu.memory_space<vmem>>) target(%dma_start3A_109 : memref<16x128xf32, #tpu.memory_space<vmem_shared>>) target_semaphore(%run_scoped3A : memref<!tpu.dma_semaphore, #tpu.memory_space<semaphore_mem>>)
      %dma_wait3A_110 = arith.constant 0 : i32
      %dma_wait3A_111 = tpu.memref_slice %arg19[%add3A_77, %dma_wait3A_110] : memref<10240x128xf32, #tpu.memory_space<vmem_shared>> -> memref<16x128xf32, #tpu.memory_space<vmem_shared>>
      %dma_wait3A_112 = arith.constant 0 : i32
      %dma_wait3A_113 = tpu.memref_slice %arg19[%add3A_77, %dma_wait3A_112] : memref<10240x128xf32, #tpu.memory_space<vmem_shared>> -> memref<16x128xf32, #tpu.memory_space<vmem_shared>>
      tpu.wait_dma2 semaphore(%run_scoped3A : memref<!tpu.dma_semaphore, #tpu.memory_space<semaphore_mem>>) src(%arg18 : memref<16x128xf32, #tpu.memory_space<vmem>>) dst(%dma_wait3A_113 : memref<16x128xf32, #tpu.memory_space<vmem_shared>>)
      tpu.yield
    }) : () -> ()
    %add3A_78 = arith.constant 544 : i32
    %add3A_79 = arith.addi %mul3A_9, %add3A_78 : i32
    "tpu.region"() ({
      %run_scoped3A = tpu.sem_alloc : memref<!tpu.dma_semaphore, #tpu.memory_space<semaphore_mem>>
      %dma_start3A_106 = arith.constant 0 : i32
      %dma_start3A_107 = tpu.memref_slice %arg19[%add3A_79, %dma_start3A_106] : memref<10240x128xf32, #tpu.memory_space<vmem_shared>> -> memref<16x128xf32, #tpu.memory_space<vmem_shared>>
      %dma_start3A_108 = arith.constant 0 : i32
      %dma_start3A_109 = tpu.memref_slice %arg19[%add3A_79, %dma_start3A_108] : memref<10240x128xf32, #tpu.memory_space<vmem_shared>> -> memref<16x128xf32, #tpu.memory_space<vmem_shared>>
      tpu.enqueue_dma source(%arg18 : memref<16x128xf32, #tpu.memory_space<vmem>>) target(%dma_start3A_109 : memref<16x128xf32, #tpu.memory_space<vmem_shared>>) target_semaphore(%run_scoped3A : memref<!tpu.dma_semaphore, #tpu.memory_space<semaphore_mem>>)
      %dma_wait3A_110 = arith.constant 0 : i32
      %dma_wait3A_111 = tpu.memref_slice %arg19[%add3A_79, %dma_wait3A_110] : memref<10240x128xf32, #tpu.memory_space<vmem_shared>> -> memref<16x128xf32, #tpu.memory_space<vmem_shared>>
      %dma_wait3A_112 = arith.constant 0 : i32
      %dma_wait3A_113 = tpu.memref_slice %arg19[%add3A_79, %dma_wait3A_112] : memref<10240x128xf32, #tpu.memory_space<vmem_shared>> -> memref<16x128xf32, #tpu.memory_space<vmem_shared>>
      tpu.wait_dma2 semaphore(%run_scoped3A : memref<!tpu.dma_semaphore, #tpu.memory_space<semaphore_mem>>) src(%arg18 : memref<16x128xf32, #tpu.memory_space<vmem>>) dst(%dma_wait3A_113 : memref<16x128xf32, #tpu.memory_space<vmem_shared>>)
      tpu.yield
    }) : () -> ()
    %add3A_80 = arith.constant 560 : i32
    %add3A_81 = arith.addi %mul3A_9, %add3A_80 : i32
    "tpu.region"() ({
      %run_scoped3A = tpu.sem_alloc : memref<!tpu.dma_semaphore, #tpu.memory_space<semaphore_mem>>
      %dma_start3A_106 = arith.constant 0 : i32
      %dma_start3A_107 = tpu.memref_slice %arg19[%add3A_81, %dma_start3A_106] : memref<10240x128xf32, #tpu.memory_space<vmem_shared>> -> memref<16x128xf32, #tpu.memory_space<vmem_shared>>
      %dma_start3A_108 = arith.constant 0 : i32
      %dma_start3A_109 = tpu.memref_slice %arg19[%add3A_81, %dma_start3A_108] : memref<10240x128xf32, #tpu.memory_space<vmem_shared>> -> memref<16x128xf32, #tpu.memory_space<vmem_shared>>
      tpu.enqueue_dma source(%arg18 : memref<16x128xf32, #tpu.memory_space<vmem>>) target(%dma_start3A_109 : memref<16x128xf32, #tpu.memory_space<vmem_shared>>) target_semaphore(%run_scoped3A : memref<!tpu.dma_semaphore, #tpu.memory_space<semaphore_mem>>)
      %dma_wait3A_110 = arith.constant 0 : i32
      %dma_wait3A_111 = tpu.memref_slice %arg19[%add3A_81, %dma_wait3A_110] : memref<10240x128xf32, #tpu.memory_space<vmem_shared>> -> memref<16x128xf32, #tpu.memory_space<vmem_shared>>
      %dma_wait3A_112 = arith.constant 0 : i32
      %dma_wait3A_113 = tpu.memref_slice %arg19[%add3A_81, %dma_wait3A_112] : memref<10240x128xf32, #tpu.memory_space<vmem_shared>> -> memref<16x128xf32, #tpu.memory_space<vmem_shared>>
      tpu.wait_dma2 semaphore(%run_scoped3A : memref<!tpu.dma_semaphore, #tpu.memory_space<semaphore_mem>>) src(%arg18 : memref<16x128xf32, #tpu.memory_space<vmem>>) dst(%dma_wait3A_113 : memref<16x128xf32, #tpu.memory_space<vmem_shared>>)
      tpu.yield
    }) : () -> ()
    %add3A_82 = arith.constant 576 : i32
    %add3A_83 = arith.addi %mul3A_9, %add3A_82 : i32
    "tpu.region"() ({
      %run_scoped3A = tpu.sem_alloc : memref<!tpu.dma_semaphore, #tpu.memory_space<semaphore_mem>>
      %dma_start3A_106 = arith.constant 0 : i32
      %dma_start3A_107 = tpu.memref_slice %arg19[%add3A_83, %dma_start3A_106] : memref<10240x128xf32, #tpu.memory_space<vmem_shared>> -> memref<16x128xf32, #tpu.memory_space<vmem_shared>>
      %dma_start3A_108 = arith.constant 0 : i32
      %dma_start3A_109 = tpu.memref_slice %arg19[%add3A_83, %dma_start3A_108] : memref<10240x128xf32, #tpu.memory_space<vmem_shared>> -> memref<16x128xf32, #tpu.memory_space<vmem_shared>>
      tpu.enqueue_dma source(%arg18 : memref<16x128xf32, #tpu.memory_space<vmem>>) target(%dma_start3A_109 : memref<16x128xf32, #tpu.memory_space<vmem_shared>>) target_semaphore(%run_scoped3A : memref<!tpu.dma_semaphore, #tpu.memory_space<semaphore_mem>>)
      %dma_wait3A_110 = arith.constant 0 : i32
      %dma_wait3A_111 = tpu.memref_slice %arg19[%add3A_83, %dma_wait3A_110] : memref<10240x128xf32, #tpu.memory_space<vmem_shared>> -> memref<16x128xf32, #tpu.memory_space<vmem_shared>>
      %dma_wait3A_112 = arith.constant 0 : i32
      %dma_wait3A_113 = tpu.memref_slice %arg19[%add3A_83, %dma_wait3A_112] : memref<10240x128xf32, #tpu.memory_space<vmem_shared>> -> memref<16x128xf32, #tpu.memory_space<vmem_shared>>
      tpu.wait_dma2 semaphore(%run_scoped3A : memref<!tpu.dma_semaphore, #tpu.memory_space<semaphore_mem>>) src(%arg18 : memref<16x128xf32, #tpu.memory_space<vmem>>) dst(%dma_wait3A_113 : memref<16x128xf32, #tpu.memory_space<vmem_shared>>)
      tpu.yield
    }) : () -> ()
    %add3A_84 = arith.constant 592 : i32
    %add3A_85 = arith.addi %mul3A_9, %add3A_84 : i32
    "tpu.region"() ({
      %run_scoped3A = tpu.sem_alloc : memref<!tpu.dma_semaphore, #tpu.memory_space<semaphore_mem>>
      %dma_start3A_106 = arith.constant 0 : i32
      %dma_start3A_107 = tpu.memref_slice %arg19[%add3A_85, %dma_start3A_106] : memref<10240x128xf32, #tpu.memory_space<vmem_shared>> -> memref<16x128xf32, #tpu.memory_space<vmem_shared>>
      %dma_start3A_108 = arith.constant 0 : i32
      %dma_start3A_109 = tpu.memref_slice %arg19[%add3A_85, %dma_start3A_108] : memref<10240x128xf32, #tpu.memory_space<vmem_shared>> -> memref<16x128xf32, #tpu.memory_space<vmem_shared>>
      tpu.enqueue_dma source(%arg18 : memref<16x128xf32, #tpu.memory_space<vmem>>) target(%dma_start3A_109 : memref<16x128xf32, #tpu.memory_space<vmem_shared>>) target_semaphore(%run_scoped3A : memref<!tpu.dma_semaphore, #tpu.memory_space<semaphore_mem>>)
      %dma_wait3A_110 = arith.constant 0 : i32
      %dma_wait3A_111 = tpu.memref_slice %arg19[%add3A_85, %dma_wait3A_110] : memref<10240x128xf32, #tpu.memory_space<vmem_shared>> -> memref<16x128xf32, #tpu.memory_space<vmem_shared>>
      %dma_wait3A_112 = arith.constant 0 : i32
      %dma_wait3A_113 = tpu.memref_slice %arg19[%add3A_85, %dma_wait3A_112] : memref<10240x128xf32, #tpu.memory_space<vmem_shared>> -> memref<16x128xf32, #tpu.memory_space<vmem_shared>>
      tpu.wait_dma2 semaphore(%run_scoped3A : memref<!tpu.dma_semaphore, #tpu.memory_space<semaphore_mem>>) src(%arg18 : memref<16x128xf32, #tpu.memory_space<vmem>>) dst(%dma_wait3A_113 : memref<16x128xf32, #tpu.memory_space<vmem_shared>>)
      tpu.yield
    }) : () -> ()
    %add3A_86 = arith.constant 608 : i32
    %add3A_87 = arith.addi %mul3A_9, %add3A_86 : i32
    "tpu.region"() ({
      %run_scoped3A = tpu.sem_alloc : memref<!tpu.dma_semaphore, #tpu.memory_space<semaphore_mem>>
      %dma_start3A_106 = arith.constant 0 : i32
      %dma_start3A_107 = tpu.memref_slice %arg19[%add3A_87, %dma_start3A_106] : memref<10240x128xf32, #tpu.memory_space<vmem_shared>> -> memref<16x128xf32, #tpu.memory_space<vmem_shared>>
      %dma_start3A_108 = arith.constant 0 : i32
      %dma_start3A_109 = tpu.memref_slice %arg19[%add3A_87, %dma_start3A_108] : memref<10240x128xf32, #tpu.memory_space<vmem_shared>> -> memref<16x128xf32, #tpu.memory_space<vmem_shared>>
      tpu.enqueue_dma source(%arg18 : memref<16x128xf32, #tpu.memory_space<vmem>>) target(%dma_start3A_109 : memref<16x128xf32, #tpu.memory_space<vmem_shared>>) target_semaphore(%run_scoped3A : memref<!tpu.dma_semaphore, #tpu.memory_space<semaphore_mem>>)
      %dma_wait3A_110 = arith.constant 0 : i32
      %dma_wait3A_111 = tpu.memref_slice %arg19[%add3A_87, %dma_wait3A_110] : memref<10240x128xf32, #tpu.memory_space<vmem_shared>> -> memref<16x128xf32, #tpu.memory_space<vmem_shared>>
      %dma_wait3A_112 = arith.constant 0 : i32
      %dma_wait3A_113 = tpu.memref_slice %arg19[%add3A_87, %dma_wait3A_112] : memref<10240x128xf32, #tpu.memory_space<vmem_shared>> -> memref<16x128xf32, #tpu.memory_space<vmem_shared>>
      tpu.wait_dma2 semaphore(%run_scoped3A : memref<!tpu.dma_semaphore, #tpu.memory_space<semaphore_mem>>) src(%arg18 : memref<16x128xf32, #tpu.memory_space<vmem>>) dst(%dma_wait3A_113 : memref<16x128xf32, #tpu.memory_space<vmem_shared>>)
      tpu.yield
    }) : () -> ()
    %add3A_88 = arith.constant 624 : i32
    %add3A_89 = arith.addi %mul3A_9, %add3A_88 : i32
    "tpu.region"() ({
      %run_scoped3A = tpu.sem_alloc : memref<!tpu.dma_semaphore, #tpu.memory_space<semaphore_mem>>
      %dma_start3A_106 = arith.constant 0 : i32
      %dma_start3A_107 = tpu.memref_slice %arg19[%add3A_89, %dma_start3A_106] : memref<10240x128xf32, #tpu.memory_space<vmem_shared>> -> memref<16x128xf32, #tpu.memory_space<vmem_shared>>
      %dma_start3A_108 = arith.constant 0 : i32
      %dma_start3A_109 = tpu.memref_slice %arg19[%add3A_89, %dma_start3A_108] : memref<10240x128xf32, #tpu.memory_space<vmem_shared>> -> memref<16x128xf32, #tpu.memory_space<vmem_shared>>
      tpu.enqueue_dma source(%arg18 : memref<16x128xf32, #tpu.memory_space<vmem>>) target(%dma_start3A_109 : memref<16x128xf32, #tpu.memory_space<vmem_shared>>) target_semaphore(%run_scoped3A : memref<!tpu.dma_semaphore, #tpu.memory_space<semaphore_mem>>)
      %dma_wait3A_110 = arith.constant 0 : i32
      %dma_wait3A_111 = tpu.memref_slice %arg19[%add3A_89, %dma_wait3A_110] : memref<10240x128xf32, #tpu.memory_space<vmem_shared>> -> memref<16x128xf32, #tpu.memory_space<vmem_shared>>
      %dma_wait3A_112 = arith.constant 0 : i32
      %dma_wait3A_113 = tpu.memref_slice %arg19[%add3A_89, %dma_wait3A_112] : memref<10240x128xf32, #tpu.memory_space<vmem_shared>> -> memref<16x128xf32, #tpu.memory_space<vmem_shared>>
      tpu.wait_dma2 semaphore(%run_scoped3A : memref<!tpu.dma_semaphore, #tpu.memory_space<semaphore_mem>>) src(%arg18 : memref<16x128xf32, #tpu.memory_space<vmem>>) dst(%dma_wait3A_113 : memref<16x128xf32, #tpu.memory_space<vmem_shared>>)
      tpu.yield
    }) : () -> ()
    %barrier3A = arith.constant 0 : index
    tpu.barrier barrier_id(%barrier3A)
    %scan3A_90 = arith.constant 0 : i32
    %scan3A_91 = arith.constant 0 : i32
    %scan3A_92 = arith.constant 31 : i32
    %scan3A_93 = arith.addi %scan3A_91, %scan3A_92 : i32
    %scan3A_94 = arith.constant 1 : i32
    scf.for %scan3A_106 = %scan3A_91 to %scan3A_93 step %scan3A_94  : i32 {
      %mul3A_107 = arith.constant 4 : i32
      %mul3A_108 = arith.muli %mul3A_107, %scan3A_106 : i32
      %add3A_109 = arith.constant 0 : i32
      %add3A_110 = arith.addi %mul3A_108, %add3A_109 : i32
      %mul3A_111 = arith.constant 80 : i32
      %mul3A_112 = arith.muli %add3A_110, %mul3A_111 : i32
      %add3A_113 = arith.addi %mul3A_2, %mul3A_112 : i32
      "tpu.region"() ({
        %run_scoped3A = tpu.sem_alloc : memref<!tpu.dma_semaphore, #tpu.memory_space<semaphore_mem>>
        %dma_start3A_159 = tpu.memref_slice %arg3[%add3A_113] : memref<320000xi32, #tpu.memory_space<hbm>> -> memref<80xi32, #tpu.memory_space<hbm>>
        %dma_start3A_160 = tpu.memref_slice %arg3[%add3A_113] : memref<320000xi32, #tpu.memory_space<hbm>> -> memref<80xi32, #tpu.memory_space<hbm>>
        tpu.enqueue_dma source(%dma_start3A_160 : memref<80xi32, #tpu.memory_space<hbm>>) target(%arg6 : memref<80xi32, #tpu.memory_space<vmem>>) target_semaphore(%run_scoped3A : memref<!tpu.dma_semaphore, #tpu.memory_space<semaphore_mem>>)
        %dma_wait3A_161 = tpu.memref_slice %arg3[%add3A_113] : memref<320000xi32, #tpu.memory_space<hbm>> -> memref<80xi32, #tpu.memory_space<hbm>>
        %dma_wait3A_162 = tpu.memref_slice %arg3[%add3A_113] : memref<320000xi32, #tpu.memory_space<hbm>> -> memref<80xi32, #tpu.memory_space<hbm>>
        tpu.wait_dma2 semaphore(%run_scoped3A : memref<!tpu.dma_semaphore, #tpu.memory_space<semaphore_mem>>) src(%dma_wait3A_162 : memref<80xi32, #tpu.memory_space<hbm>>) dst(%arg6 : memref<80xi32, #tpu.memory_space<vmem>>)
        tpu.yield
      }) : () -> ()
      "tpu.region"() ({
        %run_scoped3A = tpu.sem_alloc : memref<!tpu.dma_semaphore, #tpu.memory_space<semaphore_mem>>
        %dma_start3A_159 = tpu.memref_slice %arg4[%add3A_113] : memref<320000xi32, #tpu.memory_space<hbm>> -> memref<80xi32, #tpu.memory_space<hbm>>
        %dma_start3A_160 = tpu.memref_slice %arg4[%add3A_113] : memref<320000xi32, #tpu.memory_space<hbm>> -> memref<80xi32, #tpu.memory_space<hbm>>
        tpu.enqueue_dma source(%dma_start3A_160 : memref<80xi32, #tpu.memory_space<hbm>>) target(%arg7 : memref<80xi32, #tpu.memory_space<vmem>>) target_semaphore(%run_scoped3A : memref<!tpu.dma_semaphore, #tpu.memory_space<semaphore_mem>>)
        %dma_wait3A_161 = tpu.memref_slice %arg4[%add3A_113] : memref<320000xi32, #tpu.memory_space<hbm>> -> memref<80xi32, #tpu.memory_space<hbm>>
        %dma_wait3A_162 = tpu.memref_slice %arg4[%add3A_113] : memref<320000xi32, #tpu.memory_space<hbm>> -> memref<80xi32, #tpu.memory_space<hbm>>
        tpu.wait_dma2 semaphore(%run_scoped3A : memref<!tpu.dma_semaphore, #tpu.memory_space<semaphore_mem>>) src(%dma_wait3A_162 : memref<80xi32, #tpu.memory_space<hbm>>) dst(%arg7 : memref<80xi32, #tpu.memory_space<vmem>>)
        tpu.yield
      }) : () -> ()
      %dma_start3A_114 = arith.constant 0 : i32
      %dma_start3A_115 = arith.constant 0 : i32
      %dma_start3A_116 = tpu.memref_slice %arg2[%dma_start3A_114, %dma_start3A_115] : memref<10240x128xf32, #tpu.memory_space<hbm>> -> memref<10240x128xf32, #tpu.memory_space<hbm>>
      tpu.enqueue_indirect_dma source(%dma_start3A_116 : memref<10240x128xf32, #tpu.memory_space<hbm>>) target(%arg8 : memref<80x128xf32, #tpu.memory_space<vmem>>) offsets(%arg7 : memref<80xi32, #tpu.memory_space<vmem>>) semaphore(%arg20 : memref<!tpu.dma_semaphore, #tpu.memory_space<semaphore_mem>>)
      %mul3A_117 = arith.constant 4 : i32
      %mul3A_118 = arith.muli %mul3A_117, %scan3A_106 : i32
      %add3A_119 = arith.constant 1 : i32
      %add3A_120 = arith.addi %mul3A_118, %add3A_119 : i32
      %mul3A_121 = arith.constant 80 : i32
      %mul3A_122 = arith.muli %add3A_120, %mul3A_121 : i32
      %add3A_123 = arith.addi %mul3A_2, %mul3A_122 : i32
      "tpu.region"() ({
        %run_scoped3A = tpu.sem_alloc : memref<!tpu.dma_semaphore, #tpu.memory_space<semaphore_mem>>
        %dma_start3A_159 = tpu.memref_slice %arg3[%add3A_123] : memref<320000xi32, #tpu.memory_space<hbm>> -> memref<80xi32, #tpu.memory_space<hbm>>
        %dma_start3A_160 = tpu.memref_slice %arg3[%add3A_123] : memref<320000xi32, #tpu.memory_space<hbm>> -> memref<80xi32, #tpu.memory_space<hbm>>
        tpu.enqueue_dma source(%dma_start3A_160 : memref<80xi32, #tpu.memory_space<hbm>>) target(%arg9 : memref<80xi32, #tpu.memory_space<vmem>>) target_semaphore(%run_scoped3A : memref<!tpu.dma_semaphore, #tpu.memory_space<semaphore_mem>>)
        %dma_wait3A_161 = tpu.memref_slice %arg3[%add3A_123] : memref<320000xi32, #tpu.memory_space<hbm>> -> memref<80xi32, #tpu.memory_space<hbm>>
        %dma_wait3A_162 = tpu.memref_slice %arg3[%add3A_123] : memref<320000xi32, #tpu.memory_space<hbm>> -> memref<80xi32, #tpu.memory_space<hbm>>
        tpu.wait_dma2 semaphore(%run_scoped3A : memref<!tpu.dma_semaphore, #tpu.memory_space<semaphore_mem>>) src(%dma_wait3A_162 : memref<80xi32, #tpu.memory_space<hbm>>) dst(%arg9 : memref<80xi32, #tpu.memory_space<vmem>>)
        tpu.yield
      }) : () -> ()
      "tpu.region"() ({
        %run_scoped3A = tpu.sem_alloc : memref<!tpu.dma_semaphore, #tpu.memory_space<semaphore_mem>>
        %dma_start3A_159 = tpu.memref_slice %arg4[%add3A_123] : memref<320000xi32, #tpu.memory_space<hbm>> -> memref<80xi32, #tpu.memory_space<hbm>>
        %dma_start3A_160 = tpu.memref_slice %arg4[%add3A_123] : memref<320000xi32, #tpu.memory_space<hbm>> -> memref<80xi32, #tpu.memory_space<hbm>>
        tpu.enqueue_dma source(%dma_start3A_160 : memref<80xi32, #tpu.memory_space<hbm>>) target(%arg10 : memref<80xi32, #tpu.memory_space<vmem>>) target_semaphore(%run_scoped3A : memref<!tpu.dma_semaphore, #tpu.memory_space<semaphore_mem>>)
        %dma_wait3A_161 = tpu.memref_slice %arg4[%add3A_123] : memref<320000xi32, #tpu.memory_space<hbm>> -> memref<80xi32, #tpu.memory_space<hbm>>
        %dma_wait3A_162 = tpu.memref_slice %arg4[%add3A_123] : memref<320000xi32, #tpu.memory_space<hbm>> -> memref<80xi32, #tpu.memory_space<hbm>>
        tpu.wait_dma2 semaphore(%run_scoped3A : memref<!tpu.dma_semaphore, #tpu.memory_space<semaphore_mem>>) src(%dma_wait3A_162 : memref<80xi32, #tpu.memory_space<hbm>>) dst(%arg10 : memref<80xi32, #tpu.memory_space<vmem>>)
        tpu.yield
      }) : () -> ()
      %dma_start3A_124 = arith.constant 0 : i32
      %dma_start3A_125 = arith.constant 0 : i32
      %dma_start3A_126 = tpu.memref_slice %arg2[%dma_start3A_124, %dma_start3A_125] : memref<10240x128xf32, #tpu.memory_space<hbm>> -> memref<10240x128xf32, #tpu.memory_space<hbm>>
      tpu.enqueue_indirect_dma source(%dma_start3A_126 : memref<10240x128xf32, #tpu.memory_space<hbm>>) target(%arg11 : memref<80x128xf32, #tpu.memory_space<vmem>>) offsets(%arg10 : memref<80xi32, #tpu.memory_space<vmem>>) semaphore(%arg21 : memref<!tpu.dma_semaphore, #tpu.memory_space<semaphore_mem>>)
      %mul3A_127 = arith.constant 4 : i32
      %mul3A_128 = arith.muli %mul3A_127, %scan3A_106 : i32
      %add3A_129 = arith.constant 2 : i32
      %add3A_130 = arith.addi %mul3A_128, %add3A_129 : i32
      %mul3A_131 = arith.constant 80 : i32
      %mul3A_132 = arith.muli %add3A_130, %mul3A_131 : i32
      %add3A_133 = arith.addi %mul3A_2, %mul3A_132 : i32
      "tpu.region"() ({
        %run_scoped3A = tpu.sem_alloc : memref<!tpu.dma_semaphore, #tpu.memory_space<semaphore_mem>>
        %dma_start3A_159 = tpu.memref_slice %arg3[%add3A_133] : memref<320000xi32, #tpu.memory_space<hbm>> -> memref<80xi32, #tpu.memory_space<hbm>>
        %dma_start3A_160 = tpu.memref_slice %arg3[%add3A_133] : memref<320000xi32, #tpu.memory_space<hbm>> -> memref<80xi32, #tpu.memory_space<hbm>>
        tpu.enqueue_dma source(%dma_start3A_160 : memref<80xi32, #tpu.memory_space<hbm>>) target(%arg12 : memref<80xi32, #tpu.memory_space<vmem>>) target_semaphore(%run_scoped3A : memref<!tpu.dma_semaphore, #tpu.memory_space<semaphore_mem>>)
        %dma_wait3A_161 = tpu.memref_slice %arg3[%add3A_133] : memref<320000xi32, #tpu.memory_space<hbm>> -> memref<80xi32, #tpu.memory_space<hbm>>
        %dma_wait3A_162 = tpu.memref_slice %arg3[%add3A_133] : memref<320000xi32, #tpu.memory_space<hbm>> -> memref<80xi32, #tpu.memory_space<hbm>>
        tpu.wait_dma2 semaphore(%run_scoped3A : memref<!tpu.dma_semaphore, #tpu.memory_space<semaphore_mem>>) src(%dma_wait3A_162 : memref<80xi32, #tpu.memory_space<hbm>>) dst(%arg12 : memref<80xi32, #tpu.memory_space<vmem>>)
        tpu.yield
      }) : () -> ()
      "tpu.region"() ({
        %run_scoped3A = tpu.sem_alloc : memref<!tpu.dma_semaphore, #tpu.memory_space<semaphore_mem>>
        %dma_start3A_159 = tpu.memref_slice %arg4[%add3A_133] : memref<320000xi32, #tpu.memory_space<hbm>> -> memref<80xi32, #tpu.memory_space<hbm>>
        %dma_start3A_160 = tpu.memref_slice %arg4[%add3A_133] : memref<320000xi32, #tpu.memory_space<hbm>> -> memref<80xi32, #tpu.memory_space<hbm>>
        tpu.enqueue_dma source(%dma_start3A_160 : memref<80xi32, #tpu.memory_space<hbm>>) target(%arg13 : memref<80xi32, #tpu.memory_space<vmem>>) target_semaphore(%run_scoped3A : memref<!tpu.dma_semaphore, #tpu.memory_space<semaphore_mem>>)
        %dma_wait3A_161 = tpu.memref_slice %arg4[%add3A_133] : memref<320000xi32, #tpu.memory_space<hbm>> -> memref<80xi32, #tpu.memory_space<hbm>>
        %dma_wait3A_162 = tpu.memref_slice %arg4[%add3A_133] : memref<320000xi32, #tpu.memory_space<hbm>> -> memref<80xi32, #tpu.memory_space<hbm>>
        tpu.wait_dma2 semaphore(%run_scoped3A : memref<!tpu.dma_semaphore, #tpu.memory_space<semaphore_mem>>) src(%dma_wait3A_162 : memref<80xi32, #tpu.memory_space<hbm>>) dst(%arg13 : memref<80xi32, #tpu.memory_space<vmem>>)
        tpu.yield
      }) : () -> ()
      %dma_start3A_134 = arith.constant 0 : i32
      %dma_start3A_135 = arith.constant 0 : i32
      %dma_start3A_136 = tpu.memref_slice %arg2[%dma_start3A_134, %dma_start3A_135] : memref<10240x128xf32, #tpu.memory_space<hbm>> -> memref<10240x128xf32, #tpu.memory_space<hbm>>
      tpu.enqueue_indirect_dma source(%dma_start3A_136 : memref<10240x128xf32, #tpu.memory_space<hbm>>) target(%arg14 : memref<80x128xf32, #tpu.memory_space<vmem>>) offsets(%arg13 : memref<80xi32, #tpu.memory_space<vmem>>) semaphore(%arg22 : memref<!tpu.dma_semaphore, #tpu.memory_space<semaphore_mem>>)
      %mul3A_137 = arith.constant 4 : i32
      %mul3A_138 = arith.muli %mul3A_137, %scan3A_106 : i32
      %add3A_139 = arith.constant 3 : i32
      %add3A_140 = arith.addi %mul3A_138, %add3A_139 : i32
      %mul3A_141 = arith.constant 80 : i32
      %mul3A_142 = arith.muli %add3A_140, %mul3A_141 : i32
      %add3A_143 = arith.addi %mul3A_2, %mul3A_142 : i32
      "tpu.region"() ({
        %run_scoped3A = tpu.sem_alloc : memref<!tpu.dma_semaphore, #tpu.memory_space<semaphore_mem>>
        %dma_start3A_159 = tpu.memref_slice %arg3[%add3A_143] : memref<320000xi32, #tpu.memory_space<hbm>> -> memref<80xi32, #tpu.memory_space<hbm>>
        %dma_start3A_160 = tpu.memref_slice %arg3[%add3A_143] : memref<320000xi32, #tpu.memory_space<hbm>> -> memref<80xi32, #tpu.memory_space<hbm>>
        tpu.enqueue_dma source(%dma_start3A_160 : memref<80xi32, #tpu.memory_space<hbm>>) target(%arg15 : memref<80xi32, #tpu.memory_space<vmem>>) target_semaphore(%run_scoped3A : memref<!tpu.dma_semaphore, #tpu.memory_space<semaphore_mem>>)
        %dma_wait3A_161 = tpu.memref_slice %arg3[%add3A_143] : memref<320000xi32, #tpu.memory_space<hbm>> -> memref<80xi32, #tpu.memory_space<hbm>>
        %dma_wait3A_162 = tpu.memref_slice %arg3[%add3A_143] : memref<320000xi32, #tpu.memory_space<hbm>> -> memref<80xi32, #tpu.memory_space<hbm>>
        tpu.wait_dma2 semaphore(%run_scoped3A : memref<!tpu.dma_semaphore, #tpu.memory_space<semaphore_mem>>) src(%dma_wait3A_162 : memref<80xi32, #tpu.memory_space<hbm>>) dst(%arg15 : memref<80xi32, #tpu.memory_space<vmem>>)
        tpu.yield
      }) : () -> ()
      "tpu.region"() ({
        %run_scoped3A = tpu.sem_alloc : memref<!tpu.dma_semaphore, #tpu.memory_space<semaphore_mem>>
        %dma_start3A_159 = tpu.memref_slice %arg4[%add3A_143] : memref<320000xi32, #tpu.memory_space<hbm>> -> memref<80xi32, #tpu.memory_space<hbm>>
        %dma_start3A_160 = tpu.memref_slice %arg4[%add3A_143] : memref<320000xi32, #tpu.memory_space<hbm>> -> memref<80xi32, #tpu.memory_space<hbm>>
        tpu.enqueue_dma source(%dma_start3A_160 : memref<80xi32, #tpu.memory_space<hbm>>) target(%arg16 : memref<80xi32, #tpu.memory_space<vmem>>) target_semaphore(%run_scoped3A : memref<!tpu.dma_semaphore, #tpu.memory_space<semaphore_mem>>)
        %dma_wait3A_161 = tpu.memref_slice %arg4[%add3A_143] : memref<320000xi32, #tpu.memory_space<hbm>> -> memref<80xi32, #tpu.memory_space<hbm>>
        %dma_wait3A_162 = tpu.memref_slice %arg4[%add3A_143] : memref<320000xi32, #tpu.memory_space<hbm>> -> memref<80xi32, #tpu.memory_space<hbm>>
        tpu.wait_dma2 semaphore(%run_scoped3A : memref<!tpu.dma_semaphore, #tpu.memory_space<semaphore_mem>>) src(%dma_wait3A_162 : memref<80xi32, #tpu.memory_space<hbm>>) dst(%arg16 : memref<80xi32, #tpu.memory_space<vmem>>)
        tpu.yield
      }) : () -> ()
      %dma_start3A_144 = arith.constant 0 : i32
      %dma_start3A_145 = arith.constant 0 : i32
      %dma_start3A_146 = tpu.memref_slice %arg2[%dma_start3A_144, %dma_start3A_145] : memref<10240x128xf32, #tpu.memory_space<hbm>> -> memref<10240x128xf32, #tpu.memory_space<hbm>>
      tpu.enqueue_indirect_dma source(%dma_start3A_146 : memref<10240x128xf32, #tpu.memory_space<hbm>>) target(%arg17 : memref<80x128xf32, #tpu.memory_space<vmem>>) offsets(%arg16 : memref<80xi32, #tpu.memory_space<vmem>>) semaphore(%arg23 : memref<!tpu.dma_semaphore, #tpu.memory_space<semaphore_mem>>)
      %dma_wait3A_147 = arith.constant 0 : i32
      %dma_wait3A_148 = arith.constant 0 : i32
      %dma_wait3A_149 = tpu.memref_slice %arg2[%dma_wait3A_147, %dma_wait3A_148] : memref<10240x128xf32, #tpu.memory_space<hbm>> -> memref<10240x128xf32, #tpu.memory_space<hbm>>
      tpu.wait_indirect_dma semaphore(%arg20 : memref<!tpu.dma_semaphore, #tpu.memory_space<semaphore_mem>>) src(%dma_wait3A_149 : memref<10240x128xf32, #tpu.memory_space<hbm>>) dst(%arg8 : memref<80x128xf32, #tpu.memory_space<vmem>>)
      "tpu.region"() ({
        %run_scoped3A = tpu.sem_alloc : memref<!tpu.dma_semaphore, #tpu.memory_space<semaphore_mem>>
        %dma_start3A_159 = arith.constant 0 : i32
        %dma_start3A_160 = arith.constant 0 : i32
        %dma_start3A_161 = tpu.memref_slice %arg19[%dma_start3A_159, %dma_start3A_160] : memref<10240x128xf32, #tpu.memory_space<vmem_shared>> -> memref<10240x128xf32, #tpu.memory_space<vmem_shared>>
        tpu.enqueue_indirect_dma source(%arg8 : memref<80x128xf32, #tpu.memory_space<vmem>>) target(%dma_start3A_161 : memref<10240x128xf32, #tpu.memory_space<vmem_shared>>) offsets(%arg6 : memref<80xi32, #tpu.memory_space<vmem>>) semaphore(%run_scoped3A : memref<!tpu.dma_semaphore, #tpu.memory_space<semaphore_mem>>) {add = true}
        %dma_wait3A_162 = arith.constant 0 : i32
        %dma_wait3A_163 = arith.constant 0 : i32
        %dma_wait3A_164 = tpu.memref_slice %arg19[%dma_wait3A_162, %dma_wait3A_163] : memref<10240x128xf32, #tpu.memory_space<vmem_shared>> -> memref<10240x128xf32, #tpu.memory_space<vmem_shared>>
        tpu.wait_indirect_dma semaphore(%run_scoped3A : memref<!tpu.dma_semaphore, #tpu.memory_space<semaphore_mem>>) src(%arg8 : memref<80x128xf32, #tpu.memory_space<vmem>>) dst(%dma_wait3A_164 : memref<10240x128xf32, #tpu.memory_space<vmem_shared>>)
        tpu.yield
      }) : () -> ()
      %dma_wait3A_150 = arith.constant 0 : i32
      %dma_wait3A_151 = arith.constant 0 : i32
      %dma_wait3A_152 = tpu.memref_slice %arg2[%dma_wait3A_150, %dma_wait3A_151] : memref<10240x128xf32, #tpu.memory_space<hbm>> -> memref<10240x128xf32, #tpu.memory_space<hbm>>
      tpu.wait_indirect_dma semaphore(%arg21 : memref<!tpu.dma_semaphore, #tpu.memory_space<semaphore_mem>>) src(%dma_wait3A_152 : memref<10240x128xf32, #tpu.memory_space<hbm>>) dst(%arg11 : memref<80x128xf32, #tpu.memory_space<vmem>>)
      "tpu.region"() ({
        %run_scoped3A = tpu.sem_alloc : memref<!tpu.dma_semaphore, #tpu.memory_space<semaphore_mem>>
        %dma_start3A_159 = arith.constant 0 : i32
        %dma_start3A_160 = arith.constant 0 : i32
        %dma_start3A_161 = tpu.memref_slice %arg19[%dma_start3A_159, %dma_start3A_160] : memref<10240x128xf32, #tpu.memory_space<vmem_shared>> -> memref<10240x128xf32, #tpu.memory_space<vmem_shared>>
        tpu.enqueue_indirect_dma source(%arg11 : memref<80x128xf32, #tpu.memory_space<vmem>>) target(%dma_start3A_161 : memref<10240x128xf32, #tpu.memory_space<vmem_shared>>) offsets(%arg9 : memref<80xi32, #tpu.memory_space<vmem>>) semaphore(%run_scoped3A : memref<!tpu.dma_semaphore, #tpu.memory_space<semaphore_mem>>) {add = true}
        %dma_wait3A_162 = arith.constant 0 : i32
        %dma_wait3A_163 = arith.constant 0 : i32
        %dma_wait3A_164 = tpu.memref_slice %arg19[%dma_wait3A_162, %dma_wait3A_163] : memref<10240x128xf32, #tpu.memory_space<vmem_shared>> -> memref<10240x128xf32, #tpu.memory_space<vmem_shared>>
        tpu.wait_indirect_dma semaphore(%run_scoped3A : memref<!tpu.dma_semaphore, #tpu.memory_space<semaphore_mem>>) src(%arg11 : memref<80x128xf32, #tpu.memory_space<vmem>>) dst(%dma_wait3A_164 : memref<10240x128xf32, #tpu.memory_space<vmem_shared>>)
        tpu.yield
      }) : () -> ()
      %dma_wait3A_153 = arith.constant 0 : i32
      %dma_wait3A_154 = arith.constant 0 : i32
      %dma_wait3A_155 = tpu.memref_slice %arg2[%dma_wait3A_153, %dma_wait3A_154] : memref<10240x128xf32, #tpu.memory_space<hbm>> -> memref<10240x128xf32, #tpu.memory_space<hbm>>
      tpu.wait_indirect_dma semaphore(%arg22 : memref<!tpu.dma_semaphore, #tpu.memory_space<semaphore_mem>>) src(%dma_wait3A_155 : memref<10240x128xf32, #tpu.memory_space<hbm>>) dst(%arg14 : memref<80x128xf32, #tpu.memory_space<vmem>>)
      "tpu.region"() ({
        %run_scoped3A = tpu.sem_alloc : memref<!tpu.dma_semaphore, #tpu.memory_space<semaphore_mem>>
        %dma_start3A_159 = arith.constant 0 : i32
        %dma_start3A_160 = arith.constant 0 : i32
        %dma_start3A_161 = tpu.memref_slice %arg19[%dma_start3A_159, %dma_start3A_160] : memref<10240x128xf32, #tpu.memory_space<vmem_shared>> -> memref<10240x128xf32, #tpu.memory_space<vmem_shared>>
        tpu.enqueue_indirect_dma source(%arg14 : memref<80x128xf32, #tpu.memory_space<vmem>>) target(%dma_start3A_161 : memref<10240x128xf32, #tpu.memory_space<vmem_shared>>) offsets(%arg12 : memref<80xi32, #tpu.memory_space<vmem>>) semaphore(%run_scoped3A : memref<!tpu.dma_semaphore, #tpu.memory_space<semaphore_mem>>) {add = true}
        %dma_wait3A_162 = arith.constant 0 : i32
        %dma_wait3A_163 = arith.constant 0 : i32
        %dma_wait3A_164 = tpu.memref_slice %arg19[%dma_wait3A_162, %dma_wait3A_163] : memref<10240x128xf32, #tpu.memory_space<vmem_shared>> -> memref<10240x128xf32, #tpu.memory_space<vmem_shared>>
        tpu.wait_indirect_dma semaphore(%run_scoped3A : memref<!tpu.dma_semaphore, #tpu.memory_space<semaphore_mem>>) src(%arg14 : memref<80x128xf32, #tpu.memory_space<vmem>>) dst(%dma_wait3A_164 : memref<10240x128xf32, #tpu.memory_space<vmem_shared>>)
        tpu.yield
      }) : () -> ()
      %dma_wait3A_156 = arith.constant 0 : i32
      %dma_wait3A_157 = arith.constant 0 : i32
      %dma_wait3A_158 = tpu.memref_slice %arg2[%dma_wait3A_156, %dma_wait3A_157] : memref<10240x128xf32, #tpu.memory_space<hbm>> -> memref<10240x128xf32, #tpu.memory_space<hbm>>
      tpu.wait_indirect_dma semaphore(%arg23 : memref<!tpu.dma_semaphore, #tpu.memory_space<semaphore_mem>>) src(%dma_wait3A_158 : memref<10240x128xf32, #tpu.memory_space<hbm>>) dst(%arg17 : memref<80x128xf32, #tpu.memory_space<vmem>>)
      "tpu.region"() ({
        %run_scoped3A = tpu.sem_alloc : memref<!tpu.dma_semaphore, #tpu.memory_space<semaphore_mem>>
        %dma_start3A_159 = arith.constant 0 : i32
        %dma_start3A_160 = arith.constant 0 : i32
        %dma_start3A_161 = tpu.memref_slice %arg19[%dma_start3A_159, %dma_start3A_160] : memref<10240x128xf32, #tpu.memory_space<vmem_shared>> -> memref<10240x128xf32, #tpu.memory_space<vmem_shared>>
        tpu.enqueue_indirect_dma source(%arg17 : memref<80x128xf32, #tpu.memory_space<vmem>>) target(%dma_start3A_161 : memref<10240x128xf32, #tpu.memory_space<vmem_shared>>) offsets(%arg15 : memref<80xi32, #tpu.memory_space<vmem>>) semaphore(%run_scoped3A : memref<!tpu.dma_semaphore, #tpu.memory_space<semaphore_mem>>) {add = true}
        %dma_wait3A_162 = arith.constant 0 : i32
        %dma_wait3A_163 = arith.constant 0 : i32
        %dma_wait3A_164 = tpu.memref_slice %arg19[%dma_wait3A_162, %dma_wait3A_163] : memref<10240x128xf32, #tpu.memory_space<vmem_shared>> -> memref<10240x128xf32, #tpu.memory_space<vmem_shared>>
        tpu.wait_indirect_dma semaphore(%run_scoped3A : memref<!tpu.dma_semaphore, #tpu.memory_space<semaphore_mem>>) src(%arg17 : memref<80x128xf32, #tpu.memory_space<vmem>>) dst(%dma_wait3A_164 : memref<10240x128xf32, #tpu.memory_space<vmem_shared>>)
        tpu.yield
      }) : () -> ()
    }
    %scan3A_95 = arith.constant 31 : i32
    %add3A_96 = arith.constant 9920 : i32
    %add3A_97 = arith.addi %mul3A_2, %add3A_96 : i32
    "tpu.region"() ({
      %run_scoped3A = tpu.sem_alloc : memref<!tpu.dma_semaphore, #tpu.memory_space<semaphore_mem>>
      %dma_start3A_106 = tpu.memref_slice %arg3[%add3A_97] : memref<320000xi32, #tpu.memory_space<hbm>> -> memref<80xi32, #tpu.memory_space<hbm>>
      %dma_start3A_107 = tpu.memref_slice %arg3[%add3A_97] : memref<320000xi32, #tpu.memory_space<hbm>> -> memref<80xi32, #tpu.memory_space<hbm>>
      tpu.enqueue_dma source(%dma_start3A_107 : memref<80xi32, #tpu.memory_space<hbm>>) target(%arg6 : memref<80xi32, #tpu.memory_space<vmem>>) target_semaphore(%run_scoped3A : memref<!tpu.dma_semaphore, #tpu.memory_space<semaphore_mem>>)
      %dma_wait3A_108 = tpu.memref_slice %arg3[%add3A_97] : memref<320000xi32, #tpu.memory_space<hbm>> -> memref<80xi32, #tpu.memory_space<hbm>>
      %dma_wait3A_109 = tpu.memref_slice %arg3[%add3A_97] : memref<320000xi32, #tpu.memory_space<hbm>> -> memref<80xi32, #tpu.memory_space<hbm>>
      tpu.wait_dma2 semaphore(%run_scoped3A : memref<!tpu.dma_semaphore, #tpu.memory_space<semaphore_mem>>) src(%dma_wait3A_109 : memref<80xi32, #tpu.memory_space<hbm>>) dst(%arg6 : memref<80xi32, #tpu.memory_space<vmem>>)
      tpu.yield
    }) : () -> ()
    "tpu.region"() ({
      %run_scoped3A = tpu.sem_alloc : memref<!tpu.dma_semaphore, #tpu.memory_space<semaphore_mem>>
      %dma_start3A_106 = tpu.memref_slice %arg4[%add3A_97] : memref<320000xi32, #tpu.memory_space<hbm>> -> memref<80xi32, #tpu.memory_space<hbm>>
      %dma_start3A_107 = tpu.memref_slice %arg4[%add3A_97] : memref<320000xi32, #tpu.memory_space<hbm>> -> memref<80xi32, #tpu.memory_space<hbm>>
      tpu.enqueue_dma source(%dma_start3A_107 : memref<80xi32, #tpu.memory_space<hbm>>) target(%arg7 : memref<80xi32, #tpu.memory_space<vmem>>) target_semaphore(%run_scoped3A : memref<!tpu.dma_semaphore, #tpu.memory_space<semaphore_mem>>)
      %dma_wait3A_108 = tpu.memref_slice %arg4[%add3A_97] : memref<320000xi32, #tpu.memory_space<hbm>> -> memref<80xi32, #tpu.memory_space<hbm>>
      %dma_wait3A_109 = tpu.memref_slice %arg4[%add3A_97] : memref<320000xi32, #tpu.memory_space<hbm>> -> memref<80xi32, #tpu.memory_space<hbm>>
      tpu.wait_dma2 semaphore(%run_scoped3A : memref<!tpu.dma_semaphore, #tpu.memory_space<semaphore_mem>>) src(%dma_wait3A_109 : memref<80xi32, #tpu.memory_space<hbm>>) dst(%arg7 : memref<80xi32, #tpu.memory_space<vmem>>)
      tpu.yield
    }) : () -> ()
    %dma_start3A = arith.constant 0 : i32
    %dma_start3A_98 = arith.constant 0 : i32
    %dma_start3A_99 = tpu.memref_slice %arg2[%dma_start3A, %dma_start3A_98] : memref<10240x128xf32, #tpu.memory_space<hbm>> -> memref<10240x128xf32, #tpu.memory_space<hbm>>
    tpu.enqueue_indirect_dma source(%dma_start3A_99 : memref<10240x128xf32, #tpu.memory_space<hbm>>) target(%arg8 : memref<80x128xf32, #tpu.memory_space<vmem>>) offsets(%arg7 : memref<80xi32, #tpu.memory_space<vmem>>) semaphore(%arg20 : memref<!tpu.dma_semaphore, #tpu.memory_space<semaphore_mem>>)
    %dma_wait3A = arith.constant 0 : i32
    %dma_wait3A_100 = arith.constant 0 : i32
    %dma_wait3A_101 = tpu.memref_slice %arg2[%dma_wait3A, %dma_wait3A_100] : memref<10240x128xf32, #tpu.memory_space<hbm>> -> memref<10240x128xf32, #tpu.memory_space<hbm>>
    tpu.wait_indirect_dma semaphore(%arg20 : memref<!tpu.dma_semaphore, #tpu.memory_space<semaphore_mem>>) src(%dma_wait3A_101 : memref<10240x128xf32, #tpu.memory_space<hbm>>) dst(%arg8 : memref<80x128xf32, #tpu.memory_space<vmem>>)
    "tpu.region"() ({
      %run_scoped3A = tpu.sem_alloc : memref<!tpu.dma_semaphore, #tpu.memory_space<semaphore_mem>>
      %dma_start3A_106 = arith.constant 0 : i32
      %dma_start3A_107 = arith.constant 0 : i32
      %dma_start3A_108 = tpu.memref_slice %arg19[%dma_start3A_106, %dma_start3A_107] : memref<10240x128xf32, #tpu.memory_space<vmem_shared>> -> memref<10240x128xf32, #tpu.memory_space<vmem_shared>>
      tpu.enqueue_indirect_dma source(%arg8 : memref<80x128xf32, #tpu.memory_space<vmem>>) target(%dma_start3A_108 : memref<10240x128xf32, #tpu.memory_space<vmem_shared>>) offsets(%arg6 : memref<80xi32, #tpu.memory_space<vmem>>) semaphore(%run_scoped3A : memref<!tpu.dma_semaphore, #tpu.memory_space<semaphore_mem>>) {add = true}
      %dma_wait3A_109 = arith.constant 0 : i32
      %dma_wait3A_110 = arith.constant 0 : i32
      %dma_wait3A_111 = tpu.memref_slice %arg19[%dma_wait3A_109, %dma_wait3A_110] : memref<10240x128xf32, #tpu.memory_space<vmem_shared>> -> memref<10240x128xf32, #tpu.memory_space<vmem_shared>>
      tpu.wait_indirect_dma semaphore(%run_scoped3A : memref<!tpu.dma_semaphore, #tpu.memory_space<semaphore_mem>>) src(%arg8 : memref<80x128xf32, #tpu.memory_space<vmem>>) dst(%dma_wait3A_111 : memref<10240x128xf32, #tpu.memory_space<vmem_shared>>)
      tpu.yield
    }) : () -> ()
    %barrier3A_102 = arith.constant 0 : index
    tpu.barrier barrier_id(%barrier3A_102)
    %mul3A_103 = arith.constant 10240 : i32
    %mul3A_104 = arith.muli %arg0, %mul3A_103 : i32
    %add3A_105 = arith.addi %mul3A_104, %mul3A_9 : i32
    "tpu.region"() ({
      %run_scoped3A = tpu.sem_alloc : memref<!tpu.dma_semaphore, #tpu.memory_space<semaphore_mem>>
      %dma_start3A_106 = arith.constant 0 : i32
      %dma_start3A_107 = tpu.memref_slice %arg5[%add3A_105, %dma_start3A_106] : memref<20480x128xf32, #tpu.memory_space<hbm>> -> memref<640x128xf32, #tpu.memory_space<hbm>>
      %dma_start3A_108 = arith.constant 0 : i32
      %dma_start3A_109 = tpu.memref_slice %arg19[%mul3A_9, %dma_start3A_108] : memref<10240x128xf32, #tpu.memory_space<vmem_shared>> -> memref<640x128xf32, #tpu.memory_space<vmem_shared>>
      tpu.enqueue_dma source(%dma_start3A_109 : memref<640x128xf32, #tpu.memory_space<vmem_shared>>) target(%dma_start3A_107 : memref<640x128xf32, #tpu.memory_space<hbm>>) target_semaphore(%run_scoped3A : memref<!tpu.dma_semaphore, #tpu.memory_space<semaphore_mem>>)
      %dma_wait3A_110 = arith.constant 0 : i32
      %dma_wait3A_111 = tpu.memref_slice %arg5[%add3A_105, %dma_wait3A_110] : memref<20480x128xf32, #tpu.memory_space<hbm>> -> memref<640x128xf32, #tpu.memory_space<hbm>>
      %dma_wait3A_112 = arith.constant 0 : i32
      %dma_wait3A_113 = tpu.memref_slice %arg19[%mul3A_9, %dma_wait3A_112] : memref<10240x128xf32, #tpu.memory_space<vmem_shared>> -> memref<640x128xf32, #tpu.memory_space<vmem_shared>>
      tpu.wait_dma2 semaphore(%run_scoped3A : memref<!tpu.dma_semaphore, #tpu.memory_space<semaphore_mem>>) src(%dma_wait3A_113 : memref<640x128xf32, #tpu.memory_space<vmem_shared>>) dst(%dma_wait3A_111 : memref<640x128xf32, #tpu.memory_space<hbm>>)
      tpu.yield
    }) : () -> ()
    return
  }
}

#map = affine_map<(d0, d1) -> (0)>
#map1 = affine_map<(d0, d1) -> (0, 0)>
module attributes {stable_mosaic.version = 14 : i64} {
  func.func @sc_deg(%arg0: i32, %arg1: i32, %arg2: memref<320000xi32, #tpu.memory_space<hbm>>, %arg3: memref<20480x128xf32, #tpu.memory_space<hbm>>, %arg4: memref<80xi32, #tpu.memory_space<vmem>>, %arg5: memref<80x128xf32, #tpu.memory_space<vmem>>, %arg6: memref<16x128xf32, #tpu.memory_space<vmem>>, %arg7: memref<10240x128xf32, #tpu.memory_space<vmem_shared>>) attributes {dimension_semantics = [#tpu.dimension_semantics<core_parallel>, #tpu.dimension_semantics<subcore_parallel>], iteration_bounds = array<i64: 2, 16>, scalar_prefetch = 0 : i64, scratch_operands = 4 : i64, tpu.core_type = #tpu.core_type<sc_vector_subcore>, window_params = [{transform_indices = #map}, {transform_indices = #map1}]} {
    %mul3A = arith.constant 2 : i32
    %mul3A_0 = arith.muli %arg1, %mul3A : i32
    %add3A = arith.addi %mul3A_0, %arg0 : i32
    %mul3A_1 = arith.constant 10000 : i32
    %mul3A_2 = arith.muli %add3A, %mul3A_1 : i32
    %scan3A = arith.constant 0 : i32
    %scan3A_3 = arith.constant 0 : i32
    %scan3A_4 = arith.constant 16 : i32
    %scan3A_5 = arith.addi %scan3A_3, %scan3A_4 : i32
    %scan3A_6 = arith.constant 1 : i32
    scf.for %scan3A_106 = %scan3A_3 to %scan3A_5 step %scan3A_6  : i32 {
      %broadcast_in_dim3A = arith.constant 0.000000e+00 : f32
      %broadcast_in_dim3A_107 = vector.broadcast %broadcast_in_dim3A : f32 to vector<16xf32>
      %swap3A = arith.index_cast %scan3A_106 : i32 to index
      %swap3A_108 = arith.constant 0 : index
      %swap3A_109 = tpu.vector_load %arg6[%swap3A, %swap3A_108] {strides = array<i32>} : memref<16x128xf32, #tpu.memory_space<vmem>>, vector<1x16xf32>,
      %swap3A_110 = vector.shape_cast %swap3A_109 : vector<1x16xf32> to vector<16xf32>
      %swap3A_111 = vector.shape_cast %broadcast_in_dim3A_107 : vector<16xf32> to vector<1x16xf32>
      tpu.vector_store %arg6[%swap3A, %swap3A_108], %swap3A_111 {strides = array<i32>} : memref<16x128xf32, #tpu.memory_space<vmem>>, vector<1x16xf32>,
      %broadcast_in_dim3A_112 = arith.constant 0.000000e+00 : f32
      %broadcast_in_dim3A_113 = vector.broadcast %broadcast_in_dim3A_112 : f32 to vector<16xf32>
      %swap3A_114 = arith.index_cast %scan3A_106 : i32 to index
      %swap3A_115 = arith.constant 16 : index
      %swap3A_116 = tpu.vector_load %arg6[%swap3A_114, %swap3A_115] {strides = array<i32>} : memref<16x128xf32, #tpu.memory_space<vmem>>, vector<1x16xf32>,
      %swap3A_117 = vector.shape_cast %swap3A_116 : vector<1x16xf32> to vector<16xf32>
      %swap3A_118 = vector.shape_cast %broadcast_in_dim3A_113 : vector<16xf32> to vector<1x16xf32>
      tpu.vector_store %arg6[%swap3A_114, %swap3A_115], %swap3A_118 {strides = array<i32>} : memref<16x128xf32, #tpu.memory_space<vmem>>, vector<1x16xf32>,
      %broadcast_in_dim3A_119 = arith.constant 0.000000e+00 : f32
      %broadcast_in_dim3A_120 = vector.broadcast %broadcast_in_dim3A_119 : f32 to vector<16xf32>
      %swap3A_121 = arith.index_cast %scan3A_106 : i32 to index
      %swap3A_122 = arith.constant 32 : index
      %swap3A_123 = tpu.vector_load %arg6[%swap3A_121, %swap3A_122] {strides = array<i32>} : memref<16x128xf32, #tpu.memory_space<vmem>>, vector<1x16xf32>,
      %swap3A_124 = vector.shape_cast %swap3A_123 : vector<1x16xf32> to vector<16xf32>
      %swap3A_125 = vector.shape_cast %broadcast_in_dim3A_120 : vector<16xf32> to vector<1x16xf32>
      tpu.vector_store %arg6[%swap3A_121, %swap3A_122], %swap3A_125 {strides = array<i32>} : memref<16x128xf32, #tpu.memory_space<vmem>>, vector<1x16xf32>,
      %broadcast_in_dim3A_126 = arith.constant 0.000000e+00 : f32
      %broadcast_in_dim3A_127 = vector.broadcast %broadcast_in_dim3A_126 : f32 to vector<16xf32>
      %swap3A_128 = arith.index_cast %scan3A_106 : i32 to index
      %swap3A_129 = arith.constant 48 : index
      %swap3A_130 = tpu.vector_load %arg6[%swap3A_128, %swap3A_129] {strides = array<i32>} : memref<16x128xf32, #tpu.memory_space<vmem>>, vector<1x16xf32>,
      %swap3A_131 = vector.shape_cast %swap3A_130 : vector<1x16xf32> to vector<16xf32>
      %swap3A_132 = vector.shape_cast %broadcast_in_dim3A_127 : vector<16xf32> to vector<1x16xf32>
      tpu.vector_store %arg6[%swap3A_128, %swap3A_129], %swap3A_132 {strides = array<i32>} : memref<16x128xf32, #tpu.memory_space<vmem>>, vector<1x16xf32>,
      %broadcast_in_dim3A_133 = arith.constant 0.000000e+00 : f32
      %broadcast_in_dim3A_134 = vector.broadcast %broadcast_in_dim3A_133 : f32 to vector<16xf32>
      %swap3A_135 = arith.index_cast %scan3A_106 : i32 to index
      %swap3A_136 = arith.constant 64 : index
      %swap3A_137 = tpu.vector_load %arg6[%swap3A_135, %swap3A_136] {strides = array<i32>} : memref<16x128xf32, #tpu.memory_space<vmem>>, vector<1x16xf32>,
      %swap3A_138 = vector.shape_cast %swap3A_137 : vector<1x16xf32> to vector<16xf32>
      %swap3A_139 = vector.shape_cast %broadcast_in_dim3A_134 : vector<16xf32> to vector<1x16xf32>
      tpu.vector_store %arg6[%swap3A_135, %swap3A_136], %swap3A_139 {strides = array<i32>} : memref<16x128xf32, #tpu.memory_space<vmem>>, vector<1x16xf32>,
      %broadcast_in_dim3A_140 = arith.constant 0.000000e+00 : f32
      %broadcast_in_dim3A_141 = vector.broadcast %broadcast_in_dim3A_140 : f32 to vector<16xf32>
      %swap3A_142 = arith.index_cast %scan3A_106 : i32 to index
      %swap3A_143 = arith.constant 80 : index
      %swap3A_144 = tpu.vector_load %arg6[%swap3A_142, %swap3A_143] {strides = array<i32>} : memref<16x128xf32, #tpu.memory_space<vmem>>, vector<1x16xf32>,
      %swap3A_145 = vector.shape_cast %swap3A_144 : vector<1x16xf32> to vector<16xf32>
      %swap3A_146 = vector.shape_cast %broadcast_in_dim3A_141 : vector<16xf32> to vector<1x16xf32>
      tpu.vector_store %arg6[%swap3A_142, %swap3A_143], %swap3A_146 {strides = array<i32>} : memref<16x128xf32, #tpu.memory_space<vmem>>, vector<1x16xf32>,
      %broadcast_in_dim3A_147 = arith.constant 0.000000e+00 : f32
      %broadcast_in_dim3A_148 = vector.broadcast %broadcast_in_dim3A_147 : f32 to vector<16xf32>
      %swap3A_149 = arith.index_cast %scan3A_106 : i32 to index
      %swap3A_150 = arith.constant 96 : index
      %swap3A_151 = tpu.vector_load %arg6[%swap3A_149, %swap3A_150] {strides = array<i32>} : memref<16x128xf32, #tpu.memory_space<vmem>>, vector<1x16xf32>,
      %swap3A_152 = vector.shape_cast %swap3A_151 : vector<1x16xf32> to vector<16xf32>
      %swap3A_153 = vector.shape_cast %broadcast_in_dim3A_148 : vector<16xf32> to vector<1x16xf32>
      tpu.vector_store %arg6[%swap3A_149, %swap3A_150], %swap3A_153 {strides = array<i32>} : memref<16x128xf32, #tpu.memory_space<vmem>>, vector<1x16xf32>,
      %broadcast_in_dim3A_154 = arith.constant 0.000000e+00 : f32
      %broadcast_in_dim3A_155 = vector.broadcast %broadcast_in_dim3A_154 : f32 to vector<16xf32>
      %swap3A_156 = arith.index_cast %scan3A_106 : i32 to index
      %swap3A_157 = arith.constant 112 : index
      %swap3A_158 = tpu.vector_load %arg6[%swap3A_156, %swap3A_157] {strides = array<i32>} : memref<16x128xf32, #tpu.memory_space<vmem>>, vector<1x16xf32>,
      %swap3A_159 = vector.shape_cast %swap3A_158 : vector<1x16xf32> to vector<16xf32>
      %swap3A_160 = vector.shape_cast %broadcast_in_dim3A_155 : vector<16xf32> to vector<1x16xf32>
      tpu.vector_store %arg6[%swap3A_156, %swap3A_157], %swap3A_160 {strides = array<i32>} : memref<16x128xf32, #tpu.memory_space<vmem>>, vector<1x16xf32>,
    }
    %scan3A_7 = arith.constant 16 : i32
    %scan3A_8 = arith.constant 0 : i32
    %scan3A_9 = arith.constant 0 : i32
    %scan3A_10 = arith.constant 80 : i32
    %scan3A_11 = arith.addi %scan3A_9, %scan3A_10 : i32
    %scan3A_12 = arith.constant 1 : i32
    scf.for %scan3A_106 = %scan3A_9 to %scan3A_11 step %scan3A_12  : i32 {
      %broadcast_in_dim3A = arith.constant 1.000000e+00 : f32
      %broadcast_in_dim3A_107 = vector.broadcast %broadcast_in_dim3A : f32 to vector<16xf32>
      %swap3A = arith.index_cast %scan3A_106 : i32 to index
      %swap3A_108 = arith.constant 0 : index
      %swap3A_109 = tpu.vector_load %arg5[%swap3A, %swap3A_108] {strides = array<i32>} : memref<80x128xf32, #tpu.memory_space<vmem>>, vector<1x16xf32>,
      %swap3A_110 = vector.shape_cast %swap3A_109 : vector<1x16xf32> to vector<16xf32>
      %swap3A_111 = vector.shape_cast %broadcast_in_dim3A_107 : vector<16xf32> to vector<1x16xf32>
      tpu.vector_store %arg5[%swap3A, %swap3A_108], %swap3A_111 {strides = array<i32>} : memref<80x128xf32, #tpu.memory_space<vmem>>, vector<1x16xf32>,
      %broadcast_in_dim3A_112 = arith.constant 1.000000e+00 : f32
      %broadcast_in_dim3A_113 = vector.broadcast %broadcast_in_dim3A_112 : f32 to vector<16xf32>
      %swap3A_114 = arith.index_cast %scan3A_106 : i32 to index
      %swap3A_115 = arith.constant 16 : index
      %swap3A_116 = tpu.vector_load %arg5[%swap3A_114, %swap3A_115] {strides = array<i32>} : memref<80x128xf32, #tpu.memory_space<vmem>>, vector<1x16xf32>,
      %swap3A_117 = vector.shape_cast %swap3A_116 : vector<1x16xf32> to vector<16xf32>
      %swap3A_118 = vector.shape_cast %broadcast_in_dim3A_113 : vector<16xf32> to vector<1x16xf32>
      tpu.vector_store %arg5[%swap3A_114, %swap3A_115], %swap3A_118 {strides = array<i32>} : memref<80x128xf32, #tpu.memory_space<vmem>>, vector<1x16xf32>,
      %broadcast_in_dim3A_119 = arith.constant 1.000000e+00 : f32
      %broadcast_in_dim3A_120 = vector.broadcast %broadcast_in_dim3A_119 : f32 to vector<16xf32>
      %swap3A_121 = arith.index_cast %scan3A_106 : i32 to index
      %swap3A_122 = arith.constant 32 : index
      %swap3A_123 = tpu.vector_load %arg5[%swap3A_121, %swap3A_122] {strides = array<i32>} : memref<80x128xf32, #tpu.memory_space<vmem>>, vector<1x16xf32>,
      %swap3A_124 = vector.shape_cast %swap3A_123 : vector<1x16xf32> to vector<16xf32>
      %swap3A_125 = vector.shape_cast %broadcast_in_dim3A_120 : vector<16xf32> to vector<1x16xf32>
      tpu.vector_store %arg5[%swap3A_121, %swap3A_122], %swap3A_125 {strides = array<i32>} : memref<80x128xf32, #tpu.memory_space<vmem>>, vector<1x16xf32>,
      %broadcast_in_dim3A_126 = arith.constant 1.000000e+00 : f32
      %broadcast_in_dim3A_127 = vector.broadcast %broadcast_in_dim3A_126 : f32 to vector<16xf32>
      %swap3A_128 = arith.index_cast %scan3A_106 : i32 to index
      %swap3A_129 = arith.constant 48 : index
      %swap3A_130 = tpu.vector_load %arg5[%swap3A_128, %swap3A_129] {strides = array<i32>} : memref<80x128xf32, #tpu.memory_space<vmem>>, vector<1x16xf32>,
      %swap3A_131 = vector.shape_cast %swap3A_130 : vector<1x16xf32> to vector<16xf32>
      %swap3A_132 = vector.shape_cast %broadcast_in_dim3A_127 : vector<16xf32> to vector<1x16xf32>
      tpu.vector_store %arg5[%swap3A_128, %swap3A_129], %swap3A_132 {strides = array<i32>} : memref<80x128xf32, #tpu.memory_space<vmem>>, vector<1x16xf32>,
      %broadcast_in_dim3A_133 = arith.constant 1.000000e+00 : f32
      %broadcast_in_dim3A_134 = vector.broadcast %broadcast_in_dim3A_133 : f32 to vector<16xf32>
      %swap3A_135 = arith.index_cast %scan3A_106 : i32 to index
      %swap3A_136 = arith.constant 64 : index
      %swap3A_137 = tpu.vector_load %arg5[%swap3A_135, %swap3A_136] {strides = array<i32>} : memref<80x128xf32, #tpu.memory_space<vmem>>, vector<1x16xf32>,
      %swap3A_138 = vector.shape_cast %swap3A_137 : vector<1x16xf32> to vector<16xf32>
      %swap3A_139 = vector.shape_cast %broadcast_in_dim3A_134 : vector<16xf32> to vector<1x16xf32>
      tpu.vector_store %arg5[%swap3A_135, %swap3A_136], %swap3A_139 {strides = array<i32>} : memref<80x128xf32, #tpu.memory_space<vmem>>, vector<1x16xf32>,
      %broadcast_in_dim3A_140 = arith.constant 1.000000e+00 : f32
      %broadcast_in_dim3A_141 = vector.broadcast %broadcast_in_dim3A_140 : f32 to vector<16xf32>
      %swap3A_142 = arith.index_cast %scan3A_106 : i32 to index
      %swap3A_143 = arith.constant 80 : index
      %swap3A_144 = tpu.vector_load %arg5[%swap3A_142, %swap3A_143] {strides = array<i32>} : memref<80x128xf32, #tpu.memory_space<vmem>>, vector<1x16xf32>,
      %swap3A_145 = vector.shape_cast %swap3A_144 : vector<1x16xf32> to vector<16xf32>
      %swap3A_146 = vector.shape_cast %broadcast_in_dim3A_141 : vector<16xf32> to vector<1x16xf32>
      tpu.vector_store %arg5[%swap3A_142, %swap3A_143], %swap3A_146 {strides = array<i32>} : memref<80x128xf32, #tpu.memory_space<vmem>>, vector<1x16xf32>,
      %broadcast_in_dim3A_147 = arith.constant 1.000000e+00 : f32
      %broadcast_in_dim3A_148 = vector.broadcast %broadcast_in_dim3A_147 : f32 to vector<16xf32>
      %swap3A_149 = arith.index_cast %scan3A_106 : i32 to index
      %swap3A_150 = arith.constant 96 : index
      %swap3A_151 = tpu.vector_load %arg5[%swap3A_149, %swap3A_150] {strides = array<i32>} : memref<80x128xf32, #tpu.memory_space<vmem>>, vector<1x16xf32>,
      %swap3A_152 = vector.shape_cast %swap3A_151 : vector<1x16xf32> to vector<16xf32>
      %swap3A_153 = vector.shape_cast %broadcast_in_dim3A_148 : vector<16xf32> to vector<1x16xf32>
      tpu.vector_store %arg5[%swap3A_149, %swap3A_150], %swap3A_153 {strides = array<i32>} : memref<80x128xf32, #tpu.memory_space<vmem>>, vector<1x16xf32>,
      %broadcast_in_dim3A_154 = arith.constant 1.000000e+00 : f32
      %broadcast_in_dim3A_155 = vector.broadcast %broadcast_in_dim3A_154 : f32 to vector<16xf32>
      %swap3A_156 = arith.index_cast %scan3A_106 : i32 to index
      %swap3A_157 = arith.constant 112 : index
      %swap3A_158 = tpu.vector_load %arg5[%swap3A_156, %swap3A_157] {strides = array<i32>} : memref<80x128xf32, #tpu.memory_space<vmem>>, vector<1x16xf32>,
      %swap3A_159 = vector.shape_cast %swap3A_158 : vector<1x16xf32> to vector<16xf32>
      %swap3A_160 = vector.shape_cast %broadcast_in_dim3A_155 : vector<16xf32> to vector<1x16xf32>
      tpu.vector_store %arg5[%swap3A_156, %swap3A_157], %swap3A_160 {strides = array<i32>} : memref<80x128xf32, #tpu.memory_space<vmem>>, vector<1x16xf32>,
    }
    %scan3A_13 = arith.constant 80 : i32
    %mul3A_14 = arith.constant 640 : i32
    %mul3A_15 = arith.muli %arg1, %mul3A_14 : i32
    %add3A_16 = arith.constant 0 : i32
    %add3A_17 = arith.addi %mul3A_15, %add3A_16 : i32
    "tpu.region"() ({
      %run_scoped3A = tpu.sem_alloc : memref<!tpu.dma_semaphore, #tpu.memory_space<semaphore_mem>>
      %dma_start3A = arith.constant 0 : i32
      %dma_start3A_106 = tpu.memref_slice %arg7[%add3A_17, %dma_start3A] : memref<10240x128xf32, #tpu.memory_space<vmem_shared>> -> memref<16x128xf32, #tpu.memory_space<vmem_shared>>
      %dma_start3A_107 = arith.constant 0 : i32
      %dma_start3A_108 = tpu.memref_slice %arg7[%add3A_17, %dma_start3A_107] : memref<10240x128xf32, #tpu.memory_space<vmem_shared>> -> memref<16x128xf32, #tpu.memory_space<vmem_shared>>
      tpu.enqueue_dma source(%arg6 : memref<16x128xf32, #tpu.memory_space<vmem>>) target(%dma_start3A_108 : memref<16x128xf32, #tpu.memory_space<vmem_shared>>) target_semaphore(%run_scoped3A : memref<!tpu.dma_semaphore, #tpu.memory_space<semaphore_mem>>)
      %dma_wait3A = arith.constant 0 : i32
      %dma_wait3A_109 = tpu.memref_slice %arg7[%add3A_17, %dma_wait3A] : memref<10240x128xf32, #tpu.memory_space<vmem_shared>> -> memref<16x128xf32, #tpu.memory_space<vmem_shared>>
      %dma_wait3A_110 = arith.constant 0 : i32
      %dma_wait3A_111 = tpu.memref_slice %arg7[%add3A_17, %dma_wait3A_110] : memref<10240x128xf32, #tpu.memory_space<vmem_shared>> -> memref<16x128xf32, #tpu.memory_space<vmem_shared>>
      tpu.wait_dma2 semaphore(%run_scoped3A : memref<!tpu.dma_semaphore, #tpu.memory_space<semaphore_mem>>) src(%arg6 : memref<16x128xf32, #tpu.memory_space<vmem>>) dst(%dma_wait3A_111 : memref<16x128xf32, #tpu.memory_space<vmem_shared>>)
      tpu.yield
    }) : () -> ()
    %add3A_18 = arith.constant 16 : i32
    %add3A_19 = arith.addi %mul3A_15, %add3A_18 : i32
    "tpu.region"() ({
      %run_scoped3A = tpu.sem_alloc : memref<!tpu.dma_semaphore, #tpu.memory_space<semaphore_mem>>
      %dma_start3A = arith.constant 0 : i32
      %dma_start3A_106 = tpu.memref_slice %arg7[%add3A_19, %dma_start3A] : memref<10240x128xf32, #tpu.memory_space<vmem_shared>> -> memref<16x128xf32, #tpu.memory_space<vmem_shared>>
      %dma_start3A_107 = arith.constant 0 : i32
      %dma_start3A_108 = tpu.memref_slice %arg7[%add3A_19, %dma_start3A_107] : memref<10240x128xf32, #tpu.memory_space<vmem_shared>> -> memref<16x128xf32, #tpu.memory_space<vmem_shared>>
      tpu.enqueue_dma source(%arg6 : memref<16x128xf32, #tpu.memory_space<vmem>>) target(%dma_start3A_108 : memref<16x128xf32, #tpu.memory_space<vmem_shared>>) target_semaphore(%run_scoped3A : memref<!tpu.dma_semaphore, #tpu.memory_space<semaphore_mem>>)
      %dma_wait3A = arith.constant 0 : i32
      %dma_wait3A_109 = tpu.memref_slice %arg7[%add3A_19, %dma_wait3A] : memref<10240x128xf32, #tpu.memory_space<vmem_shared>> -> memref<16x128xf32, #tpu.memory_space<vmem_shared>>
      %dma_wait3A_110 = arith.constant 0 : i32
      %dma_wait3A_111 = tpu.memref_slice %arg7[%add3A_19, %dma_wait3A_110] : memref<10240x128xf32, #tpu.memory_space<vmem_shared>> -> memref<16x128xf32, #tpu.memory_space<vmem_shared>>
      tpu.wait_dma2 semaphore(%run_scoped3A : memref<!tpu.dma_semaphore, #tpu.memory_space<semaphore_mem>>) src(%arg6 : memref<16x128xf32, #tpu.memory_space<vmem>>) dst(%dma_wait3A_111 : memref<16x128xf32, #tpu.memory_space<vmem_shared>>)
      tpu.yield
    }) : () -> ()
    %add3A_20 = arith.constant 32 : i32
    %add3A_21 = arith.addi %mul3A_15, %add3A_20 : i32
    "tpu.region"() ({
      %run_scoped3A = tpu.sem_alloc : memref<!tpu.dma_semaphore, #tpu.memory_space<semaphore_mem>>
      %dma_start3A = arith.constant 0 : i32
      %dma_start3A_106 = tpu.memref_slice %arg7[%add3A_21, %dma_start3A] : memref<10240x128xf32, #tpu.memory_space<vmem_shared>> -> memref<16x128xf32, #tpu.memory_space<vmem_shared>>
      %dma_start3A_107 = arith.constant 0 : i32
      %dma_start3A_108 = tpu.memref_slice %arg7[%add3A_21, %dma_start3A_107] : memref<10240x128xf32, #tpu.memory_space<vmem_shared>> -> memref<16x128xf32, #tpu.memory_space<vmem_shared>>
      tpu.enqueue_dma source(%arg6 : memref<16x128xf32, #tpu.memory_space<vmem>>) target(%dma_start3A_108 : memref<16x128xf32, #tpu.memory_space<vmem_shared>>) target_semaphore(%run_scoped3A : memref<!tpu.dma_semaphore, #tpu.memory_space<semaphore_mem>>)
      %dma_wait3A = arith.constant 0 : i32
      %dma_wait3A_109 = tpu.memref_slice %arg7[%add3A_21, %dma_wait3A] : memref<10240x128xf32, #tpu.memory_space<vmem_shared>> -> memref<16x128xf32, #tpu.memory_space<vmem_shared>>
      %dma_wait3A_110 = arith.constant 0 : i32
      %dma_wait3A_111 = tpu.memref_slice %arg7[%add3A_21, %dma_wait3A_110] : memref<10240x128xf32, #tpu.memory_space<vmem_shared>> -> memref<16x128xf32, #tpu.memory_space<vmem_shared>>
      tpu.wait_dma2 semaphore(%run_scoped3A : memref<!tpu.dma_semaphore, #tpu.memory_space<semaphore_mem>>) src(%arg6 : memref<16x128xf32, #tpu.memory_space<vmem>>) dst(%dma_wait3A_111 : memref<16x128xf32, #tpu.memory_space<vmem_shared>>)
      tpu.yield
    }) : () -> ()
    %add3A_22 = arith.constant 48 : i32
    %add3A_23 = arith.addi %mul3A_15, %add3A_22 : i32
    "tpu.region"() ({
      %run_scoped3A = tpu.sem_alloc : memref<!tpu.dma_semaphore, #tpu.memory_space<semaphore_mem>>
      %dma_start3A = arith.constant 0 : i32
      %dma_start3A_106 = tpu.memref_slice %arg7[%add3A_23, %dma_start3A] : memref<10240x128xf32, #tpu.memory_space<vmem_shared>> -> memref<16x128xf32, #tpu.memory_space<vmem_shared>>
      %dma_start3A_107 = arith.constant 0 : i32
      %dma_start3A_108 = tpu.memref_slice %arg7[%add3A_23, %dma_start3A_107] : memref<10240x128xf32, #tpu.memory_space<vmem_shared>> -> memref<16x128xf32, #tpu.memory_space<vmem_shared>>
      tpu.enqueue_dma source(%arg6 : memref<16x128xf32, #tpu.memory_space<vmem>>) target(%dma_start3A_108 : memref<16x128xf32, #tpu.memory_space<vmem_shared>>) target_semaphore(%run_scoped3A : memref<!tpu.dma_semaphore, #tpu.memory_space<semaphore_mem>>)
      %dma_wait3A = arith.constant 0 : i32
      %dma_wait3A_109 = tpu.memref_slice %arg7[%add3A_23, %dma_wait3A] : memref<10240x128xf32, #tpu.memory_space<vmem_shared>> -> memref<16x128xf32, #tpu.memory_space<vmem_shared>>
      %dma_wait3A_110 = arith.constant 0 : i32
      %dma_wait3A_111 = tpu.memref_slice %arg7[%add3A_23, %dma_wait3A_110] : memref<10240x128xf32, #tpu.memory_space<vmem_shared>> -> memref<16x128xf32, #tpu.memory_space<vmem_shared>>
      tpu.wait_dma2 semaphore(%run_scoped3A : memref<!tpu.dma_semaphore, #tpu.memory_space<semaphore_mem>>) src(%arg6 : memref<16x128xf32, #tpu.memory_space<vmem>>) dst(%dma_wait3A_111 : memref<16x128xf32, #tpu.memory_space<vmem_shared>>)
      tpu.yield
    }) : () -> ()
    %add3A_24 = arith.constant 64 : i32
    %add3A_25 = arith.addi %mul3A_15, %add3A_24 : i32
    "tpu.region"() ({
      %run_scoped3A = tpu.sem_alloc : memref<!tpu.dma_semaphore, #tpu.memory_space<semaphore_mem>>
      %dma_start3A = arith.constant 0 : i32
      %dma_start3A_106 = tpu.memref_slice %arg7[%add3A_25, %dma_start3A] : memref<10240x128xf32, #tpu.memory_space<vmem_shared>> -> memref<16x128xf32, #tpu.memory_space<vmem_shared>>
      %dma_start3A_107 = arith.constant 0 : i32
      %dma_start3A_108 = tpu.memref_slice %arg7[%add3A_25, %dma_start3A_107] : memref<10240x128xf32, #tpu.memory_space<vmem_shared>> -> memref<16x128xf32, #tpu.memory_space<vmem_shared>>
      tpu.enqueue_dma source(%arg6 : memref<16x128xf32, #tpu.memory_space<vmem>>) target(%dma_start3A_108 : memref<16x128xf32, #tpu.memory_space<vmem_shared>>) target_semaphore(%run_scoped3A : memref<!tpu.dma_semaphore, #tpu.memory_space<semaphore_mem>>)
      %dma_wait3A = arith.constant 0 : i32
      %dma_wait3A_109 = tpu.memref_slice %arg7[%add3A_25, %dma_wait3A] : memref<10240x128xf32, #tpu.memory_space<vmem_shared>> -> memref<16x128xf32, #tpu.memory_space<vmem_shared>>
      %dma_wait3A_110 = arith.constant 0 : i32
      %dma_wait3A_111 = tpu.memref_slice %arg7[%add3A_25, %dma_wait3A_110] : memref<10240x128xf32, #tpu.memory_space<vmem_shared>> -> memref<16x128xf32, #tpu.memory_space<vmem_shared>>
      tpu.wait_dma2 semaphore(%run_scoped3A : memref<!tpu.dma_semaphore, #tpu.memory_space<semaphore_mem>>) src(%arg6 : memref<16x128xf32, #tpu.memory_space<vmem>>) dst(%dma_wait3A_111 : memref<16x128xf32, #tpu.memory_space<vmem_shared>>)
      tpu.yield
    }) : () -> ()
    %add3A_26 = arith.constant 80 : i32
    %add3A_27 = arith.addi %mul3A_15, %add3A_26 : i32
    "tpu.region"() ({
      %run_scoped3A = tpu.sem_alloc : memref<!tpu.dma_semaphore, #tpu.memory_space<semaphore_mem>>
      %dma_start3A = arith.constant 0 : i32
      %dma_start3A_106 = tpu.memref_slice %arg7[%add3A_27, %dma_start3A] : memref<10240x128xf32, #tpu.memory_space<vmem_shared>> -> memref<16x128xf32, #tpu.memory_space<vmem_shared>>
      %dma_start3A_107 = arith.constant 0 : i32
      %dma_start3A_108 = tpu.memref_slice %arg7[%add3A_27, %dma_start3A_107] : memref<10240x128xf32, #tpu.memory_space<vmem_shared>> -> memref<16x128xf32, #tpu.memory_space<vmem_shared>>
      tpu.enqueue_dma source(%arg6 : memref<16x128xf32, #tpu.memory_space<vmem>>) target(%dma_start3A_108 : memref<16x128xf32, #tpu.memory_space<vmem_shared>>) target_semaphore(%run_scoped3A : memref<!tpu.dma_semaphore, #tpu.memory_space<semaphore_mem>>)
      %dma_wait3A = arith.constant 0 : i32
      %dma_wait3A_109 = tpu.memref_slice %arg7[%add3A_27, %dma_wait3A] : memref<10240x128xf32, #tpu.memory_space<vmem_shared>> -> memref<16x128xf32, #tpu.memory_space<vmem_shared>>
      %dma_wait3A_110 = arith.constant 0 : i32
      %dma_wait3A_111 = tpu.memref_slice %arg7[%add3A_27, %dma_wait3A_110] : memref<10240x128xf32, #tpu.memory_space<vmem_shared>> -> memref<16x128xf32, #tpu.memory_space<vmem_shared>>
      tpu.wait_dma2 semaphore(%run_scoped3A : memref<!tpu.dma_semaphore, #tpu.memory_space<semaphore_mem>>) src(%arg6 : memref<16x128xf32, #tpu.memory_space<vmem>>) dst(%dma_wait3A_111 : memref<16x128xf32, #tpu.memory_space<vmem_shared>>)
      tpu.yield
    }) : () -> ()
    %add3A_28 = arith.constant 96 : i32
    %add3A_29 = arith.addi %mul3A_15, %add3A_28 : i32
    "tpu.region"() ({
      %run_scoped3A = tpu.sem_alloc : memref<!tpu.dma_semaphore, #tpu.memory_space<semaphore_mem>>
      %dma_start3A = arith.constant 0 : i32
      %dma_start3A_106 = tpu.memref_slice %arg7[%add3A_29, %dma_start3A] : memref<10240x128xf32, #tpu.memory_space<vmem_shared>> -> memref<16x128xf32, #tpu.memory_space<vmem_shared>>
      %dma_start3A_107 = arith.constant 0 : i32
      %dma_start3A_108 = tpu.memref_slice %arg7[%add3A_29, %dma_start3A_107] : memref<10240x128xf32, #tpu.memory_space<vmem_shared>> -> memref<16x128xf32, #tpu.memory_space<vmem_shared>>
      tpu.enqueue_dma source(%arg6 : memref<16x128xf32, #tpu.memory_space<vmem>>) target(%dma_start3A_108 : memref<16x128xf32, #tpu.memory_space<vmem_shared>>) target_semaphore(%run_scoped3A : memref<!tpu.dma_semaphore, #tpu.memory_space<semaphore_mem>>)
      %dma_wait3A = arith.constant 0 : i32
      %dma_wait3A_109 = tpu.memref_slice %arg7[%add3A_29, %dma_wait3A] : memref<10240x128xf32, #tpu.memory_space<vmem_shared>> -> memref<16x128xf32, #tpu.memory_space<vmem_shared>>
      %dma_wait3A_110 = arith.constant 0 : i32
      %dma_wait3A_111 = tpu.memref_slice %arg7[%add3A_29, %dma_wait3A_110] : memref<10240x128xf32, #tpu.memory_space<vmem_shared>> -> memref<16x128xf32, #tpu.memory_space<vmem_shared>>
      tpu.wait_dma2 semaphore(%run_scoped3A : memref<!tpu.dma_semaphore, #tpu.memory_space<semaphore_mem>>) src(%arg6 : memref<16x128xf32, #tpu.memory_space<vmem>>) dst(%dma_wait3A_111 : memref<16x128xf32, #tpu.memory_space<vmem_shared>>)
      tpu.yield
    }) : () -> ()
    %add3A_30 = arith.constant 112 : i32
    %add3A_31 = arith.addi %mul3A_15, %add3A_30 : i32
    "tpu.region"() ({
      %run_scoped3A = tpu.sem_alloc : memref<!tpu.dma_semaphore, #tpu.memory_space<semaphore_mem>>
      %dma_start3A = arith.constant 0 : i32
      %dma_start3A_106 = tpu.memref_slice %arg7[%add3A_31, %dma_start3A] : memref<10240x128xf32, #tpu.memory_space<vmem_shared>> -> memref<16x128xf32, #tpu.memory_space<vmem_shared>>
      %dma_start3A_107 = arith.constant 0 : i32
      %dma_start3A_108 = tpu.memref_slice %arg7[%add3A_31, %dma_start3A_107] : memref<10240x128xf32, #tpu.memory_space<vmem_shared>> -> memref<16x128xf32, #tpu.memory_space<vmem_shared>>
      tpu.enqueue_dma source(%arg6 : memref<16x128xf32, #tpu.memory_space<vmem>>) target(%dma_start3A_108 : memref<16x128xf32, #tpu.memory_space<vmem_shared>>) target_semaphore(%run_scoped3A : memref<!tpu.dma_semaphore, #tpu.memory_space<semaphore_mem>>)
      %dma_wait3A = arith.constant 0 : i32
      %dma_wait3A_109 = tpu.memref_slice %arg7[%add3A_31, %dma_wait3A] : memref<10240x128xf32, #tpu.memory_space<vmem_shared>> -> memref<16x128xf32, #tpu.memory_space<vmem_shared>>
      %dma_wait3A_110 = arith.constant 0 : i32
      %dma_wait3A_111 = tpu.memref_slice %arg7[%add3A_31, %dma_wait3A_110] : memref<10240x128xf32, #tpu.memory_space<vmem_shared>> -> memref<16x128xf32, #tpu.memory_space<vmem_shared>>
      tpu.wait_dma2 semaphore(%run_scoped3A : memref<!tpu.dma_semaphore, #tpu.memory_space<semaphore_mem>>) src(%arg6 : memref<16x128xf32, #tpu.memory_space<vmem>>) dst(%dma_wait3A_111 : memref<16x128xf32, #tpu.memory_space<vmem_shared>>)
      tpu.yield
    }) : () -> ()
    %add3A_32 = arith.constant 128 : i32
    %add3A_33 = arith.addi %mul3A_15, %add3A_32 : i32
    "tpu.region"() ({
      %run_scoped3A = tpu.sem_alloc : memref<!tpu.dma_semaphore, #tpu.memory_space<semaphore_mem>>
      %dma_start3A = arith.constant 0 : i32
      %dma_start3A_106 = tpu.memref_slice %arg7[%add3A_33, %dma_start3A] : memref<10240x128xf32, #tpu.memory_space<vmem_shared>> -> memref<16x128xf32, #tpu.memory_space<vmem_shared>>
      %dma_start3A_107 = arith.constant 0 : i32
      %dma_start3A_108 = tpu.memref_slice %arg7[%add3A_33, %dma_start3A_107] : memref<10240x128xf32, #tpu.memory_space<vmem_shared>> -> memref<16x128xf32, #tpu.memory_space<vmem_shared>>
      tpu.enqueue_dma source(%arg6 : memref<16x128xf32, #tpu.memory_space<vmem>>) target(%dma_start3A_108 : memref<16x128xf32, #tpu.memory_space<vmem_shared>>) target_semaphore(%run_scoped3A : memref<!tpu.dma_semaphore, #tpu.memory_space<semaphore_mem>>)
      %dma_wait3A = arith.constant 0 : i32
      %dma_wait3A_109 = tpu.memref_slice %arg7[%add3A_33, %dma_wait3A] : memref<10240x128xf32, #tpu.memory_space<vmem_shared>> -> memref<16x128xf32, #tpu.memory_space<vmem_shared>>
      %dma_wait3A_110 = arith.constant 0 : i32
      %dma_wait3A_111 = tpu.memref_slice %arg7[%add3A_33, %dma_wait3A_110] : memref<10240x128xf32, #tpu.memory_space<vmem_shared>> -> memref<16x128xf32, #tpu.memory_space<vmem_shared>>
      tpu.wait_dma2 semaphore(%run_scoped3A : memref<!tpu.dma_semaphore, #tpu.memory_space<semaphore_mem>>) src(%arg6 : memref<16x128xf32, #tpu.memory_space<vmem>>) dst(%dma_wait3A_111 : memref<16x128xf32, #tpu.memory_space<vmem_shared>>)
      tpu.yield
    }) : () -> ()
    %add3A_34 = arith.constant 144 : i32
    %add3A_35 = arith.addi %mul3A_15, %add3A_34 : i32
    "tpu.region"() ({
      %run_scoped3A = tpu.sem_alloc : memref<!tpu.dma_semaphore, #tpu.memory_space<semaphore_mem>>
      %dma_start3A = arith.constant 0 : i32
      %dma_start3A_106 = tpu.memref_slice %arg7[%add3A_35, %dma_start3A] : memref<10240x128xf32, #tpu.memory_space<vmem_shared>> -> memref<16x128xf32, #tpu.memory_space<vmem_shared>>
      %dma_start3A_107 = arith.constant 0 : i32
      %dma_start3A_108 = tpu.memref_slice %arg7[%add3A_35, %dma_start3A_107] : memref<10240x128xf32, #tpu.memory_space<vmem_shared>> -> memref<16x128xf32, #tpu.memory_space<vmem_shared>>
      tpu.enqueue_dma source(%arg6 : memref<16x128xf32, #tpu.memory_space<vmem>>) target(%dma_start3A_108 : memref<16x128xf32, #tpu.memory_space<vmem_shared>>) target_semaphore(%run_scoped3A : memref<!tpu.dma_semaphore, #tpu.memory_space<semaphore_mem>>)
      %dma_wait3A = arith.constant 0 : i32
      %dma_wait3A_109 = tpu.memref_slice %arg7[%add3A_35, %dma_wait3A] : memref<10240x128xf32, #tpu.memory_space<vmem_shared>> -> memref<16x128xf32, #tpu.memory_space<vmem_shared>>
      %dma_wait3A_110 = arith.constant 0 : i32
      %dma_wait3A_111 = tpu.memref_slice %arg7[%add3A_35, %dma_wait3A_110] : memref<10240x128xf32, #tpu.memory_space<vmem_shared>> -> memref<16x128xf32, #tpu.memory_space<vmem_shared>>
      tpu.wait_dma2 semaphore(%run_scoped3A : memref<!tpu.dma_semaphore, #tpu.memory_space<semaphore_mem>>) src(%arg6 : memref<16x128xf32, #tpu.memory_space<vmem>>) dst(%dma_wait3A_111 : memref<16x128xf32, #tpu.memory_space<vmem_shared>>)
      tpu.yield
    }) : () -> ()
    %add3A_36 = arith.constant 160 : i32
    %add3A_37 = arith.addi %mul3A_15, %add3A_36 : i32
    "tpu.region"() ({
      %run_scoped3A = tpu.sem_alloc : memref<!tpu.dma_semaphore, #tpu.memory_space<semaphore_mem>>
      %dma_start3A = arith.constant 0 : i32
      %dma_start3A_106 = tpu.memref_slice %arg7[%add3A_37, %dma_start3A] : memref<10240x128xf32, #tpu.memory_space<vmem_shared>> -> memref<16x128xf32, #tpu.memory_space<vmem_shared>>
      %dma_start3A_107 = arith.constant 0 : i32
      %dma_start3A_108 = tpu.memref_slice %arg7[%add3A_37, %dma_start3A_107] : memref<10240x128xf32, #tpu.memory_space<vmem_shared>> -> memref<16x128xf32, #tpu.memory_space<vmem_shared>>
      tpu.enqueue_dma source(%arg6 : memref<16x128xf32, #tpu.memory_space<vmem>>) target(%dma_start3A_108 : memref<16x128xf32, #tpu.memory_space<vmem_shared>>) target_semaphore(%run_scoped3A : memref<!tpu.dma_semaphore, #tpu.memory_space<semaphore_mem>>)
      %dma_wait3A = arith.constant 0 : i32
      %dma_wait3A_109 = tpu.memref_slice %arg7[%add3A_37, %dma_wait3A] : memref<10240x128xf32, #tpu.memory_space<vmem_shared>> -> memref<16x128xf32, #tpu.memory_space<vmem_shared>>
      %dma_wait3A_110 = arith.constant 0 : i32
      %dma_wait3A_111 = tpu.memref_slice %arg7[%add3A_37, %dma_wait3A_110] : memref<10240x128xf32, #tpu.memory_space<vmem_shared>> -> memref<16x128xf32, #tpu.memory_space<vmem_shared>>
      tpu.wait_dma2 semaphore(%run_scoped3A : memref<!tpu.dma_semaphore, #tpu.memory_space<semaphore_mem>>) src(%arg6 : memref<16x128xf32, #tpu.memory_space<vmem>>) dst(%dma_wait3A_111 : memref<16x128xf32, #tpu.memory_space<vmem_shared>>)
      tpu.yield
    }) : () -> ()
    %add3A_38 = arith.constant 176 : i32
    %add3A_39 = arith.addi %mul3A_15, %add3A_38 : i32
    "tpu.region"() ({
      %run_scoped3A = tpu.sem_alloc : memref<!tpu.dma_semaphore, #tpu.memory_space<semaphore_mem>>
      %dma_start3A = arith.constant 0 : i32
      %dma_start3A_106 = tpu.memref_slice %arg7[%add3A_39, %dma_start3A] : memref<10240x128xf32, #tpu.memory_space<vmem_shared>> -> memref<16x128xf32, #tpu.memory_space<vmem_shared>>
      %dma_start3A_107 = arith.constant 0 : i32
      %dma_start3A_108 = tpu.memref_slice %arg7[%add3A_39, %dma_start3A_107] : memref<10240x128xf32, #tpu.memory_space<vmem_shared>> -> memref<16x128xf32, #tpu.memory_space<vmem_shared>>
      tpu.enqueue_dma source(%arg6 : memref<16x128xf32, #tpu.memory_space<vmem>>) target(%dma_start3A_108 : memref<16x128xf32, #tpu.memory_space<vmem_shared>>) target_semaphore(%run_scoped3A : memref<!tpu.dma_semaphore, #tpu.memory_space<semaphore_mem>>)
      %dma_wait3A = arith.constant 0 : i32
      %dma_wait3A_109 = tpu.memref_slice %arg7[%add3A_39, %dma_wait3A] : memref<10240x128xf32, #tpu.memory_space<vmem_shared>> -> memref<16x128xf32, #tpu.memory_space<vmem_shared>>
      %dma_wait3A_110 = arith.constant 0 : i32
      %dma_wait3A_111 = tpu.memref_slice %arg7[%add3A_39, %dma_wait3A_110] : memref<10240x128xf32, #tpu.memory_space<vmem_shared>> -> memref<16x128xf32, #tpu.memory_space<vmem_shared>>
      tpu.wait_dma2 semaphore(%run_scoped3A : memref<!tpu.dma_semaphore, #tpu.memory_space<semaphore_mem>>) src(%arg6 : memref<16x128xf32, #tpu.memory_space<vmem>>) dst(%dma_wait3A_111 : memref<16x128xf32, #tpu.memory_space<vmem_shared>>)
      tpu.yield
    }) : () -> ()
    %add3A_40 = arith.constant 192 : i32
    %add3A_41 = arith.addi %mul3A_15, %add3A_40 : i32
    "tpu.region"() ({
      %run_scoped3A = tpu.sem_alloc : memref<!tpu.dma_semaphore, #tpu.memory_space<semaphore_mem>>
      %dma_start3A = arith.constant 0 : i32
      %dma_start3A_106 = tpu.memref_slice %arg7[%add3A_41, %dma_start3A] : memref<10240x128xf32, #tpu.memory_space<vmem_shared>> -> memref<16x128xf32, #tpu.memory_space<vmem_shared>>
      %dma_start3A_107 = arith.constant 0 : i32
      %dma_start3A_108 = tpu.memref_slice %arg7[%add3A_41, %dma_start3A_107] : memref<10240x128xf32, #tpu.memory_space<vmem_shared>> -> memref<16x128xf32, #tpu.memory_space<vmem_shared>>
      tpu.enqueue_dma source(%arg6 : memref<16x128xf32, #tpu.memory_space<vmem>>) target(%dma_start3A_108 : memref<16x128xf32, #tpu.memory_space<vmem_shared>>) target_semaphore(%run_scoped3A : memref<!tpu.dma_semaphore, #tpu.memory_space<semaphore_mem>>)
      %dma_wait3A = arith.constant 0 : i32
      %dma_wait3A_109 = tpu.memref_slice %arg7[%add3A_41, %dma_wait3A] : memref<10240x128xf32, #tpu.memory_space<vmem_shared>> -> memref<16x128xf32, #tpu.memory_space<vmem_shared>>
      %dma_wait3A_110 = arith.constant 0 : i32
      %dma_wait3A_111 = tpu.memref_slice %arg7[%add3A_41, %dma_wait3A_110] : memref<10240x128xf32, #tpu.memory_space<vmem_shared>> -> memref<16x128xf32, #tpu.memory_space<vmem_shared>>
      tpu.wait_dma2 semaphore(%run_scoped3A : memref<!tpu.dma_semaphore, #tpu.memory_space<semaphore_mem>>) src(%arg6 : memref<16x128xf32, #tpu.memory_space<vmem>>) dst(%dma_wait3A_111 : memref<16x128xf32, #tpu.memory_space<vmem_shared>>)
      tpu.yield
    }) : () -> ()
    %add3A_42 = arith.constant 208 : i32
    %add3A_43 = arith.addi %mul3A_15, %add3A_42 : i32
    "tpu.region"() ({
      %run_scoped3A = tpu.sem_alloc : memref<!tpu.dma_semaphore, #tpu.memory_space<semaphore_mem>>
      %dma_start3A = arith.constant 0 : i32
      %dma_start3A_106 = tpu.memref_slice %arg7[%add3A_43, %dma_start3A] : memref<10240x128xf32, #tpu.memory_space<vmem_shared>> -> memref<16x128xf32, #tpu.memory_space<vmem_shared>>
      %dma_start3A_107 = arith.constant 0 : i32
      %dma_start3A_108 = tpu.memref_slice %arg7[%add3A_43, %dma_start3A_107] : memref<10240x128xf32, #tpu.memory_space<vmem_shared>> -> memref<16x128xf32, #tpu.memory_space<vmem_shared>>
      tpu.enqueue_dma source(%arg6 : memref<16x128xf32, #tpu.memory_space<vmem>>) target(%dma_start3A_108 : memref<16x128xf32, #tpu.memory_space<vmem_shared>>) target_semaphore(%run_scoped3A : memref<!tpu.dma_semaphore, #tpu.memory_space<semaphore_mem>>)
      %dma_wait3A = arith.constant 0 : i32
      %dma_wait3A_109 = tpu.memref_slice %arg7[%add3A_43, %dma_wait3A] : memref<10240x128xf32, #tpu.memory_space<vmem_shared>> -> memref<16x128xf32, #tpu.memory_space<vmem_shared>>
      %dma_wait3A_110 = arith.constant 0 : i32
      %dma_wait3A_111 = tpu.memref_slice %arg7[%add3A_43, %dma_wait3A_110] : memref<10240x128xf32, #tpu.memory_space<vmem_shared>> -> memref<16x128xf32, #tpu.memory_space<vmem_shared>>
      tpu.wait_dma2 semaphore(%run_scoped3A : memref<!tpu.dma_semaphore, #tpu.memory_space<semaphore_mem>>) src(%arg6 : memref<16x128xf32, #tpu.memory_space<vmem>>) dst(%dma_wait3A_111 : memref<16x128xf32, #tpu.memory_space<vmem_shared>>)
      tpu.yield
    }) : () -> ()
    %add3A_44 = arith.constant 224 : i32
    %add3A_45 = arith.addi %mul3A_15, %add3A_44 : i32
    "tpu.region"() ({
      %run_scoped3A = tpu.sem_alloc : memref<!tpu.dma_semaphore, #tpu.memory_space<semaphore_mem>>
      %dma_start3A = arith.constant 0 : i32
      %dma_start3A_106 = tpu.memref_slice %arg7[%add3A_45, %dma_start3A] : memref<10240x128xf32, #tpu.memory_space<vmem_shared>> -> memref<16x128xf32, #tpu.memory_space<vmem_shared>>
      %dma_start3A_107 = arith.constant 0 : i32
      %dma_start3A_108 = tpu.memref_slice %arg7[%add3A_45, %dma_start3A_107] : memref<10240x128xf32, #tpu.memory_space<vmem_shared>> -> memref<16x128xf32, #tpu.memory_space<vmem_shared>>
      tpu.enqueue_dma source(%arg6 : memref<16x128xf32, #tpu.memory_space<vmem>>) target(%dma_start3A_108 : memref<16x128xf32, #tpu.memory_space<vmem_shared>>) target_semaphore(%run_scoped3A : memref<!tpu.dma_semaphore, #tpu.memory_space<semaphore_mem>>)
      %dma_wait3A = arith.constant 0 : i32
      %dma_wait3A_109 = tpu.memref_slice %arg7[%add3A_45, %dma_wait3A] : memref<10240x128xf32, #tpu.memory_space<vmem_shared>> -> memref<16x128xf32, #tpu.memory_space<vmem_shared>>
      %dma_wait3A_110 = arith.constant 0 : i32
      %dma_wait3A_111 = tpu.memref_slice %arg7[%add3A_45, %dma_wait3A_110] : memref<10240x128xf32, #tpu.memory_space<vmem_shared>> -> memref<16x128xf32, #tpu.memory_space<vmem_shared>>
      tpu.wait_dma2 semaphore(%run_scoped3A : memref<!tpu.dma_semaphore, #tpu.memory_space<semaphore_mem>>) src(%arg6 : memref<16x128xf32, #tpu.memory_space<vmem>>) dst(%dma_wait3A_111 : memref<16x128xf32, #tpu.memory_space<vmem_shared>>)
      tpu.yield
    }) : () -> ()
    %add3A_46 = arith.constant 240 : i32
    %add3A_47 = arith.addi %mul3A_15, %add3A_46 : i32
    "tpu.region"() ({
      %run_scoped3A = tpu.sem_alloc : memref<!tpu.dma_semaphore, #tpu.memory_space<semaphore_mem>>
      %dma_start3A = arith.constant 0 : i32
      %dma_start3A_106 = tpu.memref_slice %arg7[%add3A_47, %dma_start3A] : memref<10240x128xf32, #tpu.memory_space<vmem_shared>> -> memref<16x128xf32, #tpu.memory_space<vmem_shared>>
      %dma_start3A_107 = arith.constant 0 : i32
      %dma_start3A_108 = tpu.memref_slice %arg7[%add3A_47, %dma_start3A_107] : memref<10240x128xf32, #tpu.memory_space<vmem_shared>> -> memref<16x128xf32, #tpu.memory_space<vmem_shared>>
      tpu.enqueue_dma source(%arg6 : memref<16x128xf32, #tpu.memory_space<vmem>>) target(%dma_start3A_108 : memref<16x128xf32, #tpu.memory_space<vmem_shared>>) target_semaphore(%run_scoped3A : memref<!tpu.dma_semaphore, #tpu.memory_space<semaphore_mem>>)
      %dma_wait3A = arith.constant 0 : i32
      %dma_wait3A_109 = tpu.memref_slice %arg7[%add3A_47, %dma_wait3A] : memref<10240x128xf32, #tpu.memory_space<vmem_shared>> -> memref<16x128xf32, #tpu.memory_space<vmem_shared>>
      %dma_wait3A_110 = arith.constant 0 : i32
      %dma_wait3A_111 = tpu.memref_slice %arg7[%add3A_47, %dma_wait3A_110] : memref<10240x128xf32, #tpu.memory_space<vmem_shared>> -> memref<16x128xf32, #tpu.memory_space<vmem_shared>>
      tpu.wait_dma2 semaphore(%run_scoped3A : memref<!tpu.dma_semaphore, #tpu.memory_space<semaphore_mem>>) src(%arg6 : memref<16x128xf32, #tpu.memory_space<vmem>>) dst(%dma_wait3A_111 : memref<16x128xf32, #tpu.memory_space<vmem_shared>>)
      tpu.yield
    }) : () -> ()
    %add3A_48 = arith.constant 256 : i32
    %add3A_49 = arith.addi %mul3A_15, %add3A_48 : i32
    "tpu.region"() ({
      %run_scoped3A = tpu.sem_alloc : memref<!tpu.dma_semaphore, #tpu.memory_space<semaphore_mem>>
      %dma_start3A = arith.constant 0 : i32
      %dma_start3A_106 = tpu.memref_slice %arg7[%add3A_49, %dma_start3A] : memref<10240x128xf32, #tpu.memory_space<vmem_shared>> -> memref<16x128xf32, #tpu.memory_space<vmem_shared>>
      %dma_start3A_107 = arith.constant 0 : i32
      %dma_start3A_108 = tpu.memref_slice %arg7[%add3A_49, %dma_start3A_107] : memref<10240x128xf32, #tpu.memory_space<vmem_shared>> -> memref<16x128xf32, #tpu.memory_space<vmem_shared>>
      tpu.enqueue_dma source(%arg6 : memref<16x128xf32, #tpu.memory_space<vmem>>) target(%dma_start3A_108 : memref<16x128xf32, #tpu.memory_space<vmem_shared>>) target_semaphore(%run_scoped3A : memref<!tpu.dma_semaphore, #tpu.memory_space<semaphore_mem>>)
      %dma_wait3A = arith.constant 0 : i32
      %dma_wait3A_109 = tpu.memref_slice %arg7[%add3A_49, %dma_wait3A] : memref<10240x128xf32, #tpu.memory_space<vmem_shared>> -> memref<16x128xf32, #tpu.memory_space<vmem_shared>>
      %dma_wait3A_110 = arith.constant 0 : i32
      %dma_wait3A_111 = tpu.memref_slice %arg7[%add3A_49, %dma_wait3A_110] : memref<10240x128xf32, #tpu.memory_space<vmem_shared>> -> memref<16x128xf32, #tpu.memory_space<vmem_shared>>
      tpu.wait_dma2 semaphore(%run_scoped3A : memref<!tpu.dma_semaphore, #tpu.memory_space<semaphore_mem>>) src(%arg6 : memref<16x128xf32, #tpu.memory_space<vmem>>) dst(%dma_wait3A_111 : memref<16x128xf32, #tpu.memory_space<vmem_shared>>)
      tpu.yield
    }) : () -> ()
    %add3A_50 = arith.constant 272 : i32
    %add3A_51 = arith.addi %mul3A_15, %add3A_50 : i32
    "tpu.region"() ({
      %run_scoped3A = tpu.sem_alloc : memref<!tpu.dma_semaphore, #tpu.memory_space<semaphore_mem>>
      %dma_start3A = arith.constant 0 : i32
      %dma_start3A_106 = tpu.memref_slice %arg7[%add3A_51, %dma_start3A] : memref<10240x128xf32, #tpu.memory_space<vmem_shared>> -> memref<16x128xf32, #tpu.memory_space<vmem_shared>>
      %dma_start3A_107 = arith.constant 0 : i32
      %dma_start3A_108 = tpu.memref_slice %arg7[%add3A_51, %dma_start3A_107] : memref<10240x128xf32, #tpu.memory_space<vmem_shared>> -> memref<16x128xf32, #tpu.memory_space<vmem_shared>>
      tpu.enqueue_dma source(%arg6 : memref<16x128xf32, #tpu.memory_space<vmem>>) target(%dma_start3A_108 : memref<16x128xf32, #tpu.memory_space<vmem_shared>>) target_semaphore(%run_scoped3A : memref<!tpu.dma_semaphore, #tpu.memory_space<semaphore_mem>>)
      %dma_wait3A = arith.constant 0 : i32
      %dma_wait3A_109 = tpu.memref_slice %arg7[%add3A_51, %dma_wait3A] : memref<10240x128xf32, #tpu.memory_space<vmem_shared>> -> memref<16x128xf32, #tpu.memory_space<vmem_shared>>
      %dma_wait3A_110 = arith.constant 0 : i32
      %dma_wait3A_111 = tpu.memref_slice %arg7[%add3A_51, %dma_wait3A_110] : memref<10240x128xf32, #tpu.memory_space<vmem_shared>> -> memref<16x128xf32, #tpu.memory_space<vmem_shared>>
      tpu.wait_dma2 semaphore(%run_scoped3A : memref<!tpu.dma_semaphore, #tpu.memory_space<semaphore_mem>>) src(%arg6 : memref<16x128xf32, #tpu.memory_space<vmem>>) dst(%dma_wait3A_111 : memref<16x128xf32, #tpu.memory_space<vmem_shared>>)
      tpu.yield
    }) : () -> ()
    %add3A_52 = arith.constant 288 : i32
    %add3A_53 = arith.addi %mul3A_15, %add3A_52 : i32
    "tpu.region"() ({
      %run_scoped3A = tpu.sem_alloc : memref<!tpu.dma_semaphore, #tpu.memory_space<semaphore_mem>>
      %dma_start3A = arith.constant 0 : i32
      %dma_start3A_106 = tpu.memref_slice %arg7[%add3A_53, %dma_start3A] : memref<10240x128xf32, #tpu.memory_space<vmem_shared>> -> memref<16x128xf32, #tpu.memory_space<vmem_shared>>
      %dma_start3A_107 = arith.constant 0 : i32
      %dma_start3A_108 = tpu.memref_slice %arg7[%add3A_53, %dma_start3A_107] : memref<10240x128xf32, #tpu.memory_space<vmem_shared>> -> memref<16x128xf32, #tpu.memory_space<vmem_shared>>
      tpu.enqueue_dma source(%arg6 : memref<16x128xf32, #tpu.memory_space<vmem>>) target(%dma_start3A_108 : memref<16x128xf32, #tpu.memory_space<vmem_shared>>) target_semaphore(%run_scoped3A : memref<!tpu.dma_semaphore, #tpu.memory_space<semaphore_mem>>)
      %dma_wait3A = arith.constant 0 : i32
      %dma_wait3A_109 = tpu.memref_slice %arg7[%add3A_53, %dma_wait3A] : memref<10240x128xf32, #tpu.memory_space<vmem_shared>> -> memref<16x128xf32, #tpu.memory_space<vmem_shared>>
      %dma_wait3A_110 = arith.constant 0 : i32
      %dma_wait3A_111 = tpu.memref_slice %arg7[%add3A_53, %dma_wait3A_110] : memref<10240x128xf32, #tpu.memory_space<vmem_shared>> -> memref<16x128xf32, #tpu.memory_space<vmem_shared>>
      tpu.wait_dma2 semaphore(%run_scoped3A : memref<!tpu.dma_semaphore, #tpu.memory_space<semaphore_mem>>) src(%arg6 : memref<16x128xf32, #tpu.memory_space<vmem>>) dst(%dma_wait3A_111 : memref<16x128xf32, #tpu.memory_space<vmem_shared>>)
      tpu.yield
    }) : () -> ()
    %add3A_54 = arith.constant 304 : i32
    %add3A_55 = arith.addi %mul3A_15, %add3A_54 : i32
    "tpu.region"() ({
      %run_scoped3A = tpu.sem_alloc : memref<!tpu.dma_semaphore, #tpu.memory_space<semaphore_mem>>
      %dma_start3A = arith.constant 0 : i32
      %dma_start3A_106 = tpu.memref_slice %arg7[%add3A_55, %dma_start3A] : memref<10240x128xf32, #tpu.memory_space<vmem_shared>> -> memref<16x128xf32, #tpu.memory_space<vmem_shared>>
      %dma_start3A_107 = arith.constant 0 : i32
      %dma_start3A_108 = tpu.memref_slice %arg7[%add3A_55, %dma_start3A_107] : memref<10240x128xf32, #tpu.memory_space<vmem_shared>> -> memref<16x128xf32, #tpu.memory_space<vmem_shared>>
      tpu.enqueue_dma source(%arg6 : memref<16x128xf32, #tpu.memory_space<vmem>>) target(%dma_start3A_108 : memref<16x128xf32, #tpu.memory_space<vmem_shared>>) target_semaphore(%run_scoped3A : memref<!tpu.dma_semaphore, #tpu.memory_space<semaphore_mem>>)
      %dma_wait3A = arith.constant 0 : i32
      %dma_wait3A_109 = tpu.memref_slice %arg7[%add3A_55, %dma_wait3A] : memref<10240x128xf32, #tpu.memory_space<vmem_shared>> -> memref<16x128xf32, #tpu.memory_space<vmem_shared>>
      %dma_wait3A_110 = arith.constant 0 : i32
      %dma_wait3A_111 = tpu.memref_slice %arg7[%add3A_55, %dma_wait3A_110] : memref<10240x128xf32, #tpu.memory_space<vmem_shared>> -> memref<16x128xf32, #tpu.memory_space<vmem_shared>>
      tpu.wait_dma2 semaphore(%run_scoped3A : memref<!tpu.dma_semaphore, #tpu.memory_space<semaphore_mem>>) src(%arg6 : memref<16x128xf32, #tpu.memory_space<vmem>>) dst(%dma_wait3A_111 : memref<16x128xf32, #tpu.memory_space<vmem_shared>>)
      tpu.yield
    }) : () -> ()
    %add3A_56 = arith.constant 320 : i32
    %add3A_57 = arith.addi %mul3A_15, %add3A_56 : i32
    "tpu.region"() ({
      %run_scoped3A = tpu.sem_alloc : memref<!tpu.dma_semaphore, #tpu.memory_space<semaphore_mem>>
      %dma_start3A = arith.constant 0 : i32
      %dma_start3A_106 = tpu.memref_slice %arg7[%add3A_57, %dma_start3A] : memref<10240x128xf32, #tpu.memory_space<vmem_shared>> -> memref<16x128xf32, #tpu.memory_space<vmem_shared>>
      %dma_start3A_107 = arith.constant 0 : i32
      %dma_start3A_108 = tpu.memref_slice %arg7[%add3A_57, %dma_start3A_107] : memref<10240x128xf32, #tpu.memory_space<vmem_shared>> -> memref<16x128xf32, #tpu.memory_space<vmem_shared>>
      tpu.enqueue_dma source(%arg6 : memref<16x128xf32, #tpu.memory_space<vmem>>) target(%dma_start3A_108 : memref<16x128xf32, #tpu.memory_space<vmem_shared>>) target_semaphore(%run_scoped3A : memref<!tpu.dma_semaphore, #tpu.memory_space<semaphore_mem>>)
      %dma_wait3A = arith.constant 0 : i32
      %dma_wait3A_109 = tpu.memref_slice %arg7[%add3A_57, %dma_wait3A] : memref<10240x128xf32, #tpu.memory_space<vmem_shared>> -> memref<16x128xf32, #tpu.memory_space<vmem_shared>>
      %dma_wait3A_110 = arith.constant 0 : i32
      %dma_wait3A_111 = tpu.memref_slice %arg7[%add3A_57, %dma_wait3A_110] : memref<10240x128xf32, #tpu.memory_space<vmem_shared>> -> memref<16x128xf32, #tpu.memory_space<vmem_shared>>
      tpu.wait_dma2 semaphore(%run_scoped3A : memref<!tpu.dma_semaphore, #tpu.memory_space<semaphore_mem>>) src(%arg6 : memref<16x128xf32, #tpu.memory_space<vmem>>) dst(%dma_wait3A_111 : memref<16x128xf32, #tpu.memory_space<vmem_shared>>)
      tpu.yield
    }) : () -> ()
    %add3A_58 = arith.constant 336 : i32
    %add3A_59 = arith.addi %mul3A_15, %add3A_58 : i32
    "tpu.region"() ({
      %run_scoped3A = tpu.sem_alloc : memref<!tpu.dma_semaphore, #tpu.memory_space<semaphore_mem>>
      %dma_start3A = arith.constant 0 : i32
      %dma_start3A_106 = tpu.memref_slice %arg7[%add3A_59, %dma_start3A] : memref<10240x128xf32, #tpu.memory_space<vmem_shared>> -> memref<16x128xf32, #tpu.memory_space<vmem_shared>>
      %dma_start3A_107 = arith.constant 0 : i32
      %dma_start3A_108 = tpu.memref_slice %arg7[%add3A_59, %dma_start3A_107] : memref<10240x128xf32, #tpu.memory_space<vmem_shared>> -> memref<16x128xf32, #tpu.memory_space<vmem_shared>>
      tpu.enqueue_dma source(%arg6 : memref<16x128xf32, #tpu.memory_space<vmem>>) target(%dma_start3A_108 : memref<16x128xf32, #tpu.memory_space<vmem_shared>>) target_semaphore(%run_scoped3A : memref<!tpu.dma_semaphore, #tpu.memory_space<semaphore_mem>>)
      %dma_wait3A = arith.constant 0 : i32
      %dma_wait3A_109 = tpu.memref_slice %arg7[%add3A_59, %dma_wait3A] : memref<10240x128xf32, #tpu.memory_space<vmem_shared>> -> memref<16x128xf32, #tpu.memory_space<vmem_shared>>
      %dma_wait3A_110 = arith.constant 0 : i32
      %dma_wait3A_111 = tpu.memref_slice %arg7[%add3A_59, %dma_wait3A_110] : memref<10240x128xf32, #tpu.memory_space<vmem_shared>> -> memref<16x128xf32, #tpu.memory_space<vmem_shared>>
      tpu.wait_dma2 semaphore(%run_scoped3A : memref<!tpu.dma_semaphore, #tpu.memory_space<semaphore_mem>>) src(%arg6 : memref<16x128xf32, #tpu.memory_space<vmem>>) dst(%dma_wait3A_111 : memref<16x128xf32, #tpu.memory_space<vmem_shared>>)
      tpu.yield
    }) : () -> ()
    %add3A_60 = arith.constant 352 : i32
    %add3A_61 = arith.addi %mul3A_15, %add3A_60 : i32
    "tpu.region"() ({
      %run_scoped3A = tpu.sem_alloc : memref<!tpu.dma_semaphore, #tpu.memory_space<semaphore_mem>>
      %dma_start3A = arith.constant 0 : i32
      %dma_start3A_106 = tpu.memref_slice %arg7[%add3A_61, %dma_start3A] : memref<10240x128xf32, #tpu.memory_space<vmem_shared>> -> memref<16x128xf32, #tpu.memory_space<vmem_shared>>
      %dma_start3A_107 = arith.constant 0 : i32
      %dma_start3A_108 = tpu.memref_slice %arg7[%add3A_61, %dma_start3A_107] : memref<10240x128xf32, #tpu.memory_space<vmem_shared>> -> memref<16x128xf32, #tpu.memory_space<vmem_shared>>
      tpu.enqueue_dma source(%arg6 : memref<16x128xf32, #tpu.memory_space<vmem>>) target(%dma_start3A_108 : memref<16x128xf32, #tpu.memory_space<vmem_shared>>) target_semaphore(%run_scoped3A : memref<!tpu.dma_semaphore, #tpu.memory_space<semaphore_mem>>)
      %dma_wait3A = arith.constant 0 : i32
      %dma_wait3A_109 = tpu.memref_slice %arg7[%add3A_61, %dma_wait3A] : memref<10240x128xf32, #tpu.memory_space<vmem_shared>> -> memref<16x128xf32, #tpu.memory_space<vmem_shared>>
      %dma_wait3A_110 = arith.constant 0 : i32
      %dma_wait3A_111 = tpu.memref_slice %arg7[%add3A_61, %dma_wait3A_110] : memref<10240x128xf32, #tpu.memory_space<vmem_shared>> -> memref<16x128xf32, #tpu.memory_space<vmem_shared>>
      tpu.wait_dma2 semaphore(%run_scoped3A : memref<!tpu.dma_semaphore, #tpu.memory_space<semaphore_mem>>) src(%arg6 : memref<16x128xf32, #tpu.memory_space<vmem>>) dst(%dma_wait3A_111 : memref<16x128xf32, #tpu.memory_space<vmem_shared>>)
      tpu.yield
    }) : () -> ()
    %add3A_62 = arith.constant 368 : i32
    %add3A_63 = arith.addi %mul3A_15, %add3A_62 : i32
    "tpu.region"() ({
      %run_scoped3A = tpu.sem_alloc : memref<!tpu.dma_semaphore, #tpu.memory_space<semaphore_mem>>
      %dma_start3A = arith.constant 0 : i32
      %dma_start3A_106 = tpu.memref_slice %arg7[%add3A_63, %dma_start3A] : memref<10240x128xf32, #tpu.memory_space<vmem_shared>> -> memref<16x128xf32, #tpu.memory_space<vmem_shared>>
      %dma_start3A_107 = arith.constant 0 : i32
      %dma_start3A_108 = tpu.memref_slice %arg7[%add3A_63, %dma_start3A_107] : memref<10240x128xf32, #tpu.memory_space<vmem_shared>> -> memref<16x128xf32, #tpu.memory_space<vmem_shared>>
      tpu.enqueue_dma source(%arg6 : memref<16x128xf32, #tpu.memory_space<vmem>>) target(%dma_start3A_108 : memref<16x128xf32, #tpu.memory_space<vmem_shared>>) target_semaphore(%run_scoped3A : memref<!tpu.dma_semaphore, #tpu.memory_space<semaphore_mem>>)
      %dma_wait3A = arith.constant 0 : i32
      %dma_wait3A_109 = tpu.memref_slice %arg7[%add3A_63, %dma_wait3A] : memref<10240x128xf32, #tpu.memory_space<vmem_shared>> -> memref<16x128xf32, #tpu.memory_space<vmem_shared>>
      %dma_wait3A_110 = arith.constant 0 : i32
      %dma_wait3A_111 = tpu.memref_slice %arg7[%add3A_63, %dma_wait3A_110] : memref<10240x128xf32, #tpu.memory_space<vmem_shared>> -> memref<16x128xf32, #tpu.memory_space<vmem_shared>>
      tpu.wait_dma2 semaphore(%run_scoped3A : memref<!tpu.dma_semaphore, #tpu.memory_space<semaphore_mem>>) src(%arg6 : memref<16x128xf32, #tpu.memory_space<vmem>>) dst(%dma_wait3A_111 : memref<16x128xf32, #tpu.memory_space<vmem_shared>>)
      tpu.yield
    }) : () -> ()
    %add3A_64 = arith.constant 384 : i32
    %add3A_65 = arith.addi %mul3A_15, %add3A_64 : i32
    "tpu.region"() ({
      %run_scoped3A = tpu.sem_alloc : memref<!tpu.dma_semaphore, #tpu.memory_space<semaphore_mem>>
      %dma_start3A = arith.constant 0 : i32
      %dma_start3A_106 = tpu.memref_slice %arg7[%add3A_65, %dma_start3A] : memref<10240x128xf32, #tpu.memory_space<vmem_shared>> -> memref<16x128xf32, #tpu.memory_space<vmem_shared>>
      %dma_start3A_107 = arith.constant 0 : i32
      %dma_start3A_108 = tpu.memref_slice %arg7[%add3A_65, %dma_start3A_107] : memref<10240x128xf32, #tpu.memory_space<vmem_shared>> -> memref<16x128xf32, #tpu.memory_space<vmem_shared>>
      tpu.enqueue_dma source(%arg6 : memref<16x128xf32, #tpu.memory_space<vmem>>) target(%dma_start3A_108 : memref<16x128xf32, #tpu.memory_space<vmem_shared>>) target_semaphore(%run_scoped3A : memref<!tpu.dma_semaphore, #tpu.memory_space<semaphore_mem>>)
      %dma_wait3A = arith.constant 0 : i32
      %dma_wait3A_109 = tpu.memref_slice %arg7[%add3A_65, %dma_wait3A] : memref<10240x128xf32, #tpu.memory_space<vmem_shared>> -> memref<16x128xf32, #tpu.memory_space<vmem_shared>>
      %dma_wait3A_110 = arith.constant 0 : i32
      %dma_wait3A_111 = tpu.memref_slice %arg7[%add3A_65, %dma_wait3A_110] : memref<10240x128xf32, #tpu.memory_space<vmem_shared>> -> memref<16x128xf32, #tpu.memory_space<vmem_shared>>
      tpu.wait_dma2 semaphore(%run_scoped3A : memref<!tpu.dma_semaphore, #tpu.memory_space<semaphore_mem>>) src(%arg6 : memref<16x128xf32, #tpu.memory_space<vmem>>) dst(%dma_wait3A_111 : memref<16x128xf32, #tpu.memory_space<vmem_shared>>)
      tpu.yield
    }) : () -> ()
    %add3A_66 = arith.constant 400 : i32
    %add3A_67 = arith.addi %mul3A_15, %add3A_66 : i32
    "tpu.region"() ({
      %run_scoped3A = tpu.sem_alloc : memref<!tpu.dma_semaphore, #tpu.memory_space<semaphore_mem>>
      %dma_start3A = arith.constant 0 : i32
      %dma_start3A_106 = tpu.memref_slice %arg7[%add3A_67, %dma_start3A] : memref<10240x128xf32, #tpu.memory_space<vmem_shared>> -> memref<16x128xf32, #tpu.memory_space<vmem_shared>>
      %dma_start3A_107 = arith.constant 0 : i32
      %dma_start3A_108 = tpu.memref_slice %arg7[%add3A_67, %dma_start3A_107] : memref<10240x128xf32, #tpu.memory_space<vmem_shared>> -> memref<16x128xf32, #tpu.memory_space<vmem_shared>>
      tpu.enqueue_dma source(%arg6 : memref<16x128xf32, #tpu.memory_space<vmem>>) target(%dma_start3A_108 : memref<16x128xf32, #tpu.memory_space<vmem_shared>>) target_semaphore(%run_scoped3A : memref<!tpu.dma_semaphore, #tpu.memory_space<semaphore_mem>>)
      %dma_wait3A = arith.constant 0 : i32
      %dma_wait3A_109 = tpu.memref_slice %arg7[%add3A_67, %dma_wait3A] : memref<10240x128xf32, #tpu.memory_space<vmem_shared>> -> memref<16x128xf32, #tpu.memory_space<vmem_shared>>
      %dma_wait3A_110 = arith.constant 0 : i32
      %dma_wait3A_111 = tpu.memref_slice %arg7[%add3A_67, %dma_wait3A_110] : memref<10240x128xf32, #tpu.memory_space<vmem_shared>> -> memref<16x128xf32, #tpu.memory_space<vmem_shared>>
      tpu.wait_dma2 semaphore(%run_scoped3A : memref<!tpu.dma_semaphore, #tpu.memory_space<semaphore_mem>>) src(%arg6 : memref<16x128xf32, #tpu.memory_space<vmem>>) dst(%dma_wait3A_111 : memref<16x128xf32, #tpu.memory_space<vmem_shared>>)
      tpu.yield
    }) : () -> ()
    %add3A_68 = arith.constant 416 : i32
    %add3A_69 = arith.addi %mul3A_15, %add3A_68 : i32
    "tpu.region"() ({
      %run_scoped3A = tpu.sem_alloc : memref<!tpu.dma_semaphore, #tpu.memory_space<semaphore_mem>>
      %dma_start3A = arith.constant 0 : i32
      %dma_start3A_106 = tpu.memref_slice %arg7[%add3A_69, %dma_start3A] : memref<10240x128xf32, #tpu.memory_space<vmem_shared>> -> memref<16x128xf32, #tpu.memory_space<vmem_shared>>
      %dma_start3A_107 = arith.constant 0 : i32
      %dma_start3A_108 = tpu.memref_slice %arg7[%add3A_69, %dma_start3A_107] : memref<10240x128xf32, #tpu.memory_space<vmem_shared>> -> memref<16x128xf32, #tpu.memory_space<vmem_shared>>
      tpu.enqueue_dma source(%arg6 : memref<16x128xf32, #tpu.memory_space<vmem>>) target(%dma_start3A_108 : memref<16x128xf32, #tpu.memory_space<vmem_shared>>) target_semaphore(%run_scoped3A : memref<!tpu.dma_semaphore, #tpu.memory_space<semaphore_mem>>)
      %dma_wait3A = arith.constant 0 : i32
      %dma_wait3A_109 = tpu.memref_slice %arg7[%add3A_69, %dma_wait3A] : memref<10240x128xf32, #tpu.memory_space<vmem_shared>> -> memref<16x128xf32, #tpu.memory_space<vmem_shared>>
      %dma_wait3A_110 = arith.constant 0 : i32
      %dma_wait3A_111 = tpu.memref_slice %arg7[%add3A_69, %dma_wait3A_110] : memref<10240x128xf32, #tpu.memory_space<vmem_shared>> -> memref<16x128xf32, #tpu.memory_space<vmem_shared>>
      tpu.wait_dma2 semaphore(%run_scoped3A : memref<!tpu.dma_semaphore, #tpu.memory_space<semaphore_mem>>) src(%arg6 : memref<16x128xf32, #tpu.memory_space<vmem>>) dst(%dma_wait3A_111 : memref<16x128xf32, #tpu.memory_space<vmem_shared>>)
      tpu.yield
    }) : () -> ()
    %add3A_70 = arith.constant 432 : i32
    %add3A_71 = arith.addi %mul3A_15, %add3A_70 : i32
    "tpu.region"() ({
      %run_scoped3A = tpu.sem_alloc : memref<!tpu.dma_semaphore, #tpu.memory_space<semaphore_mem>>
      %dma_start3A = arith.constant 0 : i32
      %dma_start3A_106 = tpu.memref_slice %arg7[%add3A_71, %dma_start3A] : memref<10240x128xf32, #tpu.memory_space<vmem_shared>> -> memref<16x128xf32, #tpu.memory_space<vmem_shared>>
      %dma_start3A_107 = arith.constant 0 : i32
      %dma_start3A_108 = tpu.memref_slice %arg7[%add3A_71, %dma_start3A_107] : memref<10240x128xf32, #tpu.memory_space<vmem_shared>> -> memref<16x128xf32, #tpu.memory_space<vmem_shared>>
      tpu.enqueue_dma source(%arg6 : memref<16x128xf32, #tpu.memory_space<vmem>>) target(%dma_start3A_108 : memref<16x128xf32, #tpu.memory_space<vmem_shared>>) target_semaphore(%run_scoped3A : memref<!tpu.dma_semaphore, #tpu.memory_space<semaphore_mem>>)
      %dma_wait3A = arith.constant 0 : i32
      %dma_wait3A_109 = tpu.memref_slice %arg7[%add3A_71, %dma_wait3A] : memref<10240x128xf32, #tpu.memory_space<vmem_shared>> -> memref<16x128xf32, #tpu.memory_space<vmem_shared>>
      %dma_wait3A_110 = arith.constant 0 : i32
      %dma_wait3A_111 = tpu.memref_slice %arg7[%add3A_71, %dma_wait3A_110] : memref<10240x128xf32, #tpu.memory_space<vmem_shared>> -> memref<16x128xf32, #tpu.memory_space<vmem_shared>>
      tpu.wait_dma2 semaphore(%run_scoped3A : memref<!tpu.dma_semaphore, #tpu.memory_space<semaphore_mem>>) src(%arg6 : memref<16x128xf32, #tpu.memory_space<vmem>>) dst(%dma_wait3A_111 : memref<16x128xf32, #tpu.memory_space<vmem_shared>>)
      tpu.yield
    }) : () -> ()
    %add3A_72 = arith.constant 448 : i32
    %add3A_73 = arith.addi %mul3A_15, %add3A_72 : i32
    "tpu.region"() ({
      %run_scoped3A = tpu.sem_alloc : memref<!tpu.dma_semaphore, #tpu.memory_space<semaphore_mem>>
      %dma_start3A = arith.constant 0 : i32
      %dma_start3A_106 = tpu.memref_slice %arg7[%add3A_73, %dma_start3A] : memref<10240x128xf32, #tpu.memory_space<vmem_shared>> -> memref<16x128xf32, #tpu.memory_space<vmem_shared>>
      %dma_start3A_107 = arith.constant 0 : i32
      %dma_start3A_108 = tpu.memref_slice %arg7[%add3A_73, %dma_start3A_107] : memref<10240x128xf32, #tpu.memory_space<vmem_shared>> -> memref<16x128xf32, #tpu.memory_space<vmem_shared>>
      tpu.enqueue_dma source(%arg6 : memref<16x128xf32, #tpu.memory_space<vmem>>) target(%dma_start3A_108 : memref<16x128xf32, #tpu.memory_space<vmem_shared>>) target_semaphore(%run_scoped3A : memref<!tpu.dma_semaphore, #tpu.memory_space<semaphore_mem>>)
      %dma_wait3A = arith.constant 0 : i32
      %dma_wait3A_109 = tpu.memref_slice %arg7[%add3A_73, %dma_wait3A] : memref<10240x128xf32, #tpu.memory_space<vmem_shared>> -> memref<16x128xf32, #tpu.memory_space<vmem_shared>>
      %dma_wait3A_110 = arith.constant 0 : i32
      %dma_wait3A_111 = tpu.memref_slice %arg7[%add3A_73, %dma_wait3A_110] : memref<10240x128xf32, #tpu.memory_space<vmem_shared>> -> memref<16x128xf32, #tpu.memory_space<vmem_shared>>
      tpu.wait_dma2 semaphore(%run_scoped3A : memref<!tpu.dma_semaphore, #tpu.memory_space<semaphore_mem>>) src(%arg6 : memref<16x128xf32, #tpu.memory_space<vmem>>) dst(%dma_wait3A_111 : memref<16x128xf32, #tpu.memory_space<vmem_shared>>)
      tpu.yield
    }) : () -> ()
    %add3A_74 = arith.constant 464 : i32
    %add3A_75 = arith.addi %mul3A_15, %add3A_74 : i32
    "tpu.region"() ({
      %run_scoped3A = tpu.sem_alloc : memref<!tpu.dma_semaphore, #tpu.memory_space<semaphore_mem>>
      %dma_start3A = arith.constant 0 : i32
      %dma_start3A_106 = tpu.memref_slice %arg7[%add3A_75, %dma_start3A] : memref<10240x128xf32, #tpu.memory_space<vmem_shared>> -> memref<16x128xf32, #tpu.memory_space<vmem_shared>>
      %dma_start3A_107 = arith.constant 0 : i32
      %dma_start3A_108 = tpu.memref_slice %arg7[%add3A_75, %dma_start3A_107] : memref<10240x128xf32, #tpu.memory_space<vmem_shared>> -> memref<16x128xf32, #tpu.memory_space<vmem_shared>>
      tpu.enqueue_dma source(%arg6 : memref<16x128xf32, #tpu.memory_space<vmem>>) target(%dma_start3A_108 : memref<16x128xf32, #tpu.memory_space<vmem_shared>>) target_semaphore(%run_scoped3A : memref<!tpu.dma_semaphore, #tpu.memory_space<semaphore_mem>>)
      %dma_wait3A = arith.constant 0 : i32
      %dma_wait3A_109 = tpu.memref_slice %arg7[%add3A_75, %dma_wait3A] : memref<10240x128xf32, #tpu.memory_space<vmem_shared>> -> memref<16x128xf32, #tpu.memory_space<vmem_shared>>
      %dma_wait3A_110 = arith.constant 0 : i32
      %dma_wait3A_111 = tpu.memref_slice %arg7[%add3A_75, %dma_wait3A_110] : memref<10240x128xf32, #tpu.memory_space<vmem_shared>> -> memref<16x128xf32, #tpu.memory_space<vmem_shared>>
      tpu.wait_dma2 semaphore(%run_scoped3A : memref<!tpu.dma_semaphore, #tpu.memory_space<semaphore_mem>>) src(%arg6 : memref<16x128xf32, #tpu.memory_space<vmem>>) dst(%dma_wait3A_111 : memref<16x128xf32, #tpu.memory_space<vmem_shared>>)
      tpu.yield
    }) : () -> ()
    %add3A_76 = arith.constant 480 : i32
    %add3A_77 = arith.addi %mul3A_15, %add3A_76 : i32
    "tpu.region"() ({
      %run_scoped3A = tpu.sem_alloc : memref<!tpu.dma_semaphore, #tpu.memory_space<semaphore_mem>>
      %dma_start3A = arith.constant 0 : i32
      %dma_start3A_106 = tpu.memref_slice %arg7[%add3A_77, %dma_start3A] : memref<10240x128xf32, #tpu.memory_space<vmem_shared>> -> memref<16x128xf32, #tpu.memory_space<vmem_shared>>
      %dma_start3A_107 = arith.constant 0 : i32
      %dma_start3A_108 = tpu.memref_slice %arg7[%add3A_77, %dma_start3A_107] : memref<10240x128xf32, #tpu.memory_space<vmem_shared>> -> memref<16x128xf32, #tpu.memory_space<vmem_shared>>
      tpu.enqueue_dma source(%arg6 : memref<16x128xf32, #tpu.memory_space<vmem>>) target(%dma_start3A_108 : memref<16x128xf32, #tpu.memory_space<vmem_shared>>) target_semaphore(%run_scoped3A : memref<!tpu.dma_semaphore, #tpu.memory_space<semaphore_mem>>)
      %dma_wait3A = arith.constant 0 : i32
      %dma_wait3A_109 = tpu.memref_slice %arg7[%add3A_77, %dma_wait3A] : memref<10240x128xf32, #tpu.memory_space<vmem_shared>> -> memref<16x128xf32, #tpu.memory_space<vmem_shared>>
      %dma_wait3A_110 = arith.constant 0 : i32
      %dma_wait3A_111 = tpu.memref_slice %arg7[%add3A_77, %dma_wait3A_110] : memref<10240x128xf32, #tpu.memory_space<vmem_shared>> -> memref<16x128xf32, #tpu.memory_space<vmem_shared>>
      tpu.wait_dma2 semaphore(%run_scoped3A : memref<!tpu.dma_semaphore, #tpu.memory_space<semaphore_mem>>) src(%arg6 : memref<16x128xf32, #tpu.memory_space<vmem>>) dst(%dma_wait3A_111 : memref<16x128xf32, #tpu.memory_space<vmem_shared>>)
      tpu.yield
    }) : () -> ()
    %add3A_78 = arith.constant 496 : i32
    %add3A_79 = arith.addi %mul3A_15, %add3A_78 : i32
    "tpu.region"() ({
      %run_scoped3A = tpu.sem_alloc : memref<!tpu.dma_semaphore, #tpu.memory_space<semaphore_mem>>
      %dma_start3A = arith.constant 0 : i32
      %dma_start3A_106 = tpu.memref_slice %arg7[%add3A_79, %dma_start3A] : memref<10240x128xf32, #tpu.memory_space<vmem_shared>> -> memref<16x128xf32, #tpu.memory_space<vmem_shared>>
      %dma_start3A_107 = arith.constant 0 : i32
      %dma_start3A_108 = tpu.memref_slice %arg7[%add3A_79, %dma_start3A_107] : memref<10240x128xf32, #tpu.memory_space<vmem_shared>> -> memref<16x128xf32, #tpu.memory_space<vmem_shared>>
      tpu.enqueue_dma source(%arg6 : memref<16x128xf32, #tpu.memory_space<vmem>>) target(%dma_start3A_108 : memref<16x128xf32, #tpu.memory_space<vmem_shared>>) target_semaphore(%run_scoped3A : memref<!tpu.dma_semaphore, #tpu.memory_space<semaphore_mem>>)
      %dma_wait3A = arith.constant 0 : i32
      %dma_wait3A_109 = tpu.memref_slice %arg7[%add3A_79, %dma_wait3A] : memref<10240x128xf32, #tpu.memory_space<vmem_shared>> -> memref<16x128xf32, #tpu.memory_space<vmem_shared>>
      %dma_wait3A_110 = arith.constant 0 : i32
      %dma_wait3A_111 = tpu.memref_slice %arg7[%add3A_79, %dma_wait3A_110] : memref<10240x128xf32, #tpu.memory_space<vmem_shared>> -> memref<16x128xf32, #tpu.memory_space<vmem_shared>>
      tpu.wait_dma2 semaphore(%run_scoped3A : memref<!tpu.dma_semaphore, #tpu.memory_space<semaphore_mem>>) src(%arg6 : memref<16x128xf32, #tpu.memory_space<vmem>>) dst(%dma_wait3A_111 : memref<16x128xf32, #tpu.memory_space<vmem_shared>>)
      tpu.yield
    }) : () -> ()
    %add3A_80 = arith.constant 512 : i32
    %add3A_81 = arith.addi %mul3A_15, %add3A_80 : i32
    "tpu.region"() ({
      %run_scoped3A = tpu.sem_alloc : memref<!tpu.dma_semaphore, #tpu.memory_space<semaphore_mem>>
      %dma_start3A = arith.constant 0 : i32
      %dma_start3A_106 = tpu.memref_slice %arg7[%add3A_81, %dma_start3A] : memref<10240x128xf32, #tpu.memory_space<vmem_shared>> -> memref<16x128xf32, #tpu.memory_space<vmem_shared>>
      %dma_start3A_107 = arith.constant 0 : i32
      %dma_start3A_108 = tpu.memref_slice %arg7[%add3A_81, %dma_start3A_107] : memref<10240x128xf32, #tpu.memory_space<vmem_shared>> -> memref<16x128xf32, #tpu.memory_space<vmem_shared>>
      tpu.enqueue_dma source(%arg6 : memref<16x128xf32, #tpu.memory_space<vmem>>) target(%dma_start3A_108 : memref<16x128xf32, #tpu.memory_space<vmem_shared>>) target_semaphore(%run_scoped3A : memref<!tpu.dma_semaphore, #tpu.memory_space<semaphore_mem>>)
      %dma_wait3A = arith.constant 0 : i32
      %dma_wait3A_109 = tpu.memref_slice %arg7[%add3A_81, %dma_wait3A] : memref<10240x128xf32, #tpu.memory_space<vmem_shared>> -> memref<16x128xf32, #tpu.memory_space<vmem_shared>>
      %dma_wait3A_110 = arith.constant 0 : i32
      %dma_wait3A_111 = tpu.memref_slice %arg7[%add3A_81, %dma_wait3A_110] : memref<10240x128xf32, #tpu.memory_space<vmem_shared>> -> memref<16x128xf32, #tpu.memory_space<vmem_shared>>
      tpu.wait_dma2 semaphore(%run_scoped3A : memref<!tpu.dma_semaphore, #tpu.memory_space<semaphore_mem>>) src(%arg6 : memref<16x128xf32, #tpu.memory_space<vmem>>) dst(%dma_wait3A_111 : memref<16x128xf32, #tpu.memory_space<vmem_shared>>)
      tpu.yield
    }) : () -> ()
    %add3A_82 = arith.constant 528 : i32
    %add3A_83 = arith.addi %mul3A_15, %add3A_82 : i32
    "tpu.region"() ({
      %run_scoped3A = tpu.sem_alloc : memref<!tpu.dma_semaphore, #tpu.memory_space<semaphore_mem>>
      %dma_start3A = arith.constant 0 : i32
      %dma_start3A_106 = tpu.memref_slice %arg7[%add3A_83, %dma_start3A] : memref<10240x128xf32, #tpu.memory_space<vmem_shared>> -> memref<16x128xf32, #tpu.memory_space<vmem_shared>>
      %dma_start3A_107 = arith.constant 0 : i32
      %dma_start3A_108 = tpu.memref_slice %arg7[%add3A_83, %dma_start3A_107] : memref<10240x128xf32, #tpu.memory_space<vmem_shared>> -> memref<16x128xf32, #tpu.memory_space<vmem_shared>>
      tpu.enqueue_dma source(%arg6 : memref<16x128xf32, #tpu.memory_space<vmem>>) target(%dma_start3A_108 : memref<16x128xf32, #tpu.memory_space<vmem_shared>>) target_semaphore(%run_scoped3A : memref<!tpu.dma_semaphore, #tpu.memory_space<semaphore_mem>>)
      %dma_wait3A = arith.constant 0 : i32
      %dma_wait3A_109 = tpu.memref_slice %arg7[%add3A_83, %dma_wait3A] : memref<10240x128xf32, #tpu.memory_space<vmem_shared>> -> memref<16x128xf32, #tpu.memory_space<vmem_shared>>
      %dma_wait3A_110 = arith.constant 0 : i32
      %dma_wait3A_111 = tpu.memref_slice %arg7[%add3A_83, %dma_wait3A_110] : memref<10240x128xf32, #tpu.memory_space<vmem_shared>> -> memref<16x128xf32, #tpu.memory_space<vmem_shared>>
      tpu.wait_dma2 semaphore(%run_scoped3A : memref<!tpu.dma_semaphore, #tpu.memory_space<semaphore_mem>>) src(%arg6 : memref<16x128xf32, #tpu.memory_space<vmem>>) dst(%dma_wait3A_111 : memref<16x128xf32, #tpu.memory_space<vmem_shared>>)
      tpu.yield
    }) : () -> ()
    %add3A_84 = arith.constant 544 : i32
    %add3A_85 = arith.addi %mul3A_15, %add3A_84 : i32
    "tpu.region"() ({
      %run_scoped3A = tpu.sem_alloc : memref<!tpu.dma_semaphore, #tpu.memory_space<semaphore_mem>>
      %dma_start3A = arith.constant 0 : i32
      %dma_start3A_106 = tpu.memref_slice %arg7[%add3A_85, %dma_start3A] : memref<10240x128xf32, #tpu.memory_space<vmem_shared>> -> memref<16x128xf32, #tpu.memory_space<vmem_shared>>
      %dma_start3A_107 = arith.constant 0 : i32
      %dma_start3A_108 = tpu.memref_slice %arg7[%add3A_85, %dma_start3A_107] : memref<10240x128xf32, #tpu.memory_space<vmem_shared>> -> memref<16x128xf32, #tpu.memory_space<vmem_shared>>
      tpu.enqueue_dma source(%arg6 : memref<16x128xf32, #tpu.memory_space<vmem>>) target(%dma_start3A_108 : memref<16x128xf32, #tpu.memory_space<vmem_shared>>) target_semaphore(%run_scoped3A : memref<!tpu.dma_semaphore, #tpu.memory_space<semaphore_mem>>)
      %dma_wait3A = arith.constant 0 : i32
      %dma_wait3A_109 = tpu.memref_slice %arg7[%add3A_85, %dma_wait3A] : memref<10240x128xf32, #tpu.memory_space<vmem_shared>> -> memref<16x128xf32, #tpu.memory_space<vmem_shared>>
      %dma_wait3A_110 = arith.constant 0 : i32
      %dma_wait3A_111 = tpu.memref_slice %arg7[%add3A_85, %dma_wait3A_110] : memref<10240x128xf32, #tpu.memory_space<vmem_shared>> -> memref<16x128xf32, #tpu.memory_space<vmem_shared>>
      tpu.wait_dma2 semaphore(%run_scoped3A : memref<!tpu.dma_semaphore, #tpu.memory_space<semaphore_mem>>) src(%arg6 : memref<16x128xf32, #tpu.memory_space<vmem>>) dst(%dma_wait3A_111 : memref<16x128xf32, #tpu.memory_space<vmem_shared>>)
      tpu.yield
    }) : () -> ()
    %add3A_86 = arith.constant 560 : i32
    %add3A_87 = arith.addi %mul3A_15, %add3A_86 : i32
    "tpu.region"() ({
      %run_scoped3A = tpu.sem_alloc : memref<!tpu.dma_semaphore, #tpu.memory_space<semaphore_mem>>
      %dma_start3A = arith.constant 0 : i32
      %dma_start3A_106 = tpu.memref_slice %arg7[%add3A_87, %dma_start3A] : memref<10240x128xf32, #tpu.memory_space<vmem_shared>> -> memref<16x128xf32, #tpu.memory_space<vmem_shared>>
      %dma_start3A_107 = arith.constant 0 : i32
      %dma_start3A_108 = tpu.memref_slice %arg7[%add3A_87, %dma_start3A_107] : memref<10240x128xf32, #tpu.memory_space<vmem_shared>> -> memref<16x128xf32, #tpu.memory_space<vmem_shared>>
      tpu.enqueue_dma source(%arg6 : memref<16x128xf32, #tpu.memory_space<vmem>>) target(%dma_start3A_108 : memref<16x128xf32, #tpu.memory_space<vmem_shared>>) target_semaphore(%run_scoped3A : memref<!tpu.dma_semaphore, #tpu.memory_space<semaphore_mem>>)
      %dma_wait3A = arith.constant 0 : i32
      %dma_wait3A_109 = tpu.memref_slice %arg7[%add3A_87, %dma_wait3A] : memref<10240x128xf32, #tpu.memory_space<vmem_shared>> -> memref<16x128xf32, #tpu.memory_space<vmem_shared>>
      %dma_wait3A_110 = arith.constant 0 : i32
      %dma_wait3A_111 = tpu.memref_slice %arg7[%add3A_87, %dma_wait3A_110] : memref<10240x128xf32, #tpu.memory_space<vmem_shared>> -> memref<16x128xf32, #tpu.memory_space<vmem_shared>>
      tpu.wait_dma2 semaphore(%run_scoped3A : memref<!tpu.dma_semaphore, #tpu.memory_space<semaphore_mem>>) src(%arg6 : memref<16x128xf32, #tpu.memory_space<vmem>>) dst(%dma_wait3A_111 : memref<16x128xf32, #tpu.memory_space<vmem_shared>>)
      tpu.yield
    }) : () -> ()
    %add3A_88 = arith.constant 576 : i32
    %add3A_89 = arith.addi %mul3A_15, %add3A_88 : i32
    "tpu.region"() ({
      %run_scoped3A = tpu.sem_alloc : memref<!tpu.dma_semaphore, #tpu.memory_space<semaphore_mem>>
      %dma_start3A = arith.constant 0 : i32
      %dma_start3A_106 = tpu.memref_slice %arg7[%add3A_89, %dma_start3A] : memref<10240x128xf32, #tpu.memory_space<vmem_shared>> -> memref<16x128xf32, #tpu.memory_space<vmem_shared>>
      %dma_start3A_107 = arith.constant 0 : i32
      %dma_start3A_108 = tpu.memref_slice %arg7[%add3A_89, %dma_start3A_107] : memref<10240x128xf32, #tpu.memory_space<vmem_shared>> -> memref<16x128xf32, #tpu.memory_space<vmem_shared>>
      tpu.enqueue_dma source(%arg6 : memref<16x128xf32, #tpu.memory_space<vmem>>) target(%dma_start3A_108 : memref<16x128xf32, #tpu.memory_space<vmem_shared>>) target_semaphore(%run_scoped3A : memref<!tpu.dma_semaphore, #tpu.memory_space<semaphore_mem>>)
      %dma_wait3A = arith.constant 0 : i32
      %dma_wait3A_109 = tpu.memref_slice %arg7[%add3A_89, %dma_wait3A] : memref<10240x128xf32, #tpu.memory_space<vmem_shared>> -> memref<16x128xf32, #tpu.memory_space<vmem_shared>>
      %dma_wait3A_110 = arith.constant 0 : i32
      %dma_wait3A_111 = tpu.memref_slice %arg7[%add3A_89, %dma_wait3A_110] : memref<10240x128xf32, #tpu.memory_space<vmem_shared>> -> memref<16x128xf32, #tpu.memory_space<vmem_shared>>
      tpu.wait_dma2 semaphore(%run_scoped3A : memref<!tpu.dma_semaphore, #tpu.memory_space<semaphore_mem>>) src(%arg6 : memref<16x128xf32, #tpu.memory_space<vmem>>) dst(%dma_wait3A_111 : memref<16x128xf32, #tpu.memory_space<vmem_shared>>)
      tpu.yield
    }) : () -> ()
    %add3A_90 = arith.constant 592 : i32
    %add3A_91 = arith.addi %mul3A_15, %add3A_90 : i32
    "tpu.region"() ({
      %run_scoped3A = tpu.sem_alloc : memref<!tpu.dma_semaphore, #tpu.memory_space<semaphore_mem>>
      %dma_start3A = arith.constant 0 : i32
      %dma_start3A_106 = tpu.memref_slice %arg7[%add3A_91, %dma_start3A] : memref<10240x128xf32, #tpu.memory_space<vmem_shared>> -> memref<16x128xf32, #tpu.memory_space<vmem_shared>>
      %dma_start3A_107 = arith.constant 0 : i32
      %dma_start3A_108 = tpu.memref_slice %arg7[%add3A_91, %dma_start3A_107] : memref<10240x128xf32, #tpu.memory_space<vmem_shared>> -> memref<16x128xf32, #tpu.memory_space<vmem_shared>>
      tpu.enqueue_dma source(%arg6 : memref<16x128xf32, #tpu.memory_space<vmem>>) target(%dma_start3A_108 : memref<16x128xf32, #tpu.memory_space<vmem_shared>>) target_semaphore(%run_scoped3A : memref<!tpu.dma_semaphore, #tpu.memory_space<semaphore_mem>>)
      %dma_wait3A = arith.constant 0 : i32
      %dma_wait3A_109 = tpu.memref_slice %arg7[%add3A_91, %dma_wait3A] : memref<10240x128xf32, #tpu.memory_space<vmem_shared>> -> memref<16x128xf32, #tpu.memory_space<vmem_shared>>
      %dma_wait3A_110 = arith.constant 0 : i32
      %dma_wait3A_111 = tpu.memref_slice %arg7[%add3A_91, %dma_wait3A_110] : memref<10240x128xf32, #tpu.memory_space<vmem_shared>> -> memref<16x128xf32, #tpu.memory_space<vmem_shared>>
      tpu.wait_dma2 semaphore(%run_scoped3A : memref<!tpu.dma_semaphore, #tpu.memory_space<semaphore_mem>>) src(%arg6 : memref<16x128xf32, #tpu.memory_space<vmem>>) dst(%dma_wait3A_111 : memref<16x128xf32, #tpu.memory_space<vmem_shared>>)
      tpu.yield
    }) : () -> ()
    %add3A_92 = arith.constant 608 : i32
    %add3A_93 = arith.addi %mul3A_15, %add3A_92 : i32
    "tpu.region"() ({
      %run_scoped3A = tpu.sem_alloc : memref<!tpu.dma_semaphore, #tpu.memory_space<semaphore_mem>>
      %dma_start3A = arith.constant 0 : i32
      %dma_start3A_106 = tpu.memref_slice %arg7[%add3A_93, %dma_start3A] : memref<10240x128xf32, #tpu.memory_space<vmem_shared>> -> memref<16x128xf32, #tpu.memory_space<vmem_shared>>
      %dma_start3A_107 = arith.constant 0 : i32
      %dma_start3A_108 = tpu.memref_slice %arg7[%add3A_93, %dma_start3A_107] : memref<10240x128xf32, #tpu.memory_space<vmem_shared>> -> memref<16x128xf32, #tpu.memory_space<vmem_shared>>
      tpu.enqueue_dma source(%arg6 : memref<16x128xf32, #tpu.memory_space<vmem>>) target(%dma_start3A_108 : memref<16x128xf32, #tpu.memory_space<vmem_shared>>) target_semaphore(%run_scoped3A : memref<!tpu.dma_semaphore, #tpu.memory_space<semaphore_mem>>)
      %dma_wait3A = arith.constant 0 : i32
      %dma_wait3A_109 = tpu.memref_slice %arg7[%add3A_93, %dma_wait3A] : memref<10240x128xf32, #tpu.memory_space<vmem_shared>> -> memref<16x128xf32, #tpu.memory_space<vmem_shared>>
      %dma_wait3A_110 = arith.constant 0 : i32
      %dma_wait3A_111 = tpu.memref_slice %arg7[%add3A_93, %dma_wait3A_110] : memref<10240x128xf32, #tpu.memory_space<vmem_shared>> -> memref<16x128xf32, #tpu.memory_space<vmem_shared>>
      tpu.wait_dma2 semaphore(%run_scoped3A : memref<!tpu.dma_semaphore, #tpu.memory_space<semaphore_mem>>) src(%arg6 : memref<16x128xf32, #tpu.memory_space<vmem>>) dst(%dma_wait3A_111 : memref<16x128xf32, #tpu.memory_space<vmem_shared>>)
      tpu.yield
    }) : () -> ()
    %add3A_94 = arith.constant 624 : i32
    %add3A_95 = arith.addi %mul3A_15, %add3A_94 : i32
    "tpu.region"() ({
      %run_scoped3A = tpu.sem_alloc : memref<!tpu.dma_semaphore, #tpu.memory_space<semaphore_mem>>
      %dma_start3A = arith.constant 0 : i32
      %dma_start3A_106 = tpu.memref_slice %arg7[%add3A_95, %dma_start3A] : memref<10240x128xf32, #tpu.memory_space<vmem_shared>> -> memref<16x128xf32, #tpu.memory_space<vmem_shared>>
      %dma_start3A_107 = arith.constant 0 : i32
      %dma_start3A_108 = tpu.memref_slice %arg7[%add3A_95, %dma_start3A_107] : memref<10240x128xf32, #tpu.memory_space<vmem_shared>> -> memref<16x128xf32, #tpu.memory_space<vmem_shared>>
      tpu.enqueue_dma source(%arg6 : memref<16x128xf32, #tpu.memory_space<vmem>>) target(%dma_start3A_108 : memref<16x128xf32, #tpu.memory_space<vmem_shared>>) target_semaphore(%run_scoped3A : memref<!tpu.dma_semaphore, #tpu.memory_space<semaphore_mem>>)
      %dma_wait3A = arith.constant 0 : i32
      %dma_wait3A_109 = tpu.memref_slice %arg7[%add3A_95, %dma_wait3A] : memref<10240x128xf32, #tpu.memory_space<vmem_shared>> -> memref<16x128xf32, #tpu.memory_space<vmem_shared>>
      %dma_wait3A_110 = arith.constant 0 : i32
      %dma_wait3A_111 = tpu.memref_slice %arg7[%add3A_95, %dma_wait3A_110] : memref<10240x128xf32, #tpu.memory_space<vmem_shared>> -> memref<16x128xf32, #tpu.memory_space<vmem_shared>>
      tpu.wait_dma2 semaphore(%run_scoped3A : memref<!tpu.dma_semaphore, #tpu.memory_space<semaphore_mem>>) src(%arg6 : memref<16x128xf32, #tpu.memory_space<vmem>>) dst(%dma_wait3A_111 : memref<16x128xf32, #tpu.memory_space<vmem_shared>>)
      tpu.yield
    }) : () -> ()
    %barrier3A = arith.constant 0 : index
    tpu.barrier barrier_id(%barrier3A)
    %scan3A_96 = arith.constant 0 : i32
    %scan3A_97 = arith.constant 0 : i32
    %scan3A_98 = arith.constant 125 : i32
    %scan3A_99 = arith.addi %scan3A_97, %scan3A_98 : i32
    %scan3A_100 = arith.constant 1 : i32
    scf.for %scan3A_106 = %scan3A_97 to %scan3A_99 step %scan3A_100  : i32 {
      %mul3A_107 = arith.constant 80 : i32
      %mul3A_108 = arith.muli %scan3A_106, %mul3A_107 : i32
      %add3A_109 = arith.addi %mul3A_2, %mul3A_108 : i32
      "tpu.region"() ({
        %run_scoped3A = tpu.sem_alloc : memref<!tpu.dma_semaphore, #tpu.memory_space<semaphore_mem>>
        %dma_start3A = tpu.memref_slice %arg2[%add3A_109] : memref<320000xi32, #tpu.memory_space<hbm>> -> memref<80xi32, #tpu.memory_space<hbm>>
        %dma_start3A_110 = tpu.memref_slice %arg2[%add3A_109] : memref<320000xi32, #tpu.memory_space<hbm>> -> memref<80xi32, #tpu.memory_space<hbm>>
        tpu.enqueue_dma source(%dma_start3A_110 : memref<80xi32, #tpu.memory_space<hbm>>) target(%arg4 : memref<80xi32, #tpu.memory_space<vmem>>) target_semaphore(%run_scoped3A : memref<!tpu.dma_semaphore, #tpu.memory_space<semaphore_mem>>)
        %dma_wait3A = tpu.memref_slice %arg2[%add3A_109] : memref<320000xi32, #tpu.memory_space<hbm>> -> memref<80xi32, #tpu.memory_space<hbm>>
        %dma_wait3A_111 = tpu.memref_slice %arg2[%add3A_109] : memref<320000xi32, #tpu.memory_space<hbm>> -> memref<80xi32, #tpu.memory_space<hbm>>
        tpu.wait_dma2 semaphore(%run_scoped3A : memref<!tpu.dma_semaphore, #tpu.memory_space<semaphore_mem>>) src(%dma_wait3A_111 : memref<80xi32, #tpu.memory_space<hbm>>) dst(%arg4 : memref<80xi32, #tpu.memory_space<vmem>>)
        tpu.yield
      }) : () -> ()
      "tpu.region"() ({
        %run_scoped3A = tpu.sem_alloc : memref<!tpu.dma_semaphore, #tpu.memory_space<semaphore_mem>>
        %dma_start3A = arith.constant 0 : i32
        %dma_start3A_110 = arith.constant 0 : i32
        %dma_start3A_111 = tpu.memref_slice %arg7[%dma_start3A, %dma_start3A_110] : memref<10240x128xf32, #tpu.memory_space<vmem_shared>> -> memref<10240x128xf32, #tpu.memory_space<vmem_shared>>
        tpu.enqueue_indirect_dma source(%arg5 : memref<80x128xf32, #tpu.memory_space<vmem>>) target(%dma_start3A_111 : memref<10240x128xf32, #tpu.memory_space<vmem_shared>>) offsets(%arg4 : memref<80xi32, #tpu.memory_space<vmem>>) semaphore(%run_scoped3A : memref<!tpu.dma_semaphore, #tpu.memory_space<semaphore_mem>>) {add = true}
        %dma_wait3A = arith.constant 0 : i32
        %dma_wait3A_112 = arith.constant 0 : i32
        %dma_wait3A_113 = tpu.memref_slice %arg7[%dma_wait3A, %dma_wait3A_112] : memref<10240x128xf32, #tpu.memory_space<vmem_shared>> -> memref<10240x128xf32, #tpu.memory_space<vmem_shared>>
        tpu.wait_indirect_dma semaphore(%run_scoped3A : memref<!tpu.dma_semaphore, #tpu.memory_space<semaphore_mem>>) src(%arg5 : memref<80x128xf32, #tpu.memory_space<vmem>>) dst(%dma_wait3A_113 : memref<10240x128xf32, #tpu.memory_space<vmem_shared>>)
        tpu.yield
      }) : () -> ()
    }
    %scan3A_101 = arith.constant 125 : i32
    %barrier3A_102 = arith.constant 0 : index
    tpu.barrier barrier_id(%barrier3A_102)
    %mul3A_103 = arith.constant 10240 : i32
    %mul3A_104 = arith.muli %arg0, %mul3A_103 : i32
    %add3A_105 = arith.addi %mul3A_104, %mul3A_15 : i32
    "tpu.region"() ({
      %run_scoped3A = tpu.sem_alloc : memref<!tpu.dma_semaphore, #tpu.memory_space<semaphore_mem>>
      %dma_start3A = arith.constant 0 : i32
      %dma_start3A_106 = tpu.memref_slice %arg3[%add3A_105, %dma_start3A] : memref<20480x128xf32, #tpu.memory_space<hbm>> -> memref<640x128xf32, #tpu.memory_space<hbm>>
      %dma_start3A_107 = arith.constant 0 : i32
      %dma_start3A_108 = tpu.memref_slice %arg7[%mul3A_15, %dma_start3A_107] : memref<10240x128xf32, #tpu.memory_space<vmem_shared>> -> memref<640x128xf32, #tpu.memory_space<vmem_shared>>
      tpu.enqueue_dma source(%dma_start3A_108 : memref<640x128xf32, #tpu.memory_space<vmem_shared>>) target(%dma_start3A_106 : memref<640x128xf32, #tpu.memory_space<hbm>>) target_semaphore(%run_scoped3A : memref<!tpu.dma_semaphore, #tpu.memory_space<semaphore_mem>>)
      %dma_wait3A = arith.constant 0 : i32
      %dma_wait3A_109 = tpu.memref_slice %arg3[%add3A_105, %dma_wait3A] : memref<20480x128xf32, #tpu.memory_space<hbm>> -> memref<640x128xf32, #tpu.memory_space<hbm>>
      %dma_wait3A_110 = arith.constant 0 : i32
      %dma_wait3A_111 = tpu.memref_slice %arg7[%mul3A_15, %dma_wait3A_110] : memref<10240x128xf32, #tpu.memory_space<vmem_shared>> -> memref<640x128xf32, #tpu.memory_space<vmem_shared>>
      tpu.wait_dma2 semaphore(%run_scoped3A : memref<!tpu.dma_semaphore, #tpu.memory_space<semaphore_mem>>) src(%dma_wait3A_111 : memref<640x128xf32, #tpu.memory_space<vmem_shared>>) dst(%dma_wait3A_109 : memref<640x128xf32, #tpu.memory_space<hbm>>)
      tpu.yield
    }) : () -> ()
    return
  }
}

module attributes {stable_mosaic.version = 14 : i64} {
  func.func @_layer_body(%arg0: i32, %arg1: memref<1024x128xf32, #tpu.memory_space<vmem>>, %arg2: memref<1024x128xf32, #tpu.memory_space<vmem>>, %arg3: memref<1024x128xf32, #tpu.memory_space<vmem>>, %arg4: memref<1024x128xf32, #tpu.memory_space<vmem>>, %arg5: memref<1024x128xf32, #tpu.memory_space<vmem>>, %arg6: memref<128x128xf32, #tpu.memory_space<vmem>>, %arg7: memref<1x128xf32, #tpu.memory_space<vmem>>, %arg8: memref<1x128xf32, #tpu.memory_space<vmem>>, %arg9: memref<1x128xf32, #tpu.memory_space<vmem>>, %arg10: memref<1024x128xf32, #tpu.memory_space<vmem>>) attributes {dimension_semantics = [#tpu.dimension_semantics<arbitrary>], iteration_bounds = array<i64: 10>, scalar_prefetch = 0 : i64, scratch_operands = 0 : i64, tpu.core_type = #tpu.core_type<tc>, window_params = [{transform_indices = @transform_0, window_bounds = array<i64: 1024, 128>}, {transform_indices = @transform_1, window_bounds = array<i64: 1024, 128>}, {transform_indices = @transform_2, window_bounds = array<i64: 1024, 128>}, {transform_indices = @transform_3, window_bounds = array<i64: 1024, 128>}, {transform_indices = @transform_4, window_bounds = array<i64: 1024, 128>}, {pipeline_mode = #tpu.pipeline_mode<synchronous>, transform_indices = @transform_5, window_bounds = array<i64: 128, 128>}, {pipeline_mode = #tpu.pipeline_mode<synchronous>, transform_indices = @transform_6, window_bounds = array<i64: 1, 128>}, {pipeline_mode = #tpu.pipeline_mode<synchronous>, transform_indices = @transform_7, window_bounds = array<i64: 1, 128>}, {pipeline_mode = #tpu.pipeline_mode<synchronous>, transform_indices = @transform_8, window_bounds = array<i64: 1, 128>}, {transform_indices = @transform_9, window_bounds = array<i64: 1024, 128>}]} {
    %get3A = arith.constant 0 : index
    %get3A_0 = arith.constant 0 : index
    %get3A_1 = vector.load %arg3[%get3A, %get3A_0] : memref<1024x128xf32, #tpu.memory_space<vmem>>, vector<1024x1xf32>
    %get3A_2 = arith.constant 0 : index
    %get3A_3 = arith.constant 0 : index
    %get3A_4 = vector.load %arg4[%get3A_2, %get3A_3] : memref<1024x128xf32, #tpu.memory_space<vmem>>, vector<1024x1xf32>
    %add3A = arith.addf %get3A_1, %get3A_4 : vector<1024x1xf32>
    %max3A = arith.constant 1.000000e+00 : f32
    %max3A_5 = vector.broadcast %max3A : f32 to vector<1024x1xf32>
    %max3A_6 = arith.maximumf %add3A, %max3A_5 : vector<1024x1xf32>
    %get3A_7 = arith.constant 0 : index
    %get3A_8 = arith.constant 0 : index
    %get3A_9 = vector.load %arg1[%get3A_7, %get3A_8] : memref<1024x128xf32, #tpu.memory_space<vmem>>, vector<1024x128xf32>
    %get3A_10 = arith.constant 0 : index
    %get3A_11 = arith.constant 0 : index
    %get3A_12 = vector.load %arg2[%get3A_10, %get3A_11] : memref<1024x128xf32, #tpu.memory_space<vmem>>, vector<1024x128xf32>
    %add3A_13 = arith.addf %get3A_9, %get3A_12 : vector<1024x128xf32>
    %div3A = vector.broadcast %max3A_6 : vector<1024x1xf32> to vector<1024x128xf32>
    %div3A_14 = arith.divf %add3A_13, %div3A : vector<1024x128xf32>
    %get3A_15 = arith.constant 0 : index
    %get3A_16 = arith.constant 0 : index
    %get3A_17 = vector.load %arg5[%get3A_15, %get3A_16] : memref<1024x128xf32, #tpu.memory_space<vmem>>, vector<1024x128xf32>
    %get3A_18 = arith.constant 0 : index
    %get3A_19 = arith.constant 0 : index
    %get3A_20 = vector.load %arg6[%get3A_18, %get3A_19] : memref<128x128xf32, #tpu.memory_space<vmem>>, vector<128x128xf32>
    %dot_general3A = arith.constant dense<0.000000e+00> : vector<1024x128xf32>
    %dot_general3A_21 = tpu.matmul %div3A_14, %get3A_20, %dot_general3A {dimension_numbers = #tpu.dot_dimension_numbers<[1], [0], [0], [1], [0, 0, 1, 1], [], []>, transpose_lhs_hint = false} : vector<1024x128xf32>, vector<128x128xf32>, vector<1024x128xf32> -> vector<1024x128xf32>
    %add3A_22 = arith.addf %get3A_17, %dot_general3A_21 : vector<1024x128xf32>
    %get3A_23 = arith.constant 0 : index
    %get3A_24 = arith.constant 0 : index
    %get3A_25 = vector.load %arg7[%get3A_23, %get3A_24] : memref<1x128xf32, #tpu.memory_space<vmem>>, vector<1x128xf32>
    %add3A_26 = vector.broadcast %get3A_25 : vector<1x128xf32> to vector<1024x128xf32>
    %add3A_27 = arith.addf %add3A_22, %add3A_26 : vector<1024x128xf32>
    %reduce_sum3A = arith.constant dense<0.000000e+00> : vector<1024xf32>
    %reduce_sum3A_28 = vector.multi_reduction <add>, %add3A_27, %reduce_sum3A [1] : vector<1024x128xf32> to vector<1024xf32>
    %broadcast_in_dim3A = vector.shape_cast %reduce_sum3A_28 : vector<1024xf32> to vector<1024x1xf32>
    %div3A_29 = arith.constant 1.280000e+02 : f32
    %div3A_30 = vector.broadcast %div3A_29 : f32 to vector<1024x1xf32>
    %div3A_31 = arith.divf %broadcast_in_dim3A, %div3A_30 : vector<1024x1xf32>
    %sub3A = vector.broadcast %div3A_31 : vector<1024x1xf32> to vector<1024x128xf32>
    %sub3A_32 = arith.subf %add3A_27, %sub3A : vector<1024x128xf32>
    %integer_pow3A = arith.mulf %sub3A_32, %sub3A_32 : vector<1024x128xf32>
    %reduce_sum3A_33 = arith.constant dense<0.000000e+00> : vector<1024xf32>
    %reduce_sum3A_34 = vector.multi_reduction <add>, %integer_pow3A, %reduce_sum3A_33 [1] : vector<1024x128xf32> to vector<1024xf32>
    %broadcast_in_dim3A_35 = vector.shape_cast %reduce_sum3A_34 : vector<1024xf32> to vector<1024x1xf32>
    %div3A_36 = arith.constant 1.280000e+02 : f32
    %div3A_37 = vector.broadcast %div3A_36 : f32 to vector<1024x1xf32>
    %div3A_38 = arith.divf %broadcast_in_dim3A_35, %div3A_37 : vector<1024x1xf32>
    %sub3A_39 = vector.broadcast %div3A_31 : vector<1024x1xf32> to vector<1024x128xf32>
    %sub3A_40 = arith.subf %add3A_27, %sub3A_39 : vector<1024x128xf32>
    %add3A_41 = arith.constant 9.99999974E-6 : f32
    %add3A_42 = vector.broadcast %add3A_41 : f32 to vector<1024x1xf32>
    %add3A_43 = arith.addf %div3A_38, %add3A_42 : vector<1024x1xf32>
    %rsqrt3A = math.rsqrt %add3A_43 : vector<1024x1xf32>
    %mul3A = vector.broadcast %rsqrt3A : vector<1024x1xf32> to vector<1024x128xf32>
    %mul3A_44 = arith.mulf %sub3A_40, %mul3A : vector<1024x128xf32>
    %get3A_45 = arith.constant 0 : index
    %get3A_46 = arith.constant 0 : index
    %get3A_47 = vector.load %arg8[%get3A_45, %get3A_46] : memref<1x128xf32, #tpu.memory_space<vmem>>, vector<1x128xf32>
    %mul3A_48 = vector.broadcast %get3A_47 : vector<1x128xf32> to vector<1024x128xf32>
    %mul3A_49 = arith.mulf %mul3A_44, %mul3A_48 : vector<1024x128xf32>
    %get3A_50 = arith.constant 0 : index
    %get3A_51 = arith.constant 0 : index
    %get3A_52 = vector.load %arg9[%get3A_50, %get3A_51] : memref<1x128xf32, #tpu.memory_space<vmem>>, vector<1x128xf32>
    %add3A_53 = vector.broadcast %get3A_52 : vector<1x128xf32> to vector<1024x128xf32>
    %add3A_54 = arith.addf %mul3A_49, %add3A_53 : vector<1024x128xf32>
    %max3A_55 = arith.constant 0.000000e+00 : f32
    %max3A_56 = vector.broadcast %max3A_55 : f32 to vector<1024x128xf32>
    %max3A_57 = arith.maximumf %add3A_54, %max3A_56 : vector<1024x128xf32>
    %swap3A = arith.constant 0 : index
    %swap3A_58 = arith.constant 0 : index
    %swap3A_59 = vector.load %arg10[%swap3A, %swap3A_58] : memref<1024x128xf32, #tpu.memory_space<vmem>>, vector<1024x128xf32>
    tpu.vector_store %arg10[%swap3A, %swap3A_58], %max3A_57 {strides = array<i32>} : memref<1024x128xf32, #tpu.memory_space<vmem>>, vector<1024x128xf32>,
    return
  }
  func.func @transform_0(%arg0: i32) -> (i32, i32) {
    %c0_i32 = arith.constant 0 : i32
    %c0_i32_0 = arith.constant 0 : i32
    return %arg0, %c0_i32 : i32, i32
  }
  func.func @transform_1(%arg0: i32) -> (i32, i32) {
    %add3A = arith.constant 10 : i32
    %add3A_0 = arith.addi %arg0, %add3A : i32
    %c0_i32 = arith.constant 0 : i32
    %c0_i32_1 = arith.constant 0 : i32
    return %add3A_0, %c0_i32 : i32, i32
  }
  func.func @transform_2(%arg0: i32) -> (i32, i32) {
    %c0_i32 = arith.constant 0 : i32
    %c0_i32_0 = arith.constant 0 : i32
    return %arg0, %c0_i32 : i32, i32
  }
  func.func @transform_3(%arg0: i32) -> (i32, i32) {
    %add3A = arith.constant 10 : i32
    %add3A_0 = arith.addi %arg0, %add3A : i32
    %c0_i32 = arith.constant 0 : i32
    %c0_i32_1 = arith.constant 0 : i32
    return %add3A_0, %c0_i32 : i32, i32
  }
  func.func @transform_4(%arg0: i32) -> (i32, i32) {
    %c0_i32 = arith.constant 0 : i32
    %c0_i32_0 = arith.constant 0 : i32
    return %arg0, %c0_i32 : i32, i32
  }
  func.func @transform_5(%arg0: i32) -> (i32, i32) {
    %c0_i32 = arith.constant 0 : i32
    %c0_i32_0 = arith.constant 0 : i32
    %c0_i32_1 = arith.constant 0 : i32
    return %c0_i32, %c0_i32_0 : i32, i32
  }
  func.func @transform_6(%arg0: i32) -> (i32, i32) {
    %c0_i32 = arith.constant 0 : i32
    %c0_i32_0 = arith.constant 0 : i32
    %c0_i32_1 = arith.constant 0 : i32
    return %c0_i32, %c0_i32_0 : i32, i32
  }
  func.func @transform_7(%arg0: i32) -> (i32, i32) {
    %c0_i32 = arith.constant 0 : i32
    %c0_i32_0 = arith.constant 0 : i32
    %c0_i32_1 = arith.constant 0 : i32
    return %c0_i32, %c0_i32_0 : i32, i32
  }
  func.func @transform_8(%arg0: i32) -> (i32, i32) {
    %c0_i32 = arith.constant 0 : i32
    %c0_i32_0 = arith.constant 0 : i32
    %c0_i32_1 = arith.constant 0 : i32
    return %c0_i32, %c0_i32_0 : i32, i32
  }
  func.func @transform_9(%arg0: i32) -> (i32, i32) {
    %c0_i32 = arith.constant 0 : i32
    %c0_i32_0 = arith.constant 0 : i32
    return %arg0, %c0_i32 : i32, i32
  }
}

module attributes {stable_mosaic.version = 14 : i64} {
  func.func @_in_body(%arg0: i32, %arg1: memref<1024x128xf32, #tpu.memory_space<vmem>>, %arg2: memref<128x128xf32, #tpu.memory_space<vmem>>, %arg3: memref<1x128xf32, #tpu.memory_space<vmem>>, %arg4: memref<1024x128xf32, #tpu.memory_space<vmem>>) attributes {dimension_semantics = [#tpu.dimension_semantics<arbitrary>], iteration_bounds = array<i64: 10>, scalar_prefetch = 0 : i64, scratch_operands = 0 : i64, tpu.core_type = #tpu.core_type<tc>, window_params = [{transform_indices = @transform_0, window_bounds = array<i64: 1024, 128>}, {pipeline_mode = #tpu.pipeline_mode<synchronous>, transform_indices = @transform_1, window_bounds = array<i64: 128, 128>}, {pipeline_mode = #tpu.pipeline_mode<synchronous>, transform_indices = @transform_2, window_bounds = array<i64: 1, 128>}, {transform_indices = @transform_3, window_bounds = array<i64: 1024, 128>}]} {
    %get3A = arith.constant 0 : index
    %get3A_0 = arith.constant 0 : index
    %get3A_1 = vector.load %arg1[%get3A, %get3A_0] : memref<1024x128xf32, #tpu.memory_space<vmem>>, vector<1024x128xf32>
    %get3A_2 = arith.constant 0 : index
    %get3A_3 = arith.constant 0 : index
    %get3A_4 = vector.load %arg2[%get3A_2, %get3A_3] : memref<128x128xf32, #tpu.memory_space<vmem>>, vector<128x128xf32>
    %dot_general3A = arith.constant dense<0.000000e+00> : vector<1024x128xf32>
    %dot_general3A_5 = tpu.matmul %get3A_1, %get3A_4, %dot_general3A {dimension_numbers = #tpu.dot_dimension_numbers<[1], [0], [0], [1], [0, 0, 1, 1], [], []>, transpose_lhs_hint = false} : vector<1024x128xf32>, vector<128x128xf32>, vector<1024x128xf32> -> vector<1024x128xf32>
    %get3A_6 = arith.constant 0 : index
    %get3A_7 = arith.constant 0 : index
    %get3A_8 = vector.load %arg3[%get3A_6, %get3A_7] : memref<1x128xf32, #tpu.memory_space<vmem>>, vector<1x128xf32>
    %add3A = vector.broadcast %get3A_8 : vector<1x128xf32> to vector<1024x128xf32>
    %add3A_9 = arith.addf %dot_general3A_5, %add3A : vector<1024x128xf32>
    %swap3A = arith.constant 0 : index
    %swap3A_10 = arith.constant 0 : index
    %swap3A_11 = vector.load %arg4[%swap3A, %swap3A_10] : memref<1024x128xf32, #tpu.memory_space<vmem>>, vector<1024x128xf32>
    tpu.vector_store %arg4[%swap3A, %swap3A_10], %add3A_9 {strides = array<i32>} : memref<1024x128xf32, #tpu.memory_space<vmem>>, vector<1024x128xf32>,
    return
  }
  func.func @transform_0(%arg0: i32) -> (i32, i32) {
    %c0_i32 = arith.constant 0 : i32
    %c0_i32_0 = arith.constant 0 : i32
    return %arg0, %c0_i32 : i32, i32
  }
  func.func @transform_1(%arg0: i32) -> (i32, i32) {
    %c0_i32 = arith.constant 0 : i32
    %c0_i32_0 = arith.constant 0 : i32
    %c0_i32_1 = arith.constant 0 : i32
    return %c0_i32, %c0_i32_0 : i32, i32
  }
  func.func @transform_2(%arg0: i32) -> (i32, i32) {
    %c0_i32 = arith.constant 0 : i32
    %c0_i32_0 = arith.constant 0 : i32
    %c0_i32_1 = arith.constant 0 : i32
    return %c0_i32, %c0_i32_0 : i32, i32
  }
  func.func @transform_3(%arg0: i32) -> (i32, i32) {
    %c0_i32 = arith.constant 0 : i32
    %c0_i32_0 = arith.constant 0 : i32
    return %arg0, %c0_i32 : i32, i32
  }
}

module attributes {stable_mosaic.version = 14 : i64} {
  func.func @_layer_out_body(%arg0: i32, %arg1: memref<1024x128xf32, #tpu.memory_space<vmem>>, %arg2: memref<1024x128xf32, #tpu.memory_space<vmem>>, %arg3: memref<1024x128xf32, #tpu.memory_space<vmem>>, %arg4: memref<1024x128xf32, #tpu.memory_space<vmem>>, %arg5: memref<1024x128xf32, #tpu.memory_space<vmem>>, %arg6: memref<128x128xf32, #tpu.memory_space<vmem>>, %arg7: memref<1x128xf32, #tpu.memory_space<vmem>>, %arg8: memref<1x128xf32, #tpu.memory_space<vmem>>, %arg9: memref<1x128xf32, #tpu.memory_space<vmem>>, %arg10: memref<128x128xf32, #tpu.memory_space<vmem>>, %arg11: memref<1x128xf32, #tpu.memory_space<vmem>>, %arg12: memref<1024x128xf32, #tpu.memory_space<vmem>>) attributes {dimension_semantics = [#tpu.dimension_semantics<arbitrary>], iteration_bounds = array<i64: 10>, scalar_prefetch = 0 : i64, scratch_operands = 0 : i64, tpu.core_type = #tpu.core_type<tc>, window_params = [{transform_indices = @transform_0, window_bounds = array<i64: 1024, 128>}, {transform_indices = @transform_1, window_bounds = array<i64: 1024, 128>}, {transform_indices = @transform_2, window_bounds = array<i64: 1024, 128>}, {transform_indices = @transform_3, window_bounds = array<i64: 1024, 128>}, {transform_indices = @transform_4, window_bounds = array<i64: 1024, 128>}, {pipeline_mode = #tpu.pipeline_mode<synchronous>, transform_indices = @transform_5, window_bounds = array<i64: 128, 128>}, {pipeline_mode = #tpu.pipeline_mode<synchronous>, transform_indices = @transform_6, window_bounds = array<i64: 1, 128>}, {pipeline_mode = #tpu.pipeline_mode<synchronous>, transform_indices = @transform_7, window_bounds = array<i64: 1, 128>}, {pipeline_mode = #tpu.pipeline_mode<synchronous>, transform_indices = @transform_8, window_bounds = array<i64: 1, 128>}, {pipeline_mode = #tpu.pipeline_mode<synchronous>, transform_indices = @transform_9, window_bounds = array<i64: 128, 128>}, {pipeline_mode = #tpu.pipeline_mode<synchronous>, transform_indices = @transform_10, window_bounds = array<i64: 1, 128>}, {transform_indices = @transform_11, window_bounds = array<i64: 1024, 128>}]} {
    %get3A = arith.constant 0 : index
    %get3A_0 = arith.constant 0 : index
    %get3A_1 = vector.load %arg3[%get3A, %get3A_0] : memref<1024x128xf32, #tpu.memory_space<vmem>>, vector<1024x1xf32>
    %get3A_2 = arith.constant 0 : index
    %get3A_3 = arith.constant 0 : index
    %get3A_4 = vector.load %arg4[%get3A_2, %get3A_3] : memref<1024x128xf32, #tpu.memory_space<vmem>>, vector<1024x1xf32>
    %add3A = arith.addf %get3A_1, %get3A_4 : vector<1024x1xf32>
    %max3A = arith.constant 1.000000e+00 : f32
    %max3A_5 = vector.broadcast %max3A : f32 to vector<1024x1xf32>
    %max3A_6 = arith.maximumf %add3A, %max3A_5 : vector<1024x1xf32>
    %get3A_7 = arith.constant 0 : index
    %get3A_8 = arith.constant 0 : index
    %get3A_9 = vector.load %arg1[%get3A_7, %get3A_8] : memref<1024x128xf32, #tpu.memory_space<vmem>>, vector<1024x128xf32>
    %get3A_10 = arith.constant 0 : index
    %get3A_11 = arith.constant 0 : index
    %get3A_12 = vector.load %arg2[%get3A_10, %get3A_11] : memref<1024x128xf32, #tpu.memory_space<vmem>>, vector<1024x128xf32>
    %add3A_13 = arith.addf %get3A_9, %get3A_12 : vector<1024x128xf32>
    %div3A = vector.broadcast %max3A_6 : vector<1024x1xf32> to vector<1024x128xf32>
    %div3A_14 = arith.divf %add3A_13, %div3A : vector<1024x128xf32>
    %get3A_15 = arith.constant 0 : index
    %get3A_16 = arith.constant 0 : index
    %get3A_17 = vector.load %arg5[%get3A_15, %get3A_16] : memref<1024x128xf32, #tpu.memory_space<vmem>>, vector<1024x128xf32>
    %get3A_18 = arith.constant 0 : index
    %get3A_19 = arith.constant 0 : index
    %get3A_20 = vector.load %arg6[%get3A_18, %get3A_19] : memref<128x128xf32, #tpu.memory_space<vmem>>, vector<128x128xf32>
    %dot_general3A = arith.constant dense<0.000000e+00> : vector<1024x128xf32>
    %dot_general3A_21 = tpu.matmul %div3A_14, %get3A_20, %dot_general3A {dimension_numbers = #tpu.dot_dimension_numbers<[1], [0], [0], [1], [0, 0, 1, 1], [], []>, transpose_lhs_hint = false} : vector<1024x128xf32>, vector<128x128xf32>, vector<1024x128xf32> -> vector<1024x128xf32>
    %add3A_22 = arith.addf %get3A_17, %dot_general3A_21 : vector<1024x128xf32>
    %get3A_23 = arith.constant 0 : index
    %get3A_24 = arith.constant 0 : index
    %get3A_25 = vector.load %arg7[%get3A_23, %get3A_24] : memref<1x128xf32, #tpu.memory_space<vmem>>, vector<1x128xf32>
    %add3A_26 = vector.broadcast %get3A_25 : vector<1x128xf32> to vector<1024x128xf32>
    %add3A_27 = arith.addf %add3A_22, %add3A_26 : vector<1024x128xf32>
    %reduce_sum3A = arith.constant dense<0.000000e+00> : vector<1024xf32>
    %reduce_sum3A_28 = vector.multi_reduction <add>, %add3A_27, %reduce_sum3A [1] : vector<1024x128xf32> to vector<1024xf32>
    %broadcast_in_dim3A = vector.shape_cast %reduce_sum3A_28 : vector<1024xf32> to vector<1024x1xf32>
    %div3A_29 = arith.constant 1.280000e+02 : f32
    %div3A_30 = vector.broadcast %div3A_29 : f32 to vector<1024x1xf32>
    %div3A_31 = arith.divf %broadcast_in_dim3A, %div3A_30 : vector<1024x1xf32>
    %sub3A = vector.broadcast %div3A_31 : vector<1024x1xf32> to vector<1024x128xf32>
    %sub3A_32 = arith.subf %add3A_27, %sub3A : vector<1024x128xf32>
    %integer_pow3A = arith.mulf %sub3A_32, %sub3A_32 : vector<1024x128xf32>
    %reduce_sum3A_33 = arith.constant dense<0.000000e+00> : vector<1024xf32>
    %reduce_sum3A_34 = vector.multi_reduction <add>, %integer_pow3A, %reduce_sum3A_33 [1] : vector<1024x128xf32> to vector<1024xf32>
    %broadcast_in_dim3A_35 = vector.shape_cast %reduce_sum3A_34 : vector<1024xf32> to vector<1024x1xf32>
    %div3A_36 = arith.constant 1.280000e+02 : f32
    %div3A_37 = vector.broadcast %div3A_36 : f32 to vector<1024x1xf32>
    %div3A_38 = arith.divf %broadcast_in_dim3A_35, %div3A_37 : vector<1024x1xf32>
    %sub3A_39 = vector.broadcast %div3A_31 : vector<1024x1xf32> to vector<1024x128xf32>
    %sub3A_40 = arith.subf %add3A_27, %sub3A_39 : vector<1024x128xf32>
    %add3A_41 = arith.constant 9.99999974E-6 : f32
    %add3A_42 = vector.broadcast %add3A_41 : f32 to vector<1024x1xf32>
    %add3A_43 = arith.addf %div3A_38, %add3A_42 : vector<1024x1xf32>
    %rsqrt3A = math.rsqrt %add3A_43 : vector<1024x1xf32>
    %mul3A = vector.broadcast %rsqrt3A : vector<1024x1xf32> to vector<1024x128xf32>
    %mul3A_44 = arith.mulf %sub3A_40, %mul3A : vector<1024x128xf32>
    %get3A_45 = arith.constant 0 : index
    %get3A_46 = arith.constant 0 : index
    %get3A_47 = vector.load %arg8[%get3A_45, %get3A_46] : memref<1x128xf32, #tpu.memory_space<vmem>>, vector<1x128xf32>
    %mul3A_48 = vector.broadcast %get3A_47 : vector<1x128xf32> to vector<1024x128xf32>
    %mul3A_49 = arith.mulf %mul3A_44, %mul3A_48 : vector<1024x128xf32>
    %get3A_50 = arith.constant 0 : index
    %get3A_51 = arith.constant 0 : index
    %get3A_52 = vector.load %arg9[%get3A_50, %get3A_51] : memref<1x128xf32, #tpu.memory_space<vmem>>, vector<1x128xf32>
    %add3A_53 = vector.broadcast %get3A_52 : vector<1x128xf32> to vector<1024x128xf32>
    %add3A_54 = arith.addf %mul3A_49, %add3A_53 : vector<1024x128xf32>
    %max3A_55 = arith.constant 0.000000e+00 : f32
    %max3A_56 = vector.broadcast %max3A_55 : f32 to vector<1024x128xf32>
    %max3A_57 = arith.maximumf %add3A_54, %max3A_56 : vector<1024x128xf32>
    %get3A_58 = arith.constant 0 : index
    %get3A_59 = arith.constant 0 : index
    %get3A_60 = vector.load %arg10[%get3A_58, %get3A_59] : memref<128x128xf32, #tpu.memory_space<vmem>>, vector<128x128xf32>
    %dot_general3A_61 = arith.constant dense<0.000000e+00> : vector<1024x128xf32>
    %dot_general3A_62 = tpu.matmul %max3A_57, %get3A_60, %dot_general3A_61 {dimension_numbers = #tpu.dot_dimension_numbers<[1], [0], [0], [1], [0, 0, 1, 1], [], []>, transpose_lhs_hint = false} : vector<1024x128xf32>, vector<128x128xf32>, vector<1024x128xf32> -> vector<1024x128xf32>
    %get3A_63 = arith.constant 0 : index
    %get3A_64 = arith.constant 0 : index
    %get3A_65 = vector.load %arg11[%get3A_63, %get3A_64] : memref<1x128xf32, #tpu.memory_space<vmem>>, vector<1x128xf32>
    %add3A_66 = vector.broadcast %get3A_65 : vector<1x128xf32> to vector<1024x128xf32>
    %add3A_67 = arith.addf %dot_general3A_62, %add3A_66 : vector<1024x128xf32>
    %swap3A = arith.constant 0 : index
    %swap3A_68 = arith.constant 0 : index
    %swap3A_69 = vector.load %arg12[%swap3A, %swap3A_68] : memref<1024x128xf32, #tpu.memory_space<vmem>>, vector<1024x128xf32>
    tpu.vector_store %arg12[%swap3A, %swap3A_68], %add3A_67 {strides = array<i32>} : memref<1024x128xf32, #tpu.memory_space<vmem>>, vector<1024x128xf32>,
    return
  }
  func.func @transform_0(%arg0: i32) -> (i32, i32) {
    %c0_i32 = arith.constant 0 : i32
    %c0_i32_0 = arith.constant 0 : i32
    return %arg0, %c0_i32 : i32, i32
  }
  func.func @transform_1(%arg0: i32) -> (i32, i32) {
    %add3A = arith.constant 10 : i32
    %add3A_0 = arith.addi %arg0, %add3A : i32
    %c0_i32 = arith.constant 0 : i32
    %c0_i32_1 = arith.constant 0 : i32
    return %add3A_0, %c0_i32 : i32, i32
  }
  func.func @transform_2(%arg0: i32) -> (i32, i32) {
    %c0_i32 = arith.constant 0 : i32
    %c0_i32_0 = arith.constant 0 : i32
    return %arg0, %c0_i32 : i32, i32
  }
  func.func @transform_3(%arg0: i32) -> (i32, i32) {
    %add3A = arith.constant 10 : i32
    %add3A_0 = arith.addi %arg0, %add3A : i32
    %c0_i32 = arith.constant 0 : i32
    %c0_i32_1 = arith.constant 0 : i32
    return %add3A_0, %c0_i32 : i32, i32
  }
  func.func @transform_4(%arg0: i32) -> (i32, i32) {
    %c0_i32 = arith.constant 0 : i32
    %c0_i32_0 = arith.constant 0 : i32
    return %arg0, %c0_i32 : i32, i32
  }
  func.func @transform_5(%arg0: i32) -> (i32, i32) {
    %c0_i32 = arith.constant 0 : i32
    %c0_i32_0 = arith.constant 0 : i32
    %c0_i32_1 = arith.constant 0 : i32
    return %c0_i32, %c0_i32_0 : i32, i32
  }
  func.func @transform_6(%arg0: i32) -> (i32, i32) {
    %c0_i32 = arith.constant 0 : i32
    %c0_i32_0 = arith.constant 0 : i32
    %c0_i32_1 = arith.constant 0 : i32
    return %c0_i32, %c0_i32_0 : i32, i32
  }
  func.func @transform_7(%arg0: i32) -> (i32, i32) {
    %c0_i32 = arith.constant 0 : i32
    %c0_i32_0 = arith.constant 0 : i32
    %c0_i32_1 = arith.constant 0 : i32
    return %c0_i32, %c0_i32_0 : i32, i32
  }
  func.func @transform_8(%arg0: i32) -> (i32, i32) {
    %c0_i32 = arith.constant 0 : i32
    %c0_i32_0 = arith.constant 0 : i32
    %c0_i32_1 = arith.constant 0 : i32
    return %c0_i32, %c0_i32_0 : i32, i32
  }
  func.func @transform_9(%arg0: i32) -> (i32, i32) {
    %c0_i32 = arith.constant 0 : i32
    %c0_i32_0 = arith.constant 0 : i32
    %c0_i32_1 = arith.constant 0 : i32
    return %c0_i32, %c0_i32_0 : i32, i32
  }
  func.func @transform_10(%arg0: i32) -> (i32, i32) {
    %c0_i32 = arith.constant 0 : i32
    %c0_i32_0 = arith.constant 0 : i32
    %c0_i32_1 = arith.constant 0 : i32
    return %c0_i32, %c0_i32_0 : i32, i32
  }
  func.func @transform_11(%arg0: i32) -> (i32, i32) {
    %c0_i32 = arith.constant 0 : i32
    %c0_i32_0 = arith.constant 0 : i32
    return %arg0, %c0_i32 : i32, i32
  }
}

</mosaic_0001>

<sc_bundles>
// kernel: sc_agg.4.cloned.1.call-start
scs
__scs_entry_jumppad:
0x0: {  	(pc) =	sbr.rel $0x88, $3  }
0x1: {  	(tag) =	ssettag $0x0;
	lr =	simm.s32 $0x1  }
0x2: {  	[smem:$0x3F93] =	sst lr;
	_ =	strace $0xD0000000  }
0x3: {  	_ = 	snop  }
0x4: {  	_ = 	snop  }
0x5: {  	_ = 	snop  }
0x6: {  	_ = 	snop  }
0x7: {  	_ = 	snop  }
__scs_overlays_trampoline_lowered:
0x8: {  	[smem:$0x3FA2] =	sst s0  }
0x9: {  	[smem:$0x3FA3] =	sst s1  }
0xa: {  	[smem:$0x3FA4] =	sst s2  }
0xb: {  	[smem:$0x3FA5] =	sst s3  }
0xc: {  	[smem:$0x3FA6] =	sst s4  }
0xd: {  	[smem:$0x3FA7] =	sst s5  }
0xe: {  	[smem:$0x3FA8] =	sst s6  }
0xf: {  	[smem:$0x3FA9] =	sst s7  }
0x10: {  	[smem:$0x3FAA] =	sst s8  }
0x11: {  	[smem:$0x3FAB] =	sst s9;
	s0 =	simm.s32 @!p0 $0x0  }
0x12: {  	s1 =	sld [smem:$0x3F91];
	s0 =	simm.s32 @p0 $0x1  }
0x13: {  	[smem:$0x3FAC] =	sst s0;
	s0 =	simm.s32 @!p1 $0x0  }
0x14: {  	s2 =	sld [smem:$0x3F90];
	s0 =	simm.s32 @p1 $0x1  }
0x15: {  	[smem:$0x3FAD] =	sst s0;
	s0 =	simm.s32 @!p2 $0x0  }
0x16: {  	s3 =	sld [smem:$0x3FDB];
	s0 =	simm.s32 @p2 $0x1  }
0x17: {  	s4 =	simm.s32 $0x1BF5;
	[smem:$0x3FAF] =	sst s0  }
0x18: {  	s0 =	sld [smem:$0x3F92];
	_ =	swait.ge [sflag:s4], $0x0  }
0x19: {  	s7 =	sld [smem:$0x3F93]  }
0x1a: {  	s8 =	sadd.s32 $0xFFFFE003, lr  }
0x1b: {  	s9 =	sadd.s32 $0xFFFFFEF7, lr;
	s5 =	simm.s32 $0xFFFFFFFF;
	p2 =	slt.u32 s8, $0xFFFFF086  }
0x1c: {  	p1 =	slt.u32 s9, $0xF7A;
	s5 =	simm.s32 @!p2 $0x0  }
0x1d: {  	s5 =	simm.s32 @p1 $0x1;
	p0 =	seq.s32 s7, s2  }
0x1e: {  	s7 =	smul.u32 @!p0 $0xF7A, s2;
	p2 =	seq.s32 @!p0 s5, $0x0  }
0x1f: {  	s9 =	smul.u32 $0xF7A, s1;
	s8 =	simm.s32 @!p0 $0x1BF5;
	p2 =	por !p2, p0  }
0x20: {  	[sflag:s8] =	ssyncset.s32 @!p0 $0xFFFFF086;
	s6 =	sadd.s32 @!p0 s3, s7;
	s7 =	simm.s32 @!p0 $0x108  }
0x21: {  	s3 =	sadd.s32 s3, s9;
	s6 =	sadd.s32 @!p0 $0x88, s6;
	s7 =	simm.s32 @p2 $0x1082  }
0x22: {  	[simem:s7], [sflag:s8] =	dma.local @!p0 [hbm:s6], $0xF7A  }
0x23: {  	s9 =	sor.u32 $0xD0000000, s2;
	s6 =	simm.s32 $0x108;
	_ =	swait.ge @!p0 [sflag:s8], $0x0  }
0x24: {  	s3 =	sadd.s32 $0x88, s3;
	s6 =	simm.s32 @!p1 $0x1082;
	[sflag:s4] =	ssyncset.s32 $0xFFFFF086  }
0x25: {  	[simem:s6], [sflag:s4] =	dma.local [hbm:s3], $0xF7A  }
0x26: {  	[smem:$0x3F93] =	sst s1;
	(tag) =	ssettag s2;
	_ =	strace s9  }
0x27: {  	s1 =	sld [smem:$0x3FA3]  }
0x28: {  	s2 =	sld [smem:$0x3FA4]  }
0x29: {  	s4 =	sld [smem:$0x3FA6]  }
0x2a: {  	p0 =	seq.s32 s5, $0x0;
	s5 =	sld [smem:$0x3FA7]  }
0x2b: {  	s6 =	sld [smem:$0x3FA8]  }
0x2c: {  	s7 =	sld [smem:$0x3FA9]  }
0x2d: {  	s3 =	simm.s32 $0x108;
	s8 =	sld [smem:$0x3FAA]  }
0x2e: {  	s3 =	simm.s32 @!p0 $0x1082;
	s9 =	sld [smem:$0x3FAB]  }
0x2f: {  	lr =	sadd.s32 s0, s3;
	s0 =	sld [smem:$0x3FA2]  }
0x30: {  	s3 =	sld [smem:$0x3FA5]  }
0x31: {  	[smem:$0x3FAE] =	sst s10  }
0x32: {  	s10 =	sld [smem:$0x3FAC];
	_ =	sdelay $0x3  }
0x33: {  	p0 =	seq.s32 s10, $0x1;
	s10 =	sld [smem:$0x3FAE];
	_ =	sdelay $0x3  }
0x34: {  	[smem:$0x3FAE] =	sst s10  }
0x35: {  	s10 =	sld [smem:$0x3FAD];
	_ =	sdelay $0x3  }
0x36: {  	p1 =	seq.s32 s10, $0x1;
	s10 =	sld [smem:$0x3FAE];
	_ =	sdelay $0x3  }
0x37: {  	[smem:$0x3FAE] =	sst s10  }
0x38: {  	s10 =	sld [smem:$0x3FAF]  }
0x39: {  	_ = 	snop;
	(pc) =	sbr.ind lr, $3  }
0x3a: {  	_ = 	snop  }
0x3b: {  	_ = 	snop  }
0x3c: {  	p2 =	seq.s32 s10, $0x1;
	s10 =	sld [smem:$0x3FAE]  }
0x3d: {  	_ =	shalt  }
0x3e: {  	_ =	shalt  }
0x3f: {  	_ =	shalt  }
0x40: {  	_ =	shalt  }
0x41: {  	_ =	shalt  }
0x42: {  	_ =	shalt  }
0x43: {  	_ =	shalt  }
0x44: {  	_ =	shalt  }
0x45: {  	_ =	shalt  }
0x46: {  	_ =	shalt  }
0x47: {  	_ =	shalt  }
0x48: {  	_ =	shalt  }
0x49: {  	_ =	shalt  }
0x4a: {  	_ =	shalt  }
0x4b: {  	_ =	shalt  }
0x4c: {  	_ =	shalt  }
0x4d: {  	_ =	shalt  }
0x4e: {  	_ =	shalt  }
0x4f: {  	_ =	shalt  }
0x50: {  	_ =	shalt  }
0x51: {  	_ =	shalt  }
0x52: {  	_ =	shalt  }
0x53: {  	_ =	shalt  }
0x54: {  	_ =	shalt  }
0x55: {  	_ =	shalt  }
0x56: {  	_ =	shalt  }
0x57: {  	_ =	shalt  }
0x58: {  	_ =	shalt  }
0x59: {  	_ =	shalt  }
0x5a: {  	_ =	shalt  }
0x5b: {  	_ =	shalt  }
0x5c: {  	_ =	shalt  }
0x5d: {  	_ =	shalt  }
0x5e: {  	_ =	shalt  }
0x5f: {  	_ =	shalt  }
0x60: {  	_ =	shalt  }
0x61: {  	_ =	shalt  }
0x62: {  	_ =	shalt  }
0x63: {  	_ =	shalt  }
0x64: {  	_ =	shalt  }
0x65: {  	_ =	shalt  }
0x66: {  	_ =	shalt  }
0x67: {  	_ =	shalt  }
0x68: {  	_ =	shalt  }
0x69: {  	_ =	shalt  }
0x6a: {  	_ =	shalt  }
0x6b: {  	_ =	shalt  }
0x6c: {  	_ =	shalt  }
0x6d: {  	_ =	shalt  }
0x6e: {  	_ =	shalt  }
0x6f: {  	_ =	shalt  }
0x70: {  	_ =	shalt  }
0x71: {  	_ =	shalt  }
0x72: {  	_ =	shalt  }
0x73: {  	_ =	shalt  }
0x74: {  	_ =	shalt  }
0x75: {  	_ =	shalt  }
0x76: {  	_ =	shalt  }
0x77: {  	_ =	shalt  }
0x78: {  	_ =	shalt  }
0x79: {  	_ =	shalt  }
0x7a: {  	_ =	shalt  }
0x7b: {  	_ =	shalt  }
0x7c: {  	_ =	shalt  }
0x7d: {  	_ =	shalt  }
0x7e: {  	_ =	shalt  }
0x7f: {  	_ =	shalt  }
0x80: {  	_ =	shalt  }
0x81: {  	_ =	shalt  }
0x82: {  	_ =	shalt  }
0x83: {  	_ =	shalt  }
0x84: {  	_ =	shalt  }
0x85: {  	_ =	shalt  }
0x86: {  	_ =	shalt  }
0x87: {  	_ =	shalt  }
.Lfunc_end0:
.L_simem_size_0:
called_computation.1_lowered:
.L_overlay_start_0:
0x88: {  	s2 =	sld [smem:$0x3FD9]  }
0x89: {  	s3 =	sld [smem:$0x3FFE];
	_ =	sdelay $0x1  }
0x8a: {  	s1 =	srdreg.scid  }
0x8b: {  	s0 =	sand.u32 $0x1, s1  }
0x8c: {  	s17 =	sshll.u32 s0, $0xA;
	s2 =	sadd.s32 s3, s2  }
0x8d: {  	s2 =	sadd.s32 s2, s17  }
0x8e: {  	[smem:$0x3FBA] =	sst s2  }
0x8f: {  	_ = 	snop  }
0x90: {  	s2 =	sld [smem:$0x3FD0];
	(tm) =	ssettm $0x1  }
0x91: {  	s18 =	sld [smem:$0x3FFB];
	_ =	sdelay $0x3  }
0x92: {  	_ =	strace s18  }
0x93: {  	s3 =	sld [smem:$0x3FFC];
	_ =	sdelay $0x3  }
0x94: {  	_ =	strace s3  }
0x95: {  	s3 =	sld [smem:$0x3FFD];
	_ =	sdelay $0x3  }
0x96: {  	_ =	strace s3  }
0x97: {  	_ =	strace $0x8FFFFFFF  }
0x98: {  	s19 =	sld [smem:$0x3FDB];
	_ =	sdelay $0x1  }
0x99: {  	s4 =	simm.s32 $_scs_section_size  }
0x9a: {  	s5 =	simm.s32 $_size__tile_overlayer_lowered;
	s6 =	simm.s32 $_tile_overlayer_lowered  }
0x9b: {  	s22 =	simm.s32 $0x1BFF;
	s21 =	sshll.u32 s6, $0x1;
	s3 =	sadd.s32 s4, s19  }
0x9c: {  	s7 =	simm.s32 $0x0;
	s20 =	sshll.u32 s5, $0x1;
	s5 =	sadd.s32 s21, s3  }
0x9d: {  	[timem:s7], [sflag:s22] =	dma.local [hbm:s5], s20  }
0x9e: {  	_ =	swait.ge [sflag:s22], s20  }
0x9f: {  	s4 =	ssub.s32 $0x0, s20;
	[sflag:s22] =	ssyncset.done $0x0  }
0xa0: {  	[sflag:s22] =	ssyncadd.s32 s4;
	_ =	sdelay $0x1  }
0xa1: {  	s23 =	simm.s32 $0x1B8B  }
0xa2: {  	_ =	swait.ge [sflag:s23], $0x1  }
0xa3: {  	[sflag:s23] =	ssyncset.done $0x0  }
0xa4: {  	s25 =	simm.s32 $0x1B8E;
	s24 =	sld [smem:$0x3FFE];
	[sflag:s23] =	ssyncadd.s32 $0xFFFFFFFF  }
0xa5: {  	s26 =	simm.s32 $execute0_lowered;
	[smem:$0x3FD2] =	sst s25  }
0xa6: {  	s5 =	sshll.u32 s26, $0x1;
	_ =	strace $0x80000046;
	[dreg:$0x1] =	wrdreg $0xFFFFFFFF  }
0xa7: {  	s28 =	simm.s32 $_size_execute0_lowered;
	s3 =	sadd.s32 s3, s5;
	[dreg:$0x0] =	wrdreg $0x0  }
0xa8: {  	s5 =	sshll.u32 s28, $0x1;
	[dreg:$0x2] =	wrdreg s3  }
0xa9: {  	[dreg:$0x3] =	wrdreg s5  }
0xaa: {  	[dreg:$0x4] =	wrdreg $0xC0  }
0xab: {  	_ =	task [dreg:s7], $0x5FFFF  }
0xac: {  	[dreg:$0x1] =	wrdreg $0xFFFFFFFF  }
0xad: {  	[dreg:$0x0] =	wrdreg $0x60  }
0xae: {  	[dreg:$0x2] =	wrdreg s24  }
0xaf: {  	[dreg:$0x3] =	wrdreg s2  }
0xb0: {  	[dreg:$0x4] =	wrdreg $0xAC000  }
0xb1: {  	[dreg:$0x5] =	wrdreg $0xA  }
0xb2: {  	_ =	task.clear_ibuf [dreg:s7], $0x6FFFF;
	_ =	strace $0x90000046  }
0xb3: {  	s29 =	simm.s32 $0xA;
	_ =	strace $0x80000048  }
0xb4: {  	_ =	swait.ge [sflag:s29], $0x1  }
0xb5: {  	[sflag:s29] =	ssyncadd.s32 $0xFFFFFFFF  }
0xb6: {  	_ =	strace $0x90000048  }
0xb7: {  	_ =	sfence  }
0xb8: {  	s30 =	sld [smem:$0x0];
	_ =	sdelay $0x2  }
0xb9: {  	s31 =	sshll.u32 s1, $0xD;
	s1 =	sshrl.u32 s1, $0x2  }
0xba: {  	s3 =	sand.u32 $0x4000, s31;
	s1 =	sadd.s32 s1, s30  }
0xbb: {  	s0 =	sor.u32 s3, s0;
	s1 =	sshll.u32 s1, $0x11  }
0xbc: {  	s0 =	sor.u32 s1, s0  }
0xbd: {  	s0 =	sadd.s32 $0x8F2B, s0  }
0xbe: {  	[sflag:s0] =	ssyncadd.remote.s32 $0x1  }
0xbf: {  	_ =	sfence.sel $0xFFFF  }
0xc0: {  	[dreg:$0x0] =	wrdreg $0xFFFFFFFF;
	(pc) =	sbr.abs _section_cstart, $3  }
0xc1: {  	[dreg:$0x1] =	wrdreg $0xFFFFFFFF  }
0xc2: {  	_ =	task.clear_ibuf [dreg:s7], $0x2FFFF;
	_ =	strace $0x9FFFFFFF  }
0xc3: {  	(tm) =	ssettm $0x7FFFFFFF  }
tec
execute0_lowered:
.L_overlay_start_1:
0x0: {  	(tag) =	ssettag $0x1  }
0x1: {  	s11 =	stileid.u32  }
0x2: {  	s4 =	srdreg.scid;
	s5 =	smul.u32 $0x2800, s11  }
0x3: {  	s1 =	rddreg [dreg:$0x0];
	s6 =	sand.u32 $0x1, s4;
	s9 =	smul.u32 $0x50000, s11  }
0x4: {  	s0 =	rddreg [dreg:$0x1];
	s7 =	smul.u32 $0x28000, s6  }
0x5: {  	s2 =	rddreg [dreg:$0x2];
	s3 =	simm.s32 $0x0  }
0x6: {  	s4 =	sadd.s32 $0xC800, s1;
	s21 =	sshrl.u32 s9, $0x2;
	s5 =	sadd.s32 s5, s7  }
0x7: {  	s10 =	sadd.s32 $0x2A00, s1;
	s1 =	sadd.s32 s5, s1;
	s5 =	sadd.s32 s21, s2  }
0x8: {  	[smem:$0x7FF] =	sst s3;
	s20 =	sshll.u32 s11, $0x1;
	s24 =	sadd.s32 $0x800, s5  }
0x9: {  	_ =	strace $0x80000047;
	s25 =	sadd.s32 $0x1000, s5;
	[dreg:$0xa] =	wrdreg s24  }
0xa: {  	s22 =	smul.u32 $0x4E20, s11;
	s26 =	sadd.s32 $0x1800, s5;
	[dreg:$0xb] =	wrdreg s25  }
0xb: {  	s8 =	ssub.s32 $0x2, s6;
	s12 =	sadd.s32 $0x2000, s5;
	[dreg:$0xc] =	wrdreg s26  }
0xc: {  	s23 =	sor.u32 s6, s20;
	s13 =	sadd.s32 $0x2800, s5;
	[dreg:$0xd] =	wrdreg s12  }
0xd: {  	s6 =	smul.u32 $0x2710, s6;
	s14 =	sadd.s32 $0x3000, s5;
	[dreg:$0xe] =	wrdreg s13  }
0xe: {  	s16 =	sadd.s32 $0x3800, s5;
	[dreg:$0xf] =	wrdreg s14  }
0xf: {  	s6 =	sadd.s32 s6, s22;
	s17 =	sadd.s32 $0x4000, s5;
	[dreg:$0x10] =	wrdreg s16  }
0x10: {  	s15 =	sadd.s32 $0xF0, s6;
	s18 =	sadd.s32 $0x4800, s5;
	[dreg:$0x11] =	wrdreg s17  }
0x11: {  	s9 =	sshrl.u32 s15, $0x3;
	s15 =	sadd.s32 $0x6800, s5;
	[dreg:$0x12] =	wrdreg s18  }
0x12: {  	s19 =	sshrl.u32 s8, $0x1;
	s11 =	sadd.s32 $0xC800, s5;
	[dreg:$0x16] =	wrdreg s15  }
0x13: {  	s7 =	ssub.s32 s8, s19;
	s19 =	sadd.s32 s9, s0;
	[smem:$0x7F0] =	sst s11  }
0x14: {  	s9 =	sadd.s32 s9, s10;
	[dreg:$0x4] =	wrdreg s19  }
0x15: {  	s25 =	sadd.s32 $0x5000, s5;
	[dreg:$0x5] =	wrdreg s9  }
0x16: {  	s13 =	sadd.s32 $0x5800, s5;
	[dreg:$0x13] =	wrdreg s25  }
0x17: {  	s8 =	smul.u32 $0x2710, s23;
	s14 =	sadd.s32 $0x6000, s5;
	[dreg:$0x14] =	wrdreg s13  }
0x18: {  	s22 =	sadd.s32 $0x50, s6;
	s18 =	sadd.s32 $0x7000, s5;
	[dreg:$0x15] =	wrdreg s14  }
0x19: {  	s24 =	sshrl.u32 s22, $0x3;
	s15 =	sadd.s32 $0xE800, s5;
	[dreg:$0x19] =	wrdreg s18  }
0x1a: {  	s8 =	sshrl.u32 s8, $0x3;
	s26 =	sadd.s32 s24, s0;
	[smem:$0x7F4] =	sst s15  }
0x1b: {  	s8 =	sadd.s32 $0x4D8, s8;
	s16 =	sadd.s32 s24, s10;
	[dreg:$0x8] =	wrdreg s26  }
0x1c: {  	s17 =	sadd.s32 s10, s8;
	[dreg:$0x9] =	wrdreg s16  }
0x1d: {  	s8 =	sadd.s32 s0, s8;
	[dreg:$0x17] =	wrdreg s17  }
0x1e: {  	s19 =	sadd.s32 $0x34800, s1;
	[dreg:$0x18] =	wrdreg s8  }
0x1f: {  	s24 =	sadd.s32 $0x8000, s5;
	[dreg:$0x1a] =	wrdreg s19  }
0x20: {  	s25 =	sadd.s32 $0x8800, s5;
	[dreg:$0x1d] =	wrdreg s24  }
0x21: {  	s28 =	simm.s32 $0x5;
	s1 =	sadd.s32 $0x9800, s5;
	[dreg:$0x1e] =	wrdreg s25  }
0x22: {  	s12 =	sadd.s32 $0xA0, s6;
	s9 =	sadd.s32 $0xB800, s5;
	[smem:$0x7EA] =	sst s1  }
0x23: {  	s20 =	sshrl.u32 s12, $0x3;
	s12 =	sadd.s32 $0xD000, s5;
	[smem:$0x7EE] =	sst s9  }
0x24: {  	s29 =	simm.s32 $0x80;
	s13 =	sadd.s32 $0xD800, s5;
	[smem:$0x7F1] =	sst s12  }
0x25: {  	s30 =	simm.s32 $0x50;
	s14 =	sadd.s32 $0xE000, s5;
	[smem:$0x7F2] =	sst s13  }
0x26: {  	s31 =	simm.s32 $0x100;
	s18 =	sadd.s32 $0x10000, s5;
	[smem:$0x7F3] =	sst s14  }
0x27: {  	s6 =	sshrl.u32 s6, $0x3;
	s21 =	sadd.s32 s20, s0;
	[smem:$0x7F7] =	sst s18  }
0x28: {  	s11 =	simm.s32 $0x7B80;
	s23 =	sadd.s32 s20, s10;
	[dreg:$0x6] =	wrdreg s21  }
0x29: {  	s22 =	sadd.s32 s6, s10;
	s20 =	smax.u32 s7, $0x1;
	[dreg:$0x7] =	wrdreg s23  }
0x2a: {  	s15 =	simm.s32 $0x3;
	s26 =	sadd.s32 $0x9000, s5;
	[dreg:$0x1b] =	wrdreg s20  }
0x2b: {  	s7 =	sadd.s32 $0xA800, s5;
	s8 =	sadd.s32 $0xB000, s5;
	[dreg:$0x1f] =	wrdreg s26  }
0x2c: {  	s10 =	sadd.s32 $0xC000, s5;
	s16 =	sadd.s32 $0xF000, s5;
	[smem:$0x7EC] =	sst s7  }
0x2d: {  	s17 =	sadd.s32 $0xF800, s5;
	s19 =	sadd.s32 $0x10800, s5;
	[smem:$0x7ED] =	sst s8  }
0x2e: {  	s24 =	sadd.s32 $0x12000, s5;
	s25 =	sadd.s32 $0x12800, s5;
	[smem:$0x7EF] =	sst s10  }
0x2f: {  	s1 =	simm.s32 $0x2980;
	s9 =	simm.s32 $0x5300;
	[smem:$0x7F5] =	sst s16  }
0x30: {  	s12 =	simm.s32 $0x7C00;
	s13 =	simm.s32 $0x1;
	[smem:$0x7F6] =	sst s17  }
0x31: {  	s14 =	simm.s32 $0x2;
	s21 =	sadd.s32 s6, s0;
	[smem:$0x7F8] =	sst s19  }
0x32: {  	s23 =	sadd.s32 $0x7800, s5;
	s6 =	sadd.s32 $0xA000, s5;
	[smem:$0x7FB] =	sst s24  }
0x33: {  	s20 =	sadd.s32 $0x11000, s5;
	[smem:$0x7FC] =	sst s25;
	s26 =	sadd.s32 $0x13000, s5  }
0x34: {  	s25 =	sadd.s32 $0x13800, s5;
	s0 =	simm.s32 $0x2900;
	[dreg:$0x1c] =	wrdreg s23  }
0x35: {  	s7 =	simm.s32 $0x5200;
	s8 =	simm.s32 $0x5280;
	[smem:$0x7EB] =	sst s6  }
0x36: {  	s10 =	simm.s32 $0x7B00;
	s16 =	simm.s32 $0x4;
	[smem:$0x7F9] =	sst s20  }
0x37: {  	s17 =	simm.s32 $0x0;
	s23 =	sadd.s32 $0x11800, s5;
	[smem:$0x7FD] =	sst s26  }
0x38: {  	v0 =	vimm.f32 $0.0e+00;
	s26 =	simm.s32 $0xA400;
	s6 =	simm.s32 $0x2A00;
	[smem:$0x7FA] =	sst s23  }
.LBB2_1:
0x39: {  	s18 =	simm.s32 $0x0;
	s19 =	simm.s32 $0x200  }
.LBB2_2:
0x3a: {  	p0 =	sne.s32 s19, $0x1E00;
	[tilespmem:s18+$0xA470] =	vst v0  }
0x3b: {  	[tilespmem:s18+$0xA400] =	vst v0  }
0x3c: {  	[tilespmem:s18+$0xA410] =	vst v0  }
.Ltmp0:
0x3d: {  	[tilespmem:s18+$0xA420] =	vst v0;
	(pc) =	sbr.rel @p0 .LBB2_2-.Ltmp0, $4  }
0x3e: {  	[tilespmem:s18+$0xA430] =	vst v0  }
0x3f: {  	[tilespmem:s18+$0xA440] =	vst v0  }
0x40: {  	[tilespmem:s18+$0xA450] =	vst v0  }
0x41: {  	[tilespmem:s18+$0xA460] =	vst v0;
	s18 =	sshra.s32 s19, $0x2;
	s19 =	sadd.s32 $0x200, s19  }
0x42: {  	[tilespmem:s18+$0xA470] =	vst v0  }
0x43: {  	[tilespmem:s18+$0xA400] =	vst v0  }
0x44: {  	[tilespmem:s18+$0xA410] =	vst v0  }
0x45: {  	[tilespmem:s18+$0xA420] =	vst v0  }
0x46: {  	[tilespmem:s18+$0xA430] =	vst v0  }
0x47: {  	[tilespmem:s18+$0xA440] =	vst v0  }
0x48: {  	[tilespmem:s18+$0xA450] =	vst v0  }
0x49: {  	[tilespmem:s18+$0xA460] =	vst v0  }
0x4a: {  	[spmem:s5] =	stream.linear.scatter [tilespmem:s26], [sflag:$0x5], $0x800, $0x38;
	[tilespmem:$0x1EC00] =	vst v63  }
0x4b: {  	_ =	swait.ge [sflag:s28], $0x800  }
0x4c: {  	[sflag:s28] =	ssyncset.done $0x0  }
0x4d: {  	s23 =	rddreg [dreg:$0xa];
	[sflag:s28] =	ssyncadd.s32 $0xFFFFF800  }
0x4e: {  	[spmem:s23] =	stream.linear.scatter [tilespmem:s26], [sflag:$0x5], $0x800, $0x38;
	[tilespmem:$0x1EC00] =	vst v63  }
0x4f: {  	_ =	swait.ge [sflag:s28], $0x800  }
0x50: {  	[sflag:s28] =	ssyncset.done $0x0  }
0x51: {  	s24 =	rddreg [dreg:$0xb];
	[sflag:s28] =	ssyncadd.s32 $0xFFFFF800  }
0x52: {  	[spmem:s24] =	stream.linear.scatter [tilespmem:s26], [sflag:$0x5], $0x800, $0x38;
	[tilespmem:$0x1EC00] =	vst v63  }
0x53: {  	_ =	swait.ge [sflag:s28], $0x800  }
0x54: {  	[sflag:s28] =	ssyncset.done $0x0  }
0x55: {  	s19 =	rddreg [dreg:$0xc];
	[sflag:s28] =	ssyncadd.s32 $0xFFFFF800  }
0x56: {  	[spmem:s19] =	stream.linear.scatter [tilespmem:s26], [sflag:$0x5], $0x800, $0x38;
	[tilespmem:$0x1EC00] =	vst v63  }
0x57: {  	_ =	swait.ge [sflag:s28], $0x800  }
0x58: {  	[sflag:s28] =	ssyncset.done $0x0  }
0x59: {  	s20 =	rddreg [dreg:$0xd];
	[sflag:s28] =	ssyncadd.s32 $0xFFFFF800  }
0x5a: {  	[spmem:s20] =	stream.linear.scatter [tilespmem:s26], [sflag:$0x5], $0x800, $0x38;
	[tilespmem:$0x1EC00] =	vst v63  }
0x5b: {  	_ =	swait.ge [sflag:s28], $0x800  }
0x5c: {  	[sflag:s28] =	ssyncset.done $0x0  }
0x5d: {  	s23 =	rddreg [dreg:$0xe];
	[sflag:s28] =	ssyncadd.s32 $0xFFFFF800  }
0x5e: {  	[spmem:s23] =	stream.linear.scatter [tilespmem:s26], [sflag:$0x5], $0x800, $0x38;
	[tilespmem:$0x1EC00] =	vst v63  }
0x5f: {  	_ =	swait.ge [sflag:s28], $0x800  }
0x60: {  	[sflag:s28] =	ssyncset.done $0x0  }
0x61: {  	s24 =	rddreg [dreg:$0xf];
	[sflag:s28] =	ssyncadd.s32 $0xFFFFF800  }
0x62: {  	[spmem:s24] =	stream.linear.scatter [tilespmem:s26], [sflag:$0x5], $0x800, $0x38;
	[tilespmem:$0x1EC00] =	vst v63  }
0x63: {  	_ =	swait.ge [sflag:s28], $0x800  }
0x64: {  	[sflag:s28] =	ssyncset.done $0x0  }
0x65: {  	s19 =	rddreg [dreg:$0x10];
	[sflag:s28] =	ssyncadd.s32 $0xFFFFF800  }
0x66: {  	[spmem:s19] =	stream.linear.scatter [tilespmem:s26], [sflag:$0x5], $0x800, $0x38;
	[tilespmem:$0x1EC00] =	vst v63  }
0x67: {  	_ =	swait.ge [sflag:s28], $0x800  }
0x68: {  	[sflag:s28] =	ssyncset.done $0x0  }
0x69: {  	s20 =	rddreg [dreg:$0x11];
	[sflag:s28] =	ssyncadd.s32 $0xFFFFF800  }
0x6a: {  	[spmem:s20] =	stream.linear.scatter [tilespmem:s26], [sflag:$0x5], $0x800, $0x38;
	[tilespmem:$0x1EC00] =	vst v63  }
0x6b: {  	_ =	swait.ge [sflag:s28], $0x800  }
0x6c: {  	[sflag:s28] =	ssyncset.done $0x0  }
0x6d: {  	s23 =	rddreg [dreg:$0x12];
	[sflag:s28] =	ssyncadd.s32 $0xFFFFF800  }
0x6e: {  	[spmem:s23] =	stream.linear.scatter [tilespmem:s26], [sflag:$0x5], $0x800, $0x38;
	[tilespmem:$0x1EC00] =	vst v63  }
0x6f: {  	_ =	swait.ge [sflag:s28], $0x800  }
0x70: {  	[sflag:s28] =	ssyncset.done $0x0  }
0x71: {  	s24 =	rddreg [dreg:$0x13];
	[sflag:s28] =	ssyncadd.s32 $0xFFFFF800  }
0x72: {  	[spmem:s24] =	stream.linear.scatter [tilespmem:s26], [sflag:$0x5], $0x800, $0x38;
	[tilespmem:$0x1EC00] =	vst v63  }
0x73: {  	_ =	swait.ge [sflag:s28], $0x800  }
0x74: {  	[sflag:s28] =	ssyncset.done $0x0  }
0x75: {  	s19 =	rddreg [dreg:$0x14];
	[sflag:s28] =	ssyncadd.s32 $0xFFFFF800  }
0x76: {  	[spmem:s19] =	stream.linear.scatter [tilespmem:s26], [sflag:$0x5], $0x800, $0x38;
	[tilespmem:$0x1EC00] =	vst v63  }
0x77: {  	_ =	swait.ge [sflag:s28], $0x800  }
0x78: {  	[sflag:s28] =	ssyncset.done $0x0  }
0x79: {  	s20 =	rddreg [dreg:$0x15];
	[sflag:s28] =	ssyncadd.s32 $0xFFFFF800  }
0x7a: {  	[spmem:s20] =	stream.linear.scatter [tilespmem:s26], [sflag:$0x5], $0x800, $0x38;
	[tilespmem:$0x1EC00] =	vst v63  }
0x7b: {  	_ =	swait.ge [sflag:s28], $0x800  }
0x7c: {  	[sflag:s28] =	ssyncset.done $0x0  }
0x7d: {  	s23 =	rddreg [dreg:$0x16];
	[sflag:s28] =	ssyncadd.s32 $0xFFFFF800  }
0x7e: {  	[spmem:s23] =	stream.linear.scatter [tilespmem:s26], [sflag:$0x5], $0x800, $0x38;
	[tilespmem:$0x1EC00] =	vst v63  }
0x7f: {  	_ =	swait.ge [sflag:s28], $0x800  }
0x80: {  	[sflag:s28] =	ssyncset.done $0x0  }
0x81: {  	s24 =	rddreg [dreg:$0x19];
	[sflag:s28] =	ssyncadd.s32 $0xFFFFF800  }
0x82: {  	[spmem:s24] =	stream.linear.scatter [tilespmem:s26], [sflag:$0x5], $0x800, $0x38;
	[tilespmem:$0x1EC00] =	vst v63  }
0x83: {  	_ =	swait.ge [sflag:s28], $0x800  }
0x84: {  	[sflag:s28] =	ssyncset.done $0x0  }
0x85: {  	s19 =	rddreg [dreg:$0x1c];
	[sflag:s28] =	ssyncadd.s32 $0xFFFFF800  }
0x86: {  	[spmem:s19] =	stream.linear.scatter [tilespmem:s26], [sflag:$0x5], $0x800, $0x38;
	[tilespmem:$0x1EC00] =	vst v63  }
0x87: {  	_ =	swait.ge [sflag:s28], $0x800  }
0x88: {  	[sflag:s28] =	ssyncset.done $0x0  }
0x89: {  	s20 =	rddreg [dreg:$0x1d];
	[sflag:s28] =	ssyncadd.s32 $0xFFFFF800  }
0x8a: {  	[spmem:s20] =	stream.linear.scatter [tilespmem:s26], [sflag:$0x5], $0x800, $0x38;
	[tilespmem:$0x1EC00] =	vst v63  }
0x8b: {  	_ =	swait.ge [sflag:s28], $0x800  }
0x8c: {  	[sflag:s28] =	ssyncset.done $0x0  }
0x8d: {  	s23 =	rddreg [dreg:$0x1e];
	[sflag:s28] =	ssyncadd.s32 $0xFFFFF800  }
0x8e: {  	[spmem:s23] =	stream.linear.scatter [tilespmem:s26], [sflag:$0x5], $0x800, $0x38;
	[tilespmem:$0x1EC00] =	vst v63  }
0x8f: {  	_ =	swait.ge [sflag:s28], $0x800  }
0x90: {  	[sflag:s28] =	ssyncset.done $0x0  }
0x91: {  	s24 =	rddreg [dreg:$0x1f];
	[sflag:s28] =	ssyncadd.s32 $0xFFFFF800  }
0x92: {  	[spmem:s24] =	stream.linear.scatter [tilespmem:s26], [sflag:$0x5], $0x800, $0x38;
	[tilespmem:$0x1EC00] =	vst v63  }
0x93: {  	_ =	swait.ge [sflag:s28], $0x800  }
0x94: {  	s19 =	sld [smem:$0x7EA]  }
0x95: {  	[sflag:s28] =	ssyncset.done $0x0  }
0x96: {  	[sflag:s28] =	ssyncadd.s32 $0xFFFFF800  }
0x97: {  	[spmem:s19] =	stream.linear.scatter [tilespmem:s26], [sflag:$0x5], $0x800, $0x38;
	[tilespmem:$0x1EC00] =	vst v63  }
0x98: {  	_ =	swait.ge [sflag:s28], $0x800  }
0x99: {  	s20 =	sld [smem:$0x7EB]  }
0x9a: {  	[sflag:s28] =	ssyncset.done $0x0  }
0x9b: {  	[sflag:s28] =	ssyncadd.s32 $0xFFFFF800  }
0x9c: {  	[spmem:s20] =	stream.linear.scatter [tilespmem:s26], [sflag:$0x5], $0x800, $0x38;
	[tilespmem:$0x1EC00] =	vst v63  }
0x9d: {  	_ =	swait.ge [sflag:s28], $0x800  }
0x9e: {  	s23 =	sld [smem:$0x7EC]  }
0x9f: {  	[sflag:s28] =	ssyncset.done $0x0  }
0xa0: {  	[sflag:s28] =	ssyncadd.s32 $0xFFFFF800  }
0xa1: {  	[spmem:s23] =	stream.linear.scatter [tilespmem:s26], [sflag:$0x5], $0x800, $0x38;
	[tilespmem:$0x1EC00] =	vst v63  }
0xa2: {  	_ =	swait.ge [sflag:s28], $0x800  }
0xa3: {  	s24 =	sld [smem:$0x7ED]  }
0xa4: {  	[sflag:s28] =	ssyncset.done $0x0  }
0xa5: {  	[sflag:s28] =	ssyncadd.s32 $0xFFFFF800  }
0xa6: {  	[spmem:s24] =	stream.linear.scatter [tilespmem:s26], [sflag:$0x5], $0x800, $0x38;
	[tilespmem:$0x1EC00] =	vst v63  }
0xa7: {  	_ =	swait.ge [sflag:s28], $0x800  }
0xa8: {  	s19 =	sld [smem:$0x7EE]  }
0xa9: {  	[sflag:s28] =	ssyncset.done $0x0  }
0xaa: {  	[sflag:s28] =	ssyncadd.s32 $0xFFFFF800  }
0xab: {  	[spmem:s19] =	stream.linear.scatter [tilespmem:s26], [sflag:$0x5], $0x800, $0x38;
	[tilespmem:$0x1EC00] =	vst v63  }
0xac: {  	_ =	swait.ge [sflag:s28], $0x800  }
0xad: {  	s20 =	sld [smem:$0x7EF]  }
0xae: {  	[sflag:s28] =	ssyncset.done $0x0  }
0xaf: {  	[sflag:s28] =	ssyncadd.s32 $0xFFFFF800  }
0xb0: {  	[spmem:s20] =	stream.linear.scatter [tilespmem:s26], [sflag:$0x5], $0x800, $0x38;
	[tilespmem:$0x1EC00] =	vst v63  }
0xb1: {  	_ =	swait.ge [sflag:s28], $0x800  }
0xb2: {  	s23 =	sld [smem:$0x7F0]  }
0xb3: {  	[sflag:s28] =	ssyncset.done $0x0  }
0xb4: {  	[sflag:s28] =	ssyncadd.s32 $0xFFFFF800  }
0xb5: {  	[spmem:s23] =	stream.linear.scatter [tilespmem:s26], [sflag:$0x5], $0x800, $0x38;
	[tilespmem:$0x1EC00] =	vst v63  }
0xb6: {  	_ =	swait.ge [sflag:s28], $0x800  }
0xb7: {  	s24 =	sld [smem:$0x7F1]  }
0xb8: {  	[sflag:s28] =	ssyncset.done $0x0  }
0xb9: {  	[sflag:s28] =	ssyncadd.s32 $0xFFFFF800  }
0xba: {  	[spmem:s24] =	stream.linear.scatter [tilespmem:s26], [sflag:$0x5], $0x800, $0x38;
	[tilespmem:$0x1EC00] =	vst v63  }
0xbb: {  	_ =	swait.ge [sflag:s28], $0x800  }
0xbc: {  	s19 =	sld [smem:$0x7F2]  }
0xbd: {  	[sflag:s28] =	ssyncset.done $0x0  }
0xbe: {  	[sflag:s28] =	ssyncadd.s32 $0xFFFFF800  }
0xbf: {  	[spmem:s19] =	stream.linear.scatter [tilespmem:s26], [sflag:$0x5], $0x800, $0x38;
	[tilespmem:$0x1EC00] =	vst v63  }
0xc0: {  	_ =	swait.ge [sflag:s28], $0x800  }
0xc1: {  	s20 =	sld [smem:$0x7F3]  }
0xc2: {  	[sflag:s28] =	ssyncset.done $0x0  }
0xc3: {  	[sflag:s28] =	ssyncadd.s32 $0xFFFFF800  }
0xc4: {  	[spmem:s20] =	stream.linear.scatter [tilespmem:s26], [sflag:$0x5], $0x800, $0x38;
	[tilespmem:$0x1EC00] =	vst v63  }
0xc5: {  	_ =	swait.ge [sflag:s28], $0x800  }
0xc6: {  	s23 =	sld [smem:$0x7F4]  }
0xc7: {  	[sflag:s28] =	ssyncset.done $0x0  }
0xc8: {  	[sflag:s28] =	ssyncadd.s32 $0xFFFFF800  }
0xc9: {  	[spmem:s23] =	stream.linear.scatter [tilespmem:s26], [sflag:$0x5], $0x800, $0x38;
	[tilespmem:$0x1EC00] =	vst v63  }
0xca: {  	_ =	swait.ge [sflag:s28], $0x800  }
0xcb: {  	s24 =	sld [smem:$0x7F5]  }
0xcc: {  	[sflag:s28] =	ssyncset.done $0x0  }
0xcd: {  	[sflag:s28] =	ssyncadd.s32 $0xFFFFF800  }
0xce: {  	[spmem:s24] =	stream.linear.scatter [tilespmem:s26], [sflag:$0x5], $0x800, $0x38;
	[tilespmem:$0x1EC00] =	vst v63  }
0xcf: {  	_ =	swait.ge [sflag:s28], $0x800  }
0xd0: {  	s19 =	sld [smem:$0x7F6]  }
0xd1: {  	[sflag:s28] =	ssyncset.done $0x0  }
0xd2: {  	[sflag:s28] =	ssyncadd.s32 $0xFFFFF800  }
0xd3: {  	[spmem:s19] =	stream.linear.scatter [tilespmem:s26], [sflag:$0x5], $0x800, $0x38;
	[tilespmem:$0x1EC00] =	vst v63  }
0xd4: {  	_ =	swait.ge [sflag:s28], $0x800  }
0xd5: {  	s20 =	sld [smem:$0x7F7]  }
0xd6: {  	[sflag:s28] =	ssyncset.done $0x0  }
0xd7: {  	[sflag:s28] =	ssyncadd.s32 $0xFFFFF800  }
0xd8: {  	[spmem:s20] =	stream.linear.scatter [tilespmem:s26], [sflag:$0x5], $0x800, $0x38;
	[tilespmem:$0x1EC00] =	vst v63  }
0xd9: {  	_ =	swait.ge [sflag:s28], $0x800  }
0xda: {  	s23 =	sld [smem:$0x7F8]  }
0xdb: {  	[sflag:s28] =	ssyncset.done $0x0  }
0xdc: {  	[sflag:s28] =	ssyncadd.s32 $0xFFFFF800  }
0xdd: {  	[spmem:s23] =	stream.linear.scatter [tilespmem:s26], [sflag:$0x5], $0x800, $0x38;
	[tilespmem:$0x1EC00] =	vst v63  }
0xde: {  	_ =	swait.ge [sflag:s28], $0x800  }
0xdf: {  	s24 =	sld [smem:$0x7F9]  }
0xe0: {  	[sflag:s28] =	ssyncset.done $0x0  }
0xe1: {  	[sflag:s28] =	ssyncadd.s32 $0xFFFFF800  }
0xe2: {  	[spmem:s24] =	stream.linear.scatter [tilespmem:s26], [sflag:$0x5], $0x800, $0x38;
	[tilespmem:$0x1EC00] =	vst v63  }
0xe3: {  	_ =	swait.ge [sflag:s28], $0x800  }
0xe4: {  	s19 =	sld [smem:$0x7FA]  }
0xe5: {  	[sflag:s28] =	ssyncset.done $0x0  }
0xe6: {  	[sflag:s28] =	ssyncadd.s32 $0xFFFFF800  }
0xe7: {  	[spmem:s19] =	stream.linear.scatter [tilespmem:s26], [sflag:$0x5], $0x800, $0x38;
	[tilespmem:$0x1EC00] =	vst v63  }
0xe8: {  	_ =	swait.ge [sflag:s28], $0x800  }
0xe9: {  	s20 =	sld [smem:$0x7FB]  }
0xea: {  	[sflag:s28] =	ssyncset.done $0x0  }
0xeb: {  	[sflag:s28] =	ssyncadd.s32 $0xFFFFF800  }
0xec: {  	[spmem:s20] =	stream.linear.scatter [tilespmem:s26], [sflag:$0x5], $0x800, $0x38;
	[tilespmem:$0x1EC00] =	vst v63  }
0xed: {  	_ =	swait.ge [sflag:s28], $0x800  }
0xee: {  	s23 =	sld [smem:$0x7FC]  }
0xef: {  	[sflag:s28] =	ssyncset.done $0x0  }
0xf0: {  	[sflag:s28] =	ssyncadd.s32 $0xFFFFF800  }
0xf1: {  	[spmem:s23] =	stream.linear.scatter [tilespmem:s26], [sflag:$0x5], $0x800, $0x38;
	[tilespmem:$0x1EC00] =	vst v63  }
0xf2: {  	_ =	swait.ge [sflag:s28], $0x800  }
0xf3: {  	s24 =	sld [smem:$0x7FD]  }
0xf4: {  	[sflag:s28] =	ssyncset.done $0x0  }
0xf5: {  	[sflag:s28] =	ssyncadd.s32 $0xFFFFF800  }
0xf6: {  	[spmem:s24] =	stream.linear.scatter [tilespmem:s26], [sflag:$0x5], $0x800, $0x38;
	[tilespmem:$0x1EC00] =	vst v63  }
0xf7: {  	_ =	swait.ge [sflag:s28], $0x800  }
0xf8: {  	[sflag:s28] =	ssyncset.done $0x0  }
0xf9: {  	[sflag:s28] =	ssyncadd.s32 $0xFFFFF800  }
0xfa: {  	[spmem:s25] =	stream.linear.scatter [tilespmem:s26], [sflag:$0x5], $0x800, $0x38;
	[tilespmem:$0x1EC00] =	vst v63  }
0xfb: {  	_ =	swait.ge [sflag:s28], $0x800  }
0xfc: {  	[sflag:s28] =	ssyncset.done $0x0  }
0xfd: {  	[sflag:s28] =	ssyncadd.s32 $0xFFFFF800  }
0xfe: {  	s19 =	sadd.s32 $0x0, s22;
	[bflag:$0x0] =	sbarrier.arrive $0xFFFF  }
0xff: {  	[tilespmem:s3], [sflag:$0x5] =	stream.linear.gather [hbm4b:s19+s3], $0x50, $0x38;
	[tilespmem:$0x1EC00] =	vst v63  }
0x100: {  	_ =	swait.ge [sflag:s28], $0x50  }
0x101: {  	[sflag:s28] =	ssyncset.done $0x0  }
0x102: {  	s20 =	sadd.s32 $0x0, s21;
	[sflag:s28] =	ssyncadd.s32 $0xFFFFFFB0  }
0x103: {  	[tilespmem:s29], [sflag:$0x5] =	stream.linear.gather [hbm4b:s20+s3], $0x50, $0x38;
	[tilespmem:$0x1EC00] =	vst v63  }
0x104: {  	_ =	swait.ge [sflag:s28], $0x50  }
0x105: {  	[sflag:s28] =	ssyncset.done $0x0  }
0x106: {  	s23 =	rddreg [dreg:$0x9];
	[sflag:s28] =	ssyncadd.s32 $0xFFFFFFB0  }
0x107: {  	[tilespmem:s31], [sflag:$0x1] =	stream.indirect.gather [hbm4b:s4+s30], $0x80, s29, s30, $0xb8;
	[tilespmem:$0x1EC00] =	vst v63  }
0x108: {  	s18 =	sadd.s32 $0x0, s23  }
0x109: {  	[tilespmem:s0], [sflag:$0x5] =	stream.linear.gather [hbm4b:s18+s3], $0x50, $0x38;
	[tilespmem:$0x1EC00] =	vst v63  }
0x10a: {  	_ =	swait.ge [sflag:s28], $0x50  }
0x10b: {  	s24 =	rddreg [dreg:$0x8];
	[sflag:s28] =	ssyncset.done $0x0  }
0x10c: {  	[sflag:s28] =	ssyncadd.s32 $0xFFFFFFB0;
	s18 =	sadd.s32 $0x0, s24  }
0x10d: {  	[tilespmem:s1], [sflag:$0x5] =	stream.linear.gather [hbm4b:s18+s3], $0x50, $0x38;
	[tilespmem:$0x1EC00] =	vst v63  }
0x10e: {  	_ =	swait.ge [sflag:s28], $0x50  }
0x10f: {  	[sflag:s28] =	ssyncset.done $0x0  }
0x110: {  	s19 =	rddreg [dreg:$0x7];
	[sflag:s28] =	ssyncadd.s32 $0xFFFFFFB0  }
0x111: {  	[tilespmem:s6], [sflag:$0x2] =	stream.indirect.gather [hbm4b:s4+s30], $0x80, s1, s30, $0xb8;
	[tilespmem:$0x1EC00] =	vst v63  }
0x112: {  	s18 =	sadd.s32 $0x0, s19  }
0x113: {  	[tilespmem:s7], [sflag:$0x5] =	stream.linear.gather [hbm4b:s18+s3], $0x50, $0x38;
	[tilespmem:$0x1EC00] =	vst v63  }
0x114: {  	_ =	swait.ge [sflag:s28], $0x50  }
0x115: {  	s20 =	rddreg [dreg:$0x6];
	[sflag:s28] =	ssyncset.done $0x0  }
0x116: {  	[sflag:s28] =	ssyncadd.s32 $0xFFFFFFB0;
	s18 =	sadd.s32 $0x0, s20  }
0x117: {  	[tilespmem:s8], [sflag:$0x5] =	stream.linear.gather [hbm4b:s18+s3], $0x50, $0x38;
	[tilespmem:$0x1EC00] =	vst v63  }
0x118: {  	_ =	swait.ge [sflag:s28], $0x50  }
0x119: {  	[sflag:s28] =	ssyncset.done $0x0  }
0x11a: {  	s23 =	rddreg [dreg:$0x5];
	[sflag:s28] =	ssyncadd.s32 $0xFFFFFFB0  }
0x11b: {  	[tilespmem:s9], [sflag:$0x3] =	stream.indirect.gather [hbm4b:s4+s30], $0x80, s8, s30, $0xb8;
	[tilespmem:$0x1EC00] =	vst v63  }
0x11c: {  	s18 =	sadd.s32 $0x0, s23  }
0x11d: {  	[tilespmem:s10], [sflag:$0x5] =	stream.linear.gather [hbm4b:s18+s3], $0x50, $0x38;
	[tilespmem:$0x1EC00] =	vst v63  }
0x11e: {  	_ =	swait.ge [sflag:s28], $0x50  }
0x11f: {  	s24 =	rddreg [dreg:$0x4];
	[sflag:s28] =	ssyncset.done $0x0  }
0x120: {  	[sflag:s28] =	ssyncadd.s32 $0xFFFFFFB0;
	s18 =	sadd.s32 $0x0, s24  }
0x121: {  	[tilespmem:s11], [sflag:$0x5] =	stream.linear.gather [hbm4b:s18+s3], $0x50, $0x38;
	[tilespmem:$0x1EC00] =	vst v63  }
0x122: {  	_ =	swait.ge [sflag:s28], $0x50  }
0x123: {  	[sflag:s28] =	ssyncset.done $0x0  }
0x124: {  	[sflag:s28] =	ssyncadd.s32 $0xFFFFFFB0  }
0x125: {  	[tilespmem:s12], [sflag:$0x4] =	stream.indirect.gather [hbm4b:s4+s30], $0x80, s11, s30, $0xb8;
	[tilespmem:$0x1EC00] =	vst v63  }
0x126: {  	_ =	swait.ge [sflag:s13], $0x2800  }
0x127: {  	[sflag:s13] =	ssyncset.done $0x0  }
0x128: {  	[sflag:s13] =	ssyncadd.s32 $0xFFFFD800  }
0x129: {  	[spmem:s2] =	stream.indirect.scatter.add.f32 [tilespmem:s31], [sflag:$0x5], $0x80, s3, s30, $0xb8;
	[tilespmem:$0x1EC00] =	vst v63  }
0x12a: {  	_ =	swait.ge [sflag:s28], $0x2800  }
0x12b: {  	[sflag:s28] =	ssyncset.done $0x0  }
0x12c: {  	[sflag:s28] =	ssyncadd.s32 $0xFFFFD800  }
0x12d: {  	_ =	swait.ge [sflag:s14], $0x2800  }
0x12e: {  	[sflag:s14] =	ssyncset.done $0x0  }
0x12f: {  	[sflag:s14] =	ssyncadd.s32 $0xFFFFD800  }
0x130: {  	[spmem:s2] =	stream.indirect.scatter.add.f32 [tilespmem:s6], [sflag:$0x5], $0x80, s0, s30, $0xb8;
	[tilespmem:$0x1EC00] =	vst v63  }
0x131: {  	_ =	swait.ge [sflag:s28], $0x2800  }
0x132: {  	[sflag:s28] =	ssyncset.done $0x0  }
0x133: {  	[sflag:s28] =	ssyncadd.s32 $0xFFFFD800  }
0x134: {  	_ =	swait.ge [sflag:s15], $0x2800  }
0x135: {  	[sflag:s15] =	ssyncset.done $0x0  }
0x136: {  	[sflag:s15] =	ssyncadd.s32 $0xFFFFD800  }
0x137: {  	[spmem:s2] =	stream.indirect.scatter.add.f32 [tilespmem:s9], [sflag:$0x5], $0x80, s7, s30, $0xb8;
	[tilespmem:$0x1EC00] =	vst v63  }
0x138: {  	_ =	swait.ge [sflag:s28], $0x2800  }
0x139: {  	[sflag:s28] =	ssyncset.done $0x0  }
0x13a: {  	[sflag:s28] =	ssyncadd.s32 $0xFFFFD800  }
0x13b: {  	_ =	swait.ge [sflag:s16], $0x2800  }
0x13c: {  	[sflag:s16] =	ssyncset.done $0x0  }
0x13d: {  	[sflag:s16] =	ssyncadd.s32 $0xFFFFD800  }
0x13e: {  	[spmem:s2] =	stream.indirect.scatter.add.f32 [tilespmem:s12], [sflag:$0x5], $0x80, s10, s30, $0xb8;
	[tilespmem:$0x1EC00] =	vst v63  }
0x13f: {  	_ =	swait.ge [sflag:s28], $0x2800  }
0x140: {  	s19 =	simm.s32 $0x50;
	s18 =	simm.s32 $0x28;
	[sflag:s28] =	ssyncset.done $0x0  }
.LBB2_4:
0x141: {  	s24 =	sadd.s32 s18, s22;
	[sflag:s28] =	ssyncadd.s32 $0xFFFFD800  }
0x142: {  	[tilespmem:s3], [sflag:$0x5] =	stream.linear.gather [hbm4b:s24+s3], $0x50, $0x38;
	[tilespmem:$0x1EC00] =	vst v63  }
0x143: {  	_ =	swait.ge [sflag:s28], $0x50  }
0x144: {  	[sflag:s28] =	ssyncset.done $0x0  }
0x145: {  	s24 =	sadd.s32 s18, s21;
	[sflag:s28] =	ssyncadd.s32 $0xFFFFFFB0  }
0x146: {  	[tilespmem:s29], [sflag:$0x5] =	stream.linear.gather [hbm4b:s24+s3], $0x50, $0x38;
	[tilespmem:$0x1EC00] =	vst v63  }
0x147: {  	_ =	swait.ge [sflag:s28], $0x50  }
0x148: {  	[sflag:s28] =	ssyncset.done $0x0  }
0x149: {  	s20 =	smov.u32 s19;
	s24 =	rddreg [dreg:$0x9];
	[sflag:s28] =	ssyncadd.s32 $0xFFFFFFB0  }
0x14a: {  	[tilespmem:s31], [sflag:$0x1] =	stream.indirect.gather [hbm4b:s4+s30], $0x80, s29, s30, $0xb8;
	[tilespmem:$0x1EC00] =	vst v63  }
0x14b: {  	s23 =	sadd.s32 $0x28, s19;
	p0 =	sne.s32 s19, $0x4B0;
	s19 =	sadd.s32 s18, s24  }
0x14c: {  	[tilespmem:s0], [sflag:$0x5] =	stream.linear.gather [hbm4b:s19+s3], $0x50, $0x38;
	[tilespmem:$0x1EC00] =	vst v63  }
0x14d: {  	_ =	swait.ge [sflag:s28], $0x50  }
0x14e: {  	s24 =	rddreg [dreg:$0x8];
	[sflag:s28] =	ssyncset.done $0x0  }
0x14f: {  	[sflag:s28] =	ssyncadd.s32 $0xFFFFFFB0;
	s19 =	sadd.s32 s18, s24  }
0x150: {  	[tilespmem:s1], [sflag:$0x5] =	stream.linear.gather [hbm4b:s19+s3], $0x50, $0x38;
	[tilespmem:$0x1EC00] =	vst v63  }
0x151: {  	_ =	swait.ge [sflag:s28], $0x50  }
0x152: {  	[sflag:s28] =	ssyncset.done $0x0  }
0x153: {  	s24 =	rddreg [dreg:$0x7];
	[sflag:s28] =	ssyncadd.s32 $0xFFFFFFB0  }
0x154: {  	[tilespmem:s6], [sflag:$0x2] =	stream.indirect.gather [hbm4b:s4+s30], $0x80, s1, s30, $0xb8;
	[tilespmem:$0x1EC00] =	vst v63  }
0x155: {  	s19 =	sadd.s32 s18, s24  }
0x156: {  	[tilespmem:s7], [sflag:$0x5] =	stream.linear.gather [hbm4b:s19+s3], $0x50, $0x38;
	[tilespmem:$0x1EC00] =	vst v63  }
0x157: {  	_ =	swait.ge [sflag:s28], $0x50  }
0x158: {  	s24 =	rddreg [dreg:$0x6];
	[sflag:s28] =	ssyncset.done $0x0  }
0x159: {  	[sflag:s28] =	ssyncadd.s32 $0xFFFFFFB0;
	s19 =	sadd.s32 s18, s24  }
0x15a: {  	[tilespmem:s8], [sflag:$0x5] =	stream.linear.gather [hbm4b:s19+s3], $0x50, $0x38;
	[tilespmem:$0x1EC00] =	vst v63  }
0x15b: {  	_ =	swait.ge [sflag:s28], $0x50  }
0x15c: {  	[sflag:s28] =	ssyncset.done $0x0  }
0x15d: {  	s24 =	rddreg [dreg:$0x5];
	[sflag:s28] =	ssyncadd.s32 $0xFFFFFFB0  }
0x15e: {  	[tilespmem:s9], [sflag:$0x3] =	stream.indirect.gather [hbm4b:s4+s30], $0x80, s8, s30, $0xb8;
	[tilespmem:$0x1EC00] =	vst v63  }
0x15f: {  	s19 =	sadd.s32 s18, s24  }
0x160: {  	[tilespmem:s10], [sflag:$0x5] =	stream.linear.gather [hbm4b:s19+s3], $0x50, $0x38;
	[tilespmem:$0x1EC00] =	vst v63  }
0x161: {  	_ =	swait.ge [sflag:s28], $0x50  }
0x162: {  	s24 =	rddreg [dreg:$0x4];
	[sflag:s28] =	ssyncset.done $0x0  }
0x163: {  	[sflag:s28] =	ssyncadd.s32 $0xFFFFFFB0;
	s19 =	sadd.s32 s18, s24  }
0x164: {  	[tilespmem:s11], [sflag:$0x5] =	stream.linear.gather [hbm4b:s19+s3], $0x50, $0x38;
	[tilespmem:$0x1EC00] =	vst v63  }
0x165: {  	_ =	swait.ge [sflag:s28], $0x50  }
0x166: {  	[sflag:s28] =	ssyncset.done $0x0  }
0x167: {  	[sflag:s28] =	ssyncadd.s32 $0xFFFFFFB0  }
0x168: {  	[tilespmem:s12], [sflag:$0x4] =	stream.indirect.gather [hbm4b:s4+s30], $0x80, s11, s30, $0xb8;
	[tilespmem:$0x1EC00] =	vst v63  }
0x169: {  	_ =	swait.ge [sflag:s13], $0x2800  }
0x16a: {  	[sflag:s13] =	ssyncset.done $0x0  }
0x16b: {  	[sflag:s13] =	ssyncadd.s32 $0xFFFFD800  }
0x16c: {  	[spmem:s2] =	stream.indirect.scatter.add.f32 [tilespmem:s31], [sflag:$0x5], $0x80, s3, s30, $0xb8;
	[tilespmem:$0x1EC00] =	vst v63  }
0x16d: {  	_ =	swait.ge [sflag:s28], $0x2800  }
0x16e: {  	[sflag:s28] =	ssyncset.done $0x0  }
0x16f: {  	[sflag:s28] =	ssyncadd.s32 $0xFFFFD800  }
0x170: {  	_ =	swait.ge [sflag:s14], $0x2800  }
0x171: {  	[sflag:s14] =	ssyncset.done $0x0  }
0x172: {  	[sflag:s14] =	ssyncadd.s32 $0xFFFFD800  }
0x173: {  	[spmem:s2] =	stream.indirect.scatter.add.f32 [tilespmem:s6], [sflag:$0x5], $0x80, s0, s30, $0xb8;
	[tilespmem:$0x1EC00] =	vst v63  }
0x174: {  	_ =	swait.ge [sflag:s28], $0x2800  }
0x175: {  	[sflag:s28] =	ssyncset.done $0x0  }
0x176: {  	[sflag:s28] =	ssyncadd.s32 $0xFFFFD800  }
0x177: {  	_ =	swait.ge [sflag:s15], $0x2800  }
0x178: {  	[sflag:s15] =	ssyncset.done $0x0  }
0x179: {  	[sflag:s15] =	ssyncadd.s32 $0xFFFFD800  }
0x17a: {  	[spmem:s2] =	stream.indirect.scatter.add.f32 [tilespmem:s9], [sflag:$0x5], $0x80, s7, s30, $0xb8;
	[tilespmem:$0x1EC00] =	vst v63  }
0x17b: {  	_ =	swait.ge [sflag:s28], $0x2800  }
0x17c: {  	[sflag:s28] =	ssyncset.done $0x0  }
0x17d: {  	[sflag:s28] =	ssyncadd.s32 $0xFFFFD800  }
0x17e: {  	_ =	swait.ge [sflag:s16], $0x2800  }
.Ltmp1:
0x17f: {  	[sflag:s16] =	ssyncset.done $0x0;
	(pc) =	sbr.rel @p0 .LBB2_4-.Ltmp1, $4  }
0x180: {  	[sflag:s16] =	ssyncadd.s32 $0xFFFFD800  }
0x181: {  	[spmem:s2] =	stream.indirect.scatter.add.f32 [tilespmem:s12], [sflag:$0x5], $0x80, s10, s30, $0xb8;
	[tilespmem:$0x1EC00] =	vst v63  }
0x182: {  	_ =	swait.ge [sflag:s28], $0x2800  }
0x183: {  	s18 =	smov.u32 s20;
	s19 =	smov.u32 s23;
	[sflag:s28] =	ssyncset.done $0x0  }
0x184: {  	s19 =	sadd.s32 s18, s22;
	[sflag:s28] =	ssyncadd.s32 $0xFFFFD800  }
0x185: {  	[tilespmem:s3], [sflag:$0x5] =	stream.linear.gather [hbm4b:s19+s3], $0x50, $0x38;
	[tilespmem:$0x1EC00] =	vst v63  }
0x186: {  	_ =	swait.ge [sflag:s28], $0x50  }
0x187: {  	[sflag:s28] =	ssyncset.done $0x0  }
0x188: {  	s20 =	sadd.s32 s18, s21;
	[sflag:s28] =	ssyncadd.s32 $0xFFFFFFB0  }
0x189: {  	[tilespmem:s29], [sflag:$0x5] =	stream.linear.gather [hbm4b:s20+s3], $0x50, $0x38;
	[tilespmem:$0x1EC00] =	vst v63  }
0x18a: {  	_ =	swait.ge [sflag:s28], $0x50  }
0x18b: {  	[sflag:s28] =	ssyncset.done $0x0  }
0x18c: {  	s23 =	rddreg [dreg:$0x9];
	[sflag:s28] =	ssyncadd.s32 $0xFFFFFFB0  }
0x18d: {  	[tilespmem:s31], [sflag:$0x1] =	stream.indirect.gather [hbm4b:s4+s30], $0x80, s29, s30, $0xb8;
	[tilespmem:$0x1EC00] =	vst v63  }
0x18e: {  	s19 =	sadd.s32 s18, s23  }
0x18f: {  	[tilespmem:s0], [sflag:$0x5] =	stream.linear.gather [hbm4b:s19+s3], $0x50, $0x38;
	[tilespmem:$0x1EC00] =	vst v63  }
0x190: {  	_ =	swait.ge [sflag:s28], $0x50  }
0x191: {  	s24 =	rddreg [dreg:$0x8];
	[sflag:s28] =	ssyncset.done $0x0  }
0x192: {  	[sflag:s28] =	ssyncadd.s32 $0xFFFFFFB0;
	s19 =	sadd.s32 s18, s24  }
0x193: {  	[tilespmem:s1], [sflag:$0x5] =	stream.linear.gather [hbm4b:s19+s3], $0x50, $0x38;
	[tilespmem:$0x1EC00] =	vst v63  }
0x194: {  	_ =	swait.ge [sflag:s28], $0x50  }
0x195: {  	[sflag:s28] =	ssyncset.done $0x0  }
0x196: {  	s20 =	rddreg [dreg:$0x7];
	[sflag:s28] =	ssyncadd.s32 $0xFFFFFFB0  }
0x197: {  	[tilespmem:s6], [sflag:$0x2] =	stream.indirect.gather [hbm4b:s4+s30], $0x80, s1, s30, $0xb8;
	[tilespmem:$0x1EC00] =	vst v63  }
0x198: {  	s19 =	sadd.s32 s18, s20  }
0x199: {  	[tilespmem:s7], [sflag:$0x5] =	stream.linear.gather [hbm4b:s19+s3], $0x50, $0x38;
	[tilespmem:$0x1EC00] =	vst v63  }
0x19a: {  	_ =	swait.ge [sflag:s28], $0x50  }
0x19b: {  	s23 =	rddreg [dreg:$0x6];
	[sflag:s28] =	ssyncset.done $0x0  }
0x19c: {  	[sflag:s28] =	ssyncadd.s32 $0xFFFFFFB0;
	s19 =	sadd.s32 s18, s23  }
0x19d: {  	[tilespmem:s8], [sflag:$0x5] =	stream.linear.gather [hbm4b:s19+s3], $0x50, $0x38;
	[tilespmem:$0x1EC00] =	vst v63  }
0x19e: {  	_ =	swait.ge [sflag:s28], $0x50  }
0x19f: {  	[sflag:s28] =	ssyncset.done $0x0  }
0x1a0: {  	s24 =	rddreg [dreg:$0x5];
	[sflag:s28] =	ssyncadd.s32 $0xFFFFFFB0  }
0x1a1: {  	[tilespmem:s9], [sflag:$0x3] =	stream.indirect.gather [hbm4b:s4+s30], $0x80, s8, s30, $0xb8;
	[tilespmem:$0x1EC00] =	vst v63  }
0x1a2: {  	s19 =	sadd.s32 s18, s24  }
0x1a3: {  	[tilespmem:s10], [sflag:$0x5] =	stream.linear.gather [hbm4b:s19+s3], $0x50, $0x38;
	[tilespmem:$0x1EC00] =	vst v63  }
0x1a4: {  	_ =	swait.ge [sflag:s28], $0x50  }
0x1a5: {  	s20 =	rddreg [dreg:$0x4];
	[sflag:s28] =	ssyncset.done $0x0  }
0x1a6: {  	[sflag:s28] =	ssyncadd.s32 $0xFFFFFFB0;
	s23 =	sadd.s32 s18, s20  }
0x1a7: {  	[tilespmem:s11], [sflag:$0x5] =	stream.linear.gather [hbm4b:s23+s3], $0x50, $0x38;
	[tilespmem:$0x1EC00] =	vst v63  }
0x1a8: {  	_ =	swait.ge [sflag:s28], $0x50  }
0x1a9: {  	[sflag:s28] =	ssyncset.done $0x0  }
0x1aa: {  	[sflag:s28] =	ssyncadd.s32 $0xFFFFFFB0  }
0x1ab: {  	[tilespmem:s12], [sflag:$0x4] =	stream.indirect.gather [hbm4b:s4+s30], $0x80, s11, s30, $0xb8;
	[tilespmem:$0x1EC00] =	vst v63  }
0x1ac: {  	_ =	swait.ge [sflag:s13], $0x2800  }
0x1ad: {  	[sflag:s13] =	ssyncset.done $0x0  }
0x1ae: {  	[sflag:s13] =	ssyncadd.s32 $0xFFFFD800  }
0x1af: {  	[spmem:s2] =	stream.indirect.scatter.add.f32 [tilespmem:s31], [sflag:$0x5], $0x80, s3, s30, $0xb8;
	[tilespmem:$0x1EC00] =	vst v63  }
0x1b0: {  	_ =	swait.ge [sflag:s28], $0x2800  }
0x1b1: {  	[sflag:s28] =	ssyncset.done $0x0  }
0x1b2: {  	[sflag:s28] =	ssyncadd.s32 $0xFFFFD800  }
0x1b3: {  	_ =	swait.ge [sflag:s14], $0x2800  }
0x1b4: {  	[sflag:s14] =	ssyncset.done $0x0  }
0x1b5: {  	[sflag:s14] =	ssyncadd.s32 $0xFFFFD800  }
0x1b6: {  	[spmem:s2] =	stream.indirect.scatter.add.f32 [tilespmem:s6], [sflag:$0x5], $0x80, s0, s30, $0xb8;
	[tilespmem:$0x1EC00] =	vst v63  }
0x1b7: {  	_ =	swait.ge [sflag:s28], $0x2800  }
0x1b8: {  	[sflag:s28] =	ssyncset.done $0x0  }
0x1b9: {  	[sflag:s28] =	ssyncadd.s32 $0xFFFFD800  }
0x1ba: {  	_ =	swait.ge [sflag:s15], $0x2800  }
0x1bb: {  	[sflag:s15] =	ssyncset.done $0x0  }
0x1bc: {  	[sflag:s15] =	ssyncadd.s32 $0xFFFFD800  }
0x1bd: {  	[spmem:s2] =	stream.indirect.scatter.add.f32 [tilespmem:s9], [sflag:$0x5], $0x80, s7, s30, $0xb8;
	[tilespmem:$0x1EC00] =	vst v63  }
0x1be: {  	_ =	swait.ge [sflag:s28], $0x2800  }
0x1bf: {  	[sflag:s28] =	ssyncset.done $0x0  }
0x1c0: {  	[sflag:s28] =	ssyncadd.s32 $0xFFFFD800  }
0x1c1: {  	_ =	swait.ge [sflag:s16], $0x2800  }
0x1c2: {  	[sflag:s16] =	ssyncset.done $0x0  }
0x1c3: {  	[sflag:s16] =	ssyncadd.s32 $0xFFFFD800  }
0x1c4: {  	[spmem:s2] =	stream.indirect.scatter.add.f32 [tilespmem:s12], [sflag:$0x5], $0x80, s10, s30, $0xb8;
	[tilespmem:$0x1EC00] =	vst v63  }
0x1c5: {  	_ =	swait.ge [sflag:s28], $0x2800  }
0x1c6: {  	[sflag:s28] =	ssyncset.done $0x0  }
0x1c7: {  	s24 =	rddreg [dreg:$0x17];
	[sflag:s28] =	ssyncadd.s32 $0xFFFFD800  }
0x1c8: {  	[tilespmem:s3], [sflag:$0x5] =	stream.linear.gather [hbm4b:s24+s3], $0x50, $0x38;
	[tilespmem:$0x1EC00] =	vst v63  }
0x1c9: {  	_ =	swait.ge [sflag:s28], $0x50  }
0x1ca: {  	[sflag:s28] =	ssyncset.done $0x0  }
0x1cb: {  	s19 =	rddreg [dreg:$0x18];
	[sflag:s28] =	ssyncadd.s32 $0xFFFFFFB0  }
0x1cc: {  	[tilespmem:s29], [sflag:$0x5] =	stream.linear.gather [hbm4b:s19+s3], $0x50, $0x38;
	[tilespmem:$0x1EC00] =	vst v63  }
0x1cd: {  	_ =	swait.ge [sflag:s28], $0x50  }
0x1ce: {  	[sflag:s28] =	ssyncset.done $0x0  }
0x1cf: {  	[sflag:s28] =	ssyncadd.s32 $0xFFFFFFB0  }
0x1d0: {  	[tilespmem:s31], [sflag:$0x1] =	stream.indirect.gather [hbm4b:s4+s30], $0x80, s29, s30, $0xb8;
	[tilespmem:$0x1EC00] =	vst v63  }
0x1d1: {  	_ =	swait.ge [sflag:s13], $0x2800  }
0x1d2: {  	[sflag:s13] =	ssyncset.done $0x0  }
0x1d3: {  	[sflag:s13] =	ssyncadd.s32 $0xFFFFD800  }
0x1d4: {  	[spmem:s2] =	stream.indirect.scatter.add.f32 [tilespmem:s31], [sflag:$0x5], $0x80, s3, s30, $0xb8;
	[tilespmem:$0x1EC00] =	vst v63  }
0x1d5: {  	_ =	swait.ge [sflag:s28], $0x2800  }
0x1d6: {  	[sflag:s28] =	ssyncset.done $0x0  }
0x1d7: {  	s20 =	stileid.u32;
	[sflag:s28] =	ssyncadd.s32 $0xFFFFD800  }
0x1d8: {  	s18 =	sshll.u32 s20, $0x6;
	[bflag:$0x0] =	sbarrier.arrive $0xFFFF  }
0x1d9: {  	s23 =	sshrl.u32 s5, $0x3;
	s18 =	sor.u32 $0x1C05, s18;
	s20 =	rddreg [dreg:$0x1a]  }
0x1da: {  	[hbm:s20], [sflag:s18] =	dma.local [spmem:s23], $0x2800  }
0x1db: {  	_ =	swait.ge [sflag:s28], $0x2800  }
0x1dc: {  	s17 =	sadd.s32 $0x1, s17;
	s24 =	rddreg [dreg:$0x1b]  }
0x1dd: {  	p0 =	sne.s32 s17, s24  }
.Ltmp2:
0x1de: {  	_ = 	snop;
	(pc) =	sbr.rel @p0 .LBB2_1-.Ltmp2, $3  }
0x1df: {  	_ =	sdelay $0x1  }
0x1e0: {  	[sflag:s28] =	ssyncset.done $0x0  }
0x1e1: {  	[sflag:s28] =	ssyncadd.s32 $0xFFFFD800  }
0x1e2: {  	_ =	sfence.sel $0x180000  }
0x1e3: {  	[bflag:$0x0] =	sbarrier.arrive $0xFFFF  }
0x1e4: {  	_ =	strace $0x90000047  }
0x1e5: {  	s0 =	stileid.u32;
	[bflag:$0x2] =	sbarrier.arrive $0xFFFF  }
0x1e6: {  	p0 =	sne.s32 s0, $0x0;
	s0 =	rddreg [dreg:$0x3]  }
0x1e7: {  	s0 =	sadd.s32 @!p0 $0x100000, s0  }
0x1e8: {  	[sflag:s0] =	ssyncadd.tile.s32 @!p0 $0x1;
	_ =	shalt  }
.Lfunc_end2:
_tile_overlayer_lowered:
.L_overlay_start_2:
0x1e9: {  	(tag) =	ssettag $0x2  }
0x1ea: {  	s0 =	rddreg [dreg:$0x0];
	s2 =	stileid.u32  }
0x1eb: {  	s1 =	rddreg [dreg:$0x1];
	p0 =	sne.s32 s2, $0x0  }
0x1ec: {  	s3 =	rddreg [dreg:$0x2];
	[bflag:$0x3] =	sbarrier.arrive $0xFFFF;
	s2 =	simm.s32 @!p0 $0x1C05  }
0x1ed: {  	[timem:s3], [sflag:s2] =	dma.local @!p0 [hbm:s0], s1  }
0x1ee: {  	s0 =	simm.s32 @!p0 $0x5  }
0x1ef: {  	_ =	swait.ge @!p0 [sflag:s0], s1  }
0x1f0: {  	s1 =	ssub.s32 @!p0 $0x0, s1;
	[sflag:s0] =	ssyncset.done @!p0 $0x0  }
0x1f1: {  	[sflag:s0] =	ssyncadd.s32 @!p0 s1  }
0x1f2: {  	[bflag:$0x3] =	sbarrier.arrive $0xFFFF  }
0x1f3: {  	_ =	shalt  }

// kernel: sc_agg.7.cloned.1.call-start
scs
__scs_entry_jumppad:
0x0: {  	(pc) =	sbr.rel $0x88, $3  }
0x1: {  	(tag) =	ssettag $0x0;
	lr =	simm.s32 $0x1  }
0x2: {  	[smem:$0x3F93] =	sst lr;
	_ =	strace $0xD0000000  }
0x3: {  	_ = 	snop  }
0x4: {  	_ = 	snop  }
0x5: {  	_ = 	snop  }
0x6: {  	_ = 	snop  }
0x7: {  	_ = 	snop  }
__scs_overlays_trampoline_lowered:
0x8: {  	[smem:$0x3FA2] =	sst s0  }
0x9: {  	[smem:$0x3FA3] =	sst s1  }
0xa: {  	[smem:$0x3FA4] =	sst s2  }
0xb: {  	[smem:$0x3FA5] =	sst s3  }
0xc: {  	[smem:$0x3FA6] =	sst s4  }
0xd: {  	[smem:$0x3FA7] =	sst s5  }
0xe: {  	[smem:$0x3FA8] =	sst s6  }
0xf: {  	[smem:$0x3FA9] =	sst s7  }
0x10: {  	[smem:$0x3FAA] =	sst s8  }
0x11: {  	[smem:$0x3FAB] =	sst s9;
	s0 =	simm.s32 @!p0 $0x0  }
0x12: {  	s1 =	sld [smem:$0x3F91];
	s0 =	simm.s32 @p0 $0x1  }
0x13: {  	[smem:$0x3FAC] =	sst s0;
	s0 =	simm.s32 @!p1 $0x0  }
0x14: {  	s2 =	sld [smem:$0x3F90];
	s0 =	simm.s32 @p1 $0x1  }
0x15: {  	[smem:$0x3FAD] =	sst s0;
	s0 =	simm.s32 @!p2 $0x0  }
0x16: {  	s3 =	sld [smem:$0x3FDB];
	s0 =	simm.s32 @p2 $0x1  }
0x17: {  	s4 =	simm.s32 $0x1BF5;
	[smem:$0x3FAF] =	sst s0  }
0x18: {  	s0 =	sld [smem:$0x3F92];
	_ =	swait.ge [sflag:s4], $0x0  }
0x19: {  	s7 =	sld [smem:$0x3F93]  }
0x1a: {  	s8 =	sadd.s32 $0xFFFFE003, lr  }
0x1b: {  	s9 =	sadd.s32 $0xFFFFFEF7, lr;
	s5 =	simm.s32 $0xFFFFFFFF;
	p2 =	slt.u32 s8, $0xFFFFF086  }
0x1c: {  	p1 =	slt.u32 s9, $0xF7A;
	s5 =	simm.s32 @!p2 $0x0  }
0x1d: {  	s5 =	simm.s32 @p1 $0x1;
	p0 =	seq.s32 s7, s2  }
0x1e: {  	s7 =	smul.u32 @!p0 $0xF7A, s2;
	p2 =	seq.s32 @!p0 s5, $0x0  }
0x1f: {  	s9 =	smul.u32 $0xF7A, s1;
	s8 =	simm.s32 @!p0 $0x1BF5;
	p2 =	por !p2, p0  }
0x20: {  	[sflag:s8] =	ssyncset.s32 @!p0 $0xFFFFF086;
	s6 =	sadd.s32 @!p0 s3, s7;
	s7 =	simm.s32 @!p0 $0x108  }
0x21: {  	s3 =	sadd.s32 s3, s9;
	s6 =	sadd.s32 @!p0 $0x88, s6;
	s7 =	simm.s32 @p2 $0x1082  }
0x22: {  	[simem:s7], [sflag:s8] =	dma.local @!p0 [hbm:s6], $0xF7A  }
0x23: {  	s9 =	sor.u32 $0xD0000000, s2;
	s6 =	simm.s32 $0x108;
	_ =	swait.ge @!p0 [sflag:s8], $0x0  }
0x24: {  	s3 =	sadd.s32 $0x88, s3;
	s6 =	simm.s32 @!p1 $0x1082;
	[sflag:s4] =	ssyncset.s32 $0xFFFFF086  }
0x25: {  	[simem:s6], [sflag:s4] =	dma.local [hbm:s3], $0xF7A  }
0x26: {  	[smem:$0x3F93] =	sst s1;
	(tag) =	ssettag s2;
	_ =	strace s9  }
0x27: {  	s1 =	sld [smem:$0x3FA3]  }
0x28: {  	s2 =	sld [smem:$0x3FA4]  }
0x29: {  	s4 =	sld [smem:$0x3FA6]  }
0x2a: {  	p0 =	seq.s32 s5, $0x0;
	s5 =	sld [smem:$0x3FA7]  }
0x2b: {  	s6 =	sld [smem:$0x3FA8]  }
0x2c: {  	s7 =	sld [smem:$0x3FA9]  }
0x2d: {  	s3 =	simm.s32 $0x108;
	s8 =	sld [smem:$0x3FAA]  }
0x2e: {  	s3 =	simm.s32 @!p0 $0x1082;
	s9 =	sld [smem:$0x3FAB]  }
0x2f: {  	lr =	sadd.s32 s0, s3;
	s0 =	sld [smem:$0x3FA2]  }
0x30: {  	s3 =	sld [smem:$0x3FA5]  }
0x31: {  	[smem:$0x3FAE] =	sst s10  }
0x32: {  	s10 =	sld [smem:$0x3FAC];
	_ =	sdelay $0x3  }
0x33: {  	p0 =	seq.s32 s10, $0x1;
	s10 =	sld [smem:$0x3FAE];
	_ =	sdelay $0x3  }
0x34: {  	[smem:$0x3FAE] =	sst s10  }
0x35: {  	s10 =	sld [smem:$0x3FAD];
	_ =	sdelay $0x3  }
0x36: {  	p1 =	seq.s32 s10, $0x1;
	s10 =	sld [smem:$0x3FAE];
	_ =	sdelay $0x3  }
0x37: {  	[smem:$0x3FAE] =	sst s10  }
0x38: {  	s10 =	sld [smem:$0x3FAF]  }
0x39: {  	_ = 	snop;
	(pc) =	sbr.ind lr, $3  }
0x3a: {  	_ = 	snop  }
0x3b: {  	_ = 	snop  }
0x3c: {  	p2 =	seq.s32 s10, $0x1;
	s10 =	sld [smem:$0x3FAE]  }
0x3d: {  	_ =	shalt  }
0x3e: {  	_ =	shalt  }
0x3f: {  	_ =	shalt  }
0x40: {  	_ =	shalt  }
0x41: {  	_ =	shalt  }
0x42: {  	_ =	shalt  }
0x43: {  	_ =	shalt  }
0x44: {  	_ =	shalt  }
0x45: {  	_ =	shalt  }
0x46: {  	_ =	shalt  }
0x47: {  	_ =	shalt  }
0x48: {  	_ =	shalt  }
0x49: {  	_ =	shalt  }
0x4a: {  	_ =	shalt  }
0x4b: {  	_ =	shalt  }
0x4c: {  	_ =	shalt  }
0x4d: {  	_ =	shalt  }
0x4e: {  	_ =	shalt  }
0x4f: {  	_ =	shalt  }
0x50: {  	_ =	shalt  }
0x51: {  	_ =	shalt  }
0x52: {  	_ =	shalt  }
0x53: {  	_ =	shalt  }
0x54: {  	_ =	shalt  }
0x55: {  	_ =	shalt  }
0x56: {  	_ =	shalt  }
0x57: {  	_ =	shalt  }
0x58: {  	_ =	shalt  }
0x59: {  	_ =	shalt  }
0x5a: {  	_ =	shalt  }
0x5b: {  	_ =	shalt  }
0x5c: {  	_ =	shalt  }
0x5d: {  	_ =	shalt  }
0x5e: {  	_ =	shalt  }
0x5f: {  	_ =	shalt  }
0x60: {  	_ =	shalt  }
0x61: {  	_ =	shalt  }
0x62: {  	_ =	shalt  }
0x63: {  	_ =	shalt  }
0x64: {  	_ =	shalt  }
0x65: {  	_ =	shalt  }
0x66: {  	_ =	shalt  }
0x67: {  	_ =	shalt  }
0x68: {  	_ =	shalt  }
0x69: {  	_ =	shalt  }
0x6a: {  	_ =	shalt  }
0x6b: {  	_ =	shalt  }
0x6c: {  	_ =	shalt  }
0x6d: {  	_ =	shalt  }
0x6e: {  	_ =	shalt  }
0x6f: {  	_ =	shalt  }
0x70: {  	_ =	shalt  }
0x71: {  	_ =	shalt  }
0x72: {  	_ =	shalt  }
0x73: {  	_ =	shalt  }
0x74: {  	_ =	shalt  }
0x75: {  	_ =	shalt  }
0x76: {  	_ =	shalt  }
0x77: {  	_ =	shalt  }
0x78: {  	_ =	shalt  }
0x79: {  	_ =	shalt  }
0x7a: {  	_ =	shalt  }
0x7b: {  	_ =	shalt  }
0x7c: {  	_ =	shalt  }
0x7d: {  	_ =	shalt  }
0x7e: {  	_ =	shalt  }
0x7f: {  	_ =	shalt  }
0x80: {  	_ =	shalt  }
0x81: {  	_ =	shalt  }
0x82: {  	_ =	shalt  }
0x83: {  	_ =	shalt  }
0x84: {  	_ =	shalt  }
0x85: {  	_ =	shalt  }
0x86: {  	_ =	shalt  }
0x87: {  	_ =	shalt  }
.Lfunc_end0:
.L_simem_size_0:
called_computation.2_lowered:
.L_overlay_start_0:
0x88: {  	s2 =	sld [smem:$0x3FD9]  }
0x89: {  	s3 =	sld [smem:$0x3FFE];
	_ =	sdelay $0x1  }
0x8a: {  	s1 =	srdreg.scid  }
0x8b: {  	s0 =	sand.u32 $0x1, s1  }
0x8c: {  	s17 =	sshll.u32 s0, $0xA;
	s2 =	sadd.s32 s3, s2  }
0x8d: {  	s2 =	sadd.s32 s2, s17  }
0x8e: {  	[smem:$0x3FBA] =	sst s2  }
0x8f: {  	_ = 	snop  }
0x90: {  	s2 =	sld [smem:$0x3FD0];
	(tm) =	ssettm $0x1  }
0x91: {  	s18 =	sld [smem:$0x3FFB];
	_ =	sdelay $0x3  }
0x92: {  	_ =	strace s18  }
0x93: {  	s3 =	sld [smem:$0x3FFC];
	_ =	sdelay $0x3  }
0x94: {  	_ =	strace s3  }
0x95: {  	s3 =	sld [smem:$0x3FFD];
	_ =	sdelay $0x3  }
0x96: {  	_ =	strace s3  }
0x97: {  	_ =	strace $0x8FFFFFFF  }
0x98: {  	s19 =	sld [smem:$0x3FDB];
	_ =	sdelay $0x1  }
0x99: {  	s4 =	simm.s32 $_scs_section_size  }
0x9a: {  	s5 =	simm.s32 $_size__tile_overlayer_lowered;
	s6 =	simm.s32 $_tile_overlayer_lowered  }
0x9b: {  	s22 =	simm.s32 $0x1BFF;
	s21 =	sshll.u32 s6, $0x1;
	s3 =	sadd.s32 s4, s19  }
0x9c: {  	s7 =	simm.s32 $0x0;
	s20 =	sshll.u32 s5, $0x1;
	s5 =	sadd.s32 s21, s3  }
0x9d: {  	[timem:s7], [sflag:s22] =	dma.local [hbm:s5], s20  }
0x9e: {  	_ =	swait.ge [sflag:s22], s20  }
0x9f: {  	s4 =	ssub.s32 $0x0, s20;
	[sflag:s22] =	ssyncset.done $0x0  }
0xa0: {  	[sflag:s22] =	ssyncadd.s32 s4;
	_ =	sdelay $0x1  }
0xa1: {  	s23 =	simm.s32 $0x1B8B  }
0xa2: {  	_ =	swait.ge [sflag:s23], $0x1  }
0xa3: {  	[sflag:s23] =	ssyncset.done $0x0  }
0xa4: {  	s25 =	simm.s32 $0x1B8E;
	s24 =	sld [smem:$0x3FFE];
	[sflag:s23] =	ssyncadd.s32 $0xFFFFFFFF  }
0xa5: {  	s26 =	simm.s32 $execute0_lowered;
	[smem:$0x3FD2] =	sst s25  }
0xa6: {  	s5 =	sshll.u32 s26, $0x1;
	_ =	strace $0x8000004C;
	[dreg:$0x1] =	wrdreg $0xFFFFFFFF  }
0xa7: {  	s28 =	simm.s32 $_size_execute0_lowered;
	s3 =	sadd.s32 s3, s5;
	[dreg:$0x0] =	wrdreg $0x0  }
0xa8: {  	s5 =	sshll.u32 s28, $0x1;
	[dreg:$0x2] =	wrdreg s3  }
0xa9: {  	[dreg:$0x3] =	wrdreg s5  }
0xaa: {  	[dreg:$0x4] =	wrdreg $0xC0  }
0xab: {  	_ =	task [dreg:s7], $0x5FFFF  }
0xac: {  	[dreg:$0x1] =	wrdreg $0xFFFFFFFF  }
0xad: {  	[dreg:$0x0] =	wrdreg $0x60  }
0xae: {  	[dreg:$0x2] =	wrdreg s24  }
0xaf: {  	[dreg:$0x3] =	wrdreg s2  }
0xb0: {  	[dreg:$0x4] =	wrdreg $0xAC000  }
0xb1: {  	[dreg:$0x5] =	wrdreg $0x9  }
0xb2: {  	_ =	task.clear_ibuf [dreg:s7], $0x6FFFF;
	_ =	strace $0x9000004C  }
0xb3: {  	s29 =	simm.s32 $0x9;
	_ =	strace $0x8000004E  }
0xb4: {  	_ =	swait.ge [sflag:s29], $0x1  }
0xb5: {  	[sflag:s29] =	ssyncadd.s32 $0xFFFFFFFF  }
0xb6: {  	_ =	strace $0x9000004E  }
0xb7: {  	_ =	sfence  }
0xb8: {  	s30 =	sld [smem:$0x0];
	_ =	sdelay $0x2  }
0xb9: {  	s31 =	sshll.u32 s1, $0xD;
	s1 =	sshrl.u32 s1, $0x2  }
0xba: {  	s3 =	sand.u32 $0x4000, s31;
	s1 =	sadd.s32 s1, s30  }
0xbb: {  	s0 =	sor.u32 s3, s0;
	s1 =	sshll.u32 s1, $0x11  }
0xbc: {  	s0 =	sor.u32 s1, s0  }
0xbd: {  	s0 =	sadd.s32 $0x8F2B, s0  }
0xbe: {  	[sflag:s0] =	ssyncadd.remote.s32 $0x1  }
0xbf: {  	_ =	sfence.sel $0xFFFF  }
0xc0: {  	[dreg:$0x0] =	wrdreg $0xFFFFFFFF;
	(pc) =	sbr.abs _section_cstart, $3  }
0xc1: {  	[dreg:$0x1] =	wrdreg $0xFFFFFFFF  }
0xc2: {  	_ =	task.clear_ibuf [dreg:s7], $0x2FFFF;
	_ =	strace $0x9FFFFFFF  }
0xc3: {  	(tm) =	ssettm $0x7FFFFFFF  }
tec
execute0_lowered:
.L_overlay_start_1:
0x0: {  	(tag) =	ssettag $0x1  }
0x1: {  	s11 =	stileid.u32  }
0x2: {  	s4 =	srdreg.scid;
	s5 =	smul.u32 $0x2800, s11  }
0x3: {  	s1 =	rddreg [dreg:$0x0];
	s6 =	sand.u32 $0x1, s4;
	s9 =	smul.u32 $0x50000, s11  }
0x4: {  	s0 =	rddreg [dreg:$0x1];
	s7 =	smul.u32 $0x28000, s6  }
0x5: {  	s2 =	rddreg [dreg:$0x2];
	s3 =	simm.s32 $0x0  }
0x6: {  	s4 =	sadd.s32 $0xC800, s1;
	s21 =	sshrl.u32 s9, $0x2;
	s5 =	sadd.s32 s5, s7  }
0x7: {  	s10 =	sadd.s32 $0x2A00, s1;
	s1 =	sadd.s32 s5, s1;
	s5 =	sadd.s32 s21, s2  }
0x8: {  	[smem:$0x7FF] =	sst s3;
	s20 =	sshll.u32 s11, $0x1;
	s24 =	sadd.s32 $0x800, s5  }
0x9: {  	_ =	strace $0x8000004D;
	s25 =	sadd.s32 $0x1000, s5;
	[dreg:$0xa] =	wrdreg s24  }
0xa: {  	s22 =	smul.u32 $0x4E20, s11;
	s26 =	sadd.s32 $0x1800, s5;
	[dreg:$0xb] =	wrdreg s25  }
0xb: {  	s8 =	ssub.s32 $0x2, s6;
	s12 =	sadd.s32 $0x2000, s5;
	[dreg:$0xc] =	wrdreg s26  }
0xc: {  	s23 =	sor.u32 s6, s20;
	s13 =	sadd.s32 $0x2800, s5;
	[dreg:$0xd] =	wrdreg s12  }
0xd: {  	s6 =	smul.u32 $0x2710, s6;
	s14 =	sadd.s32 $0x3000, s5;
	[dreg:$0xe] =	wrdreg s13  }
0xe: {  	s16 =	sadd.s32 $0x3800, s5;
	[dreg:$0xf] =	wrdreg s14  }
0xf: {  	s6 =	sadd.s32 s6, s22;
	s17 =	sadd.s32 $0x4000, s5;
	[dreg:$0x10] =	wrdreg s16  }
0x10: {  	s15 =	sadd.s32 $0xF0, s6;
	s18 =	sadd.s32 $0x4800, s5;
	[dreg:$0x11] =	wrdreg s17  }
0x11: {  	s9 =	sshrl.u32 s15, $0x3;
	s15 =	sadd.s32 $0x6800, s5;
	[dreg:$0x12] =	wrdreg s18  }
0x12: {  	s19 =	sshrl.u32 s8, $0x1;
	s11 =	sadd.s32 $0xC800, s5;
	[dreg:$0x16] =	wrdreg s15  }
0x13: {  	s7 =	ssub.s32 s8, s19;
	s19 =	sadd.s32 s9, s0;
	[smem:$0x7F0] =	sst s11  }
0x14: {  	s9 =	sadd.s32 s9, s10;
	[dreg:$0x4] =	wrdreg s19  }
0x15: {  	s25 =	sadd.s32 $0x5000, s5;
	[dreg:$0x5] =	wrdreg s9  }
0x16: {  	s13 =	sadd.s32 $0x5800, s5;
	[dreg:$0x13] =	wrdreg s25  }
0x17: {  	s8 =	smul.u32 $0x2710, s23;
	s14 =	sadd.s32 $0x6000, s5;
	[dreg:$0x14] =	wrdreg s13  }
0x18: {  	s22 =	sadd.s32 $0x50, s6;
	s18 =	sadd.s32 $0x7000, s5;
	[dreg:$0x15] =	wrdreg s14  }
0x19: {  	s24 =	sshrl.u32 s22, $0x3;
	s15 =	sadd.s32 $0xE800, s5;
	[dreg:$0x19] =	wrdreg s18  }
0x1a: {  	s8 =	sshrl.u32 s8, $0x3;
	s26 =	sadd.s32 s24, s0;
	[smem:$0x7F4] =	sst s15  }
0x1b: {  	s8 =	sadd.s32 $0x4D8, s8;
	s16 =	sadd.s32 s24, s10;
	[dreg:$0x8] =	wrdreg s26  }
0x1c: {  	s17 =	sadd.s32 s10, s8;
	[dreg:$0x9] =	wrdreg s16  }
0x1d: {  	s8 =	sadd.s32 s0, s8;
	[dreg:$0x17] =	wrdreg s17  }
0x1e: {  	s19 =	sadd.s32 $0x34800, s1;
	[dreg:$0x18] =	wrdreg s8  }
0x1f: {  	s24 =	sadd.s32 $0x8000, s5;
	[dreg:$0x1a] =	wrdreg s19  }
0x20: {  	s25 =	sadd.s32 $0x8800, s5;
	[dreg:$0x1d] =	wrdreg s24  }
0x21: {  	s28 =	simm.s32 $0x5;
	s1 =	sadd.s32 $0x9800, s5;
	[dreg:$0x1e] =	wrdreg s25  }
0x22: {  	s12 =	sadd.s32 $0xA0, s6;
	s9 =	sadd.s32 $0xB800, s5;
	[smem:$0x7EA] =	sst s1  }
0x23: {  	s20 =	sshrl.u32 s12, $0x3;
	s12 =	sadd.s32 $0xD000, s5;
	[smem:$0x7EE] =	sst s9  }
0x24: {  	s29 =	simm.s32 $0x80;
	s13 =	sadd.s32 $0xD800, s5;
	[smem:$0x7F1] =	sst s12  }
0x25: {  	s30 =	simm.s32 $0x50;
	s14 =	sadd.s32 $0xE000, s5;
	[smem:$0x7F2] =	sst s13  }
0x26: {  	s31 =	simm.s32 $0x100;
	s18 =	sadd.s32 $0x10000, s5;
	[smem:$0x7F3] =	sst s14  }
0x27: {  	s6 =	sshrl.u32 s6, $0x3;
	s21 =	sadd.s32 s20, s0;
	[smem:$0x7F7] =	sst s18  }
0x28: {  	s11 =	simm.s32 $0x7B80;
	s23 =	sadd.s32 s20, s10;
	[dreg:$0x6] =	wrdreg s21  }
0x29: {  	s22 =	sadd.s32 s6, s10;
	s20 =	smax.u32 s7, $0x1;
	[dreg:$0x7] =	wrdreg s23  }
0x2a: {  	s15 =	simm.s32 $0x3;
	s26 =	sadd.s32 $0x9000, s5;
	[dreg:$0x1b] =	wrdreg s20  }
0x2b: {  	s7 =	sadd.s32 $0xA800, s5;
	s8 =	sadd.s32 $0xB000, s5;
	[dreg:$0x1f] =	wrdreg s26  }
0x2c: {  	s10 =	sadd.s32 $0xC000, s5;
	s16 =	sadd.s32 $0xF000, s5;
	[smem:$0x7EC] =	sst s7  }
0x2d: {  	s17 =	sadd.s32 $0xF800, s5;
	s19 =	sadd.s32 $0x10800, s5;
	[smem:$0x7ED] =	sst s8  }
0x2e: {  	s24 =	sadd.s32 $0x12000, s5;
	s25 =	sadd.s32 $0x12800, s5;
	[smem:$0x7EF] =	sst s10  }
0x2f: {  	s1 =	simm.s32 $0x2980;
	s9 =	simm.s32 $0x5300;
	[smem:$0x7F5] =	sst s16  }
0x30: {  	s12 =	simm.s32 $0x7C00;
	s13 =	simm.s32 $0x1;
	[smem:$0x7F6] =	sst s17  }
0x31: {  	s14 =	simm.s32 $0x2;
	s21 =	sadd.s32 s6, s0;
	[smem:$0x7F8] =	sst s19  }
0x32: {  	s23 =	sadd.s32 $0x7800, s5;
	s6 =	sadd.s32 $0xA000, s5;
	[smem:$0x7FB] =	sst s24  }
0x33: {  	s20 =	sadd.s32 $0x11000, s5;
	[smem:$0x7FC] =	sst s25;
	s26 =	sadd.s32 $0x13000, s5  }
0x34: {  	s25 =	sadd.s32 $0x13800, s5;
	s0 =	simm.s32 $0x2900;
	[dreg:$0x1c] =	wrdreg s23  }
0x35: {  	s7 =	simm.s32 $0x5200;
	s8 =	simm.s32 $0x5280;
	[smem:$0x7EB] =	sst s6  }
0x36: {  	s10 =	simm.s32 $0x7B00;
	s16 =	simm.s32 $0x4;
	[smem:$0x7F9] =	sst s20  }
0x37: {  	s17 =	simm.s32 $0x0;
	s23 =	sadd.s32 $0x11800, s5;
	[smem:$0x7FD] =	sst s26  }
0x38: {  	v0 =	vimm.f32 $0.0e+00;
	s26 =	simm.s32 $0xA400;
	s6 =	simm.s32 $0x2A00;
	[smem:$0x7FA] =	sst s23  }
.LBB2_1:
0x39: {  	s18 =	simm.s32 $0x0;
	s19 =	simm.s32 $0x200  }
.LBB2_2:
0x3a: {  	p0 =	sne.s32 s19, $0x1E00;
	[tilespmem:s18+$0xA470] =	vst v0  }
0x3b: {  	[tilespmem:s18+$0xA400] =	vst v0  }
0x3c: {  	[tilespmem:s18+$0xA410] =	vst v0  }
.Ltmp0:
0x3d: {  	[tilespmem:s18+$0xA420] =	vst v0;
	(pc) =	sbr.rel @p0 .LBB2_2-.Ltmp0, $4  }
0x3e: {  	[tilespmem:s18+$0xA430] =	vst v0  }
0x3f: {  	[tilespmem:s18+$0xA440] =	vst v0  }
0x40: {  	[tilespmem:s18+$0xA450] =	vst v0  }
0x41: {  	[tilespmem:s18+$0xA460] =	vst v0;
	s18 =	sshra.s32 s19, $0x2;
	s19 =	sadd.s32 $0x200, s19  }
0x42: {  	[tilespmem:s18+$0xA470] =	vst v0  }
0x43: {  	[tilespmem:s18+$0xA400] =	vst v0  }
0x44: {  	[tilespmem:s18+$0xA410] =	vst v0  }
0x45: {  	[tilespmem:s18+$0xA420] =	vst v0  }
0x46: {  	[tilespmem:s18+$0xA430] =	vst v0  }
0x47: {  	[tilespmem:s18+$0xA440] =	vst v0  }
0x48: {  	[tilespmem:s18+$0xA450] =	vst v0  }
0x49: {  	[tilespmem:s18+$0xA460] =	vst v0  }
0x4a: {  	[spmem:s5] =	stream.linear.scatter [tilespmem:s26], [sflag:$0x5], $0x800, $0x38;
	[tilespmem:$0x1EC00] =	vst v63  }
0x4b: {  	_ =	swait.ge [sflag:s28], $0x800  }
0x4c: {  	[sflag:s28] =	ssyncset.done $0x0  }
0x4d: {  	s23 =	rddreg [dreg:$0xa];
	[sflag:s28] =	ssyncadd.s32 $0xFFFFF800  }
0x4e: {  	[spmem:s23] =	stream.linear.scatter [tilespmem:s26], [sflag:$0x5], $0x800, $0x38;
	[tilespmem:$0x1EC00] =	vst v63  }
0x4f: {  	_ =	swait.ge [sflag:s28], $0x800  }
0x50: {  	[sflag:s28] =	ssyncset.done $0x0  }
0x51: {  	s24 =	rddreg [dreg:$0xb];
	[sflag:s28] =	ssyncadd.s32 $0xFFFFF800  }
0x52: {  	[spmem:s24] =	stream.linear.scatter [tilespmem:s26], [sflag:$0x5], $0x800, $0x38;
	[tilespmem:$0x1EC00] =	vst v63  }
0x53: {  	_ =	swait.ge [sflag:s28], $0x800  }
0x54: {  	[sflag:s28] =	ssyncset.done $0x0  }
0x55: {  	s19 =	rddreg [dreg:$0xc];
	[sflag:s28] =	ssyncadd.s32 $0xFFFFF800  }
0x56: {  	[spmem:s19] =	stream.linear.scatter [tilespmem:s26], [sflag:$0x5], $0x800, $0x38;
	[tilespmem:$0x1EC00] =	vst v63  }
0x57: {  	_ =	swait.ge [sflag:s28], $0x800  }
0x58: {  	[sflag:s28] =	ssyncset.done $0x0  }
0x59: {  	s20 =	rddreg [dreg:$0xd];
	[sflag:s28] =	ssyncadd.s32 $0xFFFFF800  }
0x5a: {  	[spmem:s20] =	stream.linear.scatter [tilespmem:s26], [sflag:$0x5], $0x800, $0x38;
	[tilespmem:$0x1EC00] =	vst v63  }
0x5b: {  	_ =	swait.ge [sflag:s28], $0x800  }
0x5c: {  	[sflag:s28] =	ssyncset.done $0x0  }
0x5d: {  	s23 =	rddreg [dreg:$0xe];
	[sflag:s28] =	ssyncadd.s32 $0xFFFFF800  }
0x5e: {  	[spmem:s23] =	stream.linear.scatter [tilespmem:s26], [sflag:$0x5], $0x800, $0x38;
	[tilespmem:$0x1EC00] =	vst v63  }
0x5f: {  	_ =	swait.ge [sflag:s28], $0x800  }
0x60: {  	[sflag:s28] =	ssyncset.done $0x0  }
0x61: {  	s24 =	rddreg [dreg:$0xf];
	[sflag:s28] =	ssyncadd.s32 $0xFFFFF800  }
0x62: {  	[spmem:s24] =	stream.linear.scatter [tilespmem:s26], [sflag:$0x5], $0x800, $0x38;
	[tilespmem:$0x1EC00] =	vst v63  }
0x63: {  	_ =	swait.ge [sflag:s28], $0x800  }
0x64: {  	[sflag:s28] =	ssyncset.done $0x0  }
0x65: {  	s19 =	rddreg [dreg:$0x10];
	[sflag:s28] =	ssyncadd.s32 $0xFFFFF800  }
0x66: {  	[spmem:s19] =	stream.linear.scatter [tilespmem:s26], [sflag:$0x5], $0x800, $0x38;
	[tilespmem:$0x1EC00] =	vst v63  }
0x67: {  	_ =	swait.ge [sflag:s28], $0x800  }
0x68: {  	[sflag:s28] =	ssyncset.done $0x0  }
0x69: {  	s20 =	rddreg [dreg:$0x11];
	[sflag:s28] =	ssyncadd.s32 $0xFFFFF800  }
0x6a: {  	[spmem:s20] =	stream.linear.scatter [tilespmem:s26], [sflag:$0x5], $0x800, $0x38;
	[tilespmem:$0x1EC00] =	vst v63  }
0x6b: {  	_ =	swait.ge [sflag:s28], $0x800  }
0x6c: {  	[sflag:s28] =	ssyncset.done $0x0  }
0x6d: {  	s23 =	rddreg [dreg:$0x12];
	[sflag:s28] =	ssyncadd.s32 $0xFFFFF800  }
0x6e: {  	[spmem:s23] =	stream.linear.scatter [tilespmem:s26], [sflag:$0x5], $0x800, $0x38;
	[tilespmem:$0x1EC00] =	vst v63  }
0x6f: {  	_ =	swait.ge [sflag:s28], $0x800  }
0x70: {  	[sflag:s28] =	ssyncset.done $0x0  }
0x71: {  	s24 =	rddreg [dreg:$0x13];
	[sflag:s28] =	ssyncadd.s32 $0xFFFFF800  }
0x72: {  	[spmem:s24] =	stream.linear.scatter [tilespmem:s26], [sflag:$0x5], $0x800, $0x38;
	[tilespmem:$0x1EC00] =	vst v63  }
0x73: {  	_ =	swait.ge [sflag:s28], $0x800  }
0x74: {  	[sflag:s28] =	ssyncset.done $0x0  }
0x75: {  	s19 =	rddreg [dreg:$0x14];
	[sflag:s28] =	ssyncadd.s32 $0xFFFFF800  }
0x76: {  	[spmem:s19] =	stream.linear.scatter [tilespmem:s26], [sflag:$0x5], $0x800, $0x38;
	[tilespmem:$0x1EC00] =	vst v63  }
0x77: {  	_ =	swait.ge [sflag:s28], $0x800  }
0x78: {  	[sflag:s28] =	ssyncset.done $0x0  }
0x79: {  	s20 =	rddreg [dreg:$0x15];
	[sflag:s28] =	ssyncadd.s32 $0xFFFFF800  }
0x7a: {  	[spmem:s20] =	stream.linear.scatter [tilespmem:s26], [sflag:$0x5], $0x800, $0x38;
	[tilespmem:$0x1EC00] =	vst v63  }
0x7b: {  	_ =	swait.ge [sflag:s28], $0x800  }
0x7c: {  	[sflag:s28] =	ssyncset.done $0x0  }
0x7d: {  	s23 =	rddreg [dreg:$0x16];
	[sflag:s28] =	ssyncadd.s32 $0xFFFFF800  }
0x7e: {  	[spmem:s23] =	stream.linear.scatter [tilespmem:s26], [sflag:$0x5], $0x800, $0x38;
	[tilespmem:$0x1EC00] =	vst v63  }
0x7f: {  	_ =	swait.ge [sflag:s28], $0x800  }
0x80: {  	[sflag:s28] =	ssyncset.done $0x0  }
0x81: {  	s24 =	rddreg [dreg:$0x19];
	[sflag:s28] =	ssyncadd.s32 $0xFFFFF800  }
0x82: {  	[spmem:s24] =	stream.linear.scatter [tilespmem:s26], [sflag:$0x5], $0x800, $0x38;
	[tilespmem:$0x1EC00] =	vst v63  }
0x83: {  	_ =	swait.ge [sflag:s28], $0x800  }
0x84: {  	[sflag:s28] =	ssyncset.done $0x0  }
0x85: {  	s19 =	rddreg [dreg:$0x1c];
	[sflag:s28] =	ssyncadd.s32 $0xFFFFF800  }
0x86: {  	[spmem:s19] =	stream.linear.scatter [tilespmem:s26], [sflag:$0x5], $0x800, $0x38;
	[tilespmem:$0x1EC00] =	vst v63  }
0x87: {  	_ =	swait.ge [sflag:s28], $0x800  }
0x88: {  	[sflag:s28] =	ssyncset.done $0x0  }
0x89: {  	s20 =	rddreg [dreg:$0x1d];
	[sflag:s28] =	ssyncadd.s32 $0xFFFFF800  }
0x8a: {  	[spmem:s20] =	stream.linear.scatter [tilespmem:s26], [sflag:$0x5], $0x800, $0x38;
	[tilespmem:$0x1EC00] =	vst v63  }
0x8b: {  	_ =	swait.ge [sflag:s28], $0x800  }
0x8c: {  	[sflag:s28] =	ssyncset.done $0x0  }
0x8d: {  	s23 =	rddreg [dreg:$0x1e];
	[sflag:s28] =	ssyncadd.s32 $0xFFFFF800  }
0x8e: {  	[spmem:s23] =	stream.linear.scatter [tilespmem:s26], [sflag:$0x5], $0x800, $0x38;
	[tilespmem:$0x1EC00] =	vst v63  }
0x8f: {  	_ =	swait.ge [sflag:s28], $0x800  }
0x90: {  	[sflag:s28] =	ssyncset.done $0x0  }
0x91: {  	s24 =	rddreg [dreg:$0x1f];
	[sflag:s28] =	ssyncadd.s32 $0xFFFFF800  }
0x92: {  	[spmem:s24] =	stream.linear.scatter [tilespmem:s26], [sflag:$0x5], $0x800, $0x38;
	[tilespmem:$0x1EC00] =	vst v63  }
0x93: {  	_ =	swait.ge [sflag:s28], $0x800  }
0x94: {  	s19 =	sld [smem:$0x7EA]  }
0x95: {  	[sflag:s28] =	ssyncset.done $0x0  }
0x96: {  	[sflag:s28] =	ssyncadd.s32 $0xFFFFF800  }
0x97: {  	[spmem:s19] =	stream.linear.scatter [tilespmem:s26], [sflag:$0x5], $0x800, $0x38;
	[tilespmem:$0x1EC00] =	vst v63  }
0x98: {  	_ =	swait.ge [sflag:s28], $0x800  }
0x99: {  	s20 =	sld [smem:$0x7EB]  }
0x9a: {  	[sflag:s28] =	ssyncset.done $0x0  }
0x9b: {  	[sflag:s28] =	ssyncadd.s32 $0xFFFFF800  }
0x9c: {  	[spmem:s20] =	stream.linear.scatter [tilespmem:s26], [sflag:$0x5], $0x800, $0x38;
	[tilespmem:$0x1EC00] =	vst v63  }
0x9d: {  	_ =	swait.ge [sflag:s28], $0x800  }
0x9e: {  	s23 =	sld [smem:$0x7EC]  }
0x9f: {  	[sflag:s28] =	ssyncset.done $0x0  }
0xa0: {  	[sflag:s28] =	ssyncadd.s32 $0xFFFFF800  }
0xa1: {  	[spmem:s23] =	stream.linear.scatter [tilespmem:s26], [sflag:$0x5], $0x800, $0x38;
	[tilespmem:$0x1EC00] =	vst v63  }
0xa2: {  	_ =	swait.ge [sflag:s28], $0x800  }
0xa3: {  	s24 =	sld [smem:$0x7ED]  }
0xa4: {  	[sflag:s28] =	ssyncset.done $0x0  }
0xa5: {  	[sflag:s28] =	ssyncadd.s32 $0xFFFFF800  }
0xa6: {  	[spmem:s24] =	stream.linear.scatter [tilespmem:s26], [sflag:$0x5], $0x800, $0x38;
	[tilespmem:$0x1EC00] =	vst v63  }
0xa7: {  	_ =	swait.ge [sflag:s28], $0x800  }
0xa8: {  	s19 =	sld [smem:$0x7EE]  }
0xa9: {  	[sflag:s28] =	ssyncset.done $0x0  }
0xaa: {  	[sflag:s28] =	ssyncadd.s32 $0xFFFFF800  }
0xab: {  	[spmem:s19] =	stream.linear.scatter [tilespmem:s26], [sflag:$0x5], $0x800, $0x38;
	[tilespmem:$0x1EC00] =	vst v63  }
0xac: {  	_ =	swait.ge [sflag:s28], $0x800  }
0xad: {  	s20 =	sld [smem:$0x7EF]  }
0xae: {  	[sflag:s28] =	ssyncset.done $0x0  }
0xaf: {  	[sflag:s28] =	ssyncadd.s32 $0xFFFFF800  }
0xb0: {  	[spmem:s20] =	stream.linear.scatter [tilespmem:s26], [sflag:$0x5], $0x800, $0x38;
	[tilespmem:$0x1EC00] =	vst v63  }
0xb1: {  	_ =	swait.ge [sflag:s28], $0x800  }
0xb2: {  	s23 =	sld [smem:$0x7F0]  }
0xb3: {  	[sflag:s28] =	ssyncset.done $0x0  }
0xb4: {  	[sflag:s28] =	ssyncadd.s32 $0xFFFFF800  }
0xb5: {  	[spmem:s23] =	stream.linear.scatter [tilespmem:s26], [sflag:$0x5], $0x800, $0x38;
	[tilespmem:$0x1EC00] =	vst v63  }
0xb6: {  	_ =	swait.ge [sflag:s28], $0x800  }
0xb7: {  	s24 =	sld [smem:$0x7F1]  }
0xb8: {  	[sflag:s28] =	ssyncset.done $0x0  }
0xb9: {  	[sflag:s28] =	ssyncadd.s32 $0xFFFFF800  }
0xba: {  	[spmem:s24] =	stream.linear.scatter [tilespmem:s26], [sflag:$0x5], $0x800, $0x38;
	[tilespmem:$0x1EC00] =	vst v63  }
0xbb: {  	_ =	swait.ge [sflag:s28], $0x800  }
0xbc: {  	s19 =	sld [smem:$0x7F2]  }
0xbd: {  	[sflag:s28] =	ssyncset.done $0x0  }
0xbe: {  	[sflag:s28] =	ssyncadd.s32 $0xFFFFF800  }
0xbf: {  	[spmem:s19] =	stream.linear.scatter [tilespmem:s26], [sflag:$0x5], $0x800, $0x38;
	[tilespmem:$0x1EC00] =	vst v63  }
0xc0: {  	_ =	swait.ge [sflag:s28], $0x800  }
0xc1: {  	s20 =	sld [smem:$0x7F3]  }
0xc2: {  	[sflag:s28] =	ssyncset.done $0x0  }
0xc3: {  	[sflag:s28] =	ssyncadd.s32 $0xFFFFF800  }
0xc4: {  	[spmem:s20] =	stream.linear.scatter [tilespmem:s26], [sflag:$0x5], $0x800, $0x38;
	[tilespmem:$0x1EC00] =	vst v63  }
0xc5: {  	_ =	swait.ge [sflag:s28], $0x800  }
0xc6: {  	s23 =	sld [smem:$0x7F4]  }
0xc7: {  	[sflag:s28] =	ssyncset.done $0x0  }
0xc8: {  	[sflag:s28] =	ssyncadd.s32 $0xFFFFF800  }
0xc9: {  	[spmem:s23] =	stream.linear.scatter [tilespmem:s26], [sflag:$0x5], $0x800, $0x38;
	[tilespmem:$0x1EC00] =	vst v63  }
0xca: {  	_ =	swait.ge [sflag:s28], $0x800  }
0xcb: {  	s24 =	sld [smem:$0x7F5]  }
0xcc: {  	[sflag:s28] =	ssyncset.done $0x0  }
0xcd: {  	[sflag:s28] =	ssyncadd.s32 $0xFFFFF800  }
0xce: {  	[spmem:s24] =	stream.linear.scatter [tilespmem:s26], [sflag:$0x5], $0x800, $0x38;
	[tilespmem:$0x1EC00] =	vst v63  }
0xcf: {  	_ =	swait.ge [sflag:s28], $0x800  }
0xd0: {  	s19 =	sld [smem:$0x7F6]  }
0xd1: {  	[sflag:s28] =	ssyncset.done $0x0  }
0xd2: {  	[sflag:s28] =	ssyncadd.s32 $0xFFFFF800  }
0xd3: {  	[spmem:s19] =	stream.linear.scatter [tilespmem:s26], [sflag:$0x5], $0x800, $0x38;
	[tilespmem:$0x1EC00] =	vst v63  }
0xd4: {  	_ =	swait.ge [sflag:s28], $0x800  }
0xd5: {  	s20 =	sld [smem:$0x7F7]  }
0xd6: {  	[sflag:s28] =	ssyncset.done $0x0  }
0xd7: {  	[sflag:s28] =	ssyncadd.s32 $0xFFFFF800  }
0xd8: {  	[spmem:s20] =	stream.linear.scatter [tilespmem:s26], [sflag:$0x5], $0x800, $0x38;
	[tilespmem:$0x1EC00] =	vst v63  }
0xd9: {  	_ =	swait.ge [sflag:s28], $0x800  }
0xda: {  	s23 =	sld [smem:$0x7F8]  }
0xdb: {  	[sflag:s28] =	ssyncset.done $0x0  }
0xdc: {  	[sflag:s28] =	ssyncadd.s32 $0xFFFFF800  }
0xdd: {  	[spmem:s23] =	stream.linear.scatter [tilespmem:s26], [sflag:$0x5], $0x800, $0x38;
	[tilespmem:$0x1EC00] =	vst v63  }
0xde: {  	_ =	swait.ge [sflag:s28], $0x800  }
0xdf: {  	s24 =	sld [smem:$0x7F9]  }
0xe0: {  	[sflag:s28] =	ssyncset.done $0x0  }
0xe1: {  	[sflag:s28] =	ssyncadd.s32 $0xFFFFF800  }
0xe2: {  	[spmem:s24] =	stream.linear.scatter [tilespmem:s26], [sflag:$0x5], $0x800, $0x38;
	[tilespmem:$0x1EC00] =	vst v63  }
0xe3: {  	_ =	swait.ge [sflag:s28], $0x800  }
0xe4: {  	s19 =	sld [smem:$0x7FA]  }
0xe5: {  	[sflag:s28] =	ssyncset.done $0x0  }
0xe6: {  	[sflag:s28] =	ssyncadd.s32 $0xFFFFF800  }
0xe7: {  	[spmem:s19] =	stream.linear.scatter [tilespmem:s26], [sflag:$0x5], $0x800, $0x38;
	[tilespmem:$0x1EC00] =	vst v63  }
0xe8: {  	_ =	swait.ge [sflag:s28], $0x800  }
0xe9: {  	s20 =	sld [smem:$0x7FB]  }
0xea: {  	[sflag:s28] =	ssyncset.done $0x0  }
0xeb: {  	[sflag:s28] =	ssyncadd.s32 $0xFFFFF800  }
0xec: {  	[spmem:s20] =	stream.linear.scatter [tilespmem:s26], [sflag:$0x5], $0x800, $0x38;
	[tilespmem:$0x1EC00] =	vst v63  }
0xed: {  	_ =	swait.ge [sflag:s28], $0x800  }
0xee: {  	s23 =	sld [smem:$0x7FC]  }
0xef: {  	[sflag:s28] =	ssyncset.done $0x0  }
0xf0: {  	[sflag:s28] =	ssyncadd.s32 $0xFFFFF800  }
0xf1: {  	[spmem:s23] =	stream.linear.scatter [tilespmem:s26], [sflag:$0x5], $0x800, $0x38;
	[tilespmem:$0x1EC00] =	vst v63  }
0xf2: {  	_ =	swait.ge [sflag:s28], $0x800  }
0xf3: {  	s24 =	sld [smem:$0x7FD]  }
0xf4: {  	[sflag:s28] =	ssyncset.done $0x0  }
0xf5: {  	[sflag:s28] =	ssyncadd.s32 $0xFFFFF800  }
0xf6: {  	[spmem:s24] =	stream.linear.scatter [tilespmem:s26], [sflag:$0x5], $0x800, $0x38;
	[tilespmem:$0x1EC00] =	vst v63  }
0xf7: {  	_ =	swait.ge [sflag:s28], $0x800  }
0xf8: {  	[sflag:s28] =	ssyncset.done $0x0  }
0xf9: {  	[sflag:s28] =	ssyncadd.s32 $0xFFFFF800  }
0xfa: {  	[spmem:s25] =	stream.linear.scatter [tilespmem:s26], [sflag:$0x5], $0x800, $0x38;
	[tilespmem:$0x1EC00] =	vst v63  }
0xfb: {  	_ =	swait.ge [sflag:s28], $0x800  }
0xfc: {  	[sflag:s28] =	ssyncset.done $0x0  }
0xfd: {  	[sflag:s28] =	ssyncadd.s32 $0xFFFFF800  }
0xfe: {  	s19 =	sadd.s32 $0x0, s22;
	[bflag:$0x0] =	sbarrier.arrive $0xFFFF  }
0xff: {  	[tilespmem:s3], [sflag:$0x5] =	stream.linear.gather [hbm4b:s19+s3], $0x50, $0x38;
	[tilespmem:$0x1EC00] =	vst v63  }
0x100: {  	_ =	swait.ge [sflag:s28], $0x50  }
0x101: {  	[sflag:s28] =	ssyncset.done $0x0  }
0x102: {  	s20 =	sadd.s32 $0x0, s21;
	[sflag:s28] =	ssyncadd.s32 $0xFFFFFFB0  }
0x103: {  	[tilespmem:s29], [sflag:$0x5] =	stream.linear.gather [hbm4b:s20+s3], $0x50, $0x38;
	[tilespmem:$0x1EC00] =	vst v63  }
0x104: {  	_ =	swait.ge [sflag:s28], $0x50  }
0x105: {  	[sflag:s28] =	ssyncset.done $0x0  }
0x106: {  	s23 =	rddreg [dreg:$0x9];
	[sflag:s28] =	ssyncadd.s32 $0xFFFFFFB0  }
0x107: {  	[tilespmem:s31], [sflag:$0x1] =	stream.indirect.gather [hbm4b:s4+s30], $0x80, s29, s30, $0xb8;
	[tilespmem:$0x1EC00] =	vst v63  }
0x108: {  	s18 =	sadd.s32 $0x0, s23  }
0x109: {  	[tilespmem:s0], [sflag:$0x5] =	stream.linear.gather [hbm4b:s18+s3], $0x50, $0x38;
	[tilespmem:$0x1EC00] =	vst v63  }
0x10a: {  	_ =	swait.ge [sflag:s28], $0x50  }
0x10b: {  	s24 =	rddreg [dreg:$0x8];
	[sflag:s28] =	ssyncset.done $0x0  }
0x10c: {  	[sflag:s28] =	ssyncadd.s32 $0xFFFFFFB0;
	s18 =	sadd.s32 $0x0, s24  }
0x10d: {  	[tilespmem:s1], [sflag:$0x5] =	stream.linear.gather [hbm4b:s18+s3], $0x50, $0x38;
	[tilespmem:$0x1EC00] =	vst v63  }
0x10e: {  	_ =	swait.ge [sflag:s28], $0x50  }
0x10f: {  	[sflag:s28] =	ssyncset.done $0x0  }
0x110: {  	s19 =	rddreg [dreg:$0x7];
	[sflag:s28] =	ssyncadd.s32 $0xFFFFFFB0  }
0x111: {  	[tilespmem:s6], [sflag:$0x2] =	stream.indirect.gather [hbm4b:s4+s30], $0x80, s1, s30, $0xb8;
	[tilespmem:$0x1EC00] =	vst v63  }
0x112: {  	s18 =	sadd.s32 $0x0, s19  }
0x113: {  	[tilespmem:s7], [sflag:$0x5] =	stream.linear.gather [hbm4b:s18+s3], $0x50, $0x38;
	[tilespmem:$0x1EC00] =	vst v63  }
0x114: {  	_ =	swait.ge [sflag:s28], $0x50  }
0x115: {  	s20 =	rddreg [dreg:$0x6];
	[sflag:s28] =	ssyncset.done $0x0  }
0x116: {  	[sflag:s28] =	ssyncadd.s32 $0xFFFFFFB0;
	s18 =	sadd.s32 $0x0, s20  }
0x117: {  	[tilespmem:s8], [sflag:$0x5] =	stream.linear.gather [hbm4b:s18+s3], $0x50, $0x38;
	[tilespmem:$0x1EC00] =	vst v63  }
0x118: {  	_ =	swait.ge [sflag:s28], $0x50  }
0x119: {  	[sflag:s28] =	ssyncset.done $0x0  }
0x11a: {  	s23 =	rddreg [dreg:$0x5];
	[sflag:s28] =	ssyncadd.s32 $0xFFFFFFB0  }
0x11b: {  	[tilespmem:s9], [sflag:$0x3] =	stream.indirect.gather [hbm4b:s4+s30], $0x80, s8, s30, $0xb8;
	[tilespmem:$0x1EC00] =	vst v63  }
0x11c: {  	s18 =	sadd.s32 $0x0, s23  }
0x11d: {  	[tilespmem:s10], [sflag:$0x5] =	stream.linear.gather [hbm4b:s18+s3], $0x50, $0x38;
	[tilespmem:$0x1EC00] =	vst v63  }
0x11e: {  	_ =	swait.ge [sflag:s28], $0x50  }
0x11f: {  	s24 =	rddreg [dreg:$0x4];
	[sflag:s28] =	ssyncset.done $0x0  }
0x120: {  	[sflag:s28] =	ssyncadd.s32 $0xFFFFFFB0;
	s18 =	sadd.s32 $0x0, s24  }
0x121: {  	[tilespmem:s11], [sflag:$0x5] =	stream.linear.gather [hbm4b:s18+s3], $0x50, $0x38;
	[tilespmem:$0x1EC00] =	vst v63  }
0x122: {  	_ =	swait.ge [sflag:s28], $0x50  }
0x123: {  	[sflag:s28] =	ssyncset.done $0x0  }
0x124: {  	[sflag:s28] =	ssyncadd.s32 $0xFFFFFFB0  }
0x125: {  	[tilespmem:s12], [sflag:$0x4] =	stream.indirect.gather [hbm4b:s4+s30], $0x80, s11, s30, $0xb8;
	[tilespmem:$0x1EC00] =	vst v63  }
0x126: {  	_ =	swait.ge [sflag:s13], $0x2800  }
0x127: {  	[sflag:s13] =	ssyncset.done $0x0  }
0x128: {  	[sflag:s13] =	ssyncadd.s32 $0xFFFFD800  }
0x129: {  	[spmem:s2] =	stream.indirect.scatter.add.f32 [tilespmem:s31], [sflag:$0x5], $0x80, s3, s30, $0xb8;
	[tilespmem:$0x1EC00] =	vst v63  }
0x12a: {  	_ =	swait.ge [sflag:s28], $0x2800  }
0x12b: {  	[sflag:s28] =	ssyncset.done $0x0  }
0x12c: {  	[sflag:s28] =	ssyncadd.s32 $0xFFFFD800  }
0x12d: {  	_ =	swait.ge [sflag:s14], $0x2800  }
0x12e: {  	[sflag:s14] =	ssyncset.done $0x0  }
0x12f: {  	[sflag:s14] =	ssyncadd.s32 $0xFFFFD800  }
0x130: {  	[spmem:s2] =	stream.indirect.scatter.add.f32 [tilespmem:s6], [sflag:$0x5], $0x80, s0, s30, $0xb8;
	[tilespmem:$0x1EC00] =	vst v63  }
0x131: {  	_ =	swait.ge [sflag:s28], $0x2800  }
0x132: {  	[sflag:s28] =	ssyncset.done $0x0  }
0x133: {  	[sflag:s28] =	ssyncadd.s32 $0xFFFFD800  }
0x134: {  	_ =	swait.ge [sflag:s15], $0x2800  }
0x135: {  	[sflag:s15] =	ssyncset.done $0x0  }
0x136: {  	[sflag:s15] =	ssyncadd.s32 $0xFFFFD800  }
0x137: {  	[spmem:s2] =	stream.indirect.scatter.add.f32 [tilespmem:s9], [sflag:$0x5], $0x80, s7, s30, $0xb8;
	[tilespmem:$0x1EC00] =	vst v63  }
0x138: {  	_ =	swait.ge [sflag:s28], $0x2800  }
0x139: {  	[sflag:s28] =	ssyncset.done $0x0  }
0x13a: {  	[sflag:s28] =	ssyncadd.s32 $0xFFFFD800  }
0x13b: {  	_ =	swait.ge [sflag:s16], $0x2800  }
0x13c: {  	[sflag:s16] =	ssyncset.done $0x0  }
0x13d: {  	[sflag:s16] =	ssyncadd.s32 $0xFFFFD800  }
0x13e: {  	[spmem:s2] =	stream.indirect.scatter.add.f32 [tilespmem:s12], [sflag:$0x5], $0x80, s10, s30, $0xb8;
	[tilespmem:$0x1EC00] =	vst v63  }
0x13f: {  	_ =	swait.ge [sflag:s28], $0x2800  }
0x140: {  	s19 =	simm.s32 $0x50;
	s18 =	simm.s32 $0x28;
	[sflag:s28] =	ssyncset.done $0x0  }
.LBB2_4:
0x141: {  	s24 =	sadd.s32 s18, s22;
	[sflag:s28] =	ssyncadd.s32 $0xFFFFD800  }
0x142: {  	[tilespmem:s3], [sflag:$0x5] =	stream.linear.gather [hbm4b:s24+s3], $0x50, $0x38;
	[tilespmem:$0x1EC00] =	vst v63  }
0x143: {  	_ =	swait.ge [sflag:s28], $0x50  }
0x144: {  	[sflag:s28] =	ssyncset.done $0x0  }
0x145: {  	s24 =	sadd.s32 s18, s21;
	[sflag:s28] =	ssyncadd.s32 $0xFFFFFFB0  }
0x146: {  	[tilespmem:s29], [sflag:$0x5] =	stream.linear.gather [hbm4b:s24+s3], $0x50, $0x38;
	[tilespmem:$0x1EC00] =	vst v63  }
0x147: {  	_ =	swait.ge [sflag:s28], $0x50  }
0x148: {  	[sflag:s28] =	ssyncset.done $0x0  }
0x149: {  	s20 =	smov.u32 s19;
	s24 =	rddreg [dreg:$0x9];
	[sflag:s28] =	ssyncadd.s32 $0xFFFFFFB0  }
0x14a: {  	[tilespmem:s31], [sflag:$0x1] =	stream.indirect.gather [hbm4b:s4+s30], $0x80, s29, s30, $0xb8;
	[tilespmem:$0x1EC00] =	vst v63  }
0x14b: {  	s23 =	sadd.s32 $0x28, s19;
	p0 =	sne.s32 s19, $0x4B0;
	s19 =	sadd.s32 s18, s24  }
0x14c: {  	[tilespmem:s0], [sflag:$0x5] =	stream.linear.gather [hbm4b:s19+s3], $0x50, $0x38;
	[tilespmem:$0x1EC00] =	vst v63  }
0x14d: {  	_ =	swait.ge [sflag:s28], $0x50  }
0x14e: {  	s24 =	rddreg [dreg:$0x8];
	[sflag:s28] =	ssyncset.done $0x0  }
0x14f: {  	[sflag:s28] =	ssyncadd.s32 $0xFFFFFFB0;
	s19 =	sadd.s32 s18, s24  }
0x150: {  	[tilespmem:s1], [sflag:$0x5] =	stream.linear.gather [hbm4b:s19+s3], $0x50, $0x38;
	[tilespmem:$0x1EC00] =	vst v63  }
0x151: {  	_ =	swait.ge [sflag:s28], $0x50  }
0x152: {  	[sflag:s28] =	ssyncset.done $0x0  }
0x153: {  	s24 =	rddreg [dreg:$0x7];
	[sflag:s28] =	ssyncadd.s32 $0xFFFFFFB0  }
0x154: {  	[tilespmem:s6], [sflag:$0x2] =	stream.indirect.gather [hbm4b:s4+s30], $0x80, s1, s30, $0xb8;
	[tilespmem:$0x1EC00] =	vst v63  }
0x155: {  	s19 =	sadd.s32 s18, s24  }
0x156: {  	[tilespmem:s7], [sflag:$0x5] =	stream.linear.gather [hbm4b:s19+s3], $0x50, $0x38;
	[tilespmem:$0x1EC00] =	vst v63  }
0x157: {  	_ =	swait.ge [sflag:s28], $0x50  }
0x158: {  	s24 =	rddreg [dreg:$0x6];
	[sflag:s28] =	ssyncset.done $0x0  }
0x159: {  	[sflag:s28] =	ssyncadd.s32 $0xFFFFFFB0;
	s19 =	sadd.s32 s18, s24  }
0x15a: {  	[tilespmem:s8], [sflag:$0x5] =	stream.linear.gather [hbm4b:s19+s3], $0x50, $0x38;
	[tilespmem:$0x1EC00] =	vst v63  }
0x15b: {  	_ =	swait.ge [sflag:s28], $0x50  }
0x15c: {  	[sflag:s28] =	ssyncset.done $0x0  }
0x15d: {  	s24 =	rddreg [dreg:$0x5];
	[sflag:s28] =	ssyncadd.s32 $0xFFFFFFB0  }
0x15e: {  	[tilespmem:s9], [sflag:$0x3] =	stream.indirect.gather [hbm4b:s4+s30], $0x80, s8, s30, $0xb8;
	[tilespmem:$0x1EC00] =	vst v63  }
0x15f: {  	s19 =	sadd.s32 s18, s24  }
0x160: {  	[tilespmem:s10], [sflag:$0x5] =	stream.linear.gather [hbm4b:s19+s3], $0x50, $0x38;
	[tilespmem:$0x1EC00] =	vst v63  }
0x161: {  	_ =	swait.ge [sflag:s28], $0x50  }
0x162: {  	s24 =	rddreg [dreg:$0x4];
	[sflag:s28] =	ssyncset.done $0x0  }
0x163: {  	[sflag:s28] =	ssyncadd.s32 $0xFFFFFFB0;
	s19 =	sadd.s32 s18, s24  }
0x164: {  	[tilespmem:s11], [sflag:$0x5] =	stream.linear.gather [hbm4b:s19+s3], $0x50, $0x38;
	[tilespmem:$0x1EC00] =	vst v63  }
0x165: {  	_ =	swait.ge [sflag:s28], $0x50  }
0x166: {  	[sflag:s28] =	ssyncset.done $0x0  }
0x167: {  	[sflag:s28] =	ssyncadd.s32 $0xFFFFFFB0  }
0x168: {  	[tilespmem:s12], [sflag:$0x4] =	stream.indirect.gather [hbm4b:s4+s30], $0x80, s11, s30, $0xb8;
	[tilespmem:$0x1EC00] =	vst v63  }
0x169: {  	_ =	swait.ge [sflag:s13], $0x2800  }
0x16a: {  	[sflag:s13] =	ssyncset.done $0x0  }
0x16b: {  	[sflag:s13] =	ssyncadd.s32 $0xFFFFD800  }
0x16c: {  	[spmem:s2] =	stream.indirect.scatter.add.f32 [tilespmem:s31], [sflag:$0x5], $0x80, s3, s30, $0xb8;
	[tilespmem:$0x1EC00] =	vst v63  }
0x16d: {  	_ =	swait.ge [sflag:s28], $0x2800  }
0x16e: {  	[sflag:s28] =	ssyncset.done $0x0  }
0x16f: {  	[sflag:s28] =	ssyncadd.s32 $0xFFFFD800  }
0x170: {  	_ =	swait.ge [sflag:s14], $0x2800  }
0x171: {  	[sflag:s14] =	ssyncset.done $0x0  }
0x172: {  	[sflag:s14] =	ssyncadd.s32 $0xFFFFD800  }
0x173: {  	[spmem:s2] =	stream.indirect.scatter.add.f32 [tilespmem:s6], [sflag:$0x5], $0x80, s0, s30, $0xb8;
	[tilespmem:$0x1EC00] =	vst v63  }
0x174: {  	_ =	swait.ge [sflag:s28], $0x2800  }
0x175: {  	[sflag:s28] =	ssyncset.done $0x0  }
0x176: {  	[sflag:s28] =	ssyncadd.s32 $0xFFFFD800  }
0x177: {  	_ =	swait.ge [sflag:s15], $0x2800  }
0x178: {  	[sflag:s15] =	ssyncset.done $0x0  }
0x179: {  	[sflag:s15] =	ssyncadd.s32 $0xFFFFD800  }
0x17a: {  	[spmem:s2] =	stream.indirect.scatter.add.f32 [tilespmem:s9], [sflag:$0x5], $0x80, s7, s30, $0xb8;
	[tilespmem:$0x1EC00] =	vst v63  }
0x17b: {  	_ =	swait.ge [sflag:s28], $0x2800  }
0x17c: {  	[sflag:s28] =	ssyncset.done $0x0  }
0x17d: {  	[sflag:s28] =	ssyncadd.s32 $0xFFFFD800  }
0x17e: {  	_ =	swait.ge [sflag:s16], $0x2800  }
.Ltmp1:
0x17f: {  	[sflag:s16] =	ssyncset.done $0x0;
	(pc) =	sbr.rel @p0 .LBB2_4-.Ltmp1, $4  }
0x180: {  	[sflag:s16] =	ssyncadd.s32 $0xFFFFD800  }
0x181: {  	[spmem:s2] =	stream.indirect.scatter.add.f32 [tilespmem:s12], [sflag:$0x5], $0x80, s10, s30, $0xb8;
	[tilespmem:$0x1EC00] =	vst v63  }
0x182: {  	_ =	swait.ge [sflag:s28], $0x2800  }
0x183: {  	s18 =	smov.u32 s20;
	s19 =	smov.u32 s23;
	[sflag:s28] =	ssyncset.done $0x0  }
0x184: {  	s19 =	sadd.s32 s18, s22;
	[sflag:s28] =	ssyncadd.s32 $0xFFFFD800  }
0x185: {  	[tilespmem:s3], [sflag:$0x5] =	stream.linear.gather [hbm4b:s19+s3], $0x50, $0x38;
	[tilespmem:$0x1EC00] =	vst v63  }
0x186: {  	_ =	swait.ge [sflag:s28], $0x50  }
0x187: {  	[sflag:s28] =	ssyncset.done $0x0  }
0x188: {  	s20 =	sadd.s32 s18, s21;
	[sflag:s28] =	ssyncadd.s32 $0xFFFFFFB0  }
0x189: {  	[tilespmem:s29], [sflag:$0x5] =	stream.linear.gather [hbm4b:s20+s3], $0x50, $0x38;
	[tilespmem:$0x1EC00] =	vst v63  }
0x18a: {  	_ =	swait.ge [sflag:s28], $0x50  }
0x18b: {  	[sflag:s28] =	ssyncset.done $0x0  }
0x18c: {  	s23 =	rddreg [dreg:$0x9];
	[sflag:s28] =	ssyncadd.s32 $0xFFFFFFB0  }
0x18d: {  	[tilespmem:s31], [sflag:$0x1] =	stream.indirect.gather [hbm4b:s4+s30], $0x80, s29, s30, $0xb8;
	[tilespmem:$0x1EC00] =	vst v63  }
0x18e: {  	s19 =	sadd.s32 s18, s23  }
0x18f: {  	[tilespmem:s0], [sflag:$0x5] =	stream.linear.gather [hbm4b:s19+s3], $0x50, $0x38;
	[tilespmem:$0x1EC00] =	vst v63  }
0x190: {  	_ =	swait.ge [sflag:s28], $0x50  }
0x191: {  	s24 =	rddreg [dreg:$0x8];
	[sflag:s28] =	ssyncset.done $0x0  }
0x192: {  	[sflag:s28] =	ssyncadd.s32 $0xFFFFFFB0;
	s19 =	sadd.s32 s18, s24  }
0x193: {  	[tilespmem:s1], [sflag:$0x5] =	stream.linear.gather [hbm4b:s19+s3], $0x50, $0x38;
	[tilespmem:$0x1EC00] =	vst v63  }
0x194: {  	_ =	swait.ge [sflag:s28], $0x50  }
0x195: {  	[sflag:s28] =	ssyncset.done $0x0  }
0x196: {  	s20 =	rddreg [dreg:$0x7];
	[sflag:s28] =	ssyncadd.s32 $0xFFFFFFB0  }
0x197: {  	[tilespmem:s6], [sflag:$0x2] =	stream.indirect.gather [hbm4b:s4+s30], $0x80, s1, s30, $0xb8;
	[tilespmem:$0x1EC00] =	vst v63  }
0x198: {  	s19 =	sadd.s32 s18, s20  }
0x199: {  	[tilespmem:s7], [sflag:$0x5] =	stream.linear.gather [hbm4b:s19+s3], $0x50, $0x38;
	[tilespmem:$0x1EC00] =	vst v63  }
0x19a: {  	_ =	swait.ge [sflag:s28], $0x50  }
0x19b: {  	s23 =	rddreg [dreg:$0x6];
	[sflag:s28] =	ssyncset.done $0x0  }
0x19c: {  	[sflag:s28] =	ssyncadd.s32 $0xFFFFFFB0;
	s19 =	sadd.s32 s18, s23  }
0x19d: {  	[tilespmem:s8], [sflag:$0x5] =	stream.linear.gather [hbm4b:s19+s3], $0x50, $0x38;
	[tilespmem:$0x1EC00] =	vst v63  }
0x19e: {  	_ =	swait.ge [sflag:s28], $0x50  }
0x19f: {  	[sflag:s28] =	ssyncset.done $0x0  }
0x1a0: {  	s24 =	rddreg [dreg:$0x5];
	[sflag:s28] =	ssyncadd.s32 $0xFFFFFFB0  }
0x1a1: {  	[tilespmem:s9], [sflag:$0x3] =	stream.indirect.gather [hbm4b:s4+s30], $0x80, s8, s30, $0xb8;
	[tilespmem:$0x1EC00] =	vst v63  }
0x1a2: {  	s19 =	sadd.s32 s18, s24  }
0x1a3: {  	[tilespmem:s10], [sflag:$0x5] =	stream.linear.gather [hbm4b:s19+s3], $0x50, $0x38;
	[tilespmem:$0x1EC00] =	vst v63  }
0x1a4: {  	_ =	swait.ge [sflag:s28], $0x50  }
0x1a5: {  	s20 =	rddreg [dreg:$0x4];
	[sflag:s28] =	ssyncset.done $0x0  }
0x1a6: {  	[sflag:s28] =	ssyncadd.s32 $0xFFFFFFB0;
	s23 =	sadd.s32 s18, s20  }
0x1a7: {  	[tilespmem:s11], [sflag:$0x5] =	stream.linear.gather [hbm4b:s23+s3], $0x50, $0x38;
	[tilespmem:$0x1EC00] =	vst v63  }
0x1a8: {  	_ =	swait.ge [sflag:s28], $0x50  }
0x1a9: {  	[sflag:s28] =	ssyncset.done $0x0  }
0x1aa: {  	[sflag:s28] =	ssyncadd.s32 $0xFFFFFFB0  }
0x1ab: {  	[tilespmem:s12], [sflag:$0x4] =	stream.indirect.gather [hbm4b:s4+s30], $0x80, s11, s30, $0xb8;
	[tilespmem:$0x1EC00] =	vst v63  }
0x1ac: {  	_ =	swait.ge [sflag:s13], $0x2800  }
0x1ad: {  	[sflag:s13] =	ssyncset.done $0x0  }
0x1ae: {  	[sflag:s13] =	ssyncadd.s32 $0xFFFFD800  }
0x1af: {  	[spmem:s2] =	stream.indirect.scatter.add.f32 [tilespmem:s31], [sflag:$0x5], $0x80, s3, s30, $0xb8;
	[tilespmem:$0x1EC00] =	vst v63  }
0x1b0: {  	_ =	swait.ge [sflag:s28], $0x2800  }
0x1b1: {  	[sflag:s28] =	ssyncset.done $0x0  }
0x1b2: {  	[sflag:s28] =	ssyncadd.s32 $0xFFFFD800  }
0x1b3: {  	_ =	swait.ge [sflag:s14], $0x2800  }
0x1b4: {  	[sflag:s14] =	ssyncset.done $0x0  }
0x1b5: {  	[sflag:s14] =	ssyncadd.s32 $0xFFFFD800  }
0x1b6: {  	[spmem:s2] =	stream.indirect.scatter.add.f32 [tilespmem:s6], [sflag:$0x5], $0x80, s0, s30, $0xb8;
	[tilespmem:$0x1EC00] =	vst v63  }
0x1b7: {  	_ =	swait.ge [sflag:s28], $0x2800  }
0x1b8: {  	[sflag:s28] =	ssyncset.done $0x0  }
0x1b9: {  	[sflag:s28] =	ssyncadd.s32 $0xFFFFD800  }
0x1ba: {  	_ =	swait.ge [sflag:s15], $0x2800  }
0x1bb: {  	[sflag:s15] =	ssyncset.done $0x0  }
0x1bc: {  	[sflag:s15] =	ssyncadd.s32 $0xFFFFD800  }
0x1bd: {  	[spmem:s2] =	stream.indirect.scatter.add.f32 [tilespmem:s9], [sflag:$0x5], $0x80, s7, s30, $0xb8;
	[tilespmem:$0x1EC00] =	vst v63  }
0x1be: {  	_ =	swait.ge [sflag:s28], $0x2800  }
0x1bf: {  	[sflag:s28] =	ssyncset.done $0x0  }
0x1c0: {  	[sflag:s28] =	ssyncadd.s32 $0xFFFFD800  }
0x1c1: {  	_ =	swait.ge [sflag:s16], $0x2800  }
0x1c2: {  	[sflag:s16] =	ssyncset.done $0x0  }
0x1c3: {  	[sflag:s16] =	ssyncadd.s32 $0xFFFFD800  }
0x1c4: {  	[spmem:s2] =	stream.indirect.scatter.add.f32 [tilespmem:s12], [sflag:$0x5], $0x80, s10, s30, $0xb8;
	[tilespmem:$0x1EC00] =	vst v63  }
0x1c5: {  	_ =	swait.ge [sflag:s28], $0x2800  }
0x1c6: {  	[sflag:s28] =	ssyncset.done $0x0  }
0x1c7: {  	s24 =	rddreg [dreg:$0x17];
	[sflag:s28] =	ssyncadd.s32 $0xFFFFD800  }
0x1c8: {  	[tilespmem:s3], [sflag:$0x5] =	stream.linear.gather [hbm4b:s24+s3], $0x50, $0x38;
	[tilespmem:$0x1EC00] =	vst v63  }
0x1c9: {  	_ =	swait.ge [sflag:s28], $0x50  }
0x1ca: {  	[sflag:s28] =	ssyncset.done $0x0  }
0x1cb: {  	s19 =	rddreg [dreg:$0x18];
	[sflag:s28] =	ssyncadd.s32 $0xFFFFFFB0  }
0x1cc: {  	[tilespmem:s29], [sflag:$0x5] =	stream.linear.gather [hbm4b:s19+s3], $0x50, $0x38;
	[tilespmem:$0x1EC00] =	vst v63  }
0x1cd: {  	_ =	swait.ge [sflag:s28], $0x50  }
0x1ce: {  	[sflag:s28] =	ssyncset.done $0x0  }
0x1cf: {  	[sflag:s28] =	ssyncadd.s32 $0xFFFFFFB0  }
0x1d0: {  	[tilespmem:s31], [sflag:$0x1] =	stream.indirect.gather [hbm4b:s4+s30], $0x80, s29, s30, $0xb8;
	[tilespmem:$0x1EC00] =	vst v63  }
0x1d1: {  	_ =	swait.ge [sflag:s13], $0x2800  }
0x1d2: {  	[sflag:s13] =	ssyncset.done $0x0  }
0x1d3: {  	[sflag:s13] =	ssyncadd.s32 $0xFFFFD800  }
0x1d4: {  	[spmem:s2] =	stream.indirect.scatter.add.f32 [tilespmem:s31], [sflag:$0x5], $0x80, s3, s30, $0xb8;
	[tilespmem:$0x1EC00] =	vst v63  }
0x1d5: {  	_ =	swait.ge [sflag:s28], $0x2800  }
0x1d6: {  	[sflag:s28] =	ssyncset.done $0x0  }
0x1d7: {  	s20 =	stileid.u32;
	[sflag:s28] =	ssyncadd.s32 $0xFFFFD800  }
0x1d8: {  	s18 =	sshll.u32 s20, $0x6;
	[bflag:$0x0] =	sbarrier.arrive $0xFFFF  }
0x1d9: {  	s23 =	sshrl.u32 s5, $0x3;
	s18 =	sor.u32 $0x1C05, s18;
	s20 =	rddreg [dreg:$0x1a]  }
0x1da: {  	[hbm:s20], [sflag:s18] =	dma.local [spmem:s23], $0x2800  }
0x1db: {  	_ =	swait.ge [sflag:s28], $0x2800  }
0x1dc: {  	s17 =	sadd.s32 $0x1, s17;
	s24 =	rddreg [dreg:$0x1b]  }
0x1dd: {  	p0 =	sne.s32 s17, s24  }
.Ltmp2:
0x1de: {  	_ = 	snop;
	(pc) =	sbr.rel @p0 .LBB2_1-.Ltmp2, $3  }
0x1df: {  	_ =	sdelay $0x1  }
0x1e0: {  	[sflag:s28] =	ssyncset.done $0x0  }
0x1e1: {  	[sflag:s28] =	ssyncadd.s32 $0xFFFFD800  }
0x1e2: {  	_ =	sfence.sel $0x180000  }
0x1e3: {  	[bflag:$0x0] =	sbarrier.arrive $0xFFFF  }
0x1e4: {  	_ =	strace $0x9000004D  }
0x1e5: {  	s0 =	stileid.u32;
	[bflag:$0x2] =	sbarrier.arrive $0xFFFF  }
0x1e6: {  	p0 =	sne.s32 s0, $0x0;
	s0 =	rddreg [dreg:$0x3]  }
0x1e7: {  	s0 =	sadd.s32 @!p0 $0x100000, s0  }
0x1e8: {  	[sflag:s0] =	ssyncadd.tile.s32 @!p0 $0x1;
	_ =	shalt  }
.Lfunc_end2:
_tile_overlayer_lowered:
.L_overlay_start_2:
0x1e9: {  	(tag) =	ssettag $0x2  }
0x1ea: {  	s0 =	rddreg [dreg:$0x0];
	s2 =	stileid.u32  }
0x1eb: {  	s1 =	rddreg [dreg:$0x1];
	p0 =	sne.s32 s2, $0x0  }
0x1ec: {  	s3 =	rddreg [dreg:$0x2];
	[bflag:$0x3] =	sbarrier.arrive $0xFFFF;
	s2 =	simm.s32 @!p0 $0x1C05  }
0x1ed: {  	[timem:s3], [sflag:s2] =	dma.local @!p0 [hbm:s0], s1  }
0x1ee: {  	s0 =	simm.s32 @!p0 $0x5  }
0x1ef: {  	_ =	swait.ge @!p0 [sflag:s0], s1  }
0x1f0: {  	s1 =	ssub.s32 @!p0 $0x0, s1;
	[sflag:s0] =	ssyncset.done @!p0 $0x0  }
0x1f1: {  	[sflag:s0] =	ssyncadd.s32 @!p0 s1  }
0x1f2: {  	[bflag:$0x3] =	sbarrier.arrive $0xFFFF  }
0x1f3: {  	_ =	shalt  }

// kernel: sc_deg.3.cloned.1.call-start
scs
__scs_entry_jumppad:
0x0: {  	(pc) =	sbr.rel $0x88, $3  }
0x1: {  	(tag) =	ssettag $0x0;
	lr =	simm.s32 $0x1  }
0x2: {  	[smem:$0x3F93] =	sst lr;
	_ =	strace $0xD0000000  }
0x3: {  	_ = 	snop  }
0x4: {  	_ = 	snop  }
0x5: {  	_ = 	snop  }
0x6: {  	_ = 	snop  }
0x7: {  	_ = 	snop  }
__scs_overlays_trampoline_lowered:
0x8: {  	[smem:$0x3FA2] =	sst s0  }
0x9: {  	[smem:$0x3FA3] =	sst s1  }
0xa: {  	[smem:$0x3FA4] =	sst s2  }
0xb: {  	[smem:$0x3FA5] =	sst s3  }
0xc: {  	[smem:$0x3FA6] =	sst s4  }
0xd: {  	[smem:$0x3FA7] =	sst s5  }
0xe: {  	[smem:$0x3FA8] =	sst s6  }
0xf: {  	[smem:$0x3FA9] =	sst s7  }
0x10: {  	[smem:$0x3FAA] =	sst s8  }
0x11: {  	[smem:$0x3FAB] =	sst s9;
	s0 =	simm.s32 @!p0 $0x0  }
0x12: {  	s1 =	sld [smem:$0x3F91];
	s0 =	simm.s32 @p0 $0x1  }
0x13: {  	[smem:$0x3FAC] =	sst s0;
	s0 =	simm.s32 @!p1 $0x0  }
0x14: {  	s2 =	sld [smem:$0x3F90];
	s0 =	simm.s32 @p1 $0x1  }
0x15: {  	[smem:$0x3FAD] =	sst s0;
	s0 =	simm.s32 @!p2 $0x0  }
0x16: {  	s3 =	sld [smem:$0x3FDB];
	s0 =	simm.s32 @p2 $0x1  }
0x17: {  	s4 =	simm.s32 $0x1BF5;
	[smem:$0x3FAF] =	sst s0  }
0x18: {  	s0 =	sld [smem:$0x3F92];
	_ =	swait.ge [sflag:s4], $0x0  }
0x19: {  	s7 =	sld [smem:$0x3F93]  }
0x1a: {  	s8 =	sadd.s32 $0xFFFFE003, lr  }
0x1b: {  	s9 =	sadd.s32 $0xFFFFFEF7, lr;
	s5 =	simm.s32 $0xFFFFFFFF;
	p2 =	slt.u32 s8, $0xFFFFF086  }
0x1c: {  	p1 =	slt.u32 s9, $0xF7A;
	s5 =	simm.s32 @!p2 $0x0  }
0x1d: {  	s5 =	simm.s32 @p1 $0x1;
	p0 =	seq.s32 s7, s2  }
0x1e: {  	s7 =	smul.u32 @!p0 $0xF7A, s2;
	p2 =	seq.s32 @!p0 s5, $0x0  }
0x1f: {  	s9 =	smul.u32 $0xF7A, s1;
	s8 =	simm.s32 @!p0 $0x1BF5;
	p2 =	por !p2, p0  }
0x20: {  	[sflag:s8] =	ssyncset.s32 @!p0 $0xFFFFF086;
	s6 =	sadd.s32 @!p0 s3, s7;
	s7 =	simm.s32 @!p0 $0x108  }
0x21: {  	s3 =	sadd.s32 s3, s9;
	s6 =	sadd.s32 @!p0 $0x88, s6;
	s7 =	simm.s32 @p2 $0x1082  }
0x22: {  	[simem:s7], [sflag:s8] =	dma.local @!p0 [hbm:s6], $0xF7A  }
0x23: {  	s9 =	sor.u32 $0xD0000000, s2;
	s6 =	simm.s32 $0x108;
	_ =	swait.ge @!p0 [sflag:s8], $0x0  }
0x24: {  	s3 =	sadd.s32 $0x88, s3;
	s6 =	simm.s32 @!p1 $0x1082;
	[sflag:s4] =	ssyncset.s32 $0xFFFFF086  }
0x25: {  	[simem:s6], [sflag:s4] =	dma.local [hbm:s3], $0xF7A  }
0x26: {  	[smem:$0x3F93] =	sst s1;
	(tag) =	ssettag s2;
	_ =	strace s9  }
0x27: {  	s1 =	sld [smem:$0x3FA3]  }
0x28: {  	s2 =	sld [smem:$0x3FA4]  }
0x29: {  	s4 =	sld [smem:$0x3FA6]  }
0x2a: {  	p0 =	seq.s32 s5, $0x0;
	s5 =	sld [smem:$0x3FA7]  }
0x2b: {  	s6 =	sld [smem:$0x3FA8]  }
0x2c: {  	s7 =	sld [smem:$0x3FA9]  }
0x2d: {  	s3 =	simm.s32 $0x108;
	s8 =	sld [smem:$0x3FAA]  }
0x2e: {  	s3 =	simm.s32 @!p0 $0x1082;
	s9 =	sld [smem:$0x3FAB]  }
0x2f: {  	lr =	sadd.s32 s0, s3;
	s0 =	sld [smem:$0x3FA2]  }
0x30: {  	s3 =	sld [smem:$0x3FA5]  }
0x31: {  	[smem:$0x3FAE] =	sst s10  }
0x32: {  	s10 =	sld [smem:$0x3FAC];
	_ =	sdelay $0x3  }
0x33: {  	p0 =	seq.s32 s10, $0x1;
	s10 =	sld [smem:$0x3FAE];
	_ =	sdelay $0x3  }
0x34: {  	[smem:$0x3FAE] =	sst s10  }
0x35: {  	s10 =	sld [smem:$0x3FAD];
	_ =	sdelay $0x3  }
0x36: {  	p1 =	seq.s32 s10, $0x1;
	s10 =	sld [smem:$0x3FAE];
	_ =	sdelay $0x3  }
0x37: {  	[smem:$0x3FAE] =	sst s10  }
0x38: {  	s10 =	sld [smem:$0x3FAF]  }
0x39: {  	_ = 	snop;
	(pc) =	sbr.ind lr, $3  }
0x3a: {  	_ = 	snop  }
0x3b: {  	_ = 	snop  }
0x3c: {  	p2 =	seq.s32 s10, $0x1;
	s10 =	sld [smem:$0x3FAE]  }
0x3d: {  	_ =	shalt  }
0x3e: {  	_ =	shalt  }
0x3f: {  	_ =	shalt  }
0x40: {  	_ =	shalt  }
0x41: {  	_ =	shalt  }
0x42: {  	_ =	shalt  }
0x43: {  	_ =	shalt  }
0x44: {  	_ =	shalt  }
0x45: {  	_ =	shalt  }
0x46: {  	_ =	shalt  }
0x47: {  	_ =	shalt  }
0x48: {  	_ =	shalt  }
0x49: {  	_ =	shalt  }
0x4a: {  	_ =	shalt  }
0x4b: {  	_ =	shalt  }
0x4c: {  	_ =	shalt  }
0x4d: {  	_ =	shalt  }
0x4e: {  	_ =	shalt  }
0x4f: {  	_ =	shalt  }
0x50: {  	_ =	shalt  }
0x51: {  	_ =	shalt  }
0x52: {  	_ =	shalt  }
0x53: {  	_ =	shalt  }
0x54: {  	_ =	shalt  }
0x55: {  	_ =	shalt  }
0x56: {  	_ =	shalt  }
0x57: {  	_ =	shalt  }
0x58: {  	_ =	shalt  }
0x59: {  	_ =	shalt  }
0x5a: {  	_ =	shalt  }
0x5b: {  	_ =	shalt  }
0x5c: {  	_ =	shalt  }
0x5d: {  	_ =	shalt  }
0x5e: {  	_ =	shalt  }
0x5f: {  	_ =	shalt  }
0x60: {  	_ =	shalt  }
0x61: {  	_ =	shalt  }
0x62: {  	_ =	shalt  }
0x63: {  	_ =	shalt  }
0x64: {  	_ =	shalt  }
0x65: {  	_ =	shalt  }
0x66: {  	_ =	shalt  }
0x67: {  	_ =	shalt  }
0x68: {  	_ =	shalt  }
0x69: {  	_ =	shalt  }
0x6a: {  	_ =	shalt  }
0x6b: {  	_ =	shalt  }
0x6c: {  	_ =	shalt  }
0x6d: {  	_ =	shalt  }
0x6e: {  	_ =	shalt  }
0x6f: {  	_ =	shalt  }
0x70: {  	_ =	shalt  }
0x71: {  	_ =	shalt  }
0x72: {  	_ =	shalt  }
0x73: {  	_ =	shalt  }
0x74: {  	_ =	shalt  }
0x75: {  	_ =	shalt  }
0x76: {  	_ =	shalt  }
0x77: {  	_ =	shalt  }
0x78: {  	_ =	shalt  }
0x79: {  	_ =	shalt  }
0x7a: {  	_ =	shalt  }
0x7b: {  	_ =	shalt  }
0x7c: {  	_ =	shalt  }
0x7d: {  	_ =	shalt  }
0x7e: {  	_ =	shalt  }
0x7f: {  	_ =	shalt  }
0x80: {  	_ =	shalt  }
0x81: {  	_ =	shalt  }
0x82: {  	_ =	shalt  }
0x83: {  	_ =	shalt  }
0x84: {  	_ =	shalt  }
0x85: {  	_ =	shalt  }
0x86: {  	_ =	shalt  }
0x87: {  	_ =	shalt  }
.Lfunc_end0:
.L_simem_size_0:
called_computation_lowered:
.L_overlay_start_0:
0x88: {  	s2 =	sld [smem:$0x3FD9]  }
0x89: {  	s3 =	sld [smem:$0x3FFE];
	_ =	sdelay $0x1  }
0x8a: {  	s1 =	srdreg.scid  }
0x8b: {  	s0 =	sand.u32 $0x1, s1  }
0x8c: {  	s17 =	sshll.u32 s0, $0xA;
	s2 =	sadd.s32 s3, s2  }
0x8d: {  	s2 =	sadd.s32 s2, s17  }
0x8e: {  	[smem:$0x3FBA] =	sst s2  }
0x8f: {  	_ = 	snop  }
0x90: {  	(tm) =	ssettm $0x1  }
0x91: {  	s18 =	sld [smem:$0x3FFB];
	_ =	sdelay $0x3  }
0x92: {  	_ =	strace s18  }
0x93: {  	s2 =	sld [smem:$0x3FFC];
	_ =	sdelay $0x3  }
0x94: {  	_ =	strace s2  }
0x95: {  	s2 =	sld [smem:$0x3FFD];
	_ =	sdelay $0x3  }
0x96: {  	_ =	strace s2  }
0x97: {  	_ =	strace $0x8FFFFFFF  }
0x98: {  	s19 =	sld [smem:$0x3FDB];
	_ =	sdelay $0x1  }
0x99: {  	s20 =	simm.s32 $_scs_section_size  }
0x9a: {  	s4 =	simm.s32 $_size__tile_overlayer_lowered;
	s5 =	simm.s32 $_tile_overlayer_lowered  }
0x9b: {  	s6 =	simm.s32 $0x1BFF;
	s21 =	sshll.u32 s5, $0x1;
	s3 =	sadd.s32 s20, s19  }
0x9c: {  	s22 =	simm.s32 $0x0;
	s4 =	sshll.u32 s4, $0x1;
	s5 =	sadd.s32 s21, s3  }
0x9d: {  	[timem:s22], [sflag:s6] =	dma.local [hbm:s5], s4  }
0x9e: {  	_ =	swait.ge [sflag:s6], s4  }
0x9f: {  	s4 =	ssub.s32 $0x0, s4;
	[sflag:s6] =	ssyncset.done $0x0  }
0xa0: {  	[sflag:s6] =	ssyncadd.s32 s4;
	_ =	sdelay $0x1  }
0xa1: {  	s23 =	simm.s32 $0x1B8B  }
0xa2: {  	_ =	swait.ge [sflag:s23], $0x1  }
0xa3: {  	[sflag:s23] =	ssyncset.done $0x0  }
0xa4: {  	[sflag:s23] =	ssyncadd.s32 $0xFFFFFFFF  }
0xa5: {  	s4 =	sld [smem:$0x0]  }
0xa6: {  	s5 =	sand.u32 $0xFFFFFFFE, s1  }
0xa7: {  	p0 =	sne.s32 s1, s5  }
0xa8: {  	s5 =	sshll.u32 @p0 s5, $0xE  }
0xa9: {  	s5 =	sadd.s32 @p0 $0x11B8D, s5;
	s6 =	sshll.u32 @p0 s4, $0x11  }
0xaa: {  	s5 =	sor.u32 @p0 s6, s5  }
0xab: {  	[sflag:s5] =	ssyncadd.remote.s32 @p0 $0x1;
	_ =	sdelay $0x1  }
0xac: {  	s5 =	simm.s32 @p0 $0x1B8D  }
0xad: {  	_ =	swait.eq @p0 [sflag:s5], $0x1  }
0xae: {  	[sflag:s5] =	ssyncadd.s32 @p0 $0xFFFFFFFF  }
0xaf: {  	s6 =	sshll.u32 @!p0 s1, $0xE  }
0xb0: {  	s6 =	sor.u32 @!p0 $0x4000, s6;
	s5 =	simm.s32 @!p0 $0x1B8D  }
0xb1: {  	s4 =	sshll.u32 @!p0 s4, $0x11;
	s6 =	sadd.s32 @!p0 $0x11B8D, s6;
	_ =	swait.eq @!p0 [sflag:s5], $0x1  }
0xb2: {  	s4 =	sor.u32 @!p0 s4, s6;
	[sflag:s5] =	ssyncadd.s32 @!p0 $0xFFFFFFFF  }
0xb3: {  	s25 =	simm.s32 $0x1B8E;
	s24 =	sld [smem:$0x3FFE];
	[sflag:s4] =	ssyncadd.remote.s32 @!p0 $0x1  }
0xb4: {  	s26 =	simm.s32 $execute0_lowered;
	[smem:$0x3FD2] =	sst s25  }
0xb5: {  	s5 =	sshll.u32 s26, $0x1;
	_ =	strace $0x80000049;
	[dreg:$0x1] =	wrdreg $0xFFFFFFFF  }
0xb6: {  	s28 =	simm.s32 $_size_execute0_lowered;
	s3 =	sadd.s32 s3, s5;
	[dreg:$0x0] =	wrdreg $0x0  }
0xb7: {  	s5 =	sshll.u32 s28, $0x1;
	[dreg:$0x2] =	wrdreg s3  }
0xb8: {  	[dreg:$0x3] =	wrdreg s5  }
0xb9: {  	[dreg:$0x4] =	wrdreg $0xC0  }
0xba: {  	_ =	task [dreg:s22], $0x5FFFF  }
0xbb: {  	[dreg:$0x1] =	wrdreg $0xFFFFFFFF  }
0xbc: {  	[dreg:$0x0] =	wrdreg $0x60  }
0xbd: {  	[dreg:$0x2] =	wrdreg s24  }
0xbe: {  	[dreg:$0x3] =	wrdreg $0x30800  }
0xbf: {  	[dreg:$0x4] =	wrdreg $0x9  }
0xc0: {  	_ =	task.clear_ibuf [dreg:s22], $0x5FFFF;
	_ =	strace $0x90000049  }
0xc1: {  	s29 =	simm.s32 $0x9;
	_ =	strace $0x8000004B  }
0xc2: {  	_ =	swait.ge [sflag:s29], $0x1  }
0xc3: {  	[sflag:s29] =	ssyncadd.s32 $0xFFFFFFFF  }
0xc4: {  	_ =	strace $0x9000004B  }
0xc5: {  	_ =	sfence  }
0xc6: {  	s30 =	sld [smem:$0x0];
	_ =	sdelay $0x2  }
0xc7: {  	s31 =	sshll.u32 s1, $0xD;
	s1 =	sshrl.u32 s1, $0x2  }
0xc8: {  	s4 =	sand.u32 $0x4000, s31;
	s1 =	sadd.s32 s1, s30  }
0xc9: {  	s0 =	sor.u32 s4, s0;
	s1 =	sshll.u32 s1, $0x11  }
0xca: {  	s0 =	sor.u32 s1, s0  }
0xcb: {  	s0 =	sadd.s32 $0x8F2B, s0  }
0xcc: {  	[sflag:s0] =	ssyncadd.remote.s32 $0x1  }
0xcd: {  	_ =	sfence.sel $0xFFFF  }
0xce: {  	[dreg:$0x0] =	wrdreg $0xFFFFFFFF;
	(pc) =	sbr.abs _section_cstart, $3  }
0xcf: {  	[dreg:$0x1] =	wrdreg $0xFFFFFFFF  }
0xd0: {  	_ =	task.clear_ibuf [dreg:s22], $0x2FFFF;
	_ =	strace $0x9FFFFFFF  }
0xd1: {  	(tm) =	ssettm $0x7FFFFFFF  }
tec
execute0_lowered:
.L_overlay_start_1:
0x0: {  	(tag) =	ssettag $0x1  }
0x1: {  	s7 =	stileid.u32  }
0x2: {  	s4 =	smul.u32 $0x4E20, s7  }
0x3: {  	s0 =	srdreg.scid;
	s6 =	smul.u32 $0x2800, s7  }
0x4: {  	s0 =	sand.u32 $0x1, s0;
	s7 =	smul.u32 $0x50000, s7  }
0x5: {  	s1 =	rddreg [dreg:$0x0];
	s5 =	smul.u32 $0x2710, s0  }
0x6: {  	s2 =	rddreg [dreg:$0x1];
	s3 =	simm.s32 $0x0;
	s29 =	smul.u32 $0x28000, s0  }
0x7: {  	[smem:$0x7FF] =	sst s3;
	s0 =	ssub.s32 $0x2, s0;
	s4 =	sadd.s32 s5, s4  }
0x8: {  	s5 =	sadd.s32 s6, s29;
	s6 =	sshrl.u32 s7, $0x2;
	s7 =	sshrl.u32 s0, $0x1  }
0x9: {  	_ =	strace $0x8000004A;
	s4 =	sshrl.u32 s4, $0x3;
	s0 =	ssub.s32 s0, s7  }
0xa: {  	s8 =	sadd.s32 s4, s1;
	s4 =	sadd.s32 s6, s2;
	s0 =	smax.u32 s0, $0x1  }
0xb: {  	s1 =	sadd.s32 s5, s1;
	s5 =	sadd.s32 $0x800, s4;
	[dreg:$0x16] =	wrdreg s0  }
0xc: {  	s9 =	sadd.s32 $0x1000, s4;
	[dreg:$0x3] =	wrdreg s5  }
0xd: {  	s10 =	sadd.s32 $0x1800, s4;
	[dreg:$0x4] =	wrdreg s9  }
0xe: {  	s11 =	sadd.s32 $0x2000, s4;
	[dreg:$0x5] =	wrdreg s10  }
0xf: {  	s12 =	sadd.s32 $0x2800, s4;
	[dreg:$0x6] =	wrdreg s11  }
0x10: {  	s13 =	sadd.s32 $0x3000, s4;
	[dreg:$0x7] =	wrdreg s12  }
0x11: {  	s14 =	sadd.s32 $0x3800, s4;
	[dreg:$0x8] =	wrdreg s13  }
0x12: {  	s15 =	sadd.s32 $0x4000, s4;
	[dreg:$0x9] =	wrdreg s14  }
0x13: {  	s16 =	sadd.s32 $0x4800, s4;
	[dreg:$0xa] =	wrdreg s15  }
0x14: {  	s17 =	sadd.s32 $0x5000, s4;
	[dreg:$0xb] =	wrdreg s16  }
0x15: {  	s18 =	sadd.s32 $0x5800, s4;
	[dreg:$0xc] =	wrdreg s17  }
0x16: {  	s19 =	sadd.s32 $0x6000, s4;
	[dreg:$0xd] =	wrdreg s18  }
0x17: {  	s20 =	sadd.s32 $0x6800, s4;
	[dreg:$0xe] =	wrdreg s19  }
0x18: {  	s21 =	sadd.s32 $0x7000, s4;
	[dreg:$0xf] =	wrdreg s20  }
0x19: {  	s22 =	sadd.s32 $0x7800, s4;
	[dreg:$0x10] =	wrdreg s21  }
0x1a: {  	s23 =	sadd.s32 $0x8000, s4;
	[dreg:$0x11] =	wrdreg s22  }
0x1b: {  	s24 =	sadd.s32 $0x8800, s4;
	[dreg:$0x12] =	wrdreg s23  }
0x1c: {  	s25 =	sadd.s32 $0x9000, s4;
	[dreg:$0x13] =	wrdreg s24  }
0x1d: {  	s1 =	sadd.s32 $0x84800, s1;
	s26 =	sadd.s32 $0x9800, s4;
	[dreg:$0x14] =	wrdreg s25  }
0x1e: {  	s28 =	sadd.s32 $0xA000, s4;
	s29 =	sadd.s32 $0xA800, s4;
	[dreg:$0x15] =	wrdreg s1  }
0x1f: {  	s30 =	sadd.s32 $0xB000, s4;
	s31 =	sadd.s32 $0xB800, s4;
	[dreg:$0x17] =	wrdreg s26  }
0x20: {  	s0 =	sadd.s32 $0xC800, s4;
	s6 =	sadd.s32 $0xD800, s4;
	[dreg:$0x18] =	wrdreg s28  }
0x21: {  	s7 =	sadd.s32 $0xE000, s4;
	s25 =	sadd.s32 $0x2A00, s8;
	[dreg:$0x19] =	wrdreg s29  }
0x22: {  	s1 =	sadd.s32 $0xC000, s4;
	s5 =	sadd.s32 $0xD000, s4;
	s8 =	sadd.s32 $0xE800, s4  }
0x23: {  	s9 =	sadd.s32 $0xF000, s4;
	s10 =	sadd.s32 $0xF800, s4;
	s11 =	sadd.s32 $0x10000, s4  }
0x24: {  	s12 =	sadd.s32 $0x10800, s4;
	s13 =	sadd.s32 $0x11000, s4;
	s14 =	sadd.s32 $0x11800, s4  }
0x25: {  	s15 =	sadd.s32 $0x12000, s4;
	s16 =	sadd.s32 $0x12800, s4;
	s17 =	sadd.s32 $0x13000, s4  }
0x26: {  	s18 =	sadd.s32 $0x13800, s4;
	s19 =	simm.s32 $0x2880;
	s20 =	simm.s32 $0x1  }
0x27: {  	v0 =	vimm.f32 $0.0e+00;
	v1 =	vimm.f32 $1.000000000e+00;
	s21 =	simm.s32 $0x50;
	s22 =	simm.s32 $0x80;
	s23 =	simm.s32 $0x0  }
.LBB2_1:
0x28: {  	s24 =	simm.s32 $0x0;
	s26 =	simm.s32 $0x200  }
.LBB2_2:
0x29: {  	p0 =	sne.s32 s26, $0x1E00;
	[tilespmem:s24+$0x28F0] =	vst v0  }
0x2a: {  	[tilespmem:s24+$0x2880] =	vst v0  }
0x2b: {  	[tilespmem:s24+$0x2890] =	vst v0  }
.Ltmp0:
0x2c: {  	[tilespmem:s24+$0x28A0] =	vst v0;
	(pc) =	sbr.rel @p0 .LBB2_2-.Ltmp0, $4  }
0x2d: {  	[tilespmem:s24+$0x28B0] =	vst v0  }
0x2e: {  	[tilespmem:s24+$0x28C0] =	vst v0  }
0x2f: {  	[tilespmem:s24+$0x28D0] =	vst v0  }
0x30: {  	[tilespmem:s24+$0x28E0] =	vst v0;
	s24 =	sshra.s32 s26, $0x2;
	s26 =	sadd.s32 $0x200, s26  }
0x31: {  	[tilespmem:s24+$0x28F0] =	vst v0  }
0x32: {  	[tilespmem:s24+$0x2880] =	vst v0  }
0x33: {  	[tilespmem:s24+$0x2890] =	vst v0  }
0x34: {  	[tilespmem:s24+$0x28A0] =	vst v0  }
0x35: {  	[tilespmem:s24+$0x28B0] =	vst v0  }
0x36: {  	[tilespmem:s24+$0x28C0] =	vst v0  }
0x37: {  	[tilespmem:s24+$0x28D0] =	vst v0  }
0x38: {  	[tilespmem:s24+$0x28E0] =	vst v0;
	s24 =	simm.s32 $0x0;
	s26 =	simm.s32 $0x200  }
.LBB2_4:
0x39: {  	p0 =	sne.s32 s26, $0x9E00;
	[tilespmem:s24+$0xF0] =	vst v1  }
0x3a: {  	[tilespmem:s24+$0x80] =	vst v1  }
0x3b: {  	[tilespmem:s24+$0x90] =	vst v1  }
.Ltmp1:
0x3c: {  	[tilespmem:s24+$0xA0] =	vst v1;
	(pc) =	sbr.rel @p0 .LBB2_4-.Ltmp1, $4  }
0x3d: {  	[tilespmem:s24+$0xB0] =	vst v1  }
0x3e: {  	[tilespmem:s24+$0xC0] =	vst v1  }
0x3f: {  	[tilespmem:s24+$0xD0] =	vst v1  }
0x40: {  	[tilespmem:s24+$0xE0] =	vst v1;
	s24 =	sshra.s32 s26, $0x2;
	s26 =	sadd.s32 $0x200, s26  }
0x41: {  	[tilespmem:s24+$0xF0] =	vst v1  }
0x42: {  	[tilespmem:s24+$0x80] =	vst v1  }
0x43: {  	[tilespmem:s24+$0x90] =	vst v1  }
0x44: {  	[tilespmem:s24+$0xA0] =	vst v1  }
0x45: {  	[tilespmem:s24+$0xB0] =	vst v1  }
0x46: {  	[tilespmem:s24+$0xC0] =	vst v1  }
0x47: {  	[tilespmem:s24+$0xD0] =	vst v1  }
0x48: {  	[tilespmem:s24+$0xE0] =	vst v1  }
0x49: {  	[spmem:s4] =	stream.linear.scatter [tilespmem:s19], [sflag:$0x1], $0x800, $0x38;
	[tilespmem:$0x17080] =	vst v63  }
0x4a: {  	_ =	swait.ge [sflag:s20], $0x800  }
0x4b: {  	[sflag:s20] =	ssyncset.done $0x0  }
0x4c: {  	s29 =	rddreg [dreg:$0x3];
	[sflag:s20] =	ssyncadd.s32 $0xFFFFF800  }
0x4d: {  	[spmem:s29] =	stream.linear.scatter [tilespmem:s19], [sflag:$0x1], $0x800, $0x38;
	[tilespmem:$0x17080] =	vst v63  }
0x4e: {  	_ =	swait.ge [sflag:s20], $0x800  }
0x4f: {  	[sflag:s20] =	ssyncset.done $0x0  }
0x50: {  	s26 =	rddreg [dreg:$0x4];
	[sflag:s20] =	ssyncadd.s32 $0xFFFFF800  }
0x51: {  	[spmem:s26] =	stream.linear.scatter [tilespmem:s19], [sflag:$0x1], $0x800, $0x38;
	[tilespmem:$0x17080] =	vst v63  }
0x52: {  	_ =	swait.ge [sflag:s20], $0x800  }
0x53: {  	[sflag:s20] =	ssyncset.done $0x0  }
0x54: {  	s28 =	rddreg [dreg:$0x5];
	[sflag:s20] =	ssyncadd.s32 $0xFFFFF800  }
0x55: {  	[spmem:s28] =	stream.linear.scatter [tilespmem:s19], [sflag:$0x1], $0x800, $0x38;
	[tilespmem:$0x17080] =	vst v63  }
0x56: {  	_ =	swait.ge [sflag:s20], $0x800  }
0x57: {  	[sflag:s20] =	ssyncset.done $0x0  }
0x58: {  	s29 =	rddreg [dreg:$0x6];
	[sflag:s20] =	ssyncadd.s32 $0xFFFFF800  }
0x59: {  	[spmem:s29] =	stream.linear.scatter [tilespmem:s19], [sflag:$0x1], $0x800, $0x38;
	[tilespmem:$0x17080] =	vst v63  }
0x5a: {  	_ =	swait.ge [sflag:s20], $0x800  }
0x5b: {  	[sflag:s20] =	ssyncset.done $0x0  }
0x5c: {  	s26 =	rddreg [dreg:$0x7];
	[sflag:s20] =	ssyncadd.s32 $0xFFFFF800  }
0x5d: {  	[spmem:s26] =	stream.linear.scatter [tilespmem:s19], [sflag:$0x1], $0x800, $0x38;
	[tilespmem:$0x17080] =	vst v63  }
0x5e: {  	_ =	swait.ge [sflag:s20], $0x800  }
0x5f: {  	[sflag:s20] =	ssyncset.done $0x0  }
0x60: {  	s28 =	rddreg [dreg:$0x8];
	[sflag:s20] =	ssyncadd.s32 $0xFFFFF800  }
0x61: {  	[spmem:s28] =	stream.linear.scatter [tilespmem:s19], [sflag:$0x1], $0x800, $0x38;
	[tilespmem:$0x17080] =	vst v63  }
0x62: {  	_ =	swait.ge [sflag:s20], $0x800  }
0x63: {  	[sflag:s20] =	ssyncset.done $0x0  }
0x64: {  	s29 =	rddreg [dreg:$0x9];
	[sflag:s20] =	ssyncadd.s32 $0xFFFFF800  }
0x65: {  	[spmem:s29] =	stream.linear.scatter [tilespmem:s19], [sflag:$0x1], $0x800, $0x38;
	[tilespmem:$0x17080] =	vst v63  }
0x66: {  	_ =	swait.ge [sflag:s20], $0x800  }
0x67: {  	[sflag:s20] =	ssyncset.done $0x0  }
0x68: {  	s26 =	rddreg [dreg:$0xa];
	[sflag:s20] =	ssyncadd.s32 $0xFFFFF800  }
0x69: {  	[spmem:s26] =	stream.linear.scatter [tilespmem:s19], [sflag:$0x1], $0x800, $0x38;
	[tilespmem:$0x17080] =	vst v63  }
0x6a: {  	_ =	swait.ge [sflag:s20], $0x800  }
0x6b: {  	[sflag:s20] =	ssyncset.done $0x0  }
0x6c: {  	s28 =	rddreg [dreg:$0xb];
	[sflag:s20] =	ssyncadd.s32 $0xFFFFF800  }
0x6d: {  	[spmem:s28] =	stream.linear.scatter [tilespmem:s19], [sflag:$0x1], $0x800, $0x38;
	[tilespmem:$0x17080] =	vst v63  }
0x6e: {  	_ =	swait.ge [sflag:s20], $0x800  }
0x6f: {  	[sflag:s20] =	ssyncset.done $0x0  }
0x70: {  	s29 =	rddreg [dreg:$0xc];
	[sflag:s20] =	ssyncadd.s32 $0xFFFFF800  }
0x71: {  	[spmem:s29] =	stream.linear.scatter [tilespmem:s19], [sflag:$0x1], $0x800, $0x38;
	[tilespmem:$0x17080] =	vst v63  }
0x72: {  	_ =	swait.ge [sflag:s20], $0x800  }
0x73: {  	[sflag:s20] =	ssyncset.done $0x0  }
0x74: {  	s26 =	rddreg [dreg:$0xd];
	[sflag:s20] =	ssyncadd.s32 $0xFFFFF800  }
0x75: {  	[spmem:s26] =	stream.linear.scatter [tilespmem:s19], [sflag:$0x1], $0x800, $0x38;
	[tilespmem:$0x17080] =	vst v63  }
0x76: {  	_ =	swait.ge [sflag:s20], $0x800  }
0x77: {  	[sflag:s20] =	ssyncset.done $0x0  }
0x78: {  	s28 =	rddreg [dreg:$0xe];
	[sflag:s20] =	ssyncadd.s32 $0xFFFFF800  }
0x79: {  	[spmem:s28] =	stream.linear.scatter [tilespmem:s19], [sflag:$0x1], $0x800, $0x38;
	[tilespmem:$0x17080] =	vst v63  }
0x7a: {  	_ =	swait.ge [sflag:s20], $0x800  }
0x7b: {  	[sflag:s20] =	ssyncset.done $0x0  }
0x7c: {  	s29 =	rddreg [dreg:$0xf];
	[sflag:s20] =	ssyncadd.s32 $0xFFFFF800  }
0x7d: {  	[spmem:s29] =	stream.linear.scatter [tilespmem:s19], [sflag:$0x1], $0x800, $0x38;
	[tilespmem:$0x17080] =	vst v63  }
0x7e: {  	_ =	swait.ge [sflag:s20], $0x800  }
0x7f: {  	[sflag:s20] =	ssyncset.done $0x0  }
0x80: {  	s26 =	rddreg [dreg:$0x10];
	[sflag:s20] =	ssyncadd.s32 $0xFFFFF800  }
0x81: {  	[spmem:s26] =	stream.linear.scatter [tilespmem:s19], [sflag:$0x1], $0x800, $0x38;
	[tilespmem:$0x17080] =	vst v63  }
0x82: {  	_ =	swait.ge [sflag:s20], $0x800  }
0x83: {  	[sflag:s20] =	ssyncset.done $0x0  }
0x84: {  	s28 =	rddreg [dreg:$0x11];
	[sflag:s20] =	ssyncadd.s32 $0xFFFFF800  }
0x85: {  	[spmem:s28] =	stream.linear.scatter [tilespmem:s19], [sflag:$0x1], $0x800, $0x38;
	[tilespmem:$0x17080] =	vst v63  }
0x86: {  	_ =	swait.ge [sflag:s20], $0x800  }
0x87: {  	[sflag:s20] =	ssyncset.done $0x0  }
0x88: {  	s29 =	rddreg [dreg:$0x12];
	[sflag:s20] =	ssyncadd.s32 $0xFFFFF800  }
0x89: {  	[spmem:s29] =	stream.linear.scatter [tilespmem:s19], [sflag:$0x1], $0x800, $0x38;
	[tilespmem:$0x17080] =	vst v63  }
0x8a: {  	_ =	swait.ge [sflag:s20], $0x800  }
0x8b: {  	[sflag:s20] =	ssyncset.done $0x0  }
0x8c: {  	s26 =	rddreg [dreg:$0x13];
	[sflag:s20] =	ssyncadd.s32 $0xFFFFF800  }
0x8d: {  	[spmem:s26] =	stream.linear.scatter [tilespmem:s19], [sflag:$0x1], $0x800, $0x38;
	[tilespmem:$0x17080] =	vst v63  }
0x8e: {  	_ =	swait.ge [sflag:s20], $0x800  }
0x8f: {  	[sflag:s20] =	ssyncset.done $0x0  }
0x90: {  	s28 =	rddreg [dreg:$0x14];
	[sflag:s20] =	ssyncadd.s32 $0xFFFFF800  }
0x91: {  	[spmem:s28] =	stream.linear.scatter [tilespmem:s19], [sflag:$0x1], $0x800, $0x38;
	[tilespmem:$0x17080] =	vst v63  }
0x92: {  	_ =	swait.ge [sflag:s20], $0x800  }
0x93: {  	[sflag:s20] =	ssyncset.done $0x0  }
0x94: {  	s29 =	rddreg [dreg:$0x17];
	[sflag:s20] =	ssyncadd.s32 $0xFFFFF800  }
0x95: {  	[spmem:s29] =	stream.linear.scatter [tilespmem:s19], [sflag:$0x1], $0x800, $0x38;
	[tilespmem:$0x17080] =	vst v63  }
0x96: {  	_ =	swait.ge [sflag:s20], $0x800  }
0x97: {  	[sflag:s20] =	ssyncset.done $0x0  }
0x98: {  	s26 =	rddreg [dreg:$0x18];
	[sflag:s20] =	ssyncadd.s32 $0xFFFFF800  }
0x99: {  	[spmem:s26] =	stream.linear.scatter [tilespmem:s19], [sflag:$0x1], $0x800, $0x38;
	[tilespmem:$0x17080] =	vst v63  }
0x9a: {  	_ =	swait.ge [sflag:s20], $0x800  }
0x9b: {  	[sflag:s20] =	ssyncset.done $0x0  }
0x9c: {  	s28 =	rddreg [dreg:$0x19];
	[sflag:s20] =	ssyncadd.s32 $0xFFFFF800  }
0x9d: {  	[spmem:s28] =	stream.linear.scatter [tilespmem:s19], [sflag:$0x1], $0x800, $0x38;
	[tilespmem:$0x17080] =	vst v63  }
0x9e: {  	_ =	swait.ge [sflag:s20], $0x800  }
0x9f: {  	[sflag:s20] =	ssyncset.done $0x0  }
0xa0: {  	[sflag:s20] =	ssyncadd.s32 $0xFFFFF800  }
0xa1: {  	[spmem:s30] =	stream.linear.scatter [tilespmem:s19], [sflag:$0x1], $0x800, $0x38;
	[tilespmem:$0x17080] =	vst v63  }
0xa2: {  	_ =	swait.ge [sflag:s20], $0x800  }
0xa3: {  	[sflag:s20] =	ssyncset.done $0x0  }
0xa4: {  	[sflag:s20] =	ssyncadd.s32 $0xFFFFF800  }
0xa5: {  	[spmem:s31] =	stream.linear.scatter [tilespmem:s19], [sflag:$0x1], $0x800, $0x38;
	[tilespmem:$0x17080] =	vst v63  }
0xa6: {  	_ =	swait.ge [sflag:s20], $0x800  }
0xa7: {  	[sflag:s20] =	ssyncset.done $0x0  }
0xa8: {  	[sflag:s20] =	ssyncadd.s32 $0xFFFFF800  }
0xa9: {  	[spmem:s1] =	stream.linear.scatter [tilespmem:s19], [sflag:$0x1], $0x800, $0x38;
	[tilespmem:$0x17080] =	vst v63  }
0xaa: {  	_ =	swait.ge [sflag:s20], $0x800  }
0xab: {  	[sflag:s20] =	ssyncset.done $0x0  }
0xac: {  	[sflag:s20] =	ssyncadd.s32 $0xFFFFF800  }
0xad: {  	[spmem:s0] =	stream.linear.scatter [tilespmem:s19], [sflag:$0x1], $0x800, $0x38;
	[tilespmem:$0x17080] =	vst v63  }
0xae: {  	_ =	swait.ge [sflag:s20], $0x800  }
0xaf: {  	[sflag:s20] =	ssyncset.done $0x0  }
0xb0: {  	[sflag:s20] =	ssyncadd.s32 $0xFFFFF800  }
0xb1: {  	[spmem:s5] =	stream.linear.scatter [tilespmem:s19], [sflag:$0x1], $0x800, $0x38;
	[tilespmem:$0x17080] =	vst v63  }
0xb2: {  	_ =	swait.ge [sflag:s20], $0x800  }
0xb3: {  	[sflag:s20] =	ssyncset.done $0x0  }
0xb4: {  	[sflag:s20] =	ssyncadd.s32 $0xFFFFF800  }
0xb5: {  	[spmem:s6] =	stream.linear.scatter [tilespmem:s19], [sflag:$0x1], $0x800, $0x38;
	[tilespmem:$0x17080] =	vst v63  }
0xb6: {  	_ =	swait.ge [sflag:s20], $0x800  }
0xb7: {  	[sflag:s20] =	ssyncset.done $0x0  }
0xb8: {  	[sflag:s20] =	ssyncadd.s32 $0xFFFFF800  }
0xb9: {  	[spmem:s7] =	stream.linear.scatter [tilespmem:s19], [sflag:$0x1], $0x800, $0x38;
	[tilespmem:$0x17080] =	vst v63  }
0xba: {  	_ =	swait.ge [sflag:s20], $0x800  }
0xbb: {  	[sflag:s20] =	ssyncset.done $0x0  }
0xbc: {  	[sflag:s20] =	ssyncadd.s32 $0xFFFFF800  }
0xbd: {  	[spmem:s8] =	stream.linear.scatter [tilespmem:s19], [sflag:$0x1], $0x800, $0x38;
	[tilespmem:$0x17080] =	vst v63  }
0xbe: {  	_ =	swait.ge [sflag:s20], $0x800  }
0xbf: {  	[sflag:s20] =	ssyncset.done $0x0  }
0xc0: {  	[sflag:s20] =	ssyncadd.s32 $0xFFFFF800  }
0xc1: {  	[spmem:s9] =	stream.linear.scatter [tilespmem:s19], [sflag:$0x1], $0x800, $0x38;
	[tilespmem:$0x17080] =	vst v63  }
0xc2: {  	_ =	swait.ge [sflag:s20], $0x800  }
0xc3: {  	[sflag:s20] =	ssyncset.done $0x0  }
0xc4: {  	[sflag:s20] =	ssyncadd.s32 $0xFFFFF800  }
0xc5: {  	[spmem:s10] =	stream.linear.scatter [tilespmem:s19], [sflag:$0x1], $0x800, $0x38;
	[tilespmem:$0x17080] =	vst v63  }
0xc6: {  	_ =	swait.ge [sflag:s20], $0x800  }
0xc7: {  	[sflag:s20] =	ssyncset.done $0x0  }
0xc8: {  	[sflag:s20] =	ssyncadd.s32 $0xFFFFF800  }
0xc9: {  	[spmem:s11] =	stream.linear.scatter [tilespmem:s19], [sflag:$0x1], $0x800, $0x38;
	[tilespmem:$0x17080] =	vst v63  }
0xca: {  	_ =	swait.ge [sflag:s20], $0x800  }
0xcb: {  	[sflag:s20] =	ssyncset.done $0x0  }
0xcc: {  	[sflag:s20] =	ssyncadd.s32 $0xFFFFF800  }
0xcd: {  	[spmem:s12] =	stream.linear.scatter [tilespmem:s19], [sflag:$0x1], $0x800, $0x38;
	[tilespmem:$0x17080] =	vst v63  }
0xce: {  	_ =	swait.ge [sflag:s20], $0x800  }
0xcf: {  	[sflag:s20] =	ssyncset.done $0x0  }
0xd0: {  	[sflag:s20] =	ssyncadd.s32 $0xFFFFF800  }
0xd1: {  	[spmem:s13] =	stream.linear.scatter [tilespmem:s19], [sflag:$0x1], $0x800, $0x38;
	[tilespmem:$0x17080] =	vst v63  }
0xd2: {  	_ =	swait.ge [sflag:s20], $0x800  }
0xd3: {  	[sflag:s20] =	ssyncset.done $0x0  }
0xd4: {  	[sflag:s20] =	ssyncadd.s32 $0xFFFFF800  }
0xd5: {  	[spmem:s14] =	stream.linear.scatter [tilespmem:s19], [sflag:$0x1], $0x800, $0x38;
	[tilespmem:$0x17080] =	vst v63  }
0xd6: {  	_ =	swait.ge [sflag:s20], $0x800  }
0xd7: {  	[sflag:s20] =	ssyncset.done $0x0  }
0xd8: {  	[sflag:s20] =	ssyncadd.s32 $0xFFFFF800  }
0xd9: {  	[spmem:s15] =	stream.linear.scatter [tilespmem:s19], [sflag:$0x1], $0x800, $0x38;
	[tilespmem:$0x17080] =	vst v63  }
0xda: {  	_ =	swait.ge [sflag:s20], $0x800  }
0xdb: {  	[sflag:s20] =	ssyncset.done $0x0  }
0xdc: {  	[sflag:s20] =	ssyncadd.s32 $0xFFFFF800  }
0xdd: {  	[spmem:s16] =	stream.linear.scatter [tilespmem:s19], [sflag:$0x1], $0x800, $0x38;
	[tilespmem:$0x17080] =	vst v63  }
0xde: {  	_ =	swait.ge [sflag:s20], $0x800  }
0xdf: {  	[sflag:s20] =	ssyncset.done $0x0  }
0xe0: {  	[sflag:s20] =	ssyncadd.s32 $0xFFFFF800  }
0xe1: {  	[spmem:s17] =	stream.linear.scatter [tilespmem:s19], [sflag:$0x1], $0x800, $0x38;
	[tilespmem:$0x17080] =	vst v63  }
0xe2: {  	_ =	swait.ge [sflag:s20], $0x800  }
0xe3: {  	[sflag:s20] =	ssyncset.done $0x0  }
0xe4: {  	[sflag:s20] =	ssyncadd.s32 $0xFFFFF800  }
0xe5: {  	[spmem:s18] =	stream.linear.scatter [tilespmem:s19], [sflag:$0x1], $0x800, $0x38;
	[tilespmem:$0x17080] =	vst v63  }
0xe6: {  	_ =	swait.ge [sflag:s20], $0x800  }
0xe7: {  	[sflag:s20] =	ssyncset.done $0x0  }
0xe8: {  	[sflag:s20] =	ssyncadd.s32 $0xFFFFF800  }
0xe9: {  	s29 =	sadd.s32 $0x0, s25;
	[bflag:$0x0] =	sbarrier.arrive $0xFFFF  }
0xea: {  	[tilespmem:s3], [sflag:$0x1] =	stream.linear.gather [hbm4b:s29+s3], $0x50, $0x38;
	[tilespmem:$0x17080] =	vst v63  }
0xeb: {  	_ =	swait.ge [sflag:s20], $0x50  }
0xec: {  	[sflag:s20] =	ssyncset.done $0x0  }
0xed: {  	[sflag:s20] =	ssyncadd.s32 $0xFFFFFFB0  }
0xee: {  	[spmem:s2] =	stream.indirect.scatter.add.f32 [tilespmem:s22], [sflag:$0x1], $0x80, s3, s21, $0xb8;
	[tilespmem:$0x17080] =	vst v63  }
0xef: {  	_ =	swait.ge [sflag:s20], $0x2800  }
0xf0: {  	s24 =	simm.s32 $0xA;
	s26 =	simm.s32 $0x14;
	[sflag:s20] =	ssyncset.done $0x0  }
.LBB2_6:
0xf1: {  	s28 =	sadd.s32 s24, s25  }
0xf2: {  	[sflag:s20] =	ssyncadd.s32 $0xFFFFD800;
	s24 =	smov.u32 s26;
	s29 =	sadd.s32 $0xA, s26  }
0xf3: {  	[tilespmem:s3], [sflag:$0x1] =	stream.linear.gather [hbm4b:s28+s3], $0x50, $0x38;
	[tilespmem:$0x17080] =	vst v63  }
0xf4: {  	p0 =	sne.s32 s26, $0x4D8;
	_ =	swait.ge [sflag:s20], $0x50  }
.Ltmp2:
0xf5: {  	[sflag:s20] =	ssyncset.done $0x0;
	(pc) =	sbr.rel @p0 .LBB2_6-.Ltmp2, $4  }
0xf6: {  	[sflag:s20] =	ssyncadd.s32 $0xFFFFFFB0  }
0xf7: {  	[spmem:s2] =	stream.indirect.scatter.add.f32 [tilespmem:s22], [sflag:$0x1], $0x80, s3, s21, $0xb8;
	[tilespmem:$0x17080] =	vst v63  }
0xf8: {  	_ =	swait.ge [sflag:s20], $0x2800  }
0xf9: {  	s26 =	smov.u32 s29;
	[sflag:s20] =	ssyncset.done $0x0  }
0xfa: {  	s24 =	sadd.s32 s24, s25;
	[sflag:s20] =	ssyncadd.s32 $0xFFFFD800  }
0xfb: {  	[tilespmem:s3], [sflag:$0x1] =	stream.linear.gather [hbm4b:s24+s3], $0x50, $0x38;
	[tilespmem:$0x17080] =	vst v63  }
0xfc: {  	_ =	swait.ge [sflag:s20], $0x50  }
0xfd: {  	[sflag:s20] =	ssyncset.done $0x0  }
0xfe: {  	[sflag:s20] =	ssyncadd.s32 $0xFFFFFFB0  }
0xff: {  	[spmem:s2] =	stream.indirect.scatter.add.f32 [tilespmem:s22], [sflag:$0x1], $0x80, s3, s21, $0xb8;
	[tilespmem:$0x17080] =	vst v63  }
0x100: {  	_ =	swait.ge [sflag:s20], $0x2800  }
0x101: {  	[sflag:s20] =	ssyncset.done $0x0  }
0x102: {  	s28 =	stileid.u32;
	[sflag:s20] =	ssyncadd.s32 $0xFFFFD800  }
0x103: {  	s24 =	sshll.u32 s28, $0x6;
	[bflag:$0x0] =	sbarrier.arrive $0xFFFF  }
0x104: {  	s26 =	sshrl.u32 s4, $0x3;
	s24 =	sor.u32 $0x1C01, s24;
	s28 =	rddreg [dreg:$0x15]  }
0x105: {  	[hbm:s28], [sflag:s24] =	dma.local [spmem:s26], $0x2800  }
0x106: {  	_ =	swait.ge [sflag:s20], $0x2800  }
0x107: {  	s23 =	sadd.s32 $0x1, s23;
	s29 =	rddreg [dreg:$0x16]  }
0x108: {  	p0 =	sne.s32 s23, s29  }
.Ltmp3:
0x109: {  	_ = 	snop;
	(pc) =	sbr.rel @p0 .LBB2_1-.Ltmp3, $3  }
0x10a: {  	_ =	sdelay $0x1  }
0x10b: {  	[sflag:s20] =	ssyncset.done $0x0  }
0x10c: {  	[sflag:s20] =	ssyncadd.s32 $0xFFFFD800  }
0x10d: {  	_ =	sfence.sel $0x180000  }
0x10e: {  	[bflag:$0x0] =	sbarrier.arrive $0xFFFF  }
0x10f: {  	_ =	strace $0x9000004A  }
0x110: {  	s0 =	stileid.u32;
	[bflag:$0x2] =	sbarrier.arrive $0xFFFF  }
0x111: {  	p0 =	sne.s32 s0, $0x0;
	s0 =	rddreg [dreg:$0x2]  }
0x112: {  	s0 =	sadd.s32 @!p0 $0x100000, s0  }
0x113: {  	[sflag:s0] =	ssyncadd.tile.s32 @!p0 $0x1;
	_ =	shalt  }
.Lfunc_end2:
_tile_overlayer_lowered:
.L_overlay_start_2:
0x114: {  	(tag) =	ssettag $0x2  }
0x115: {  	s0 =	rddreg [dreg:$0x0];
	s2 =	stileid.u32  }
0x116: {  	s1 =	rddreg [dreg:$0x1];
	p0 =	sne.s32 s2, $0x0  }
0x117: {  	s3 =	rddreg [dreg:$0x2];
	[bflag:$0x3] =	sbarrier.arrive $0xFFFF;
	s2 =	simm.s32 @!p0 $0x1C01  }
0x118: {  	[timem:s3], [sflag:s2] =	dma.local @!p0 [hbm:s0], s1  }
0x119: {  	s0 =	simm.s32 @!p0 $0x1  }
0x11a: {  	_ =	swait.ge @!p0 [sflag:s0], s1  }
0x11b: {  	s1 =	ssub.s32 @!p0 $0x0, s1;
	[sflag:s0] =	ssyncset.done @!p0 $0x0  }
0x11c: {  	[sflag:s0] =	ssyncadd.s32 @!p0 s1  }
0x11d: {  	[bflag:$0x3] =	sbarrier.arrive $0xFFFF  }
0x11e: {  	_ =	shalt  }

</sc_bundles>
